<compile_context>
chip_gen: v7x
topology: tpu7x:2x2x1
jax: 0.10.2.dev20260603
libtpu: 0.0.44.dev20260713+nightly
codegen_flags: <defaults>
</compile_context>

<pallas_src>
import jax
import jax.numpy as jnp
from jax import lax
from jax.experimental import pallas as pl
from jax.experimental.pallas import tpu as pltpu
from jax.experimental.pallas import tpu_sc as plsc

B, C, H, W = 4, 96, 512, 512
TH, TW = 448, 448
NC, NS = 2, 16
NW = NC * NS
CH_PER_W = (B * C) // NW
CR = 64
NCHUNK = TH // CR
RSLOT = 2
RW = TW + 8


def _crop_body(rows_hbm, meta_hbm, out_hbm, meta_v, in0, in1, ob0, ob1, rsems, wsems):
    ibufs = (in0, in1)
    obufs = (ob0, ob1)
    wid = lax.axis_index("s") * NC + lax.axis_index("c")
    pltpu.sync_copy(meta_hbm, meta_v)

    def channel(t, carry):
        bc = wid * CH_PER_W + t
        b = bc // C
        bvec = jnp.zeros((16,), jnp.int32) + b
        i_s = jnp.max(plsc.load_gather(meta_v, [bvec]))
        j_s = jnp.max(plsc.load_gather(meta_v, [bvec + 4]))
        j_al = pl.multiple_of(jnp.minimum(j_s & ~7, W - RW), 8)
        j_off = j_s - j_al
        row0 = bc * H + i_s
        orow0 = bc * TH

        def read(k):
            return pltpu.async_copy(
                rows_hbm.at[pl.ds(row0 + k * CR, CR), pl.ds(j_al, RW)],
                ibufs[k % RSLOT],
                rsems.at[k % RSLOT],
            )

        def write(k):
            return pltpu.async_copy(
                obufs[k % 2],
                out_hbm.at[pl.ds(orow0 + k * CR, CR)],
                wsems.at[k % 2],
            )

        rh = {k: read(k) for k in range(min(RSLOT, NCHUNK))}
        wh = {}
        for k in range(NCHUNK):
            rh[k].wait()
            if k >= 2:
                wh[k - 2].wait()
            else:
                @pl.when(t > 0)
                def _drain():
                    pltpu.make_async_copy(
                        obufs[k % 2],
                        out_hbm.at[pl.ds(orow0, CR)],
                        wsems.at[k % 2],
                    ).wait()

            ibuf = ibufs[k % RSLOT]
            obuf = obufs[k % 2]

            @plsc.parallel_loop(0, CR, step=1, unroll=2)
            def shift_row(r):
                for tt in range(TW // 16):
                    v = ibuf[r, pl.ds(j_off + 16 * tt, 16)]
                    obuf[r, pl.ds(16 * tt, 16)] = v

            if k + RSLOT < NCHUNK:
                rh[k + RSLOT] = read(k + RSLOT)
            wh[k] = write(k)
        return carry

    lax.fori_loop(0, CH_PER_W, channel, 0)

    for s in range(2):
        pltpu.make_async_copy(
            obufs[s], out_hbm.at[pl.ds(0, CR)], wsems.at[s]
        ).wait()


def kernel(img, i, j):
    rows = img.reshape(B * C * H, W)
    meta = jnp.concatenate(
        [i.astype(jnp.int32), j.astype(jnp.int32), jnp.zeros((8,), jnp.int32)]
    )
    mesh = plsc.VectorSubcoreMesh(core_axis_name="c", subcore_axis_name="s")
    out = pl.kernel(
        _crop_body,
        mesh=mesh,
        out_type=jax.ShapeDtypeStruct((B * C * TH, TW), jnp.float32),
        scratch_types=[
            pltpu.VMEM((16,), jnp.int32),
            pltpu.VMEM((CR, RW), jnp.float32),
            pltpu.VMEM((CR, RW), jnp.float32),
            pltpu.VMEM((CR, TW), jnp.float32),
            pltpu.VMEM((CR, TW), jnp.float32),
            pltpu.SemaphoreType.DMA((RSLOT,)),
            pltpu.SemaphoreType.DMA((2,)),
        ],
        compiler_params=pltpu.CompilerParams(
            use_tc_tiling_on_sc=False, needs_layout_passes=False
        ),
    )(rows, meta)
    return out.reshape(B, C, TH, TW)

# --- scband reference (transcript-rebuilt; emitter-appended) ---
"""Pipeline reference for scband-random-crop-85409719648284 (READ-ONLY COPY).

The authoritative reference and input builder live on the scoring server;
editing this copy changes nothing except your own understanding.
"""

import jax, jax.numpy as jnp
import numpy as np

TH, TW = 448, 448


def _image_crop(img, i, j, th, tw):
    b, c, h, w = img.shape
    # gather rows: index = i (per-batch top offset) + arange(th)
    idx_h = i.reshape(-1, 1, 1, 1) + jnp.arange(th).reshape(1, 1, -1, 1)
    idx_h = jnp.broadcast_to(idx_h, (b, c, th, w))
    out = jnp.take_along_axis(img, idx_h, axis=-2)
    # gather cols: index = j (per-batch left offset) + arange(tw)
    idx_w = j.reshape(-1, 1, 1, 1) + jnp.arange(tw).reshape(1, 1, 1, -1)
    idx_w = jnp.broadcast_to(idx_w, (b, c, th, tw))
    out = jnp.take_along_axis(out, idx_w, axis=-1)
    return out


def setup_inputs(seed: int = 0) -> dict:
    key = jax.random.key(seed)
    k1, k2, k3 = jax.random.split(key, 3)
    img = jax.random.normal(k1, (4, 96, 512, 512), dtype=jnp.float32)
    # iid per-sample crop offsets, drawn once (stands in for torch.randint in get_params)
    i = jax.random.randint(k2, (4,), 0, 512 - TH + 1)
    j = jax.random.randint(k3, (4,), 0, 512 - TW + 1)
    return {"img": img, "i": i, "j": j}


def reference(img, i, j):
    return _image_crop(img, i, j, TH, TW)

if __name__ == "__main__":
    import jax
    _d = setup_inputs()
    print(jax.jit(kernel)(*tuple(_d.values())))

</pallas_src>

<mosaic_0001>
#map = affine_map<(d0, d1) -> (0, 0)>
#map1 = affine_map<(d0, d1) -> (0)>
module attributes {stable_mosaic.version = 14 : i64} {
  func.func @_crop_body(%arg0: i32, %arg1: i32, %arg2: memref<196608x512xf32, #tpu.memory_space<hbm>>, %arg3: memref<16xi32, #tpu.memory_space<hbm>>, %arg4: memref<172032x448xf32, #tpu.memory_space<hbm>>, %arg5: memref<16xi32, #tpu.memory_space<vmem>>, %arg6: memref<64x456xf32, #tpu.memory_space<vmem>>, %arg7: memref<64x456xf32, #tpu.memory_space<vmem>>, %arg8: memref<64x448xf32, #tpu.memory_space<vmem>>, %arg9: memref<64x448xf32, #tpu.memory_space<vmem>>, %arg10: memref<2x!tpu.dma_semaphore, #tpu.memory_space<semaphore_mem>>, %arg11: memref<2x!tpu.dma_semaphore, #tpu.memory_space<semaphore_mem>>) attributes {dimension_semantics = [#tpu.dimension_semantics<core_parallel>, #tpu.dimension_semantics<subcore_parallel>], iteration_bounds = array<i64: 2, 16>, scalar_prefetch = 0 : i64, scratch_operands = 7 : i64, tpu.core_type = #tpu.core_type<sc_vector_subcore>, window_params = [{transform_indices = #map}, {transform_indices = #map1}, {transform_indices = #map}]} {
    %mul3A = arith.constant 2 : i32
    %mul3A_0 = arith.muli %arg1, %mul3A : i32
    %add3A = arith.addi %mul3A_0, %arg0 : i32
    "tpu.region"() ({
      %run_scoped3A = tpu.sem_alloc : memref<!tpu.dma_semaphore, #tpu.memory_space<semaphore_mem>>
      tpu.enqueue_dma source(%arg3 : memref<16xi32, #tpu.memory_space<hbm>>) target(%arg5 : memref<16xi32, #tpu.memory_space<vmem>>) target_semaphore(%run_scoped3A : memref<!tpu.dma_semaphore, #tpu.memory_space<semaphore_mem>>)
      tpu.wait_dma2 semaphore(%run_scoped3A : memref<!tpu.dma_semaphore, #tpu.memory_space<semaphore_mem>>) src(%arg3 : memref<16xi32, #tpu.memory_space<hbm>>) dst(%arg5 : memref<16xi32, #tpu.memory_space<vmem>>)
      tpu.yield
    }) : () -> ()
    %scan3A = arith.constant 0 : i32
    %scan3A_1 = arith.constant 0 : i32
    %scan3A_2 = arith.constant 12 : i32
    %scan3A_3 = arith.addi %scan3A_1, %scan3A_2 : i32
    %scan3A_4 = arith.constant 1 : i32
    scf.for %scan3A_23 = %scan3A_1 to %scan3A_3 step %scan3A_4  : i32 {
      %mul3A_24 = arith.constant 12 : i32
      %mul3A_25 = arith.muli %add3A, %mul3A_24 : i32
      %add3A_26 = arith.addi %mul3A_25, %scan3A_23 : i32
      %jit3A = arith.constant 96 : i32
      %div3A = arith.divsi %add3A_26, %jit3A : i32
      %sign3A = arith.constant 0 : i32
      %sign3A_27 = arith.cmpi sgt, %add3A_26, %sign3A : i32
      %sign3A_28 = arith.extui %sign3A_27 : i1 to i32
      %sign3A_29 = arith.constant 0 : i32
      %sign3A_30 = arith.cmpi slt, %add3A_26, %sign3A_29 : i32
      %sign3A_31 = arith.extui %sign3A_30 : i1 to i32
      %sign3A_32 = arith.subi %sign3A_28, %sign3A_31 : i32
      %sign3A_33 = arith.constant 0 : i32
      %sign3A_34 = arith.cmpi sgt, %jit3A, %sign3A_33 : i32
      %sign3A_35 = arith.extui %sign3A_34 : i1 to i32
      %sign3A_36 = arith.constant 0 : i32
      %sign3A_37 = arith.cmpi slt, %jit3A, %sign3A_36 : i32
      %sign3A_38 = arith.extui %sign3A_37 : i1 to i32
      %sign3A_39 = arith.subi %sign3A_35, %sign3A_38 : i32
      %ne3A = arith.cmpi ne, %sign3A_32, %sign3A_39 : i32
      %rem3A = arith.remsi %add3A_26, %jit3A : i32
      %ne3A_40 = arith.constant 0 : i32
      %ne3A_41 = arith.cmpi ne, %rem3A, %ne3A_40 : i32
      %and3A = arith.andi %ne3A, %ne3A_41 : i1
      %sub3A = arith.constant 1 : i32
      %sub3A_42 = arith.subi %div3A, %sub3A : i32
      %select_n3A = arith.select %and3A, %sub3A_42, %div3A : i32
      %broadcast_in_dim3A = arith.constant 0 : i32
      %broadcast_in_dim3A_43 = vector.broadcast %broadcast_in_dim3A : i32 to vector<16xi32>
      %add3A_44 = vector.broadcast %select_n3A : i32 to vector<16xi32>
      %add3A_45 = arith.addi %broadcast_in_dim3A_43, %add3A_44 : vector<16xi32>
      %gather3A = tpu.vector_load_idx %arg5[%add3A_45] : memref<16xi32, #tpu.memory_space<vmem>>[vector<16xi32>], vector<16xi32>,
      %reduce_max3A = arith.constant true
      %reduce_max3A_46 = vector.broadcast %reduce_max3A : i1 to vector<16xi1>
      %reduce_max3A_47 = arith.constant -2147483648 : i32
      %reduce_max3A_48 = vector.broadcast %reduce_max3A_47 : i32 to vector<16xi32>
      %reduce_max3A_49 = arith.xori %gather3A, %reduce_max3A_48 : vector<16xi32>
      %reduce_max3A_50 = tpu.scan <max>, %reduce_max3A_49 masked %reduce_max3A_46 : vector<16xi32>, vector<16xi1> -> vector<16xi32>
      %reduce_max3A_51 = arith.xori %reduce_max3A_50, %reduce_max3A_48 : vector<16xi32>
      %reduce_max3A_52 = vector.extract %reduce_max3A_51[15] : i32 from vector<16xi32>
      %add3A_53 = arith.constant 4 : i32
      %add3A_54 = vector.broadcast %add3A_53 : i32 to vector<16xi32>
      %add3A_55 = arith.addi %add3A_45, %add3A_54 : vector<16xi32>
      %gather3A_56 = tpu.vector_load_idx %arg5[%add3A_55] : memref<16xi32, #tpu.memory_space<vmem>>[vector<16xi32>], vector<16xi32>,
      %reduce_max3A_57 = arith.constant true
      %reduce_max3A_58 = vector.broadcast %reduce_max3A_57 : i1 to vector<16xi1>
      %reduce_max3A_59 = arith.constant -2147483648 : i32
      %reduce_max3A_60 = vector.broadcast %reduce_max3A_59 : i32 to vector<16xi32>
      %reduce_max3A_61 = arith.xori %gather3A_56, %reduce_max3A_60 : vector<16xi32>
      %reduce_max3A_62 = tpu.scan <max>, %reduce_max3A_61 masked %reduce_max3A_58 : vector<16xi32>, vector<16xi1> -> vector<16xi32>
      %reduce_max3A_63 = arith.xori %reduce_max3A_62, %reduce_max3A_60 : vector<16xi32>
      %reduce_max3A_64 = vector.extract %reduce_max3A_63[15] : i32 from vector<16xi32>
      %and3A_65 = arith.constant -8 : i32
      %and3A_66 = arith.andi %reduce_max3A_64, %and3A_65 : i32
      %min3A = arith.constant 56 : i32
      %min3A_67 = arith.minsi %and3A_66, %min3A : i32
      %multiple_of3A = tpu.assume_multiple %min3A_67, 8 : i32
      %sub3A_68 = arith.subi %reduce_max3A_64, %multiple_of3A : i32
      %mul3A_69 = arith.constant 512 : i32
      %mul3A_70 = arith.muli %add3A_26, %mul3A_69 : i32
      %add3A_71 = arith.addi %mul3A_70, %reduce_max3A_52 : i32
      %mul3A_72 = arith.constant 448 : i32
      %mul3A_73 = arith.muli %add3A_26, %mul3A_72 : i32
      %add3A_74 = arith.constant 0 : i32
      %add3A_75 = arith.addi %add3A_71, %add3A_74 : i32
      %dma_start3A = arith.constant 0 : i32
      %dma_start3A_76 = tpu.memref_slice %arg2[%add3A_75, %multiple_of3A] : memref<196608x512xf32, #tpu.memory_space<hbm>> -> memref<64x456xf32, #tpu.memory_space<hbm>>
      %dma_start3A_77 = tpu.memref_slice %arg10[%dma_start3A] : memref<2x!tpu.dma_semaphore, #tpu.memory_space<semaphore_mem>> -> memref<1x!tpu.dma_semaphore, #tpu.memory_space<semaphore_mem>>
      %dma_start3A_78 = tpu.memref_squeeze %dma_start3A_77 : memref<1x!tpu.dma_semaphore, #tpu.memory_space<semaphore_mem>> -> memref<!tpu.dma_semaphore, #tpu.memory_space<semaphore_mem>>
      %dma_start3A_79 = tpu.memref_slice %arg2[%add3A_75, %multiple_of3A] : memref<196608x512xf32, #tpu.memory_space<hbm>> -> memref<64x456xf32, #tpu.memory_space<hbm>>
      tpu.enqueue_dma source(%dma_start3A_79 : memref<64x456xf32, #tpu.memory_space<hbm>>) target(%arg6 : memref<64x456xf32, #tpu.memory_space<vmem>>) target_semaphore(%dma_start3A_78 : memref<!tpu.dma_semaphore, #tpu.memory_space<semaphore_mem>>)
      %add3A_80 = arith.constant 64 : i32
      %add3A_81 = arith.addi %add3A_71, %add3A_80 : i32
      %dma_start3A_82 = arith.constant 1 : i32
      %dma_start3A_83 = tpu.memref_slice %arg2[%add3A_81, %multiple_of3A] : memref<196608x512xf32, #tpu.memory_space<hbm>> -> memref<64x456xf32, #tpu.memory_space<hbm>>
      %dma_start3A_84 = tpu.memref_slice %arg10[%dma_start3A_82] : memref<2x!tpu.dma_semaphore, #tpu.memory_space<semaphore_mem>> -> memref<1x!tpu.dma_semaphore, #tpu.memory_space<semaphore_mem>>
      %dma_start3A_85 = tpu.memref_squeeze %dma_start3A_84 : memref<1x!tpu.dma_semaphore, #tpu.memory_space<semaphore_mem>> -> memref<!tpu.dma_semaphore, #tpu.memory_space<semaphore_mem>>
      %dma_start3A_86 = tpu.memref_slice %arg2[%add3A_81, %multiple_of3A] : memref<196608x512xf32, #tpu.memory_space<hbm>> -> memref<64x456xf32, #tpu.memory_space<hbm>>
      tpu.enqueue_dma source(%dma_start3A_86 : memref<64x456xf32, #tpu.memory_space<hbm>>) target(%arg7 : memref<64x456xf32, #tpu.memory_space<vmem>>) target_semaphore(%dma_start3A_85 : memref<!tpu.dma_semaphore, #tpu.memory_space<semaphore_mem>>)
      %dma_wait3A_87 = arith.constant 0 : i32
      %dma_wait3A_88 = tpu.memref_slice %arg2[%add3A_75, %multiple_of3A] : memref<196608x512xf32, #tpu.memory_space<hbm>> -> memref<64x456xf32, #tpu.memory_space<hbm>>
      %dma_wait3A_89 = tpu.memref_slice %arg10[%dma_wait3A_87] : memref<2x!tpu.dma_semaphore, #tpu.memory_space<semaphore_mem>> -> memref<1x!tpu.dma_semaphore, #tpu.memory_space<semaphore_mem>>
      %dma_wait3A_90 = tpu.memref_squeeze %dma_wait3A_89 : memref<1x!tpu.dma_semaphore, #tpu.memory_space<semaphore_mem>> -> memref<!tpu.dma_semaphore, #tpu.memory_space<semaphore_mem>>
      %dma_wait3A_91 = tpu.memref_slice %arg2[%add3A_75, %multiple_of3A] : memref<196608x512xf32, #tpu.memory_space<hbm>> -> memref<64x456xf32, #tpu.memory_space<hbm>>
      tpu.wait_dma2 semaphore(%dma_wait3A_90 : memref<!tpu.dma_semaphore, #tpu.memory_space<semaphore_mem>>) src(%dma_wait3A_91 : memref<64x456xf32, #tpu.memory_space<hbm>>) dst(%arg6 : memref<64x456xf32, #tpu.memory_space<vmem>>)
      %gt3A = arith.constant 0 : i32
      %gt3A_92 = arith.cmpi sgt, %scan3A_23, %gt3A : i32
      %convert_element_type3A = arith.extui %gt3A_92 : i1 to i32
      %cond3A = arith.constant 0 : i32
      %cond3A_93 = arith.cmpi ne, %convert_element_type3A, %cond3A : i32
      scf.if %cond3A_93 {
        %dma_wait3A_282 = arith.constant 0 : i32
        %dma_wait3A_283 = arith.constant 0 : i32
        %dma_wait3A_284 = tpu.memref_slice %arg4[%mul3A_73, %dma_wait3A_283] : memref<172032x448xf32, #tpu.memory_space<hbm>> -> memref<64x448xf32, #tpu.memory_space<hbm>>
        %dma_wait3A_285 = tpu.memref_slice %arg11[%dma_wait3A_282] : memref<2x!tpu.dma_semaphore, #tpu.memory_space<semaphore_mem>> -> memref<1x!tpu.dma_semaphore, #tpu.memory_space<semaphore_mem>>
        %dma_wait3A_286 = tpu.memref_squeeze %dma_wait3A_285 : memref<1x!tpu.dma_semaphore, #tpu.memory_space<semaphore_mem>> -> memref<!tpu.dma_semaphore, #tpu.memory_space<semaphore_mem>>
        %dma_wait3A_287 = arith.constant 0 : i32
        %dma_wait3A_288 = tpu.memref_slice %arg4[%mul3A_73, %dma_wait3A_287] : memref<172032x448xf32, #tpu.memory_space<hbm>> -> memref<64x448xf32, #tpu.memory_space<hbm>>
        tpu.wait_dma2 semaphore(%dma_wait3A_286 : memref<!tpu.dma_semaphore, #tpu.memory_space<semaphore_mem>>) src(%arg8 : memref<64x448xf32, #tpu.memory_space<vmem>>) dst(%dma_wait3A_288 : memref<64x448xf32, #tpu.memory_space<hbm>>)
      } else {
      }
      %parallel_loop3A = arith.constant 0 : i32
      %parallel_loop3A_94 = arith.constant 64 : i32
      %parallel_loop3A_95 = arith.constant 1 : i32
      scf.for %parallel_loop3A_282 = %parallel_loop3A to %parallel_loop3A_94 step %parallel_loop3A_95  : i32 {
        %parallel_loop3A_283 = arith.constant 0 : i32
        %parallel_loop3A_284 = arith.addi %sub3A_68, %parallel_loop3A_283 : i32
        %parallel_loop3A_285 = arith.index_cast %parallel_loop3A_282 : i32 to index
        %parallel_loop3A_286 = arith.index_cast %parallel_loop3A_284 : i32 to index
        %parallel_loop3A_287 = tpu.vector_load %arg6[%parallel_loop3A_285, %parallel_loop3A_286] {strides = array<i32>} : memref<64x456xf32, #tpu.memory_space<vmem>>, vector<16xf32>,
        %parallel_loop3A_288 = arith.index_cast %parallel_loop3A_282 : i32 to index
        %parallel_loop3A_289 = arith.constant 0 : index
        %parallel_loop3A_290 = tpu.vector_load %arg8[%parallel_loop3A_288, %parallel_loop3A_289] {strides = array<i32>} : memref<64x448xf32, #tpu.memory_space<vmem>>, vector<16xf32>,
        tpu.vector_store %arg8[%parallel_loop3A_288, %parallel_loop3A_289], %parallel_loop3A_287 {strides = array<i32>} : memref<64x448xf32, #tpu.memory_space<vmem>>, vector<16xf32>,
        %parallel_loop3A_291 = arith.constant 16 : i32
        %parallel_loop3A_292 = arith.addi %sub3A_68, %parallel_loop3A_291 : i32
        %parallel_loop3A_293 = arith.index_cast %parallel_loop3A_282 : i32 to index
        %parallel_loop3A_294 = arith.index_cast %parallel_loop3A_292 : i32 to index
        %parallel_loop3A_295 = tpu.vector_load %arg6[%parallel_loop3A_293, %parallel_loop3A_294] {strides = array<i32>} : memref<64x456xf32, #tpu.memory_space<vmem>>, vector<16xf32>,
        %parallel_loop3A_296 = arith.index_cast %parallel_loop3A_282 : i32 to index
        %parallel_loop3A_297 = arith.constant 16 : index
        %parallel_loop3A_298 = tpu.vector_load %arg8[%parallel_loop3A_296, %parallel_loop3A_297] {strides = array<i32>} : memref<64x448xf32, #tpu.memory_space<vmem>>, vector<16xf32>,
        tpu.vector_store %arg8[%parallel_loop3A_296, %parallel_loop3A_297], %parallel_loop3A_295 {strides = array<i32>} : memref<64x448xf32, #tpu.memory_space<vmem>>, vector<16xf32>,
        %parallel_loop3A_299 = arith.constant 32 : i32
        %parallel_loop3A_300 = arith.addi %sub3A_68, %parallel_loop3A_299 : i32
        %parallel_loop3A_301 = arith.index_cast %parallel_loop3A_282 : i32 to index
        %parallel_loop3A_302 = arith.index_cast %parallel_loop3A_300 : i32 to index
        %parallel_loop3A_303 = tpu.vector_load %arg6[%parallel_loop3A_301, %parallel_loop3A_302] {strides = array<i32>} : memref<64x456xf32, #tpu.memory_space<vmem>>, vector<16xf32>,
        %parallel_loop3A_304 = arith.index_cast %parallel_loop3A_282 : i32 to index
        %parallel_loop3A_305 = arith.constant 32 : index
        %parallel_loop3A_306 = tpu.vector_load %arg8[%parallel_loop3A_304, %parallel_loop3A_305] {strides = array<i32>} : memref<64x448xf32, #tpu.memory_space<vmem>>, vector<16xf32>,
        tpu.vector_store %arg8[%parallel_loop3A_304, %parallel_loop3A_305], %parallel_loop3A_303 {strides = array<i32>} : memref<64x448xf32, #tpu.memory_space<vmem>>, vector<16xf32>,
        %parallel_loop3A_307 = arith.constant 48 : i32
        %parallel_loop3A_308 = arith.addi %sub3A_68, %parallel_loop3A_307 : i32
        %parallel_loop3A_309 = arith.index_cast %parallel_loop3A_282 : i32 to index
        %parallel_loop3A_310 = arith.index_cast %parallel_loop3A_308 : i32 to index
        %parallel_loop3A_311 = tpu.vector_load %arg6[%parallel_loop3A_309, %parallel_loop3A_310] {strides = array<i32>} : memref<64x456xf32, #tpu.memory_space<vmem>>, vector<16xf32>,
        %parallel_loop3A_312 = arith.index_cast %parallel_loop3A_282 : i32 to index
        %parallel_loop3A_313 = arith.constant 48 : index
        %parallel_loop3A_314 = tpu.vector_load %arg8[%parallel_loop3A_312, %parallel_loop3A_313] {strides = array<i32>} : memref<64x448xf32, #tpu.memory_space<vmem>>, vector<16xf32>,
        tpu.vector_store %arg8[%parallel_loop3A_312, %parallel_loop3A_313], %parallel_loop3A_311 {strides = array<i32>} : memref<64x448xf32, #tpu.memory_space<vmem>>, vector<16xf32>,
        %parallel_loop3A_315 = arith.constant 64 : i32
        %parallel_loop3A_316 = arith.addi %sub3A_68, %parallel_loop3A_315 : i32
        %parallel_loop3A_317 = arith.index_cast %parallel_loop3A_282 : i32 to index
        %parallel_loop3A_318 = arith.index_cast %parallel_loop3A_316 : i32 to index
        %parallel_loop3A_319 = tpu.vector_load %arg6[%parallel_loop3A_317, %parallel_loop3A_318] {strides = array<i32>} : memref<64x456xf32, #tpu.memory_space<vmem>>, vector<16xf32>,
        %parallel_loop3A_320 = arith.index_cast %parallel_loop3A_282 : i32 to index
        %parallel_loop3A_321 = arith.constant 64 : index
        %parallel_loop3A_322 = tpu.vector_load %arg8[%parallel_loop3A_320, %parallel_loop3A_321] {strides = array<i32>} : memref<64x448xf32, #tpu.memory_space<vmem>>, vector<16xf32>,
        tpu.vector_store %arg8[%parallel_loop3A_320, %parallel_loop3A_321], %parallel_loop3A_319 {strides = array<i32>} : memref<64x448xf32, #tpu.memory_space<vmem>>, vector<16xf32>,
        %parallel_loop3A_323 = arith.constant 80 : i32
        %parallel_loop3A_324 = arith.addi %sub3A_68, %parallel_loop3A_323 : i32
        %parallel_loop3A_325 = arith.index_cast %parallel_loop3A_282 : i32 to index
        %parallel_loop3A_326 = arith.index_cast %parallel_loop3A_324 : i32 to index
        %parallel_loop3A_327 = tpu.vector_load %arg6[%parallel_loop3A_325, %parallel_loop3A_326] {strides = array<i32>} : memref<64x456xf32, #tpu.memory_space<vmem>>, vector<16xf32>,
        %parallel_loop3A_328 = arith.index_cast %parallel_loop3A_282 : i32 to index
        %parallel_loop3A_329 = arith.constant 80 : index
        %parallel_loop3A_330 = tpu.vector_load %arg8[%parallel_loop3A_328, %parallel_loop3A_329] {strides = array<i32>} : memref<64x448xf32, #tpu.memory_space<vmem>>, vector<16xf32>,
        tpu.vector_store %arg8[%parallel_loop3A_328, %parallel_loop3A_329], %parallel_loop3A_327 {strides = array<i32>} : memref<64x448xf32, #tpu.memory_space<vmem>>, vector<16xf32>,
        %parallel_loop3A_331 = arith.constant 96 : i32
        %parallel_loop3A_332 = arith.addi %sub3A_68, %parallel_loop3A_331 : i32
        %parallel_loop3A_333 = arith.index_cast %parallel_loop3A_282 : i32 to index
        %parallel_loop3A_334 = arith.index_cast %parallel_loop3A_332 : i32 to index
        %parallel_loop3A_335 = tpu.vector_load %arg6[%parallel_loop3A_333, %parallel_loop3A_334] {strides = array<i32>} : memref<64x456xf32, #tpu.memory_space<vmem>>, vector<16xf32>,
        %parallel_loop3A_336 = arith.index_cast %parallel_loop3A_282 : i32 to index
        %parallel_loop3A_337 = arith.constant 96 : index
        %parallel_loop3A_338 = tpu.vector_load %arg8[%parallel_loop3A_336, %parallel_loop3A_337] {strides = array<i32>} : memref<64x448xf32, #tpu.memory_space<vmem>>, vector<16xf32>,
        tpu.vector_store %arg8[%parallel_loop3A_336, %parallel_loop3A_337], %parallel_loop3A_335 {strides = array<i32>} : memref<64x448xf32, #tpu.memory_space<vmem>>, vector<16xf32>,
        %parallel_loop3A_339 = arith.constant 112 : i32
        %parallel_loop3A_340 = arith.addi %sub3A_68, %parallel_loop3A_339 : i32
        %parallel_loop3A_341 = arith.index_cast %parallel_loop3A_282 : i32 to index
        %parallel_loop3A_342 = arith.index_cast %parallel_loop3A_340 : i32 to index
        %parallel_loop3A_343 = tpu.vector_load %arg6[%parallel_loop3A_341, %parallel_loop3A_342] {strides = array<i32>} : memref<64x456xf32, #tpu.memory_space<vmem>>, vector<16xf32>,
        %parallel_loop3A_344 = arith.index_cast %parallel_loop3A_282 : i32 to index
        %parallel_loop3A_345 = arith.constant 112 : index
        %parallel_loop3A_346 = tpu.vector_load %arg8[%parallel_loop3A_344, %parallel_loop3A_345] {strides = array<i32>} : memref<64x448xf32, #tpu.memory_space<vmem>>, vector<16xf32>,
        tpu.vector_store %arg8[%parallel_loop3A_344, %parallel_loop3A_345], %parallel_loop3A_343 {strides = array<i32>} : memref<64x448xf32, #tpu.memory_space<vmem>>, vector<16xf32>,
        %parallel_loop3A_347 = arith.constant 128 : i32
        %parallel_loop3A_348 = arith.addi %sub3A_68, %parallel_loop3A_347 : i32
        %parallel_loop3A_349 = arith.index_cast %parallel_loop3A_282 : i32 to index
        %parallel_loop3A_350 = arith.index_cast %parallel_loop3A_348 : i32 to index
        %parallel_loop3A_351 = tpu.vector_load %arg6[%parallel_loop3A_349, %parallel_loop3A_350] {strides = array<i32>} : memref<64x456xf32, #tpu.memory_space<vmem>>, vector<16xf32>,
        %parallel_loop3A_352 = arith.index_cast %parallel_loop3A_282 : i32 to index
        %parallel_loop3A_353 = arith.constant 128 : index
        %parallel_loop3A_354 = tpu.vector_load %arg8[%parallel_loop3A_352, %parallel_loop3A_353] {strides = array<i32>} : memref<64x448xf32, #tpu.memory_space<vmem>>, vector<16xf32>,
        tpu.vector_store %arg8[%parallel_loop3A_352, %parallel_loop3A_353], %parallel_loop3A_351 {strides = array<i32>} : memref<64x448xf32, #tpu.memory_space<vmem>>, vector<16xf32>,
        %parallel_loop3A_355 = arith.constant 144 : i32
        %parallel_loop3A_356 = arith.addi %sub3A_68, %parallel_loop3A_355 : i32
        %parallel_loop3A_357 = arith.index_cast %parallel_loop3A_282 : i32 to index
        %parallel_loop3A_358 = arith.index_cast %parallel_loop3A_356 : i32 to index
        %parallel_loop3A_359 = tpu.vector_load %arg6[%parallel_loop3A_357, %parallel_loop3A_358] {strides = array<i32>} : memref<64x456xf32, #tpu.memory_space<vmem>>, vector<16xf32>,
        %parallel_loop3A_360 = arith.index_cast %parallel_loop3A_282 : i32 to index
        %parallel_loop3A_361 = arith.constant 144 : index
        %parallel_loop3A_362 = tpu.vector_load %arg8[%parallel_loop3A_360, %parallel_loop3A_361] {strides = array<i32>} : memref<64x448xf32, #tpu.memory_space<vmem>>, vector<16xf32>,
        tpu.vector_store %arg8[%parallel_loop3A_360, %parallel_loop3A_361], %parallel_loop3A_359 {strides = array<i32>} : memref<64x448xf32, #tpu.memory_space<vmem>>, vector<16xf32>,
        %parallel_loop3A_363 = arith.constant 160 : i32
        %parallel_loop3A_364 = arith.addi %sub3A_68, %parallel_loop3A_363 : i32
        %parallel_loop3A_365 = arith.index_cast %parallel_loop3A_282 : i32 to index
        %parallel_loop3A_366 = arith.index_cast %parallel_loop3A_364 : i32 to index
        %parallel_loop3A_367 = tpu.vector_load %arg6[%parallel_loop3A_365, %parallel_loop3A_366] {strides = array<i32>} : memref<64x456xf32, #tpu.memory_space<vmem>>, vector<16xf32>,
        %parallel_loop3A_368 = arith.index_cast %parallel_loop3A_282 : i32 to index
        %parallel_loop3A_369 = arith.constant 160 : index
        %parallel_loop3A_370 = tpu.vector_load %arg8[%parallel_loop3A_368, %parallel_loop3A_369] {strides = array<i32>} : memref<64x448xf32, #tpu.memory_space<vmem>>, vector<16xf32>,
        tpu.vector_store %arg8[%parallel_loop3A_368, %parallel_loop3A_369], %parallel_loop3A_367 {strides = array<i32>} : memref<64x448xf32, #tpu.memory_space<vmem>>, vector<16xf32>,
        %parallel_loop3A_371 = arith.constant 176 : i32
        %parallel_loop3A_372 = arith.addi %sub3A_68, %parallel_loop3A_371 : i32
        %parallel_loop3A_373 = arith.index_cast %parallel_loop3A_282 : i32 to index
        %parallel_loop3A_374 = arith.index_cast %parallel_loop3A_372 : i32 to index
        %parallel_loop3A_375 = tpu.vector_load %arg6[%parallel_loop3A_373, %parallel_loop3A_374] {strides = array<i32>} : memref<64x456xf32, #tpu.memory_space<vmem>>, vector<16xf32>,
        %parallel_loop3A_376 = arith.index_cast %parallel_loop3A_282 : i32 to index
        %parallel_loop3A_377 = arith.constant 176 : index
        %parallel_loop3A_378 = tpu.vector_load %arg8[%parallel_loop3A_376, %parallel_loop3A_377] {strides = array<i32>} : memref<64x448xf32, #tpu.memory_space<vmem>>, vector<16xf32>,
        tpu.vector_store %arg8[%parallel_loop3A_376, %parallel_loop3A_377], %parallel_loop3A_375 {strides = array<i32>} : memref<64x448xf32, #tpu.memory_space<vmem>>, vector<16xf32>,
        %parallel_loop3A_379 = arith.constant 192 : i32
        %parallel_loop3A_380 = arith.addi %sub3A_68, %parallel_loop3A_379 : i32
        %parallel_loop3A_381 = arith.index_cast %parallel_loop3A_282 : i32 to index
        %parallel_loop3A_382 = arith.index_cast %parallel_loop3A_380 : i32 to index
        %parallel_loop3A_383 = tpu.vector_load %arg6[%parallel_loop3A_381, %parallel_loop3A_382] {strides = array<i32>} : memref<64x456xf32, #tpu.memory_space<vmem>>, vector<16xf32>,
        %parallel_loop3A_384 = arith.index_cast %parallel_loop3A_282 : i32 to index
        %parallel_loop3A_385 = arith.constant 192 : index
        %parallel_loop3A_386 = tpu.vector_load %arg8[%parallel_loop3A_384, %parallel_loop3A_385] {strides = array<i32>} : memref<64x448xf32, #tpu.memory_space<vmem>>, vector<16xf32>,
        tpu.vector_store %arg8[%parallel_loop3A_384, %parallel_loop3A_385], %parallel_loop3A_383 {strides = array<i32>} : memref<64x448xf32, #tpu.memory_space<vmem>>, vector<16xf32>,
        %parallel_loop3A_387 = arith.constant 208 : i32
        %parallel_loop3A_388 = arith.addi %sub3A_68, %parallel_loop3A_387 : i32
        %parallel_loop3A_389 = arith.index_cast %parallel_loop3A_282 : i32 to index
        %parallel_loop3A_390 = arith.index_cast %parallel_loop3A_388 : i32 to index
        %parallel_loop3A_391 = tpu.vector_load %arg6[%parallel_loop3A_389, %parallel_loop3A_390] {strides = array<i32>} : memref<64x456xf32, #tpu.memory_space<vmem>>, vector<16xf32>,
        %parallel_loop3A_392 = arith.index_cast %parallel_loop3A_282 : i32 to index
        %parallel_loop3A_393 = arith.constant 208 : index
        %parallel_loop3A_394 = tpu.vector_load %arg8[%parallel_loop3A_392, %parallel_loop3A_393] {strides = array<i32>} : memref<64x448xf32, #tpu.memory_space<vmem>>, vector<16xf32>,
        tpu.vector_store %arg8[%parallel_loop3A_392, %parallel_loop3A_393], %parallel_loop3A_391 {strides = array<i32>} : memref<64x448xf32, #tpu.memory_space<vmem>>, vector<16xf32>,
        %parallel_loop3A_395 = arith.constant 224 : i32
        %parallel_loop3A_396 = arith.addi %sub3A_68, %parallel_loop3A_395 : i32
        %parallel_loop3A_397 = arith.index_cast %parallel_loop3A_282 : i32 to index
        %parallel_loop3A_398 = arith.index_cast %parallel_loop3A_396 : i32 to index
        %parallel_loop3A_399 = tpu.vector_load %arg6[%parallel_loop3A_397, %parallel_loop3A_398] {strides = array<i32>} : memref<64x456xf32, #tpu.memory_space<vmem>>, vector<16xf32>,
        %parallel_loop3A_400 = arith.index_cast %parallel_loop3A_282 : i32 to index
        %parallel_loop3A_401 = arith.constant 224 : index
        %parallel_loop3A_402 = tpu.vector_load %arg8[%parallel_loop3A_400, %parallel_loop3A_401] {strides = array<i32>} : memref<64x448xf32, #tpu.memory_space<vmem>>, vector<16xf32>,
        tpu.vector_store %arg8[%parallel_loop3A_400, %parallel_loop3A_401], %parallel_loop3A_399 {strides = array<i32>} : memref<64x448xf32, #tpu.memory_space<vmem>>, vector<16xf32>,
        %parallel_loop3A_403 = arith.constant 240 : i32
        %parallel_loop3A_404 = arith.addi %sub3A_68, %parallel_loop3A_403 : i32
        %parallel_loop3A_405 = arith.index_cast %parallel_loop3A_282 : i32 to index
        %parallel_loop3A_406 = arith.index_cast %parallel_loop3A_404 : i32 to index
        %parallel_loop3A_407 = tpu.vector_load %arg6[%parallel_loop3A_405, %parallel_loop3A_406] {strides = array<i32>} : memref<64x456xf32, #tpu.memory_space<vmem>>, vector<16xf32>,
        %parallel_loop3A_408 = arith.index_cast %parallel_loop3A_282 : i32 to index
        %parallel_loop3A_409 = arith.constant 240 : index
        %parallel_loop3A_410 = tpu.vector_load %arg8[%parallel_loop3A_408, %parallel_loop3A_409] {strides = array<i32>} : memref<64x448xf32, #tpu.memory_space<vmem>>, vector<16xf32>,
        tpu.vector_store %arg8[%parallel_loop3A_408, %parallel_loop3A_409], %parallel_loop3A_407 {strides = array<i32>} : memref<64x448xf32, #tpu.memory_space<vmem>>, vector<16xf32>,
        %parallel_loop3A_411 = arith.constant 256 : i32
        %parallel_loop3A_412 = arith.addi %sub3A_68, %parallel_loop3A_411 : i32
        %parallel_loop3A_413 = arith.index_cast %parallel_loop3A_282 : i32 to index
        %parallel_loop3A_414 = arith.index_cast %parallel_loop3A_412 : i32 to index
        %parallel_loop3A_415 = tpu.vector_load %arg6[%parallel_loop3A_413, %parallel_loop3A_414] {strides = array<i32>} : memref<64x456xf32, #tpu.memory_space<vmem>>, vector<16xf32>,
        %parallel_loop3A_416 = arith.index_cast %parallel_loop3A_282 : i32 to index
        %parallel_loop3A_417 = arith.constant 256 : index
        %parallel_loop3A_418 = tpu.vector_load %arg8[%parallel_loop3A_416, %parallel_loop3A_417] {strides = array<i32>} : memref<64x448xf32, #tpu.memory_space<vmem>>, vector<16xf32>,
        tpu.vector_store %arg8[%parallel_loop3A_416, %parallel_loop3A_417], %parallel_loop3A_415 {strides = array<i32>} : memref<64x448xf32, #tpu.memory_space<vmem>>, vector<16xf32>,
        %parallel_loop3A_419 = arith.constant 272 : i32
        %parallel_loop3A_420 = arith.addi %sub3A_68, %parallel_loop3A_419 : i32
        %parallel_loop3A_421 = arith.index_cast %parallel_loop3A_282 : i32 to index
        %parallel_loop3A_422 = arith.index_cast %parallel_loop3A_420 : i32 to index
        %parallel_loop3A_423 = tpu.vector_load %arg6[%parallel_loop3A_421, %parallel_loop3A_422] {strides = array<i32>} : memref<64x456xf32, #tpu.memory_space<vmem>>, vector<16xf32>,
        %parallel_loop3A_424 = arith.index_cast %parallel_loop3A_282 : i32 to index
        %parallel_loop3A_425 = arith.constant 272 : index
        %parallel_loop3A_426 = tpu.vector_load %arg8[%parallel_loop3A_424, %parallel_loop3A_425] {strides = array<i32>} : memref<64x448xf32, #tpu.memory_space<vmem>>, vector<16xf32>,
        tpu.vector_store %arg8[%parallel_loop3A_424, %parallel_loop3A_425], %parallel_loop3A_423 {strides = array<i32>} : memref<64x448xf32, #tpu.memory_space<vmem>>, vector<16xf32>,
        %parallel_loop3A_427 = arith.constant 288 : i32
        %parallel_loop3A_428 = arith.addi %sub3A_68, %parallel_loop3A_427 : i32
        %parallel_loop3A_429 = arith.index_cast %parallel_loop3A_282 : i32 to index
        %parallel_loop3A_430 = arith.index_cast %parallel_loop3A_428 : i32 to index
        %parallel_loop3A_431 = tpu.vector_load %arg6[%parallel_loop3A_429, %parallel_loop3A_430] {strides = array<i32>} : memref<64x456xf32, #tpu.memory_space<vmem>>, vector<16xf32>,
        %parallel_loop3A_432 = arith.index_cast %parallel_loop3A_282 : i32 to index
        %parallel_loop3A_433 = arith.constant 288 : index
        %parallel_loop3A_434 = tpu.vector_load %arg8[%parallel_loop3A_432, %parallel_loop3A_433] {strides = array<i32>} : memref<64x448xf32, #tpu.memory_space<vmem>>, vector<16xf32>,
        tpu.vector_store %arg8[%parallel_loop3A_432, %parallel_loop3A_433], %parallel_loop3A_431 {strides = array<i32>} : memref<64x448xf32, #tpu.memory_space<vmem>>, vector<16xf32>,
        %parallel_loop3A_435 = arith.constant 304 : i32
        %parallel_loop3A_436 = arith.addi %sub3A_68, %parallel_loop3A_435 : i32
        %parallel_loop3A_437 = arith.index_cast %parallel_loop3A_282 : i32 to index
        %parallel_loop3A_438 = arith.index_cast %parallel_loop3A_436 : i32 to index
        %parallel_loop3A_439 = tpu.vector_load %arg6[%parallel_loop3A_437, %parallel_loop3A_438] {strides = array<i32>} : memref<64x456xf32, #tpu.memory_space<vmem>>, vector<16xf32>,
        %parallel_loop3A_440 = arith.index_cast %parallel_loop3A_282 : i32 to index
        %parallel_loop3A_441 = arith.constant 304 : index
        %parallel_loop3A_442 = tpu.vector_load %arg8[%parallel_loop3A_440, %parallel_loop3A_441] {strides = array<i32>} : memref<64x448xf32, #tpu.memory_space<vmem>>, vector<16xf32>,
        tpu.vector_store %arg8[%parallel_loop3A_440, %parallel_loop3A_441], %parallel_loop3A_439 {strides = array<i32>} : memref<64x448xf32, #tpu.memory_space<vmem>>, vector<16xf32>,
        %parallel_loop3A_443 = arith.constant 320 : i32
        %parallel_loop3A_444 = arith.addi %sub3A_68, %parallel_loop3A_443 : i32
        %parallel_loop3A_445 = arith.index_cast %parallel_loop3A_282 : i32 to index
        %parallel_loop3A_446 = arith.index_cast %parallel_loop3A_444 : i32 to index
        %parallel_loop3A_447 = tpu.vector_load %arg6[%parallel_loop3A_445, %parallel_loop3A_446] {strides = array<i32>} : memref<64x456xf32, #tpu.memory_space<vmem>>, vector<16xf32>,
        %parallel_loop3A_448 = arith.index_cast %parallel_loop3A_282 : i32 to index
        %parallel_loop3A_449 = arith.constant 320 : index
        %parallel_loop3A_450 = tpu.vector_load %arg8[%parallel_loop3A_448, %parallel_loop3A_449] {strides = array<i32>} : memref<64x448xf32, #tpu.memory_space<vmem>>, vector<16xf32>,
        tpu.vector_store %arg8[%parallel_loop3A_448, %parallel_loop3A_449], %parallel_loop3A_447 {strides = array<i32>} : memref<64x448xf32, #tpu.memory_space<vmem>>, vector<16xf32>,
        %parallel_loop3A_451 = arith.constant 336 : i32
        %parallel_loop3A_452 = arith.addi %sub3A_68, %parallel_loop3A_451 : i32
        %parallel_loop3A_453 = arith.index_cast %parallel_loop3A_282 : i32 to index
        %parallel_loop3A_454 = arith.index_cast %parallel_loop3A_452 : i32 to index
        %parallel_loop3A_455 = tpu.vector_load %arg6[%parallel_loop3A_453, %parallel_loop3A_454] {strides = array<i32>} : memref<64x456xf32, #tpu.memory_space<vmem>>, vector<16xf32>,
        %parallel_loop3A_456 = arith.index_cast %parallel_loop3A_282 : i32 to index
        %parallel_loop3A_457 = arith.constant 336 : index
        %parallel_loop3A_458 = tpu.vector_load %arg8[%parallel_loop3A_456, %parallel_loop3A_457] {strides = array<i32>} : memref<64x448xf32, #tpu.memory_space<vmem>>, vector<16xf32>,
        tpu.vector_store %arg8[%parallel_loop3A_456, %parallel_loop3A_457], %parallel_loop3A_455 {strides = array<i32>} : memref<64x448xf32, #tpu.memory_space<vmem>>, vector<16xf32>,
        %parallel_loop3A_459 = arith.constant 352 : i32
        %parallel_loop3A_460 = arith.addi %sub3A_68, %parallel_loop3A_459 : i32
        %parallel_loop3A_461 = arith.index_cast %parallel_loop3A_282 : i32 to index
        %parallel_loop3A_462 = arith.index_cast %parallel_loop3A_460 : i32 to index
        %parallel_loop3A_463 = tpu.vector_load %arg6[%parallel_loop3A_461, %parallel_loop3A_462] {strides = array<i32>} : memref<64x456xf32, #tpu.memory_space<vmem>>, vector<16xf32>,
        %parallel_loop3A_464 = arith.index_cast %parallel_loop3A_282 : i32 to index
        %parallel_loop3A_465 = arith.constant 352 : index
        %parallel_loop3A_466 = tpu.vector_load %arg8[%parallel_loop3A_464, %parallel_loop3A_465] {strides = array<i32>} : memref<64x448xf32, #tpu.memory_space<vmem>>, vector<16xf32>,
        tpu.vector_store %arg8[%parallel_loop3A_464, %parallel_loop3A_465], %parallel_loop3A_463 {strides = array<i32>} : memref<64x448xf32, #tpu.memory_space<vmem>>, vector<16xf32>,
        %parallel_loop3A_467 = arith.constant 368 : i32
        %parallel_loop3A_468 = arith.addi %sub3A_68, %parallel_loop3A_467 : i32
        %parallel_loop3A_469 = arith.index_cast %parallel_loop3A_282 : i32 to index
        %parallel_loop3A_470 = arith.index_cast %parallel_loop3A_468 : i32 to index
        %parallel_loop3A_471 = tpu.vector_load %arg6[%parallel_loop3A_469, %parallel_loop3A_470] {strides = array<i32>} : memref<64x456xf32, #tpu.memory_space<vmem>>, vector<16xf32>,
        %parallel_loop3A_472 = arith.index_cast %parallel_loop3A_282 : i32 to index
        %parallel_loop3A_473 = arith.constant 368 : index
        %parallel_loop3A_474 = tpu.vector_load %arg8[%parallel_loop3A_472, %parallel_loop3A_473] {strides = array<i32>} : memref<64x448xf32, #tpu.memory_space<vmem>>, vector<16xf32>,
        tpu.vector_store %arg8[%parallel_loop3A_472, %parallel_loop3A_473], %parallel_loop3A_471 {strides = array<i32>} : memref<64x448xf32, #tpu.memory_space<vmem>>, vector<16xf32>,
        %parallel_loop3A_475 = arith.constant 384 : i32
        %parallel_loop3A_476 = arith.addi %sub3A_68, %parallel_loop3A_475 : i32
        %parallel_loop3A_477 = arith.index_cast %parallel_loop3A_282 : i32 to index
        %parallel_loop3A_478 = arith.index_cast %parallel_loop3A_476 : i32 to index
        %parallel_loop3A_479 = tpu.vector_load %arg6[%parallel_loop3A_477, %parallel_loop3A_478] {strides = array<i32>} : memref<64x456xf32, #tpu.memory_space<vmem>>, vector<16xf32>,
        %parallel_loop3A_480 = arith.index_cast %parallel_loop3A_282 : i32 to index
        %parallel_loop3A_481 = arith.constant 384 : index
        %parallel_loop3A_482 = tpu.vector_load %arg8[%parallel_loop3A_480, %parallel_loop3A_481] {strides = array<i32>} : memref<64x448xf32, #tpu.memory_space<vmem>>, vector<16xf32>,
        tpu.vector_store %arg8[%parallel_loop3A_480, %parallel_loop3A_481], %parallel_loop3A_479 {strides = array<i32>} : memref<64x448xf32, #tpu.memory_space<vmem>>, vector<16xf32>,
        %parallel_loop3A_483 = arith.constant 400 : i32
        %parallel_loop3A_484 = arith.addi %sub3A_68, %parallel_loop3A_483 : i32
        %parallel_loop3A_485 = arith.index_cast %parallel_loop3A_282 : i32 to index
        %parallel_loop3A_486 = arith.index_cast %parallel_loop3A_484 : i32 to index
        %parallel_loop3A_487 = tpu.vector_load %arg6[%parallel_loop3A_485, %parallel_loop3A_486] {strides = array<i32>} : memref<64x456xf32, #tpu.memory_space<vmem>>, vector<16xf32>,
        %parallel_loop3A_488 = arith.index_cast %parallel_loop3A_282 : i32 to index
        %parallel_loop3A_489 = arith.constant 400 : index
        %parallel_loop3A_490 = tpu.vector_load %arg8[%parallel_loop3A_488, %parallel_loop3A_489] {strides = array<i32>} : memref<64x448xf32, #tpu.memory_space<vmem>>, vector<16xf32>,
        tpu.vector_store %arg8[%parallel_loop3A_488, %parallel_loop3A_489], %parallel_loop3A_487 {strides = array<i32>} : memref<64x448xf32, #tpu.memory_space<vmem>>, vector<16xf32>,
        %parallel_loop3A_491 = arith.constant 416 : i32
        %parallel_loop3A_492 = arith.addi %sub3A_68, %parallel_loop3A_491 : i32
        %parallel_loop3A_493 = arith.index_cast %parallel_loop3A_282 : i32 to index
        %parallel_loop3A_494 = arith.index_cast %parallel_loop3A_492 : i32 to index
        %parallel_loop3A_495 = tpu.vector_load %arg6[%parallel_loop3A_493, %parallel_loop3A_494] {strides = array<i32>} : memref<64x456xf32, #tpu.memory_space<vmem>>, vector<16xf32>,
        %parallel_loop3A_496 = arith.index_cast %parallel_loop3A_282 : i32 to index
        %parallel_loop3A_497 = arith.constant 416 : index
        %parallel_loop3A_498 = tpu.vector_load %arg8[%parallel_loop3A_496, %parallel_loop3A_497] {strides = array<i32>} : memref<64x448xf32, #tpu.memory_space<vmem>>, vector<16xf32>,
        tpu.vector_store %arg8[%parallel_loop3A_496, %parallel_loop3A_497], %parallel_loop3A_495 {strides = array<i32>} : memref<64x448xf32, #tpu.memory_space<vmem>>, vector<16xf32>,
        %parallel_loop3A_499 = arith.constant 432 : i32
        %parallel_loop3A_500 = arith.addi %sub3A_68, %parallel_loop3A_499 : i32
        %parallel_loop3A_501 = arith.index_cast %parallel_loop3A_282 : i32 to index
        %parallel_loop3A_502 = arith.index_cast %parallel_loop3A_500 : i32 to index
        %parallel_loop3A_503 = tpu.vector_load %arg6[%parallel_loop3A_501, %parallel_loop3A_502] {strides = array<i32>} : memref<64x456xf32, #tpu.memory_space<vmem>>, vector<16xf32>,
        %parallel_loop3A_504 = arith.index_cast %parallel_loop3A_282 : i32 to index
        %parallel_loop3A_505 = arith.constant 432 : index
        %parallel_loop3A_506 = tpu.vector_load %arg8[%parallel_loop3A_504, %parallel_loop3A_505] {strides = array<i32>} : memref<64x448xf32, #tpu.memory_space<vmem>>, vector<16xf32>,
        tpu.vector_store %arg8[%parallel_loop3A_504, %parallel_loop3A_505], %parallel_loop3A_503 {strides = array<i32>} : memref<64x448xf32, #tpu.memory_space<vmem>>, vector<16xf32>,
      } {sc.loop_unroll_factor = 2 : i64, sc.parallel_access}
      %add3A_96 = arith.constant 128 : i32
      %add3A_97 = arith.addi %add3A_71, %add3A_96 : i32
      %dma_start3A_98 = arith.constant 0 : i32
      %dma_start3A_99 = tpu.memref_slice %arg2[%add3A_97, %multiple_of3A] : memref<196608x512xf32, #tpu.memory_space<hbm>> -> memref<64x456xf32, #tpu.memory_space<hbm>>
      %dma_start3A_100 = tpu.memref_slice %arg10[%dma_start3A_98] : memref<2x!tpu.dma_semaphore, #tpu.memory_space<semaphore_mem>> -> memref<1x!tpu.dma_semaphore, #tpu.memory_space<semaphore_mem>>
      %dma_start3A_101 = tpu.memref_squeeze %dma_start3A_100 : memref<1x!tpu.dma_semaphore, #tpu.memory_space<semaphore_mem>> -> memref<!tpu.dma_semaphore, #tpu.memory_space<semaphore_mem>>
      %dma_start3A_102 = tpu.memref_slice %arg2[%add3A_97, %multiple_of3A] : memref<196608x512xf32, #tpu.memory_space<hbm>> -> memref<64x456xf32, #tpu.memory_space<hbm>>
      tpu.enqueue_dma source(%dma_start3A_102 : memref<64x456xf32, #tpu.memory_space<hbm>>) target(%arg6 : memref<64x456xf32, #tpu.memory_space<vmem>>) target_semaphore(%dma_start3A_101 : memref<!tpu.dma_semaphore, #tpu.memory_space<semaphore_mem>>)
      %add3A_103 = arith.constant 0 : i32
      %add3A_104 = arith.addi %mul3A_73, %add3A_103 : i32
      %dma_start3A_105 = arith.constant 0 : i32
      %dma_start3A_106 = arith.constant 0 : i32
      %dma_start3A_107 = tpu.memref_slice %arg4[%add3A_104, %dma_start3A_106] : memref<172032x448xf32, #tpu.memory_space<hbm>> -> memref<64x448xf32, #tpu.memory_space<hbm>>
      %dma_start3A_108 = tpu.memref_slice %arg11[%dma_start3A_105] : memref<2x!tpu.dma_semaphore, #tpu.memory_space<semaphore_mem>> -> memref<1x!tpu.dma_semaphore, #tpu.memory_space<semaphore_mem>>
      %dma_start3A_109 = tpu.memref_squeeze %dma_start3A_108 : memref<1x!tpu.dma_semaphore, #tpu.memory_space<semaphore_mem>> -> memref<!tpu.dma_semaphore, #tpu.memory_space<semaphore_mem>>
      %dma_start3A_110 = arith.constant 0 : i32
      %dma_start3A_111 = tpu.memref_slice %arg4[%add3A_104, %dma_start3A_110] : memref<172032x448xf32, #tpu.memory_space<hbm>> -> memref<64x448xf32, #tpu.memory_space<hbm>>
      tpu.enqueue_dma source(%arg8 : memref<64x448xf32, #tpu.memory_space<vmem>>) target(%dma_start3A_111 : memref<64x448xf32, #tpu.memory_space<hbm>>) target_semaphore(%dma_start3A_109 : memref<!tpu.dma_semaphore, #tpu.memory_space<semaphore_mem>>)
      %dma_wait3A_112 = arith.constant 1 : i32
      %dma_wait3A_113 = tpu.memref_slice %arg2[%add3A_81, %multiple_of3A] : memref<196608x512xf32, #tpu.memory_space<hbm>> -> memref<64x456xf32, #tpu.memory_space<hbm>>
      %dma_wait3A_114 = tpu.memref_slice %arg10[%dma_wait3A_112] : memref<2x!tpu.dma_semaphore, #tpu.memory_space<semaphore_mem>> -> memref<1x!tpu.dma_semaphore, #tpu.memory_space<semaphore_mem>>
      %dma_wait3A_115 = tpu.memref_squeeze %dma_wait3A_114 : memref<1x!tpu.dma_semaphore, #tpu.memory_space<semaphore_mem>> -> memref<!tpu.dma_semaphore, #tpu.memory_space<semaphore_mem>>
      %dma_wait3A_116 = tpu.memref_slice %arg2[%add3A_81, %multiple_of3A] : memref<196608x512xf32, #tpu.memory_space<hbm>> -> memref<64x456xf32, #tpu.memory_space<hbm>>
      tpu.wait_dma2 semaphore(%dma_wait3A_115 : memref<!tpu.dma_semaphore, #tpu.memory_space<semaphore_mem>>) src(%dma_wait3A_116 : memref<64x456xf32, #tpu.memory_space<hbm>>) dst(%arg7 : memref<64x456xf32, #tpu.memory_space<vmem>>)
      %gt3A_117 = arith.constant 0 : i32
      %gt3A_118 = arith.cmpi sgt, %scan3A_23, %gt3A_117 : i32
      %convert_element_type3A_119 = arith.extui %gt3A_118 : i1 to i32
      %cond3A_120 = arith.constant 0 : i32
      %cond3A_121 = arith.cmpi ne, %convert_element_type3A_119, %cond3A_120 : i32
      scf.if %cond3A_121 {
        %dma_wait3A_282 = arith.constant 1 : i32
        %dma_wait3A_283 = arith.constant 0 : i32
        %dma_wait3A_284 = tpu.memref_slice %arg4[%mul3A_73, %dma_wait3A_283] : memref<172032x448xf32, #tpu.memory_space<hbm>> -> memref<64x448xf32, #tpu.memory_space<hbm>>
        %dma_wait3A_285 = tpu.memref_slice %arg11[%dma_wait3A_282] : memref<2x!tpu.dma_semaphore, #tpu.memory_space<semaphore_mem>> -> memref<1x!tpu.dma_semaphore, #tpu.memory_space<semaphore_mem>>
        %dma_wait3A_286 = tpu.memref_squeeze %dma_wait3A_285 : memref<1x!tpu.dma_semaphore, #tpu.memory_space<semaphore_mem>> -> memref<!tpu.dma_semaphore, #tpu.memory_space<semaphore_mem>>
        %dma_wait3A_287 = arith.constant 0 : i32
        %dma_wait3A_288 = tpu.memref_slice %arg4[%mul3A_73, %dma_wait3A_287] : memref<172032x448xf32, #tpu.memory_space<hbm>> -> memref<64x448xf32, #tpu.memory_space<hbm>>
        tpu.wait_dma2 semaphore(%dma_wait3A_286 : memref<!tpu.dma_semaphore, #tpu.memory_space<semaphore_mem>>) src(%arg9 : memref<64x448xf32, #tpu.memory_space<vmem>>) dst(%dma_wait3A_288 : memref<64x448xf32, #tpu.memory_space<hbm>>)
      } else {
      }
      %parallel_loop3A_122 = arith.constant 0 : i32
      %parallel_loop3A_123 = arith.constant 64 : i32
      %parallel_loop3A_124 = arith.constant 1 : i32
      scf.for %parallel_loop3A_282 = %parallel_loop3A_122 to %parallel_loop3A_123 step %parallel_loop3A_124  : i32 {
        %parallel_loop3A_283 = arith.constant 0 : i32
        %parallel_loop3A_284 = arith.addi %sub3A_68, %parallel_loop3A_283 : i32
        %parallel_loop3A_285 = arith.index_cast %parallel_loop3A_282 : i32 to index
        %parallel_loop3A_286 = arith.index_cast %parallel_loop3A_284 : i32 to index
        %parallel_loop3A_287 = tpu.vector_load %arg7[%parallel_loop3A_285, %parallel_loop3A_286] {strides = array<i32>} : memref<64x456xf32, #tpu.memory_space<vmem>>, vector<16xf32>,
        %parallel_loop3A_288 = arith.index_cast %parallel_loop3A_282 : i32 to index
        %parallel_loop3A_289 = arith.constant 0 : index
        %parallel_loop3A_290 = tpu.vector_load %arg9[%parallel_loop3A_288, %parallel_loop3A_289] {strides = array<i32>} : memref<64x448xf32, #tpu.memory_space<vmem>>, vector<16xf32>,
        tpu.vector_store %arg9[%parallel_loop3A_288, %parallel_loop3A_289], %parallel_loop3A_287 {strides = array<i32>} : memref<64x448xf32, #tpu.memory_space<vmem>>, vector<16xf32>,
        %parallel_loop3A_291 = arith.constant 16 : i32
        %parallel_loop3A_292 = arith.addi %sub3A_68, %parallel_loop3A_291 : i32
        %parallel_loop3A_293 = arith.index_cast %parallel_loop3A_282 : i32 to index
        %parallel_loop3A_294 = arith.index_cast %parallel_loop3A_292 : i32 to index
        %parallel_loop3A_295 = tpu.vector_load %arg7[%parallel_loop3A_293, %parallel_loop3A_294] {strides = array<i32>} : memref<64x456xf32, #tpu.memory_space<vmem>>, vector<16xf32>,
        %parallel_loop3A_296 = arith.index_cast %parallel_loop3A_282 : i32 to index
        %parallel_loop3A_297 = arith.constant 16 : index
        %parallel_loop3A_298 = tpu.vector_load %arg9[%parallel_loop3A_296, %parallel_loop3A_297] {strides = array<i32>} : memref<64x448xf32, #tpu.memory_space<vmem>>, vector<16xf32>,
        tpu.vector_store %arg9[%parallel_loop3A_296, %parallel_loop3A_297], %parallel_loop3A_295 {strides = array<i32>} : memref<64x448xf32, #tpu.memory_space<vmem>>, vector<16xf32>,
        %parallel_loop3A_299 = arith.constant 32 : i32
        %parallel_loop3A_300 = arith.addi %sub3A_68, %parallel_loop3A_299 : i32
        %parallel_loop3A_301 = arith.index_cast %parallel_loop3A_282 : i32 to index
        %parallel_loop3A_302 = arith.index_cast %parallel_loop3A_300 : i32 to index
        %parallel_loop3A_303 = tpu.vector_load %arg7[%parallel_loop3A_301, %parallel_loop3A_302] {strides = array<i32>} : memref<64x456xf32, #tpu.memory_space<vmem>>, vector<16xf32>,
        %parallel_loop3A_304 = arith.index_cast %parallel_loop3A_282 : i32 to index
        %parallel_loop3A_305 = arith.constant 32 : index
        %parallel_loop3A_306 = tpu.vector_load %arg9[%parallel_loop3A_304, %parallel_loop3A_305] {strides = array<i32>} : memref<64x448xf32, #tpu.memory_space<vmem>>, vector<16xf32>,
        tpu.vector_store %arg9[%parallel_loop3A_304, %parallel_loop3A_305], %parallel_loop3A_303 {strides = array<i32>} : memref<64x448xf32, #tpu.memory_space<vmem>>, vector<16xf32>,
        %parallel_loop3A_307 = arith.constant 48 : i32
        %parallel_loop3A_308 = arith.addi %sub3A_68, %parallel_loop3A_307 : i32
        %parallel_loop3A_309 = arith.index_cast %parallel_loop3A_282 : i32 to index
        %parallel_loop3A_310 = arith.index_cast %parallel_loop3A_308 : i32 to index
        %parallel_loop3A_311 = tpu.vector_load %arg7[%parallel_loop3A_309, %parallel_loop3A_310] {strides = array<i32>} : memref<64x456xf32, #tpu.memory_space<vmem>>, vector<16xf32>,
        %parallel_loop3A_312 = arith.index_cast %parallel_loop3A_282 : i32 to index
        %parallel_loop3A_313 = arith.constant 48 : index
        %parallel_loop3A_314 = tpu.vector_load %arg9[%parallel_loop3A_312, %parallel_loop3A_313] {strides = array<i32>} : memref<64x448xf32, #tpu.memory_space<vmem>>, vector<16xf32>,
        tpu.vector_store %arg9[%parallel_loop3A_312, %parallel_loop3A_313], %parallel_loop3A_311 {strides = array<i32>} : memref<64x448xf32, #tpu.memory_space<vmem>>, vector<16xf32>,
        %parallel_loop3A_315 = arith.constant 64 : i32
        %parallel_loop3A_316 = arith.addi %sub3A_68, %parallel_loop3A_315 : i32
        %parallel_loop3A_317 = arith.index_cast %parallel_loop3A_282 : i32 to index
        %parallel_loop3A_318 = arith.index_cast %parallel_loop3A_316 : i32 to index
        %parallel_loop3A_319 = tpu.vector_load %arg7[%parallel_loop3A_317, %parallel_loop3A_318] {strides = array<i32>} : memref<64x456xf32, #tpu.memory_space<vmem>>, vector<16xf32>,
        %parallel_loop3A_320 = arith.index_cast %parallel_loop3A_282 : i32 to index
        %parallel_loop3A_321 = arith.constant 64 : index
        %parallel_loop3A_322 = tpu.vector_load %arg9[%parallel_loop3A_320, %parallel_loop3A_321] {strides = array<i32>} : memref<64x448xf32, #tpu.memory_space<vmem>>, vector<16xf32>,
        tpu.vector_store %arg9[%parallel_loop3A_320, %parallel_loop3A_321], %parallel_loop3A_319 {strides = array<i32>} : memref<64x448xf32, #tpu.memory_space<vmem>>, vector<16xf32>,
        %parallel_loop3A_323 = arith.constant 80 : i32
        %parallel_loop3A_324 = arith.addi %sub3A_68, %parallel_loop3A_323 : i32
        %parallel_loop3A_325 = arith.index_cast %parallel_loop3A_282 : i32 to index
        %parallel_loop3A_326 = arith.index_cast %parallel_loop3A_324 : i32 to index
        %parallel_loop3A_327 = tpu.vector_load %arg7[%parallel_loop3A_325, %parallel_loop3A_326] {strides = array<i32>} : memref<64x456xf32, #tpu.memory_space<vmem>>, vector<16xf32>,
        %parallel_loop3A_328 = arith.index_cast %parallel_loop3A_282 : i32 to index
        %parallel_loop3A_329 = arith.constant 80 : index
        %parallel_loop3A_330 = tpu.vector_load %arg9[%parallel_loop3A_328, %parallel_loop3A_329] {strides = array<i32>} : memref<64x448xf32, #tpu.memory_space<vmem>>, vector<16xf32>,
        tpu.vector_store %arg9[%parallel_loop3A_328, %parallel_loop3A_329], %parallel_loop3A_327 {strides = array<i32>} : memref<64x448xf32, #tpu.memory_space<vmem>>, vector<16xf32>,
        %parallel_loop3A_331 = arith.constant 96 : i32
        %parallel_loop3A_332 = arith.addi %sub3A_68, %parallel_loop3A_331 : i32
        %parallel_loop3A_333 = arith.index_cast %parallel_loop3A_282 : i32 to index
        %parallel_loop3A_334 = arith.index_cast %parallel_loop3A_332 : i32 to index
        %parallel_loop3A_335 = tpu.vector_load %arg7[%parallel_loop3A_333, %parallel_loop3A_334] {strides = array<i32>} : memref<64x456xf32, #tpu.memory_space<vmem>>, vector<16xf32>,
        %parallel_loop3A_336 = arith.index_cast %parallel_loop3A_282 : i32 to index
        %parallel_loop3A_337 = arith.constant 96 : index
        %parallel_loop3A_338 = tpu.vector_load %arg9[%parallel_loop3A_336, %parallel_loop3A_337] {strides = array<i32>} : memref<64x448xf32, #tpu.memory_space<vmem>>, vector<16xf32>,
        tpu.vector_store %arg9[%parallel_loop3A_336, %parallel_loop3A_337], %parallel_loop3A_335 {strides = array<i32>} : memref<64x448xf32, #tpu.memory_space<vmem>>, vector<16xf32>,
        %parallel_loop3A_339 = arith.constant 112 : i32
        %parallel_loop3A_340 = arith.addi %sub3A_68, %parallel_loop3A_339 : i32
        %parallel_loop3A_341 = arith.index_cast %parallel_loop3A_282 : i32 to index
        %parallel_loop3A_342 = arith.index_cast %parallel_loop3A_340 : i32 to index
        %parallel_loop3A_343 = tpu.vector_load %arg7[%parallel_loop3A_341, %parallel_loop3A_342] {strides = array<i32>} : memref<64x456xf32, #tpu.memory_space<vmem>>, vector<16xf32>,
        %parallel_loop3A_344 = arith.index_cast %parallel_loop3A_282 : i32 to index
        %parallel_loop3A_345 = arith.constant 112 : index
        %parallel_loop3A_346 = tpu.vector_load %arg9[%parallel_loop3A_344, %parallel_loop3A_345] {strides = array<i32>} : memref<64x448xf32, #tpu.memory_space<vmem>>, vector<16xf32>,
        tpu.vector_store %arg9[%parallel_loop3A_344, %parallel_loop3A_345], %parallel_loop3A_343 {strides = array<i32>} : memref<64x448xf32, #tpu.memory_space<vmem>>, vector<16xf32>,
        %parallel_loop3A_347 = arith.constant 128 : i32
        %parallel_loop3A_348 = arith.addi %sub3A_68, %parallel_loop3A_347 : i32
        %parallel_loop3A_349 = arith.index_cast %parallel_loop3A_282 : i32 to index
        %parallel_loop3A_350 = arith.index_cast %parallel_loop3A_348 : i32 to index
        %parallel_loop3A_351 = tpu.vector_load %arg7[%parallel_loop3A_349, %parallel_loop3A_350] {strides = array<i32>} : memref<64x456xf32, #tpu.memory_space<vmem>>, vector<16xf32>,
        %parallel_loop3A_352 = arith.index_cast %parallel_loop3A_282 : i32 to index
        %parallel_loop3A_353 = arith.constant 128 : index
        %parallel_loop3A_354 = tpu.vector_load %arg9[%parallel_loop3A_352, %parallel_loop3A_353] {strides = array<i32>} : memref<64x448xf32, #tpu.memory_space<vmem>>, vector<16xf32>,
        tpu.vector_store %arg9[%parallel_loop3A_352, %parallel_loop3A_353], %parallel_loop3A_351 {strides = array<i32>} : memref<64x448xf32, #tpu.memory_space<vmem>>, vector<16xf32>,
        %parallel_loop3A_355 = arith.constant 144 : i32
        %parallel_loop3A_356 = arith.addi %sub3A_68, %parallel_loop3A_355 : i32
        %parallel_loop3A_357 = arith.index_cast %parallel_loop3A_282 : i32 to index
        %parallel_loop3A_358 = arith.index_cast %parallel_loop3A_356 : i32 to index
        %parallel_loop3A_359 = tpu.vector_load %arg7[%parallel_loop3A_357, %parallel_loop3A_358] {strides = array<i32>} : memref<64x456xf32, #tpu.memory_space<vmem>>, vector<16xf32>,
        %parallel_loop3A_360 = arith.index_cast %parallel_loop3A_282 : i32 to index
        %parallel_loop3A_361 = arith.constant 144 : index
        %parallel_loop3A_362 = tpu.vector_load %arg9[%parallel_loop3A_360, %parallel_loop3A_361] {strides = array<i32>} : memref<64x448xf32, #tpu.memory_space<vmem>>, vector<16xf32>,
        tpu.vector_store %arg9[%parallel_loop3A_360, %parallel_loop3A_361], %parallel_loop3A_359 {strides = array<i32>} : memref<64x448xf32, #tpu.memory_space<vmem>>, vector<16xf32>,
        %parallel_loop3A_363 = arith.constant 160 : i32
        %parallel_loop3A_364 = arith.addi %sub3A_68, %parallel_loop3A_363 : i32
        %parallel_loop3A_365 = arith.index_cast %parallel_loop3A_282 : i32 to index
        %parallel_loop3A_366 = arith.index_cast %parallel_loop3A_364 : i32 to index
        %parallel_loop3A_367 = tpu.vector_load %arg7[%parallel_loop3A_365, %parallel_loop3A_366] {strides = array<i32>} : memref<64x456xf32, #tpu.memory_space<vmem>>, vector<16xf32>,
        %parallel_loop3A_368 = arith.index_cast %parallel_loop3A_282 : i32 to index
        %parallel_loop3A_369 = arith.constant 160 : index
        %parallel_loop3A_370 = tpu.vector_load %arg9[%parallel_loop3A_368, %parallel_loop3A_369] {strides = array<i32>} : memref<64x448xf32, #tpu.memory_space<vmem>>, vector<16xf32>,
        tpu.vector_store %arg9[%parallel_loop3A_368, %parallel_loop3A_369], %parallel_loop3A_367 {strides = array<i32>} : memref<64x448xf32, #tpu.memory_space<vmem>>, vector<16xf32>,
        %parallel_loop3A_371 = arith.constant 176 : i32
        %parallel_loop3A_372 = arith.addi %sub3A_68, %parallel_loop3A_371 : i32
        %parallel_loop3A_373 = arith.index_cast %parallel_loop3A_282 : i32 to index
        %parallel_loop3A_374 = arith.index_cast %parallel_loop3A_372 : i32 to index
        %parallel_loop3A_375 = tpu.vector_load %arg7[%parallel_loop3A_373, %parallel_loop3A_374] {strides = array<i32>} : memref<64x456xf32, #tpu.memory_space<vmem>>, vector<16xf32>,
        %parallel_loop3A_376 = arith.index_cast %parallel_loop3A_282 : i32 to index
        %parallel_loop3A_377 = arith.constant 176 : index
        %parallel_loop3A_378 = tpu.vector_load %arg9[%parallel_loop3A_376, %parallel_loop3A_377] {strides = array<i32>} : memref<64x448xf32, #tpu.memory_space<vmem>>, vector<16xf32>,
        tpu.vector_store %arg9[%parallel_loop3A_376, %parallel_loop3A_377], %parallel_loop3A_375 {strides = array<i32>} : memref<64x448xf32, #tpu.memory_space<vmem>>, vector<16xf32>,
        %parallel_loop3A_379 = arith.constant 192 : i32
        %parallel_loop3A_380 = arith.addi %sub3A_68, %parallel_loop3A_379 : i32
        %parallel_loop3A_381 = arith.index_cast %parallel_loop3A_282 : i32 to index
        %parallel_loop3A_382 = arith.index_cast %parallel_loop3A_380 : i32 to index
        %parallel_loop3A_383 = tpu.vector_load %arg7[%parallel_loop3A_381, %parallel_loop3A_382] {strides = array<i32>} : memref<64x456xf32, #tpu.memory_space<vmem>>, vector<16xf32>,
        %parallel_loop3A_384 = arith.index_cast %parallel_loop3A_282 : i32 to index
        %parallel_loop3A_385 = arith.constant 192 : index
        %parallel_loop3A_386 = tpu.vector_load %arg9[%parallel_loop3A_384, %parallel_loop3A_385] {strides = array<i32>} : memref<64x448xf32, #tpu.memory_space<vmem>>, vector<16xf32>,
        tpu.vector_store %arg9[%parallel_loop3A_384, %parallel_loop3A_385], %parallel_loop3A_383 {strides = array<i32>} : memref<64x448xf32, #tpu.memory_space<vmem>>, vector<16xf32>,
        %parallel_loop3A_387 = arith.constant 208 : i32
        %parallel_loop3A_388 = arith.addi %sub3A_68, %parallel_loop3A_387 : i32
        %parallel_loop3A_389 = arith.index_cast %parallel_loop3A_282 : i32 to index
        %parallel_loop3A_390 = arith.index_cast %parallel_loop3A_388 : i32 to index
        %parallel_loop3A_391 = tpu.vector_load %arg7[%parallel_loop3A_389, %parallel_loop3A_390] {strides = array<i32>} : memref<64x456xf32, #tpu.memory_space<vmem>>, vector<16xf32>,
        %parallel_loop3A_392 = arith.index_cast %parallel_loop3A_282 : i32 to index
        %parallel_loop3A_393 = arith.constant 208 : index
        %parallel_loop3A_394 = tpu.vector_load %arg9[%parallel_loop3A_392, %parallel_loop3A_393] {strides = array<i32>} : memref<64x448xf32, #tpu.memory_space<vmem>>, vector<16xf32>,
        tpu.vector_store %arg9[%parallel_loop3A_392, %parallel_loop3A_393], %parallel_loop3A_391 {strides = array<i32>} : memref<64x448xf32, #tpu.memory_space<vmem>>, vector<16xf32>,
        %parallel_loop3A_395 = arith.constant 224 : i32
        %parallel_loop3A_396 = arith.addi %sub3A_68, %parallel_loop3A_395 : i32
        %parallel_loop3A_397 = arith.index_cast %parallel_loop3A_282 : i32 to index
        %parallel_loop3A_398 = arith.index_cast %parallel_loop3A_396 : i32 to index
        %parallel_loop3A_399 = tpu.vector_load %arg7[%parallel_loop3A_397, %parallel_loop3A_398] {strides = array<i32>} : memref<64x456xf32, #tpu.memory_space<vmem>>, vector<16xf32>,
        %parallel_loop3A_400 = arith.index_cast %parallel_loop3A_282 : i32 to index
        %parallel_loop3A_401 = arith.constant 224 : index
        %parallel_loop3A_402 = tpu.vector_load %arg9[%parallel_loop3A_400, %parallel_loop3A_401] {strides = array<i32>} : memref<64x448xf32, #tpu.memory_space<vmem>>, vector<16xf32>,
        tpu.vector_store %arg9[%parallel_loop3A_400, %parallel_loop3A_401], %parallel_loop3A_399 {strides = array<i32>} : memref<64x448xf32, #tpu.memory_space<vmem>>, vector<16xf32>,
        %parallel_loop3A_403 = arith.constant 240 : i32
        %parallel_loop3A_404 = arith.addi %sub3A_68, %parallel_loop3A_403 : i32
        %parallel_loop3A_405 = arith.index_cast %parallel_loop3A_282 : i32 to index
        %parallel_loop3A_406 = arith.index_cast %parallel_loop3A_404 : i32 to index
        %parallel_loop3A_407 = tpu.vector_load %arg7[%parallel_loop3A_405, %parallel_loop3A_406] {strides = array<i32>} : memref<64x456xf32, #tpu.memory_space<vmem>>, vector<16xf32>,
        %parallel_loop3A_408 = arith.index_cast %parallel_loop3A_282 : i32 to index
        %parallel_loop3A_409 = arith.constant 240 : index
        %parallel_loop3A_410 = tpu.vector_load %arg9[%parallel_loop3A_408, %parallel_loop3A_409] {strides = array<i32>} : memref<64x448xf32, #tpu.memory_space<vmem>>, vector<16xf32>,
        tpu.vector_store %arg9[%parallel_loop3A_408, %parallel_loop3A_409], %parallel_loop3A_407 {strides = array<i32>} : memref<64x448xf32, #tpu.memory_space<vmem>>, vector<16xf32>,
        %parallel_loop3A_411 = arith.constant 256 : i32
        %parallel_loop3A_412 = arith.addi %sub3A_68, %parallel_loop3A_411 : i32
        %parallel_loop3A_413 = arith.index_cast %parallel_loop3A_282 : i32 to index
        %parallel_loop3A_414 = arith.index_cast %parallel_loop3A_412 : i32 to index
        %parallel_loop3A_415 = tpu.vector_load %arg7[%parallel_loop3A_413, %parallel_loop3A_414] {strides = array<i32>} : memref<64x456xf32, #tpu.memory_space<vmem>>, vector<16xf32>,
        %parallel_loop3A_416 = arith.index_cast %parallel_loop3A_282 : i32 to index
        %parallel_loop3A_417 = arith.constant 256 : index
        %parallel_loop3A_418 = tpu.vector_load %arg9[%parallel_loop3A_416, %parallel_loop3A_417] {strides = array<i32>} : memref<64x448xf32, #tpu.memory_space<vmem>>, vector<16xf32>,
        tpu.vector_store %arg9[%parallel_loop3A_416, %parallel_loop3A_417], %parallel_loop3A_415 {strides = array<i32>} : memref<64x448xf32, #tpu.memory_space<vmem>>, vector<16xf32>,
        %parallel_loop3A_419 = arith.constant 272 : i32
        %parallel_loop3A_420 = arith.addi %sub3A_68, %parallel_loop3A_419 : i32
        %parallel_loop3A_421 = arith.index_cast %parallel_loop3A_282 : i32 to index
        %parallel_loop3A_422 = arith.index_cast %parallel_loop3A_420 : i32 to index
        %parallel_loop3A_423 = tpu.vector_load %arg7[%parallel_loop3A_421, %parallel_loop3A_422] {strides = array<i32>} : memref<64x456xf32, #tpu.memory_space<vmem>>, vector<16xf32>,
        %parallel_loop3A_424 = arith.index_cast %parallel_loop3A_282 : i32 to index
        %parallel_loop3A_425 = arith.constant 272 : index
        %parallel_loop3A_426 = tpu.vector_load %arg9[%parallel_loop3A_424, %parallel_loop3A_425] {strides = array<i32>} : memref<64x448xf32, #tpu.memory_space<vmem>>, vector<16xf32>,
        tpu.vector_store %arg9[%parallel_loop3A_424, %parallel_loop3A_425], %parallel_loop3A_423 {strides = array<i32>} : memref<64x448xf32, #tpu.memory_space<vmem>>, vector<16xf32>,
        %parallel_loop3A_427 = arith.constant 288 : i32
        %parallel_loop3A_428 = arith.addi %sub3A_68, %parallel_loop3A_427 : i32
        %parallel_loop3A_429 = arith.index_cast %parallel_loop3A_282 : i32 to index
        %parallel_loop3A_430 = arith.index_cast %parallel_loop3A_428 : i32 to index
        %parallel_loop3A_431 = tpu.vector_load %arg7[%parallel_loop3A_429, %parallel_loop3A_430] {strides = array<i32>} : memref<64x456xf32, #tpu.memory_space<vmem>>, vector<16xf32>,
        %parallel_loop3A_432 = arith.index_cast %parallel_loop3A_282 : i32 to index
        %parallel_loop3A_433 = arith.constant 288 : index
        %parallel_loop3A_434 = tpu.vector_load %arg9[%parallel_loop3A_432, %parallel_loop3A_433] {strides = array<i32>} : memref<64x448xf32, #tpu.memory_space<vmem>>, vector<16xf32>,
        tpu.vector_store %arg9[%parallel_loop3A_432, %parallel_loop3A_433], %parallel_loop3A_431 {strides = array<i32>} : memref<64x448xf32, #tpu.memory_space<vmem>>, vector<16xf32>,
        %parallel_loop3A_435 = arith.constant 304 : i32
        %parallel_loop3A_436 = arith.addi %sub3A_68, %parallel_loop3A_435 : i32
        %parallel_loop3A_437 = arith.index_cast %parallel_loop3A_282 : i32 to index
        %parallel_loop3A_438 = arith.index_cast %parallel_loop3A_436 : i32 to index
        %parallel_loop3A_439 = tpu.vector_load %arg7[%parallel_loop3A_437, %parallel_loop3A_438] {strides = array<i32>} : memref<64x456xf32, #tpu.memory_space<vmem>>, vector<16xf32>,
        %parallel_loop3A_440 = arith.index_cast %parallel_loop3A_282 : i32 to index
        %parallel_loop3A_441 = arith.constant 304 : index
        %parallel_loop3A_442 = tpu.vector_load %arg9[%parallel_loop3A_440, %parallel_loop3A_441] {strides = array<i32>} : memref<64x448xf32, #tpu.memory_space<vmem>>, vector<16xf32>,
        tpu.vector_store %arg9[%parallel_loop3A_440, %parallel_loop3A_441], %parallel_loop3A_439 {strides = array<i32>} : memref<64x448xf32, #tpu.memory_space<vmem>>, vector<16xf32>,
        %parallel_loop3A_443 = arith.constant 320 : i32
        %parallel_loop3A_444 = arith.addi %sub3A_68, %parallel_loop3A_443 : i32
        %parallel_loop3A_445 = arith.index_cast %parallel_loop3A_282 : i32 to index
        %parallel_loop3A_446 = arith.index_cast %parallel_loop3A_444 : i32 to index
        %parallel_loop3A_447 = tpu.vector_load %arg7[%parallel_loop3A_445, %parallel_loop3A_446] {strides = array<i32>} : memref<64x456xf32, #tpu.memory_space<vmem>>, vector<16xf32>,
        %parallel_loop3A_448 = arith.index_cast %parallel_loop3A_282 : i32 to index
        %parallel_loop3A_449 = arith.constant 320 : index
        %parallel_loop3A_450 = tpu.vector_load %arg9[%parallel_loop3A_448, %parallel_loop3A_449] {strides = array<i32>} : memref<64x448xf32, #tpu.memory_space<vmem>>, vector<16xf32>,
        tpu.vector_store %arg9[%parallel_loop3A_448, %parallel_loop3A_449], %parallel_loop3A_447 {strides = array<i32>} : memref<64x448xf32, #tpu.memory_space<vmem>>, vector<16xf32>,
        %parallel_loop3A_451 = arith.constant 336 : i32
        %parallel_loop3A_452 = arith.addi %sub3A_68, %parallel_loop3A_451 : i32
        %parallel_loop3A_453 = arith.index_cast %parallel_loop3A_282 : i32 to index
        %parallel_loop3A_454 = arith.index_cast %parallel_loop3A_452 : i32 to index
        %parallel_loop3A_455 = tpu.vector_load %arg7[%parallel_loop3A_453, %parallel_loop3A_454] {strides = array<i32>} : memref<64x456xf32, #tpu.memory_space<vmem>>, vector<16xf32>,
        %parallel_loop3A_456 = arith.index_cast %parallel_loop3A_282 : i32 to index
        %parallel_loop3A_457 = arith.constant 336 : index
        %parallel_loop3A_458 = tpu.vector_load %arg9[%parallel_loop3A_456, %parallel_loop3A_457] {strides = array<i32>} : memref<64x448xf32, #tpu.memory_space<vmem>>, vector<16xf32>,
        tpu.vector_store %arg9[%parallel_loop3A_456, %parallel_loop3A_457], %parallel_loop3A_455 {strides = array<i32>} : memref<64x448xf32, #tpu.memory_space<vmem>>, vector<16xf32>,
        %parallel_loop3A_459 = arith.constant 352 : i32
        %parallel_loop3A_460 = arith.addi %sub3A_68, %parallel_loop3A_459 : i32
        %parallel_loop3A_461 = arith.index_cast %parallel_loop3A_282 : i32 to index
        %parallel_loop3A_462 = arith.index_cast %parallel_loop3A_460 : i32 to index
        %parallel_loop3A_463 = tpu.vector_load %arg7[%parallel_loop3A_461, %parallel_loop3A_462] {strides = array<i32>} : memref<64x456xf32, #tpu.memory_space<vmem>>, vector<16xf32>,
        %parallel_loop3A_464 = arith.index_cast %parallel_loop3A_282 : i32 to index
        %parallel_loop3A_465 = arith.constant 352 : index
        %parallel_loop3A_466 = tpu.vector_load %arg9[%parallel_loop3A_464, %parallel_loop3A_465] {strides = array<i32>} : memref<64x448xf32, #tpu.memory_space<vmem>>, vector<16xf32>,
        tpu.vector_store %arg9[%parallel_loop3A_464, %parallel_loop3A_465], %parallel_loop3A_463 {strides = array<i32>} : memref<64x448xf32, #tpu.memory_space<vmem>>, vector<16xf32>,
        %parallel_loop3A_467 = arith.constant 368 : i32
        %parallel_loop3A_468 = arith.addi %sub3A_68, %parallel_loop3A_467 : i32
        %parallel_loop3A_469 = arith.index_cast %parallel_loop3A_282 : i32 to index
        %parallel_loop3A_470 = arith.index_cast %parallel_loop3A_468 : i32 to index
        %parallel_loop3A_471 = tpu.vector_load %arg7[%parallel_loop3A_469, %parallel_loop3A_470] {strides = array<i32>} : memref<64x456xf32, #tpu.memory_space<vmem>>, vector<16xf32>,
        %parallel_loop3A_472 = arith.index_cast %parallel_loop3A_282 : i32 to index
        %parallel_loop3A_473 = arith.constant 368 : index
        %parallel_loop3A_474 = tpu.vector_load %arg9[%parallel_loop3A_472, %parallel_loop3A_473] {strides = array<i32>} : memref<64x448xf32, #tpu.memory_space<vmem>>, vector<16xf32>,
        tpu.vector_store %arg9[%parallel_loop3A_472, %parallel_loop3A_473], %parallel_loop3A_471 {strides = array<i32>} : memref<64x448xf32, #tpu.memory_space<vmem>>, vector<16xf32>,
        %parallel_loop3A_475 = arith.constant 384 : i32
        %parallel_loop3A_476 = arith.addi %sub3A_68, %parallel_loop3A_475 : i32
        %parallel_loop3A_477 = arith.index_cast %parallel_loop3A_282 : i32 to index
        %parallel_loop3A_478 = arith.index_cast %parallel_loop3A_476 : i32 to index
        %parallel_loop3A_479 = tpu.vector_load %arg7[%parallel_loop3A_477, %parallel_loop3A_478] {strides = array<i32>} : memref<64x456xf32, #tpu.memory_space<vmem>>, vector<16xf32>,
        %parallel_loop3A_480 = arith.index_cast %parallel_loop3A_282 : i32 to index
        %parallel_loop3A_481 = arith.constant 384 : index
        %parallel_loop3A_482 = tpu.vector_load %arg9[%parallel_loop3A_480, %parallel_loop3A_481] {strides = array<i32>} : memref<64x448xf32, #tpu.memory_space<vmem>>, vector<16xf32>,
        tpu.vector_store %arg9[%parallel_loop3A_480, %parallel_loop3A_481], %parallel_loop3A_479 {strides = array<i32>} : memref<64x448xf32, #tpu.memory_space<vmem>>, vector<16xf32>,
        %parallel_loop3A_483 = arith.constant 400 : i32
        %parallel_loop3A_484 = arith.addi %sub3A_68, %parallel_loop3A_483 : i32
        %parallel_loop3A_485 = arith.index_cast %parallel_loop3A_282 : i32 to index
        %parallel_loop3A_486 = arith.index_cast %parallel_loop3A_484 : i32 to index
        %parallel_loop3A_487 = tpu.vector_load %arg7[%parallel_loop3A_485, %parallel_loop3A_486] {strides = array<i32>} : memref<64x456xf32, #tpu.memory_space<vmem>>, vector<16xf32>,
        %parallel_loop3A_488 = arith.index_cast %parallel_loop3A_282 : i32 to index
        %parallel_loop3A_489 = arith.constant 400 : index
        %parallel_loop3A_490 = tpu.vector_load %arg9[%parallel_loop3A_488, %parallel_loop3A_489] {strides = array<i32>} : memref<64x448xf32, #tpu.memory_space<vmem>>, vector<16xf32>,
        tpu.vector_store %arg9[%parallel_loop3A_488, %parallel_loop3A_489], %parallel_loop3A_487 {strides = array<i32>} : memref<64x448xf32, #tpu.memory_space<vmem>>, vector<16xf32>,
        %parallel_loop3A_491 = arith.constant 416 : i32
        %parallel_loop3A_492 = arith.addi %sub3A_68, %parallel_loop3A_491 : i32
        %parallel_loop3A_493 = arith.index_cast %parallel_loop3A_282 : i32 to index
        %parallel_loop3A_494 = arith.index_cast %parallel_loop3A_492 : i32 to index
        %parallel_loop3A_495 = tpu.vector_load %arg7[%parallel_loop3A_493, %parallel_loop3A_494] {strides = array<i32>} : memref<64x456xf32, #tpu.memory_space<vmem>>, vector<16xf32>,
        %parallel_loop3A_496 = arith.index_cast %parallel_loop3A_282 : i32 to index
        %parallel_loop3A_497 = arith.constant 416 : index
        %parallel_loop3A_498 = tpu.vector_load %arg9[%parallel_loop3A_496, %parallel_loop3A_497] {strides = array<i32>} : memref<64x448xf32, #tpu.memory_space<vmem>>, vector<16xf32>,
        tpu.vector_store %arg9[%parallel_loop3A_496, %parallel_loop3A_497], %parallel_loop3A_495 {strides = array<i32>} : memref<64x448xf32, #tpu.memory_space<vmem>>, vector<16xf32>,
        %parallel_loop3A_499 = arith.constant 432 : i32
        %parallel_loop3A_500 = arith.addi %sub3A_68, %parallel_loop3A_499 : i32
        %parallel_loop3A_501 = arith.index_cast %parallel_loop3A_282 : i32 to index
        %parallel_loop3A_502 = arith.index_cast %parallel_loop3A_500 : i32 to index
        %parallel_loop3A_503 = tpu.vector_load %arg7[%parallel_loop3A_501, %parallel_loop3A_502] {strides = array<i32>} : memref<64x456xf32, #tpu.memory_space<vmem>>, vector<16xf32>,
        %parallel_loop3A_504 = arith.index_cast %parallel_loop3A_282 : i32 to index
        %parallel_loop3A_505 = arith.constant 432 : index
        %parallel_loop3A_506 = tpu.vector_load %arg9[%parallel_loop3A_504, %parallel_loop3A_505] {strides = array<i32>} : memref<64x448xf32, #tpu.memory_space<vmem>>, vector<16xf32>,
        tpu.vector_store %arg9[%parallel_loop3A_504, %parallel_loop3A_505], %parallel_loop3A_503 {strides = array<i32>} : memref<64x448xf32, #tpu.memory_space<vmem>>, vector<16xf32>,
      } {sc.loop_unroll_factor = 2 : i64, sc.parallel_access}
      %add3A_125 = arith.constant 192 : i32
      %add3A_126 = arith.addi %add3A_71, %add3A_125 : i32
      %dma_start3A_127 = arith.constant 1 : i32
      %dma_start3A_128 = tpu.memref_slice %arg2[%add3A_126, %multiple_of3A] : memref<196608x512xf32, #tpu.memory_space<hbm>> -> memref<64x456xf32, #tpu.memory_space<hbm>>
      %dma_start3A_129 = tpu.memref_slice %arg10[%dma_start3A_127] : memref<2x!tpu.dma_semaphore, #tpu.memory_space<semaphore_mem>> -> memref<1x!tpu.dma_semaphore, #tpu.memory_space<semaphore_mem>>
      %dma_start3A_130 = tpu.memref_squeeze %dma_start3A_129 : memref<1x!tpu.dma_semaphore, #tpu.memory_space<semaphore_mem>> -> memref<!tpu.dma_semaphore, #tpu.memory_space<semaphore_mem>>
      %dma_start3A_131 = tpu.memref_slice %arg2[%add3A_126, %multiple_of3A] : memref<196608x512xf32, #tpu.memory_space<hbm>> -> memref<64x456xf32, #tpu.memory_space<hbm>>
      tpu.enqueue_dma source(%dma_start3A_131 : memref<64x456xf32, #tpu.memory_space<hbm>>) target(%arg7 : memref<64x456xf32, #tpu.memory_space<vmem>>) target_semaphore(%dma_start3A_130 : memref<!tpu.dma_semaphore, #tpu.memory_space<semaphore_mem>>)
      %add3A_132 = arith.constant 64 : i32
      %add3A_133 = arith.addi %mul3A_73, %add3A_132 : i32
      %dma_start3A_134 = arith.constant 1 : i32
      %dma_start3A_135 = arith.constant 0 : i32
      %dma_start3A_136 = tpu.memref_slice %arg4[%add3A_133, %dma_start3A_135] : memref<172032x448xf32, #tpu.memory_space<hbm>> -> memref<64x448xf32, #tpu.memory_space<hbm>>
      %dma_start3A_137 = tpu.memref_slice %arg11[%dma_start3A_134] : memref<2x!tpu.dma_semaphore, #tpu.memory_space<semaphore_mem>> -> memref<1x!tpu.dma_semaphore, #tpu.memory_space<semaphore_mem>>
      %dma_start3A_138 = tpu.memref_squeeze %dma_start3A_137 : memref<1x!tpu.dma_semaphore, #tpu.memory_space<semaphore_mem>> -> memref<!tpu.dma_semaphore, #tpu.memory_space<semaphore_mem>>
      %dma_start3A_139 = arith.constant 0 : i32
      %dma_start3A_140 = tpu.memref_slice %arg4[%add3A_133, %dma_start3A_139] : memref<172032x448xf32, #tpu.memory_space<hbm>> -> memref<64x448xf32, #tpu.memory_space<hbm>>
      tpu.enqueue_dma source(%arg9 : memref<64x448xf32, #tpu.memory_space<vmem>>) target(%dma_start3A_140 : memref<64x448xf32, #tpu.memory_space<hbm>>) target_semaphore(%dma_start3A_138 : memref<!tpu.dma_semaphore, #tpu.memory_space<semaphore_mem>>)
      %dma_wait3A_141 = arith.constant 0 : i32
      %dma_wait3A_142 = tpu.memref_slice %arg2[%add3A_97, %multiple_of3A] : memref<196608x512xf32, #tpu.memory_space<hbm>> -> memref<64x456xf32, #tpu.memory_space<hbm>>
      %dma_wait3A_143 = tpu.memref_slice %arg10[%dma_wait3A_141] : memref<2x!tpu.dma_semaphore, #tpu.memory_space<semaphore_mem>> -> memref<1x!tpu.dma_semaphore, #tpu.memory_space<semaphore_mem>>
      %dma_wait3A_144 = tpu.memref_squeeze %dma_wait3A_143 : memref<1x!tpu.dma_semaphore, #tpu.memory_space<semaphore_mem>> -> memref<!tpu.dma_semaphore, #tpu.memory_space<semaphore_mem>>
      %dma_wait3A_145 = tpu.memref_slice %arg2[%add3A_97, %multiple_of3A] : memref<196608x512xf32, #tpu.memory_space<hbm>> -> memref<64x456xf32, #tpu.memory_space<hbm>>
      tpu.wait_dma2 semaphore(%dma_wait3A_144 : memref<!tpu.dma_semaphore, #tpu.memory_space<semaphore_mem>>) src(%dma_wait3A_145 : memref<64x456xf32, #tpu.memory_space<hbm>>) dst(%arg6 : memref<64x456xf32, #tpu.memory_space<vmem>>)
      %dma_wait3A_146 = arith.constant 0 : i32
      %dma_wait3A_147 = arith.constant 0 : i32
      %dma_wait3A_148 = tpu.memref_slice %arg4[%add3A_104, %dma_wait3A_147] : memref<172032x448xf32, #tpu.memory_space<hbm>> -> memref<64x448xf32, #tpu.memory_space<hbm>>
      %dma_wait3A_149 = tpu.memref_slice %arg11[%dma_wait3A_146] : memref<2x!tpu.dma_semaphore, #tpu.memory_space<semaphore_mem>> -> memref<1x!tpu.dma_semaphore, #tpu.memory_space<semaphore_mem>>
      %dma_wait3A_150 = tpu.memref_squeeze %dma_wait3A_149 : memref<1x!tpu.dma_semaphore, #tpu.memory_space<semaphore_mem>> -> memref<!tpu.dma_semaphore, #tpu.memory_space<semaphore_mem>>
      %dma_wait3A_151 = arith.constant 0 : i32
      %dma_wait3A_152 = tpu.memref_slice %arg4[%add3A_104, %dma_wait3A_151] : memref<172032x448xf32, #tpu.memory_space<hbm>> -> memref<64x448xf32, #tpu.memory_space<hbm>>
      tpu.wait_dma2 semaphore(%dma_wait3A_150 : memref<!tpu.dma_semaphore, #tpu.memory_space<semaphore_mem>>) src(%arg8 : memref<64x448xf32, #tpu.memory_space<vmem>>) dst(%dma_wait3A_152 : memref<64x448xf32, #tpu.memory_space<hbm>>)
      %parallel_loop3A_153 = arith.constant 0 : i32
      %parallel_loop3A_154 = arith.constant 64 : i32
      %parallel_loop3A_155 = arith.constant 1 : i32
      scf.for %parallel_loop3A_282 = %parallel_loop3A_153 to %parallel_loop3A_154 step %parallel_loop3A_155  : i32 {
        %parallel_loop3A_283 = arith.constant 0 : i32
        %parallel_loop3A_284 = arith.addi %sub3A_68, %parallel_loop3A_283 : i32
        %parallel_loop3A_285 = arith.index_cast %parallel_loop3A_282 : i32 to index
        %parallel_loop3A_286 = arith.index_cast %parallel_loop3A_284 : i32 to index
        %parallel_loop3A_287 = tpu.vector_load %arg6[%parallel_loop3A_285, %parallel_loop3A_286] {strides = array<i32>} : memref<64x456xf32, #tpu.memory_space<vmem>>, vector<16xf32>,
        %parallel_loop3A_288 = arith.index_cast %parallel_loop3A_282 : i32 to index
        %parallel_loop3A_289 = arith.constant 0 : index
        %parallel_loop3A_290 = tpu.vector_load %arg8[%parallel_loop3A_288, %parallel_loop3A_289] {strides = array<i32>} : memref<64x448xf32, #tpu.memory_space<vmem>>, vector<16xf32>,
        tpu.vector_store %arg8[%parallel_loop3A_288, %parallel_loop3A_289], %parallel_loop3A_287 {strides = array<i32>} : memref<64x448xf32, #tpu.memory_space<vmem>>, vector<16xf32>,
        %parallel_loop3A_291 = arith.constant 16 : i32
        %parallel_loop3A_292 = arith.addi %sub3A_68, %parallel_loop3A_291 : i32
        %parallel_loop3A_293 = arith.index_cast %parallel_loop3A_282 : i32 to index
        %parallel_loop3A_294 = arith.index_cast %parallel_loop3A_292 : i32 to index
        %parallel_loop3A_295 = tpu.vector_load %arg6[%parallel_loop3A_293, %parallel_loop3A_294] {strides = array<i32>} : memref<64x456xf32, #tpu.memory_space<vmem>>, vector<16xf32>,
        %parallel_loop3A_296 = arith.index_cast %parallel_loop3A_282 : i32 to index
        %parallel_loop3A_297 = arith.constant 16 : index
        %parallel_loop3A_298 = tpu.vector_load %arg8[%parallel_loop3A_296, %parallel_loop3A_297] {strides = array<i32>} : memref<64x448xf32, #tpu.memory_space<vmem>>, vector<16xf32>,
        tpu.vector_store %arg8[%parallel_loop3A_296, %parallel_loop3A_297], %parallel_loop3A_295 {strides = array<i32>} : memref<64x448xf32, #tpu.memory_space<vmem>>, vector<16xf32>,
        %parallel_loop3A_299 = arith.constant 32 : i32
        %parallel_loop3A_300 = arith.addi %sub3A_68, %parallel_loop3A_299 : i32
        %parallel_loop3A_301 = arith.index_cast %parallel_loop3A_282 : i32 to index
        %parallel_loop3A_302 = arith.index_cast %parallel_loop3A_300 : i32 to index
        %parallel_loop3A_303 = tpu.vector_load %arg6[%parallel_loop3A_301, %parallel_loop3A_302] {strides = array<i32>} : memref<64x456xf32, #tpu.memory_space<vmem>>, vector<16xf32>,
        %parallel_loop3A_304 = arith.index_cast %parallel_loop3A_282 : i32 to index
        %parallel_loop3A_305 = arith.constant 32 : index
        %parallel_loop3A_306 = tpu.vector_load %arg8[%parallel_loop3A_304, %parallel_loop3A_305] {strides = array<i32>} : memref<64x448xf32, #tpu.memory_space<vmem>>, vector<16xf32>,
        tpu.vector_store %arg8[%parallel_loop3A_304, %parallel_loop3A_305], %parallel_loop3A_303 {strides = array<i32>} : memref<64x448xf32, #tpu.memory_space<vmem>>, vector<16xf32>,
        %parallel_loop3A_307 = arith.constant 48 : i32
        %parallel_loop3A_308 = arith.addi %sub3A_68, %parallel_loop3A_307 : i32
        %parallel_loop3A_309 = arith.index_cast %parallel_loop3A_282 : i32 to index
        %parallel_loop3A_310 = arith.index_cast %parallel_loop3A_308 : i32 to index
        %parallel_loop3A_311 = tpu.vector_load %arg6[%parallel_loop3A_309, %parallel_loop3A_310] {strides = array<i32>} : memref<64x456xf32, #tpu.memory_space<vmem>>, vector<16xf32>,
        %parallel_loop3A_312 = arith.index_cast %parallel_loop3A_282 : i32 to index
        %parallel_loop3A_313 = arith.constant 48 : index
        %parallel_loop3A_314 = tpu.vector_load %arg8[%parallel_loop3A_312, %parallel_loop3A_313] {strides = array<i32>} : memref<64x448xf32, #tpu.memory_space<vmem>>, vector<16xf32>,
        tpu.vector_store %arg8[%parallel_loop3A_312, %parallel_loop3A_313], %parallel_loop3A_311 {strides = array<i32>} : memref<64x448xf32, #tpu.memory_space<vmem>>, vector<16xf32>,
        %parallel_loop3A_315 = arith.constant 64 : i32
        %parallel_loop3A_316 = arith.addi %sub3A_68, %parallel_loop3A_315 : i32
        %parallel_loop3A_317 = arith.index_cast %parallel_loop3A_282 : i32 to index
        %parallel_loop3A_318 = arith.index_cast %parallel_loop3A_316 : i32 to index
        %parallel_loop3A_319 = tpu.vector_load %arg6[%parallel_loop3A_317, %parallel_loop3A_318] {strides = array<i32>} : memref<64x456xf32, #tpu.memory_space<vmem>>, vector<16xf32>,
        %parallel_loop3A_320 = arith.index_cast %parallel_loop3A_282 : i32 to index
        %parallel_loop3A_321 = arith.constant 64 : index
        %parallel_loop3A_322 = tpu.vector_load %arg8[%parallel_loop3A_320, %parallel_loop3A_321] {strides = array<i32>} : memref<64x448xf32, #tpu.memory_space<vmem>>, vector<16xf32>,
        tpu.vector_store %arg8[%parallel_loop3A_320, %parallel_loop3A_321], %parallel_loop3A_319 {strides = array<i32>} : memref<64x448xf32, #tpu.memory_space<vmem>>, vector<16xf32>,
        %parallel_loop3A_323 = arith.constant 80 : i32
        %parallel_loop3A_324 = arith.addi %sub3A_68, %parallel_loop3A_323 : i32
        %parallel_loop3A_325 = arith.index_cast %parallel_loop3A_282 : i32 to index
        %parallel_loop3A_326 = arith.index_cast %parallel_loop3A_324 : i32 to index
        %parallel_loop3A_327 = tpu.vector_load %arg6[%parallel_loop3A_325, %parallel_loop3A_326] {strides = array<i32>} : memref<64x456xf32, #tpu.memory_space<vmem>>, vector<16xf32>,
        %parallel_loop3A_328 = arith.index_cast %parallel_loop3A_282 : i32 to index
        %parallel_loop3A_329 = arith.constant 80 : index
        %parallel_loop3A_330 = tpu.vector_load %arg8[%parallel_loop3A_328, %parallel_loop3A_329] {strides = array<i32>} : memref<64x448xf32, #tpu.memory_space<vmem>>, vector<16xf32>,
        tpu.vector_store %arg8[%parallel_loop3A_328, %parallel_loop3A_329], %parallel_loop3A_327 {strides = array<i32>} : memref<64x448xf32, #tpu.memory_space<vmem>>, vector<16xf32>,
        %parallel_loop3A_331 = arith.constant 96 : i32
        %parallel_loop3A_332 = arith.addi %sub3A_68, %parallel_loop3A_331 : i32
        %parallel_loop3A_333 = arith.index_cast %parallel_loop3A_282 : i32 to index
        %parallel_loop3A_334 = arith.index_cast %parallel_loop3A_332 : i32 to index
        %parallel_loop3A_335 = tpu.vector_load %arg6[%parallel_loop3A_333, %parallel_loop3A_334] {strides = array<i32>} : memref<64x456xf32, #tpu.memory_space<vmem>>, vector<16xf32>,
        %parallel_loop3A_336 = arith.index_cast %parallel_loop3A_282 : i32 to index
        %parallel_loop3A_337 = arith.constant 96 : index
        %parallel_loop3A_338 = tpu.vector_load %arg8[%parallel_loop3A_336, %parallel_loop3A_337] {strides = array<i32>} : memref<64x448xf32, #tpu.memory_space<vmem>>, vector<16xf32>,
        tpu.vector_store %arg8[%parallel_loop3A_336, %parallel_loop3A_337], %parallel_loop3A_335 {strides = array<i32>} : memref<64x448xf32, #tpu.memory_space<vmem>>, vector<16xf32>,
        %parallel_loop3A_339 = arith.constant 112 : i32
        %parallel_loop3A_340 = arith.addi %sub3A_68, %parallel_loop3A_339 : i32
        %parallel_loop3A_341 = arith.index_cast %parallel_loop3A_282 : i32 to index
        %parallel_loop3A_342 = arith.index_cast %parallel_loop3A_340 : i32 to index
        %parallel_loop3A_343 = tpu.vector_load %arg6[%parallel_loop3A_341, %parallel_loop3A_342] {strides = array<i32>} : memref<64x456xf32, #tpu.memory_space<vmem>>, vector<16xf32>,
        %parallel_loop3A_344 = arith.index_cast %parallel_loop3A_282 : i32 to index
        %parallel_loop3A_345 = arith.constant 112 : index
        %parallel_loop3A_346 = tpu.vector_load %arg8[%parallel_loop3A_344, %parallel_loop3A_345] {strides = array<i32>} : memref<64x448xf32, #tpu.memory_space<vmem>>, vector<16xf32>,
        tpu.vector_store %arg8[%parallel_loop3A_344, %parallel_loop3A_345], %parallel_loop3A_343 {strides = array<i32>} : memref<64x448xf32, #tpu.memory_space<vmem>>, vector<16xf32>,
        %parallel_loop3A_347 = arith.constant 128 : i32
        %parallel_loop3A_348 = arith.addi %sub3A_68, %parallel_loop3A_347 : i32
        %parallel_loop3A_349 = arith.index_cast %parallel_loop3A_282 : i32 to index
        %parallel_loop3A_350 = arith.index_cast %parallel_loop3A_348 : i32 to index
        %parallel_loop3A_351 = tpu.vector_load %arg6[%parallel_loop3A_349, %parallel_loop3A_350] {strides = array<i32>} : memref<64x456xf32, #tpu.memory_space<vmem>>, vector<16xf32>,
        %parallel_loop3A_352 = arith.index_cast %parallel_loop3A_282 : i32 to index
        %parallel_loop3A_353 = arith.constant 128 : index
        %parallel_loop3A_354 = tpu.vector_load %arg8[%parallel_loop3A_352, %parallel_loop3A_353] {strides = array<i32>} : memref<64x448xf32, #tpu.memory_space<vmem>>, vector<16xf32>,
        tpu.vector_store %arg8[%parallel_loop3A_352, %parallel_loop3A_353], %parallel_loop3A_351 {strides = array<i32>} : memref<64x448xf32, #tpu.memory_space<vmem>>, vector<16xf32>,
        %parallel_loop3A_355 = arith.constant 144 : i32
        %parallel_loop3A_356 = arith.addi %sub3A_68, %parallel_loop3A_355 : i32
        %parallel_loop3A_357 = arith.index_cast %parallel_loop3A_282 : i32 to index
        %parallel_loop3A_358 = arith.index_cast %parallel_loop3A_356 : i32 to index
        %parallel_loop3A_359 = tpu.vector_load %arg6[%parallel_loop3A_357, %parallel_loop3A_358] {strides = array<i32>} : memref<64x456xf32, #tpu.memory_space<vmem>>, vector<16xf32>,
        %parallel_loop3A_360 = arith.index_cast %parallel_loop3A_282 : i32 to index
        %parallel_loop3A_361 = arith.constant 144 : index
        %parallel_loop3A_362 = tpu.vector_load %arg8[%parallel_loop3A_360, %parallel_loop3A_361] {strides = array<i32>} : memref<64x448xf32, #tpu.memory_space<vmem>>, vector<16xf32>,
        tpu.vector_store %arg8[%parallel_loop3A_360, %parallel_loop3A_361], %parallel_loop3A_359 {strides = array<i32>} : memref<64x448xf32, #tpu.memory_space<vmem>>, vector<16xf32>,
        %parallel_loop3A_363 = arith.constant 160 : i32
        %parallel_loop3A_364 = arith.addi %sub3A_68, %parallel_loop3A_363 : i32
        %parallel_loop3A_365 = arith.index_cast %parallel_loop3A_282 : i32 to index
        %parallel_loop3A_366 = arith.index_cast %parallel_loop3A_364 : i32 to index
        %parallel_loop3A_367 = tpu.vector_load %arg6[%parallel_loop3A_365, %parallel_loop3A_366] {strides = array<i32>} : memref<64x456xf32, #tpu.memory_space<vmem>>, vector<16xf32>,
        %parallel_loop3A_368 = arith.index_cast %parallel_loop3A_282 : i32 to index
        %parallel_loop3A_369 = arith.constant 160 : index
        %parallel_loop3A_370 = tpu.vector_load %arg8[%parallel_loop3A_368, %parallel_loop3A_369] {strides = array<i32>} : memref<64x448xf32, #tpu.memory_space<vmem>>, vector<16xf32>,
        tpu.vector_store %arg8[%parallel_loop3A_368, %parallel_loop3A_369], %parallel_loop3A_367 {strides = array<i32>} : memref<64x448xf32, #tpu.memory_space<vmem>>, vector<16xf32>,
        %parallel_loop3A_371 = arith.constant 176 : i32
        %parallel_loop3A_372 = arith.addi %sub3A_68, %parallel_loop3A_371 : i32
        %parallel_loop3A_373 = arith.index_cast %parallel_loop3A_282 : i32 to index
        %parallel_loop3A_374 = arith.index_cast %parallel_loop3A_372 : i32 to index
        %parallel_loop3A_375 = tpu.vector_load %arg6[%parallel_loop3A_373, %parallel_loop3A_374] {strides = array<i32>} : memref<64x456xf32, #tpu.memory_space<vmem>>, vector<16xf32>,
        %parallel_loop3A_376 = arith.index_cast %parallel_loop3A_282 : i32 to index
        %parallel_loop3A_377 = arith.constant 176 : index
        %parallel_loop3A_378 = tpu.vector_load %arg8[%parallel_loop3A_376, %parallel_loop3A_377] {strides = array<i32>} : memref<64x448xf32, #tpu.memory_space<vmem>>, vector<16xf32>,
        tpu.vector_store %arg8[%parallel_loop3A_376, %parallel_loop3A_377], %parallel_loop3A_375 {strides = array<i32>} : memref<64x448xf32, #tpu.memory_space<vmem>>, vector<16xf32>,
        %parallel_loop3A_379 = arith.constant 192 : i32
        %parallel_loop3A_380 = arith.addi %sub3A_68, %parallel_loop3A_379 : i32
        %parallel_loop3A_381 = arith.index_cast %parallel_loop3A_282 : i32 to index
        %parallel_loop3A_382 = arith.index_cast %parallel_loop3A_380 : i32 to index
        %parallel_loop3A_383 = tpu.vector_load %arg6[%parallel_loop3A_381, %parallel_loop3A_382] {strides = array<i32>} : memref<64x456xf32, #tpu.memory_space<vmem>>, vector<16xf32>,
        %parallel_loop3A_384 = arith.index_cast %parallel_loop3A_282 : i32 to index
        %parallel_loop3A_385 = arith.constant 192 : index
        %parallel_loop3A_386 = tpu.vector_load %arg8[%parallel_loop3A_384, %parallel_loop3A_385] {strides = array<i32>} : memref<64x448xf32, #tpu.memory_space<vmem>>, vector<16xf32>,
        tpu.vector_store %arg8[%parallel_loop3A_384, %parallel_loop3A_385], %parallel_loop3A_383 {strides = array<i32>} : memref<64x448xf32, #tpu.memory_space<vmem>>, vector<16xf32>,
        %parallel_loop3A_387 = arith.constant 208 : i32
        %parallel_loop3A_388 = arith.addi %sub3A_68, %parallel_loop3A_387 : i32
        %parallel_loop3A_389 = arith.index_cast %parallel_loop3A_282 : i32 to index
        %parallel_loop3A_390 = arith.index_cast %parallel_loop3A_388 : i32 to index
        %parallel_loop3A_391 = tpu.vector_load %arg6[%parallel_loop3A_389, %parallel_loop3A_390] {strides = array<i32>} : memref<64x456xf32, #tpu.memory_space<vmem>>, vector<16xf32>,
        %parallel_loop3A_392 = arith.index_cast %parallel_loop3A_282 : i32 to index
        %parallel_loop3A_393 = arith.constant 208 : index
        %parallel_loop3A_394 = tpu.vector_load %arg8[%parallel_loop3A_392, %parallel_loop3A_393] {strides = array<i32>} : memref<64x448xf32, #tpu.memory_space<vmem>>, vector<16xf32>,
        tpu.vector_store %arg8[%parallel_loop3A_392, %parallel_loop3A_393], %parallel_loop3A_391 {strides = array<i32>} : memref<64x448xf32, #tpu.memory_space<vmem>>, vector<16xf32>,
        %parallel_loop3A_395 = arith.constant 224 : i32
        %parallel_loop3A_396 = arith.addi %sub3A_68, %parallel_loop3A_395 : i32
        %parallel_loop3A_397 = arith.index_cast %parallel_loop3A_282 : i32 to index
        %parallel_loop3A_398 = arith.index_cast %parallel_loop3A_396 : i32 to index
        %parallel_loop3A_399 = tpu.vector_load %arg6[%parallel_loop3A_397, %parallel_loop3A_398] {strides = array<i32>} : memref<64x456xf32, #tpu.memory_space<vmem>>, vector<16xf32>,
        %parallel_loop3A_400 = arith.index_cast %parallel_loop3A_282 : i32 to index
        %parallel_loop3A_401 = arith.constant 224 : index
        %parallel_loop3A_402 = tpu.vector_load %arg8[%parallel_loop3A_400, %parallel_loop3A_401] {strides = array<i32>} : memref<64x448xf32, #tpu.memory_space<vmem>>, vector<16xf32>,
        tpu.vector_store %arg8[%parallel_loop3A_400, %parallel_loop3A_401], %parallel_loop3A_399 {strides = array<i32>} : memref<64x448xf32, #tpu.memory_space<vmem>>, vector<16xf32>,
        %parallel_loop3A_403 = arith.constant 240 : i32
        %parallel_loop3A_404 = arith.addi %sub3A_68, %parallel_loop3A_403 : i32
        %parallel_loop3A_405 = arith.index_cast %parallel_loop3A_282 : i32 to index
        %parallel_loop3A_406 = arith.index_cast %parallel_loop3A_404 : i32 to index
        %parallel_loop3A_407 = tpu.vector_load %arg6[%parallel_loop3A_405, %parallel_loop3A_406] {strides = array<i32>} : memref<64x456xf32, #tpu.memory_space<vmem>>, vector<16xf32>,
        %parallel_loop3A_408 = arith.index_cast %parallel_loop3A_282 : i32 to index
        %parallel_loop3A_409 = arith.constant 240 : index
        %parallel_loop3A_410 = tpu.vector_load %arg8[%parallel_loop3A_408, %parallel_loop3A_409] {strides = array<i32>} : memref<64x448xf32, #tpu.memory_space<vmem>>, vector<16xf32>,
        tpu.vector_store %arg8[%parallel_loop3A_408, %parallel_loop3A_409], %parallel_loop3A_407 {strides = array<i32>} : memref<64x448xf32, #tpu.memory_space<vmem>>, vector<16xf32>,
        %parallel_loop3A_411 = arith.constant 256 : i32
        %parallel_loop3A_412 = arith.addi %sub3A_68, %parallel_loop3A_411 : i32
        %parallel_loop3A_413 = arith.index_cast %parallel_loop3A_282 : i32 to index
        %parallel_loop3A_414 = arith.index_cast %parallel_loop3A_412 : i32 to index
        %parallel_loop3A_415 = tpu.vector_load %arg6[%parallel_loop3A_413, %parallel_loop3A_414] {strides = array<i32>} : memref<64x456xf32, #tpu.memory_space<vmem>>, vector<16xf32>,
        %parallel_loop3A_416 = arith.index_cast %parallel_loop3A_282 : i32 to index
        %parallel_loop3A_417 = arith.constant 256 : index
        %parallel_loop3A_418 = tpu.vector_load %arg8[%parallel_loop3A_416, %parallel_loop3A_417] {strides = array<i32>} : memref<64x448xf32, #tpu.memory_space<vmem>>, vector<16xf32>,
        tpu.vector_store %arg8[%parallel_loop3A_416, %parallel_loop3A_417], %parallel_loop3A_415 {strides = array<i32>} : memref<64x448xf32, #tpu.memory_space<vmem>>, vector<16xf32>,
        %parallel_loop3A_419 = arith.constant 272 : i32
        %parallel_loop3A_420 = arith.addi %sub3A_68, %parallel_loop3A_419 : i32
        %parallel_loop3A_421 = arith.index_cast %parallel_loop3A_282 : i32 to index
        %parallel_loop3A_422 = arith.index_cast %parallel_loop3A_420 : i32 to index
        %parallel_loop3A_423 = tpu.vector_load %arg6[%parallel_loop3A_421, %parallel_loop3A_422] {strides = array<i32>} : memref<64x456xf32, #tpu.memory_space<vmem>>, vector<16xf32>,
        %parallel_loop3A_424 = arith.index_cast %parallel_loop3A_282 : i32 to index
        %parallel_loop3A_425 = arith.constant 272 : index
        %parallel_loop3A_426 = tpu.vector_load %arg8[%parallel_loop3A_424, %parallel_loop3A_425] {strides = array<i32>} : memref<64x448xf32, #tpu.memory_space<vmem>>, vector<16xf32>,
        tpu.vector_store %arg8[%parallel_loop3A_424, %parallel_loop3A_425], %parallel_loop3A_423 {strides = array<i32>} : memref<64x448xf32, #tpu.memory_space<vmem>>, vector<16xf32>,
        %parallel_loop3A_427 = arith.constant 288 : i32
        %parallel_loop3A_428 = arith.addi %sub3A_68, %parallel_loop3A_427 : i32
        %parallel_loop3A_429 = arith.index_cast %parallel_loop3A_282 : i32 to index
        %parallel_loop3A_430 = arith.index_cast %parallel_loop3A_428 : i32 to index
        %parallel_loop3A_431 = tpu.vector_load %arg6[%parallel_loop3A_429, %parallel_loop3A_430] {strides = array<i32>} : memref<64x456xf32, #tpu.memory_space<vmem>>, vector<16xf32>,
        %parallel_loop3A_432 = arith.index_cast %parallel_loop3A_282 : i32 to index
        %parallel_loop3A_433 = arith.constant 288 : index
        %parallel_loop3A_434 = tpu.vector_load %arg8[%parallel_loop3A_432, %parallel_loop3A_433] {strides = array<i32>} : memref<64x448xf32, #tpu.memory_space<vmem>>, vector<16xf32>,
        tpu.vector_store %arg8[%parallel_loop3A_432, %parallel_loop3A_433], %parallel_loop3A_431 {strides = array<i32>} : memref<64x448xf32, #tpu.memory_space<vmem>>, vector<16xf32>,
        %parallel_loop3A_435 = arith.constant 304 : i32
        %parallel_loop3A_436 = arith.addi %sub3A_68, %parallel_loop3A_435 : i32
        %parallel_loop3A_437 = arith.index_cast %parallel_loop3A_282 : i32 to index
        %parallel_loop3A_438 = arith.index_cast %parallel_loop3A_436 : i32 to index
        %parallel_loop3A_439 = tpu.vector_load %arg6[%parallel_loop3A_437, %parallel_loop3A_438] {strides = array<i32>} : memref<64x456xf32, #tpu.memory_space<vmem>>, vector<16xf32>,
        %parallel_loop3A_440 = arith.index_cast %parallel_loop3A_282 : i32 to index
        %parallel_loop3A_441 = arith.constant 304 : index
        %parallel_loop3A_442 = tpu.vector_load %arg8[%parallel_loop3A_440, %parallel_loop3A_441] {strides = array<i32>} : memref<64x448xf32, #tpu.memory_space<vmem>>, vector<16xf32>,
        tpu.vector_store %arg8[%parallel_loop3A_440, %parallel_loop3A_441], %parallel_loop3A_439 {strides = array<i32>} : memref<64x448xf32, #tpu.memory_space<vmem>>, vector<16xf32>,
        %parallel_loop3A_443 = arith.constant 320 : i32
        %parallel_loop3A_444 = arith.addi %sub3A_68, %parallel_loop3A_443 : i32
        %parallel_loop3A_445 = arith.index_cast %parallel_loop3A_282 : i32 to index
        %parallel_loop3A_446 = arith.index_cast %parallel_loop3A_444 : i32 to index
        %parallel_loop3A_447 = tpu.vector_load %arg6[%parallel_loop3A_445, %parallel_loop3A_446] {strides = array<i32>} : memref<64x456xf32, #tpu.memory_space<vmem>>, vector<16xf32>,
        %parallel_loop3A_448 = arith.index_cast %parallel_loop3A_282 : i32 to index
        %parallel_loop3A_449 = arith.constant 320 : index
        %parallel_loop3A_450 = tpu.vector_load %arg8[%parallel_loop3A_448, %parallel_loop3A_449] {strides = array<i32>} : memref<64x448xf32, #tpu.memory_space<vmem>>, vector<16xf32>,
        tpu.vector_store %arg8[%parallel_loop3A_448, %parallel_loop3A_449], %parallel_loop3A_447 {strides = array<i32>} : memref<64x448xf32, #tpu.memory_space<vmem>>, vector<16xf32>,
        %parallel_loop3A_451 = arith.constant 336 : i32
        %parallel_loop3A_452 = arith.addi %sub3A_68, %parallel_loop3A_451 : i32
        %parallel_loop3A_453 = arith.index_cast %parallel_loop3A_282 : i32 to index
        %parallel_loop3A_454 = arith.index_cast %parallel_loop3A_452 : i32 to index
        %parallel_loop3A_455 = tpu.vector_load %arg6[%parallel_loop3A_453, %parallel_loop3A_454] {strides = array<i32>} : memref<64x456xf32, #tpu.memory_space<vmem>>, vector<16xf32>,
        %parallel_loop3A_456 = arith.index_cast %parallel_loop3A_282 : i32 to index
        %parallel_loop3A_457 = arith.constant 336 : index
        %parallel_loop3A_458 = tpu.vector_load %arg8[%parallel_loop3A_456, %parallel_loop3A_457] {strides = array<i32>} : memref<64x448xf32, #tpu.memory_space<vmem>>, vector<16xf32>,
        tpu.vector_store %arg8[%parallel_loop3A_456, %parallel_loop3A_457], %parallel_loop3A_455 {strides = array<i32>} : memref<64x448xf32, #tpu.memory_space<vmem>>, vector<16xf32>,
        %parallel_loop3A_459 = arith.constant 352 : i32
        %parallel_loop3A_460 = arith.addi %sub3A_68, %parallel_loop3A_459 : i32
        %parallel_loop3A_461 = arith.index_cast %parallel_loop3A_282 : i32 to index
        %parallel_loop3A_462 = arith.index_cast %parallel_loop3A_460 : i32 to index
        %parallel_loop3A_463 = tpu.vector_load %arg6[%parallel_loop3A_461, %parallel_loop3A_462] {strides = array<i32>} : memref<64x456xf32, #tpu.memory_space<vmem>>, vector<16xf32>,
        %parallel_loop3A_464 = arith.index_cast %parallel_loop3A_282 : i32 to index
        %parallel_loop3A_465 = arith.constant 352 : index
        %parallel_loop3A_466 = tpu.vector_load %arg8[%parallel_loop3A_464, %parallel_loop3A_465] {strides = array<i32>} : memref<64x448xf32, #tpu.memory_space<vmem>>, vector<16xf32>,
        tpu.vector_store %arg8[%parallel_loop3A_464, %parallel_loop3A_465], %parallel_loop3A_463 {strides = array<i32>} : memref<64x448xf32, #tpu.memory_space<vmem>>, vector<16xf32>,
        %parallel_loop3A_467 = arith.constant 368 : i32
        %parallel_loop3A_468 = arith.addi %sub3A_68, %parallel_loop3A_467 : i32
        %parallel_loop3A_469 = arith.index_cast %parallel_loop3A_282 : i32 to index
        %parallel_loop3A_470 = arith.index_cast %parallel_loop3A_468 : i32 to index
        %parallel_loop3A_471 = tpu.vector_load %arg6[%parallel_loop3A_469, %parallel_loop3A_470] {strides = array<i32>} : memref<64x456xf32, #tpu.memory_space<vmem>>, vector<16xf32>,
        %parallel_loop3A_472 = arith.index_cast %parallel_loop3A_282 : i32 to index
        %parallel_loop3A_473 = arith.constant 368 : index
        %parallel_loop3A_474 = tpu.vector_load %arg8[%parallel_loop3A_472, %parallel_loop3A_473] {strides = array<i32>} : memref<64x448xf32, #tpu.memory_space<vmem>>, vector<16xf32>,
        tpu.vector_store %arg8[%parallel_loop3A_472, %parallel_loop3A_473], %parallel_loop3A_471 {strides = array<i32>} : memref<64x448xf32, #tpu.memory_space<vmem>>, vector<16xf32>,
        %parallel_loop3A_475 = arith.constant 384 : i32
        %parallel_loop3A_476 = arith.addi %sub3A_68, %parallel_loop3A_475 : i32
        %parallel_loop3A_477 = arith.index_cast %parallel_loop3A_282 : i32 to index
        %parallel_loop3A_478 = arith.index_cast %parallel_loop3A_476 : i32 to index
        %parallel_loop3A_479 = tpu.vector_load %arg6[%parallel_loop3A_477, %parallel_loop3A_478] {strides = array<i32>} : memref<64x456xf32, #tpu.memory_space<vmem>>, vector<16xf32>,
        %parallel_loop3A_480 = arith.index_cast %parallel_loop3A_282 : i32 to index
        %parallel_loop3A_481 = arith.constant 384 : index
        %parallel_loop3A_482 = tpu.vector_load %arg8[%parallel_loop3A_480, %parallel_loop3A_481] {strides = array<i32>} : memref<64x448xf32, #tpu.memory_space<vmem>>, vector<16xf32>,
        tpu.vector_store %arg8[%parallel_loop3A_480, %parallel_loop3A_481], %parallel_loop3A_479 {strides = array<i32>} : memref<64x448xf32, #tpu.memory_space<vmem>>, vector<16xf32>,
        %parallel_loop3A_483 = arith.constant 400 : i32
        %parallel_loop3A_484 = arith.addi %sub3A_68, %parallel_loop3A_483 : i32
        %parallel_loop3A_485 = arith.index_cast %parallel_loop3A_282 : i32 to index
        %parallel_loop3A_486 = arith.index_cast %parallel_loop3A_484 : i32 to index
        %parallel_loop3A_487 = tpu.vector_load %arg6[%parallel_loop3A_485, %parallel_loop3A_486] {strides = array<i32>} : memref<64x456xf32, #tpu.memory_space<vmem>>, vector<16xf32>,
        %parallel_loop3A_488 = arith.index_cast %parallel_loop3A_282 : i32 to index
        %parallel_loop3A_489 = arith.constant 400 : index
        %parallel_loop3A_490 = tpu.vector_load %arg8[%parallel_loop3A_488, %parallel_loop3A_489] {strides = array<i32>} : memref<64x448xf32, #tpu.memory_space<vmem>>, vector<16xf32>,
        tpu.vector_store %arg8[%parallel_loop3A_488, %parallel_loop3A_489], %parallel_loop3A_487 {strides = array<i32>} : memref<64x448xf32, #tpu.memory_space<vmem>>, vector<16xf32>,
        %parallel_loop3A_491 = arith.constant 416 : i32
        %parallel_loop3A_492 = arith.addi %sub3A_68, %parallel_loop3A_491 : i32
        %parallel_loop3A_493 = arith.index_cast %parallel_loop3A_282 : i32 to index
        %parallel_loop3A_494 = arith.index_cast %parallel_loop3A_492 : i32 to index
        %parallel_loop3A_495 = tpu.vector_load %arg6[%parallel_loop3A_493, %parallel_loop3A_494] {strides = array<i32>} : memref<64x456xf32, #tpu.memory_space<vmem>>, vector<16xf32>,
        %parallel_loop3A_496 = arith.index_cast %parallel_loop3A_282 : i32 to index
        %parallel_loop3A_497 = arith.constant 416 : index
        %parallel_loop3A_498 = tpu.vector_load %arg8[%parallel_loop3A_496, %parallel_loop3A_497] {strides = array<i32>} : memref<64x448xf32, #tpu.memory_space<vmem>>, vector<16xf32>,
        tpu.vector_store %arg8[%parallel_loop3A_496, %parallel_loop3A_497], %parallel_loop3A_495 {strides = array<i32>} : memref<64x448xf32, #tpu.memory_space<vmem>>, vector<16xf32>,
        %parallel_loop3A_499 = arith.constant 432 : i32
        %parallel_loop3A_500 = arith.addi %sub3A_68, %parallel_loop3A_499 : i32
        %parallel_loop3A_501 = arith.index_cast %parallel_loop3A_282 : i32 to index
        %parallel_loop3A_502 = arith.index_cast %parallel_loop3A_500 : i32 to index
        %parallel_loop3A_503 = tpu.vector_load %arg6[%parallel_loop3A_501, %parallel_loop3A_502] {strides = array<i32>} : memref<64x456xf32, #tpu.memory_space<vmem>>, vector<16xf32>,
        %parallel_loop3A_504 = arith.index_cast %parallel_loop3A_282 : i32 to index
        %parallel_loop3A_505 = arith.constant 432 : index
        %parallel_loop3A_506 = tpu.vector_load %arg8[%parallel_loop3A_504, %parallel_loop3A_505] {strides = array<i32>} : memref<64x448xf32, #tpu.memory_space<vmem>>, vector<16xf32>,
        tpu.vector_store %arg8[%parallel_loop3A_504, %parallel_loop3A_505], %parallel_loop3A_503 {strides = array<i32>} : memref<64x448xf32, #tpu.memory_space<vmem>>, vector<16xf32>,
      } {sc.loop_unroll_factor = 2 : i64, sc.parallel_access}
      %add3A_156 = arith.constant 256 : i32
      %add3A_157 = arith.addi %add3A_71, %add3A_156 : i32
      %dma_start3A_158 = arith.constant 0 : i32
      %dma_start3A_159 = tpu.memref_slice %arg2[%add3A_157, %multiple_of3A] : memref<196608x512xf32, #tpu.memory_space<hbm>> -> memref<64x456xf32, #tpu.memory_space<hbm>>
      %dma_start3A_160 = tpu.memref_slice %arg10[%dma_start3A_158] : memref<2x!tpu.dma_semaphore, #tpu.memory_space<semaphore_mem>> -> memref<1x!tpu.dma_semaphore, #tpu.memory_space<semaphore_mem>>
      %dma_start3A_161 = tpu.memref_squeeze %dma_start3A_160 : memref<1x!tpu.dma_semaphore, #tpu.memory_space<semaphore_mem>> -> memref<!tpu.dma_semaphore, #tpu.memory_space<semaphore_mem>>
      %dma_start3A_162 = tpu.memref_slice %arg2[%add3A_157, %multiple_of3A] : memref<196608x512xf32, #tpu.memory_space<hbm>> -> memref<64x456xf32, #tpu.memory_space<hbm>>
      tpu.enqueue_dma source(%dma_start3A_162 : memref<64x456xf32, #tpu.memory_space<hbm>>) target(%arg6 : memref<64x456xf32, #tpu.memory_space<vmem>>) target_semaphore(%dma_start3A_161 : memref<!tpu.dma_semaphore, #tpu.memory_space<semaphore_mem>>)
      %add3A_163 = arith.constant 128 : i32
      %add3A_164 = arith.addi %mul3A_73, %add3A_163 : i32
      %dma_start3A_165 = arith.constant 0 : i32
      %dma_start3A_166 = arith.constant 0 : i32
      %dma_start3A_167 = tpu.memref_slice %arg4[%add3A_164, %dma_start3A_166] : memref<172032x448xf32, #tpu.memory_space<hbm>> -> memref<64x448xf32, #tpu.memory_space<hbm>>
      %dma_start3A_168 = tpu.memref_slice %arg11[%dma_start3A_165] : memref<2x!tpu.dma_semaphore, #tpu.memory_space<semaphore_mem>> -> memref<1x!tpu.dma_semaphore, #tpu.memory_space<semaphore_mem>>
      %dma_start3A_169 = tpu.memref_squeeze %dma_start3A_168 : memref<1x!tpu.dma_semaphore, #tpu.memory_space<semaphore_mem>> -> memref<!tpu.dma_semaphore, #tpu.memory_space<semaphore_mem>>
      %dma_start3A_170 = arith.constant 0 : i32
      %dma_start3A_171 = tpu.memref_slice %arg4[%add3A_164, %dma_start3A_170] : memref<172032x448xf32, #tpu.memory_space<hbm>> -> memref<64x448xf32, #tpu.memory_space<hbm>>
      tpu.enqueue_dma source(%arg8 : memref<64x448xf32, #tpu.memory_space<vmem>>) target(%dma_start3A_171 : memref<64x448xf32, #tpu.memory_space<hbm>>) target_semaphore(%dma_start3A_169 : memref<!tpu.dma_semaphore, #tpu.memory_space<semaphore_mem>>)
      %dma_wait3A_172 = arith.constant 1 : i32
      %dma_wait3A_173 = tpu.memref_slice %arg2[%add3A_126, %multiple_of3A] : memref<196608x512xf32, #tpu.memory_space<hbm>> -> memref<64x456xf32, #tpu.memory_space<hbm>>
      %dma_wait3A_174 = tpu.memref_slice %arg10[%dma_wait3A_172] : memref<2x!tpu.dma_semaphore, #tpu.memory_space<semaphore_mem>> -> memref<1x!tpu.dma_semaphore, #tpu.memory_space<semaphore_mem>>
      %dma_wait3A_175 = tpu.memref_squeeze %dma_wait3A_174 : memref<1x!tpu.dma_semaphore, #tpu.memory_space<semaphore_mem>> -> memref<!tpu.dma_semaphore, #tpu.memory_space<semaphore_mem>>
      %dma_wait3A_176 = tpu.memref_slice %arg2[%add3A_126, %multiple_of3A] : memref<196608x512xf32, #tpu.memory_space<hbm>> -> memref<64x456xf32, #tpu.memory_space<hbm>>
      tpu.wait_dma2 semaphore(%dma_wait3A_175 : memref<!tpu.dma_semaphore, #tpu.memory_space<semaphore_mem>>) src(%dma_wait3A_176 : memref<64x456xf32, #tpu.memory_space<hbm>>) dst(%arg7 : memref<64x456xf32, #tpu.memory_space<vmem>>)
      %dma_wait3A_177 = arith.constant 1 : i32
      %dma_wait3A_178 = arith.constant 0 : i32
      %dma_wait3A_179 = tpu.memref_slice %arg4[%add3A_133, %dma_wait3A_178] : memref<172032x448xf32, #tpu.memory_space<hbm>> -> memref<64x448xf32, #tpu.memory_space<hbm>>
      %dma_wait3A_180 = tpu.memref_slice %arg11[%dma_wait3A_177] : memref<2x!tpu.dma_semaphore, #tpu.memory_space<semaphore_mem>> -> memref<1x!tpu.dma_semaphore, #tpu.memory_space<semaphore_mem>>
      %dma_wait3A_181 = tpu.memref_squeeze %dma_wait3A_180 : memref<1x!tpu.dma_semaphore, #tpu.memory_space<semaphore_mem>> -> memref<!tpu.dma_semaphore, #tpu.memory_space<semaphore_mem>>
      %dma_wait3A_182 = arith.constant 0 : i32
      %dma_wait3A_183 = tpu.memref_slice %arg4[%add3A_133, %dma_wait3A_182] : memref<172032x448xf32, #tpu.memory_space<hbm>> -> memref<64x448xf32, #tpu.memory_space<hbm>>
      tpu.wait_dma2 semaphore(%dma_wait3A_181 : memref<!tpu.dma_semaphore, #tpu.memory_space<semaphore_mem>>) src(%arg9 : memref<64x448xf32, #tpu.memory_space<vmem>>) dst(%dma_wait3A_183 : memref<64x448xf32, #tpu.memory_space<hbm>>)
      %parallel_loop3A_184 = arith.constant 0 : i32
      %parallel_loop3A_185 = arith.constant 64 : i32
      %parallel_loop3A_186 = arith.constant 1 : i32
      scf.for %parallel_loop3A_282 = %parallel_loop3A_184 to %parallel_loop3A_185 step %parallel_loop3A_186  : i32 {
        %parallel_loop3A_283 = arith.constant 0 : i32
        %parallel_loop3A_284 = arith.addi %sub3A_68, %parallel_loop3A_283 : i32
        %parallel_loop3A_285 = arith.index_cast %parallel_loop3A_282 : i32 to index
        %parallel_loop3A_286 = arith.index_cast %parallel_loop3A_284 : i32 to index
        %parallel_loop3A_287 = tpu.vector_load %arg7[%parallel_loop3A_285, %parallel_loop3A_286] {strides = array<i32>} : memref<64x456xf32, #tpu.memory_space<vmem>>, vector<16xf32>,
        %parallel_loop3A_288 = arith.index_cast %parallel_loop3A_282 : i32 to index
        %parallel_loop3A_289 = arith.constant 0 : index
        %parallel_loop3A_290 = tpu.vector_load %arg9[%parallel_loop3A_288, %parallel_loop3A_289] {strides = array<i32>} : memref<64x448xf32, #tpu.memory_space<vmem>>, vector<16xf32>,
        tpu.vector_store %arg9[%parallel_loop3A_288, %parallel_loop3A_289], %parallel_loop3A_287 {strides = array<i32>} : memref<64x448xf32, #tpu.memory_space<vmem>>, vector<16xf32>,
        %parallel_loop3A_291 = arith.constant 16 : i32
        %parallel_loop3A_292 = arith.addi %sub3A_68, %parallel_loop3A_291 : i32
        %parallel_loop3A_293 = arith.index_cast %parallel_loop3A_282 : i32 to index
        %parallel_loop3A_294 = arith.index_cast %parallel_loop3A_292 : i32 to index
        %parallel_loop3A_295 = tpu.vector_load %arg7[%parallel_loop3A_293, %parallel_loop3A_294] {strides = array<i32>} : memref<64x456xf32, #tpu.memory_space<vmem>>, vector<16xf32>,
        %parallel_loop3A_296 = arith.index_cast %parallel_loop3A_282 : i32 to index
        %parallel_loop3A_297 = arith.constant 16 : index
        %parallel_loop3A_298 = tpu.vector_load %arg9[%parallel_loop3A_296, %parallel_loop3A_297] {strides = array<i32>} : memref<64x448xf32, #tpu.memory_space<vmem>>, vector<16xf32>,
        tpu.vector_store %arg9[%parallel_loop3A_296, %parallel_loop3A_297], %parallel_loop3A_295 {strides = array<i32>} : memref<64x448xf32, #tpu.memory_space<vmem>>, vector<16xf32>,
        %parallel_loop3A_299 = arith.constant 32 : i32
        %parallel_loop3A_300 = arith.addi %sub3A_68, %parallel_loop3A_299 : i32
        %parallel_loop3A_301 = arith.index_cast %parallel_loop3A_282 : i32 to index
        %parallel_loop3A_302 = arith.index_cast %parallel_loop3A_300 : i32 to index
        %parallel_loop3A_303 = tpu.vector_load %arg7[%parallel_loop3A_301, %parallel_loop3A_302] {strides = array<i32>} : memref<64x456xf32, #tpu.memory_space<vmem>>, vector<16xf32>,
        %parallel_loop3A_304 = arith.index_cast %parallel_loop3A_282 : i32 to index
        %parallel_loop3A_305 = arith.constant 32 : index
        %parallel_loop3A_306 = tpu.vector_load %arg9[%parallel_loop3A_304, %parallel_loop3A_305] {strides = array<i32>} : memref<64x448xf32, #tpu.memory_space<vmem>>, vector<16xf32>,
        tpu.vector_store %arg9[%parallel_loop3A_304, %parallel_loop3A_305], %parallel_loop3A_303 {strides = array<i32>} : memref<64x448xf32, #tpu.memory_space<vmem>>, vector<16xf32>,
        %parallel_loop3A_307 = arith.constant 48 : i32
        %parallel_loop3A_308 = arith.addi %sub3A_68, %parallel_loop3A_307 : i32
        %parallel_loop3A_309 = arith.index_cast %parallel_loop3A_282 : i32 to index
        %parallel_loop3A_310 = arith.index_cast %parallel_loop3A_308 : i32 to index
        %parallel_loop3A_311 = tpu.vector_load %arg7[%parallel_loop3A_309, %parallel_loop3A_310] {strides = array<i32>} : memref<64x456xf32, #tpu.memory_space<vmem>>, vector<16xf32>,
        %parallel_loop3A_312 = arith.index_cast %parallel_loop3A_282 : i32 to index
        %parallel_loop3A_313 = arith.constant 48 : index
        %parallel_loop3A_314 = tpu.vector_load %arg9[%parallel_loop3A_312, %parallel_loop3A_313] {strides = array<i32>} : memref<64x448xf32, #tpu.memory_space<vmem>>, vector<16xf32>,
        tpu.vector_store %arg9[%parallel_loop3A_312, %parallel_loop3A_313], %parallel_loop3A_311 {strides = array<i32>} : memref<64x448xf32, #tpu.memory_space<vmem>>, vector<16xf32>,
        %parallel_loop3A_315 = arith.constant 64 : i32
        %parallel_loop3A_316 = arith.addi %sub3A_68, %parallel_loop3A_315 : i32
        %parallel_loop3A_317 = arith.index_cast %parallel_loop3A_282 : i32 to index
        %parallel_loop3A_318 = arith.index_cast %parallel_loop3A_316 : i32 to index
        %parallel_loop3A_319 = tpu.vector_load %arg7[%parallel_loop3A_317, %parallel_loop3A_318] {strides = array<i32>} : memref<64x456xf32, #tpu.memory_space<vmem>>, vector<16xf32>,
        %parallel_loop3A_320 = arith.index_cast %parallel_loop3A_282 : i32 to index
        %parallel_loop3A_321 = arith.constant 64 : index
        %parallel_loop3A_322 = tpu.vector_load %arg9[%parallel_loop3A_320, %parallel_loop3A_321] {strides = array<i32>} : memref<64x448xf32, #tpu.memory_space<vmem>>, vector<16xf32>,
        tpu.vector_store %arg9[%parallel_loop3A_320, %parallel_loop3A_321], %parallel_loop3A_319 {strides = array<i32>} : memref<64x448xf32, #tpu.memory_space<vmem>>, vector<16xf32>,
        %parallel_loop3A_323 = arith.constant 80 : i32
        %parallel_loop3A_324 = arith.addi %sub3A_68, %parallel_loop3A_323 : i32
        %parallel_loop3A_325 = arith.index_cast %parallel_loop3A_282 : i32 to index
        %parallel_loop3A_326 = arith.index_cast %parallel_loop3A_324 : i32 to index
        %parallel_loop3A_327 = tpu.vector_load %arg7[%parallel_loop3A_325, %parallel_loop3A_326] {strides = array<i32>} : memref<64x456xf32, #tpu.memory_space<vmem>>, vector<16xf32>,
        %parallel_loop3A_328 = arith.index_cast %parallel_loop3A_282 : i32 to index
        %parallel_loop3A_329 = arith.constant 80 : index
        %parallel_loop3A_330 = tpu.vector_load %arg9[%parallel_loop3A_328, %parallel_loop3A_329] {strides = array<i32>} : memref<64x448xf32, #tpu.memory_space<vmem>>, vector<16xf32>,
        tpu.vector_store %arg9[%parallel_loop3A_328, %parallel_loop3A_329], %parallel_loop3A_327 {strides = array<i32>} : memref<64x448xf32, #tpu.memory_space<vmem>>, vector<16xf32>,
        %parallel_loop3A_331 = arith.constant 96 : i32
        %parallel_loop3A_332 = arith.addi %sub3A_68, %parallel_loop3A_331 : i32
        %parallel_loop3A_333 = arith.index_cast %parallel_loop3A_282 : i32 to index
        %parallel_loop3A_334 = arith.index_cast %parallel_loop3A_332 : i32 to index
        %parallel_loop3A_335 = tpu.vector_load %arg7[%parallel_loop3A_333, %parallel_loop3A_334] {strides = array<i32>} : memref<64x456xf32, #tpu.memory_space<vmem>>, vector<16xf32>,
        %parallel_loop3A_336 = arith.index_cast %parallel_loop3A_282 : i32 to index
        %parallel_loop3A_337 = arith.constant 96 : index
        %parallel_loop3A_338 = tpu.vector_load %arg9[%parallel_loop3A_336, %parallel_loop3A_337] {strides = array<i32>} : memref<64x448xf32, #tpu.memory_space<vmem>>, vector<16xf32>,
        tpu.vector_store %arg9[%parallel_loop3A_336, %parallel_loop3A_337], %parallel_loop3A_335 {strides = array<i32>} : memref<64x448xf32, #tpu.memory_space<vmem>>, vector<16xf32>,
        %parallel_loop3A_339 = arith.constant 112 : i32
        %parallel_loop3A_340 = arith.addi %sub3A_68, %parallel_loop3A_339 : i32
        %parallel_loop3A_341 = arith.index_cast %parallel_loop3A_282 : i32 to index
        %parallel_loop3A_342 = arith.index_cast %parallel_loop3A_340 : i32 to index
        %parallel_loop3A_343 = tpu.vector_load %arg7[%parallel_loop3A_341, %parallel_loop3A_342] {strides = array<i32>} : memref<64x456xf32, #tpu.memory_space<vmem>>, vector<16xf32>,
        %parallel_loop3A_344 = arith.index_cast %parallel_loop3A_282 : i32 to index
        %parallel_loop3A_345 = arith.constant 112 : index
        %parallel_loop3A_346 = tpu.vector_load %arg9[%parallel_loop3A_344, %parallel_loop3A_345] {strides = array<i32>} : memref<64x448xf32, #tpu.memory_space<vmem>>, vector<16xf32>,
        tpu.vector_store %arg9[%parallel_loop3A_344, %parallel_loop3A_345], %parallel_loop3A_343 {strides = array<i32>} : memref<64x448xf32, #tpu.memory_space<vmem>>, vector<16xf32>,
        %parallel_loop3A_347 = arith.constant 128 : i32
        %parallel_loop3A_348 = arith.addi %sub3A_68, %parallel_loop3A_347 : i32
        %parallel_loop3A_349 = arith.index_cast %parallel_loop3A_282 : i32 to index
        %parallel_loop3A_350 = arith.index_cast %parallel_loop3A_348 : i32 to index
        %parallel_loop3A_351 = tpu.vector_load %arg7[%parallel_loop3A_349, %parallel_loop3A_350] {strides = array<i32>} : memref<64x456xf32, #tpu.memory_space<vmem>>, vector<16xf32>,
        %parallel_loop3A_352 = arith.index_cast %parallel_loop3A_282 : i32 to index
        %parallel_loop3A_353 = arith.constant 128 : index
        %parallel_loop3A_354 = tpu.vector_load %arg9[%parallel_loop3A_352, %parallel_loop3A_353] {strides = array<i32>} : memref<64x448xf32, #tpu.memory_space<vmem>>, vector<16xf32>,
        tpu.vector_store %arg9[%parallel_loop3A_352, %parallel_loop3A_353], %parallel_loop3A_351 {strides = array<i32>} : memref<64x448xf32, #tpu.memory_space<vmem>>, vector<16xf32>,
        %parallel_loop3A_355 = arith.constant 144 : i32
        %parallel_loop3A_356 = arith.addi %sub3A_68, %parallel_loop3A_355 : i32
        %parallel_loop3A_357 = arith.index_cast %parallel_loop3A_282 : i32 to index
        %parallel_loop3A_358 = arith.index_cast %parallel_loop3A_356 : i32 to index
        %parallel_loop3A_359 = tpu.vector_load %arg7[%parallel_loop3A_357, %parallel_loop3A_358] {strides = array<i32>} : memref<64x456xf32, #tpu.memory_space<vmem>>, vector<16xf32>,
        %parallel_loop3A_360 = arith.index_cast %parallel_loop3A_282 : i32 to index
        %parallel_loop3A_361 = arith.constant 144 : index
        %parallel_loop3A_362 = tpu.vector_load %arg9[%parallel_loop3A_360, %parallel_loop3A_361] {strides = array<i32>} : memref<64x448xf32, #tpu.memory_space<vmem>>, vector<16xf32>,
        tpu.vector_store %arg9[%parallel_loop3A_360, %parallel_loop3A_361], %parallel_loop3A_359 {strides = array<i32>} : memref<64x448xf32, #tpu.memory_space<vmem>>, vector<16xf32>,
        %parallel_loop3A_363 = arith.constant 160 : i32
        %parallel_loop3A_364 = arith.addi %sub3A_68, %parallel_loop3A_363 : i32
        %parallel_loop3A_365 = arith.index_cast %parallel_loop3A_282 : i32 to index
        %parallel_loop3A_366 = arith.index_cast %parallel_loop3A_364 : i32 to index
        %parallel_loop3A_367 = tpu.vector_load %arg7[%parallel_loop3A_365, %parallel_loop3A_366] {strides = array<i32>} : memref<64x456xf32, #tpu.memory_space<vmem>>, vector<16xf32>,
        %parallel_loop3A_368 = arith.index_cast %parallel_loop3A_282 : i32 to index
        %parallel_loop3A_369 = arith.constant 160 : index
        %parallel_loop3A_370 = tpu.vector_load %arg9[%parallel_loop3A_368, %parallel_loop3A_369] {strides = array<i32>} : memref<64x448xf32, #tpu.memory_space<vmem>>, vector<16xf32>,
        tpu.vector_store %arg9[%parallel_loop3A_368, %parallel_loop3A_369], %parallel_loop3A_367 {strides = array<i32>} : memref<64x448xf32, #tpu.memory_space<vmem>>, vector<16xf32>,
        %parallel_loop3A_371 = arith.constant 176 : i32
        %parallel_loop3A_372 = arith.addi %sub3A_68, %parallel_loop3A_371 : i32
        %parallel_loop3A_373 = arith.index_cast %parallel_loop3A_282 : i32 to index
        %parallel_loop3A_374 = arith.index_cast %parallel_loop3A_372 : i32 to index
        %parallel_loop3A_375 = tpu.vector_load %arg7[%parallel_loop3A_373, %parallel_loop3A_374] {strides = array<i32>} : memref<64x456xf32, #tpu.memory_space<vmem>>, vector<16xf32>,
        %parallel_loop3A_376 = arith.index_cast %parallel_loop3A_282 : i32 to index
        %parallel_loop3A_377 = arith.constant 176 : index
        %parallel_loop3A_378 = tpu.vector_load %arg9[%parallel_loop3A_376, %parallel_loop3A_377] {strides = array<i32>} : memref<64x448xf32, #tpu.memory_space<vmem>>, vector<16xf32>,
        tpu.vector_store %arg9[%parallel_loop3A_376, %parallel_loop3A_377], %parallel_loop3A_375 {strides = array<i32>} : memref<64x448xf32, #tpu.memory_space<vmem>>, vector<16xf32>,
        %parallel_loop3A_379 = arith.constant 192 : i32
        %parallel_loop3A_380 = arith.addi %sub3A_68, %parallel_loop3A_379 : i32
        %parallel_loop3A_381 = arith.index_cast %parallel_loop3A_282 : i32 to index
        %parallel_loop3A_382 = arith.index_cast %parallel_loop3A_380 : i32 to index
        %parallel_loop3A_383 = tpu.vector_load %arg7[%parallel_loop3A_381, %parallel_loop3A_382] {strides = array<i32>} : memref<64x456xf32, #tpu.memory_space<vmem>>, vector<16xf32>,
        %parallel_loop3A_384 = arith.index_cast %parallel_loop3A_282 : i32 to index
        %parallel_loop3A_385 = arith.constant 192 : index
        %parallel_loop3A_386 = tpu.vector_load %arg9[%parallel_loop3A_384, %parallel_loop3A_385] {strides = array<i32>} : memref<64x448xf32, #tpu.memory_space<vmem>>, vector<16xf32>,
        tpu.vector_store %arg9[%parallel_loop3A_384, %parallel_loop3A_385], %parallel_loop3A_383 {strides = array<i32>} : memref<64x448xf32, #tpu.memory_space<vmem>>, vector<16xf32>,
        %parallel_loop3A_387 = arith.constant 208 : i32
        %parallel_loop3A_388 = arith.addi %sub3A_68, %parallel_loop3A_387 : i32
        %parallel_loop3A_389 = arith.index_cast %parallel_loop3A_282 : i32 to index
        %parallel_loop3A_390 = arith.index_cast %parallel_loop3A_388 : i32 to index
        %parallel_loop3A_391 = tpu.vector_load %arg7[%parallel_loop3A_389, %parallel_loop3A_390] {strides = array<i32>} : memref<64x456xf32, #tpu.memory_space<vmem>>, vector<16xf32>,
        %parallel_loop3A_392 = arith.index_cast %parallel_loop3A_282 : i32 to index
        %parallel_loop3A_393 = arith.constant 208 : index
        %parallel_loop3A_394 = tpu.vector_load %arg9[%parallel_loop3A_392, %parallel_loop3A_393] {strides = array<i32>} : memref<64x448xf32, #tpu.memory_space<vmem>>, vector<16xf32>,
        tpu.vector_store %arg9[%parallel_loop3A_392, %parallel_loop3A_393], %parallel_loop3A_391 {strides = array<i32>} : memref<64x448xf32, #tpu.memory_space<vmem>>, vector<16xf32>,
        %parallel_loop3A_395 = arith.constant 224 : i32
        %parallel_loop3A_396 = arith.addi %sub3A_68, %parallel_loop3A_395 : i32
        %parallel_loop3A_397 = arith.index_cast %parallel_loop3A_282 : i32 to index
        %parallel_loop3A_398 = arith.index_cast %parallel_loop3A_396 : i32 to index
        %parallel_loop3A_399 = tpu.vector_load %arg7[%parallel_loop3A_397, %parallel_loop3A_398] {strides = array<i32>} : memref<64x456xf32, #tpu.memory_space<vmem>>, vector<16xf32>,
        %parallel_loop3A_400 = arith.index_cast %parallel_loop3A_282 : i32 to index
        %parallel_loop3A_401 = arith.constant 224 : index
        %parallel_loop3A_402 = tpu.vector_load %arg9[%parallel_loop3A_400, %parallel_loop3A_401] {strides = array<i32>} : memref<64x448xf32, #tpu.memory_space<vmem>>, vector<16xf32>,
        tpu.vector_store %arg9[%parallel_loop3A_400, %parallel_loop3A_401], %parallel_loop3A_399 {strides = array<i32>} : memref<64x448xf32, #tpu.memory_space<vmem>>, vector<16xf32>,
        %parallel_loop3A_403 = arith.constant 240 : i32
        %parallel_loop3A_404 = arith.addi %sub3A_68, %parallel_loop3A_403 : i32
        %parallel_loop3A_405 = arith.index_cast %parallel_loop3A_282 : i32 to index
        %parallel_loop3A_406 = arith.index_cast %parallel_loop3A_404 : i32 to index
        %parallel_loop3A_407 = tpu.vector_load %arg7[%parallel_loop3A_405, %parallel_loop3A_406] {strides = array<i32>} : memref<64x456xf32, #tpu.memory_space<vmem>>, vector<16xf32>,
        %parallel_loop3A_408 = arith.index_cast %parallel_loop3A_282 : i32 to index
        %parallel_loop3A_409 = arith.constant 240 : index
        %parallel_loop3A_410 = tpu.vector_load %arg9[%parallel_loop3A_408, %parallel_loop3A_409] {strides = array<i32>} : memref<64x448xf32, #tpu.memory_space<vmem>>, vector<16xf32>,
        tpu.vector_store %arg9[%parallel_loop3A_408, %parallel_loop3A_409], %parallel_loop3A_407 {strides = array<i32>} : memref<64x448xf32, #tpu.memory_space<vmem>>, vector<16xf32>,
        %parallel_loop3A_411 = arith.constant 256 : i32
        %parallel_loop3A_412 = arith.addi %sub3A_68, %parallel_loop3A_411 : i32
        %parallel_loop3A_413 = arith.index_cast %parallel_loop3A_282 : i32 to index
        %parallel_loop3A_414 = arith.index_cast %parallel_loop3A_412 : i32 to index
        %parallel_loop3A_415 = tpu.vector_load %arg7[%parallel_loop3A_413, %parallel_loop3A_414] {strides = array<i32>} : memref<64x456xf32, #tpu.memory_space<vmem>>, vector<16xf32>,
        %parallel_loop3A_416 = arith.index_cast %parallel_loop3A_282 : i32 to index
        %parallel_loop3A_417 = arith.constant 256 : index
        %parallel_loop3A_418 = tpu.vector_load %arg9[%parallel_loop3A_416, %parallel_loop3A_417] {strides = array<i32>} : memref<64x448xf32, #tpu.memory_space<vmem>>, vector<16xf32>,
        tpu.vector_store %arg9[%parallel_loop3A_416, %parallel_loop3A_417], %parallel_loop3A_415 {strides = array<i32>} : memref<64x448xf32, #tpu.memory_space<vmem>>, vector<16xf32>,
        %parallel_loop3A_419 = arith.constant 272 : i32
        %parallel_loop3A_420 = arith.addi %sub3A_68, %parallel_loop3A_419 : i32
        %parallel_loop3A_421 = arith.index_cast %parallel_loop3A_282 : i32 to index
        %parallel_loop3A_422 = arith.index_cast %parallel_loop3A_420 : i32 to index
        %parallel_loop3A_423 = tpu.vector_load %arg7[%parallel_loop3A_421, %parallel_loop3A_422] {strides = array<i32>} : memref<64x456xf32, #tpu.memory_space<vmem>>, vector<16xf32>,
        %parallel_loop3A_424 = arith.index_cast %parallel_loop3A_282 : i32 to index
        %parallel_loop3A_425 = arith.constant 272 : index
        %parallel_loop3A_426 = tpu.vector_load %arg9[%parallel_loop3A_424, %parallel_loop3A_425] {strides = array<i32>} : memref<64x448xf32, #tpu.memory_space<vmem>>, vector<16xf32>,
        tpu.vector_store %arg9[%parallel_loop3A_424, %parallel_loop3A_425], %parallel_loop3A_423 {strides = array<i32>} : memref<64x448xf32, #tpu.memory_space<vmem>>, vector<16xf32>,
        %parallel_loop3A_427 = arith.constant 288 : i32
        %parallel_loop3A_428 = arith.addi %sub3A_68, %parallel_loop3A_427 : i32
        %parallel_loop3A_429 = arith.index_cast %parallel_loop3A_282 : i32 to index
        %parallel_loop3A_430 = arith.index_cast %parallel_loop3A_428 : i32 to index
        %parallel_loop3A_431 = tpu.vector_load %arg7[%parallel_loop3A_429, %parallel_loop3A_430] {strides = array<i32>} : memref<64x456xf32, #tpu.memory_space<vmem>>, vector<16xf32>,
        %parallel_loop3A_432 = arith.index_cast %parallel_loop3A_282 : i32 to index
        %parallel_loop3A_433 = arith.constant 288 : index
        %parallel_loop3A_434 = tpu.vector_load %arg9[%parallel_loop3A_432, %parallel_loop3A_433] {strides = array<i32>} : memref<64x448xf32, #tpu.memory_space<vmem>>, vector<16xf32>,
        tpu.vector_store %arg9[%parallel_loop3A_432, %parallel_loop3A_433], %parallel_loop3A_431 {strides = array<i32>} : memref<64x448xf32, #tpu.memory_space<vmem>>, vector<16xf32>,
        %parallel_loop3A_435 = arith.constant 304 : i32
        %parallel_loop3A_436 = arith.addi %sub3A_68, %parallel_loop3A_435 : i32
        %parallel_loop3A_437 = arith.index_cast %parallel_loop3A_282 : i32 to index
        %parallel_loop3A_438 = arith.index_cast %parallel_loop3A_436 : i32 to index
        %parallel_loop3A_439 = tpu.vector_load %arg7[%parallel_loop3A_437, %parallel_loop3A_438] {strides = array<i32>} : memref<64x456xf32, #tpu.memory_space<vmem>>, vector<16xf32>,
        %parallel_loop3A_440 = arith.index_cast %parallel_loop3A_282 : i32 to index
        %parallel_loop3A_441 = arith.constant 304 : index
        %parallel_loop3A_442 = tpu.vector_load %arg9[%parallel_loop3A_440, %parallel_loop3A_441] {strides = array<i32>} : memref<64x448xf32, #tpu.memory_space<vmem>>, vector<16xf32>,
        tpu.vector_store %arg9[%parallel_loop3A_440, %parallel_loop3A_441], %parallel_loop3A_439 {strides = array<i32>} : memref<64x448xf32, #tpu.memory_space<vmem>>, vector<16xf32>,
        %parallel_loop3A_443 = arith.constant 320 : i32
        %parallel_loop3A_444 = arith.addi %sub3A_68, %parallel_loop3A_443 : i32
        %parallel_loop3A_445 = arith.index_cast %parallel_loop3A_282 : i32 to index
        %parallel_loop3A_446 = arith.index_cast %parallel_loop3A_444 : i32 to index
        %parallel_loop3A_447 = tpu.vector_load %arg7[%parallel_loop3A_445, %parallel_loop3A_446] {strides = array<i32>} : memref<64x456xf32, #tpu.memory_space<vmem>>, vector<16xf32>,
        %parallel_loop3A_448 = arith.index_cast %parallel_loop3A_282 : i32 to index
        %parallel_loop3A_449 = arith.constant 320 : index
        %parallel_loop3A_450 = tpu.vector_load %arg9[%parallel_loop3A_448, %parallel_loop3A_449] {strides = array<i32>} : memref<64x448xf32, #tpu.memory_space<vmem>>, vector<16xf32>,
        tpu.vector_store %arg9[%parallel_loop3A_448, %parallel_loop3A_449], %parallel_loop3A_447 {strides = array<i32>} : memref<64x448xf32, #tpu.memory_space<vmem>>, vector<16xf32>,
        %parallel_loop3A_451 = arith.constant 336 : i32
        %parallel_loop3A_452 = arith.addi %sub3A_68, %parallel_loop3A_451 : i32
        %parallel_loop3A_453 = arith.index_cast %parallel_loop3A_282 : i32 to index
        %parallel_loop3A_454 = arith.index_cast %parallel_loop3A_452 : i32 to index
        %parallel_loop3A_455 = tpu.vector_load %arg7[%parallel_loop3A_453, %parallel_loop3A_454] {strides = array<i32>} : memref<64x456xf32, #tpu.memory_space<vmem>>, vector<16xf32>,
        %parallel_loop3A_456 = arith.index_cast %parallel_loop3A_282 : i32 to index
        %parallel_loop3A_457 = arith.constant 336 : index
        %parallel_loop3A_458 = tpu.vector_load %arg9[%parallel_loop3A_456, %parallel_loop3A_457] {strides = array<i32>} : memref<64x448xf32, #tpu.memory_space<vmem>>, vector<16xf32>,
        tpu.vector_store %arg9[%parallel_loop3A_456, %parallel_loop3A_457], %parallel_loop3A_455 {strides = array<i32>} : memref<64x448xf32, #tpu.memory_space<vmem>>, vector<16xf32>,
        %parallel_loop3A_459 = arith.constant 352 : i32
        %parallel_loop3A_460 = arith.addi %sub3A_68, %parallel_loop3A_459 : i32
        %parallel_loop3A_461 = arith.index_cast %parallel_loop3A_282 : i32 to index
        %parallel_loop3A_462 = arith.index_cast %parallel_loop3A_460 : i32 to index
        %parallel_loop3A_463 = tpu.vector_load %arg7[%parallel_loop3A_461, %parallel_loop3A_462] {strides = array<i32>} : memref<64x456xf32, #tpu.memory_space<vmem>>, vector<16xf32>,
        %parallel_loop3A_464 = arith.index_cast %parallel_loop3A_282 : i32 to index
        %parallel_loop3A_465 = arith.constant 352 : index
        %parallel_loop3A_466 = tpu.vector_load %arg9[%parallel_loop3A_464, %parallel_loop3A_465] {strides = array<i32>} : memref<64x448xf32, #tpu.memory_space<vmem>>, vector<16xf32>,
        tpu.vector_store %arg9[%parallel_loop3A_464, %parallel_loop3A_465], %parallel_loop3A_463 {strides = array<i32>} : memref<64x448xf32, #tpu.memory_space<vmem>>, vector<16xf32>,
        %parallel_loop3A_467 = arith.constant 368 : i32
        %parallel_loop3A_468 = arith.addi %sub3A_68, %parallel_loop3A_467 : i32
        %parallel_loop3A_469 = arith.index_cast %parallel_loop3A_282 : i32 to index
        %parallel_loop3A_470 = arith.index_cast %parallel_loop3A_468 : i32 to index
        %parallel_loop3A_471 = tpu.vector_load %arg7[%parallel_loop3A_469, %parallel_loop3A_470] {strides = array<i32>} : memref<64x456xf32, #tpu.memory_space<vmem>>, vector<16xf32>,
        %parallel_loop3A_472 = arith.index_cast %parallel_loop3A_282 : i32 to index
        %parallel_loop3A_473 = arith.constant 368 : index
        %parallel_loop3A_474 = tpu.vector_load %arg9[%parallel_loop3A_472, %parallel_loop3A_473] {strides = array<i32>} : memref<64x448xf32, #tpu.memory_space<vmem>>, vector<16xf32>,
        tpu.vector_store %arg9[%parallel_loop3A_472, %parallel_loop3A_473], %parallel_loop3A_471 {strides = array<i32>} : memref<64x448xf32, #tpu.memory_space<vmem>>, vector<16xf32>,
        %parallel_loop3A_475 = arith.constant 384 : i32
        %parallel_loop3A_476 = arith.addi %sub3A_68, %parallel_loop3A_475 : i32
        %parallel_loop3A_477 = arith.index_cast %parallel_loop3A_282 : i32 to index
        %parallel_loop3A_478 = arith.index_cast %parallel_loop3A_476 : i32 to index
        %parallel_loop3A_479 = tpu.vector_load %arg7[%parallel_loop3A_477, %parallel_loop3A_478] {strides = array<i32>} : memref<64x456xf32, #tpu.memory_space<vmem>>, vector<16xf32>,
        %parallel_loop3A_480 = arith.index_cast %parallel_loop3A_282 : i32 to index
        %parallel_loop3A_481 = arith.constant 384 : index
        %parallel_loop3A_482 = tpu.vector_load %arg9[%parallel_loop3A_480, %parallel_loop3A_481] {strides = array<i32>} : memref<64x448xf32, #tpu.memory_space<vmem>>, vector<16xf32>,
        tpu.vector_store %arg9[%parallel_loop3A_480, %parallel_loop3A_481], %parallel_loop3A_479 {strides = array<i32>} : memref<64x448xf32, #tpu.memory_space<vmem>>, vector<16xf32>,
        %parallel_loop3A_483 = arith.constant 400 : i32
        %parallel_loop3A_484 = arith.addi %sub3A_68, %parallel_loop3A_483 : i32
        %parallel_loop3A_485 = arith.index_cast %parallel_loop3A_282 : i32 to index
        %parallel_loop3A_486 = arith.index_cast %parallel_loop3A_484 : i32 to index
        %parallel_loop3A_487 = tpu.vector_load %arg7[%parallel_loop3A_485, %parallel_loop3A_486] {strides = array<i32>} : memref<64x456xf32, #tpu.memory_space<vmem>>, vector<16xf32>,
        %parallel_loop3A_488 = arith.index_cast %parallel_loop3A_282 : i32 to index
        %parallel_loop3A_489 = arith.constant 400 : index
        %parallel_loop3A_490 = tpu.vector_load %arg9[%parallel_loop3A_488, %parallel_loop3A_489] {strides = array<i32>} : memref<64x448xf32, #tpu.memory_space<vmem>>, vector<16xf32>,
        tpu.vector_store %arg9[%parallel_loop3A_488, %parallel_loop3A_489], %parallel_loop3A_487 {strides = array<i32>} : memref<64x448xf32, #tpu.memory_space<vmem>>, vector<16xf32>,
        %parallel_loop3A_491 = arith.constant 416 : i32
        %parallel_loop3A_492 = arith.addi %sub3A_68, %parallel_loop3A_491 : i32
        %parallel_loop3A_493 = arith.index_cast %parallel_loop3A_282 : i32 to index
        %parallel_loop3A_494 = arith.index_cast %parallel_loop3A_492 : i32 to index
        %parallel_loop3A_495 = tpu.vector_load %arg7[%parallel_loop3A_493, %parallel_loop3A_494] {strides = array<i32>} : memref<64x456xf32, #tpu.memory_space<vmem>>, vector<16xf32>,
        %parallel_loop3A_496 = arith.index_cast %parallel_loop3A_282 : i32 to index
        %parallel_loop3A_497 = arith.constant 416 : index
        %parallel_loop3A_498 = tpu.vector_load %arg9[%parallel_loop3A_496, %parallel_loop3A_497] {strides = array<i32>} : memref<64x448xf32, #tpu.memory_space<vmem>>, vector<16xf32>,
        tpu.vector_store %arg9[%parallel_loop3A_496, %parallel_loop3A_497], %parallel_loop3A_495 {strides = array<i32>} : memref<64x448xf32, #tpu.memory_space<vmem>>, vector<16xf32>,
        %parallel_loop3A_499 = arith.constant 432 : i32
        %parallel_loop3A_500 = arith.addi %sub3A_68, %parallel_loop3A_499 : i32
        %parallel_loop3A_501 = arith.index_cast %parallel_loop3A_282 : i32 to index
        %parallel_loop3A_502 = arith.index_cast %parallel_loop3A_500 : i32 to index
        %parallel_loop3A_503 = tpu.vector_load %arg7[%parallel_loop3A_501, %parallel_loop3A_502] {strides = array<i32>} : memref<64x456xf32, #tpu.memory_space<vmem>>, vector<16xf32>,
        %parallel_loop3A_504 = arith.index_cast %parallel_loop3A_282 : i32 to index
        %parallel_loop3A_505 = arith.constant 432 : index
        %parallel_loop3A_506 = tpu.vector_load %arg9[%parallel_loop3A_504, %parallel_loop3A_505] {strides = array<i32>} : memref<64x448xf32, #tpu.memory_space<vmem>>, vector<16xf32>,
        tpu.vector_store %arg9[%parallel_loop3A_504, %parallel_loop3A_505], %parallel_loop3A_503 {strides = array<i32>} : memref<64x448xf32, #tpu.memory_space<vmem>>, vector<16xf32>,
      } {sc.loop_unroll_factor = 2 : i64, sc.parallel_access}
      %add3A_187 = arith.constant 320 : i32
      %add3A_188 = arith.addi %add3A_71, %add3A_187 : i32
      %dma_start3A_189 = arith.constant 1 : i32
      %dma_start3A_190 = tpu.memref_slice %arg2[%add3A_188, %multiple_of3A] : memref<196608x512xf32, #tpu.memory_space<hbm>> -> memref<64x456xf32, #tpu.memory_space<hbm>>
      %dma_start3A_191 = tpu.memref_slice %arg10[%dma_start3A_189] : memref<2x!tpu.dma_semaphore, #tpu.memory_space<semaphore_mem>> -> memref<1x!tpu.dma_semaphore, #tpu.memory_space<semaphore_mem>>
      %dma_start3A_192 = tpu.memref_squeeze %dma_start3A_191 : memref<1x!tpu.dma_semaphore, #tpu.memory_space<semaphore_mem>> -> memref<!tpu.dma_semaphore, #tpu.memory_space<semaphore_mem>>
      %dma_start3A_193 = tpu.memref_slice %arg2[%add3A_188, %multiple_of3A] : memref<196608x512xf32, #tpu.memory_space<hbm>> -> memref<64x456xf32, #tpu.memory_space<hbm>>
      tpu.enqueue_dma source(%dma_start3A_193 : memref<64x456xf32, #tpu.memory_space<hbm>>) target(%arg7 : memref<64x456xf32, #tpu.memory_space<vmem>>) target_semaphore(%dma_start3A_192 : memref<!tpu.dma_semaphore, #tpu.memory_space<semaphore_mem>>)
      %add3A_194 = arith.constant 192 : i32
      %add3A_195 = arith.addi %mul3A_73, %add3A_194 : i32
      %dma_start3A_196 = arith.constant 1 : i32
      %dma_start3A_197 = arith.constant 0 : i32
      %dma_start3A_198 = tpu.memref_slice %arg4[%add3A_195, %dma_start3A_197] : memref<172032x448xf32, #tpu.memory_space<hbm>> -> memref<64x448xf32, #tpu.memory_space<hbm>>
      %dma_start3A_199 = tpu.memref_slice %arg11[%dma_start3A_196] : memref<2x!tpu.dma_semaphore, #tpu.memory_space<semaphore_mem>> -> memref<1x!tpu.dma_semaphore, #tpu.memory_space<semaphore_mem>>
      %dma_start3A_200 = tpu.memref_squeeze %dma_start3A_199 : memref<1x!tpu.dma_semaphore, #tpu.memory_space<semaphore_mem>> -> memref<!tpu.dma_semaphore, #tpu.memory_space<semaphore_mem>>
      %dma_start3A_201 = arith.constant 0 : i32
      %dma_start3A_202 = tpu.memref_slice %arg4[%add3A_195, %dma_start3A_201] : memref<172032x448xf32, #tpu.memory_space<hbm>> -> memref<64x448xf32, #tpu.memory_space<hbm>>
      tpu.enqueue_dma source(%arg9 : memref<64x448xf32, #tpu.memory_space<vmem>>) target(%dma_start3A_202 : memref<64x448xf32, #tpu.memory_space<hbm>>) target_semaphore(%dma_start3A_200 : memref<!tpu.dma_semaphore, #tpu.memory_space<semaphore_mem>>)
      %dma_wait3A_203 = arith.constant 0 : i32
      %dma_wait3A_204 = tpu.memref_slice %arg2[%add3A_157, %multiple_of3A] : memref<196608x512xf32, #tpu.memory_space<hbm>> -> memref<64x456xf32, #tpu.memory_space<hbm>>
      %dma_wait3A_205 = tpu.memref_slice %arg10[%dma_wait3A_203] : memref<2x!tpu.dma_semaphore, #tpu.memory_space<semaphore_mem>> -> memref<1x!tpu.dma_semaphore, #tpu.memory_space<semaphore_mem>>
      %dma_wait3A_206 = tpu.memref_squeeze %dma_wait3A_205 : memref<1x!tpu.dma_semaphore, #tpu.memory_space<semaphore_mem>> -> memref<!tpu.dma_semaphore, #tpu.memory_space<semaphore_mem>>
      %dma_wait3A_207 = tpu.memref_slice %arg2[%add3A_157, %multiple_of3A] : memref<196608x512xf32, #tpu.memory_space<hbm>> -> memref<64x456xf32, #tpu.memory_space<hbm>>
      tpu.wait_dma2 semaphore(%dma_wait3A_206 : memref<!tpu.dma_semaphore, #tpu.memory_space<semaphore_mem>>) src(%dma_wait3A_207 : memref<64x456xf32, #tpu.memory_space<hbm>>) dst(%arg6 : memref<64x456xf32, #tpu.memory_space<vmem>>)
      %dma_wait3A_208 = arith.constant 0 : i32
      %dma_wait3A_209 = arith.constant 0 : i32
      %dma_wait3A_210 = tpu.memref_slice %arg4[%add3A_164, %dma_wait3A_209] : memref<172032x448xf32, #tpu.memory_space<hbm>> -> memref<64x448xf32, #tpu.memory_space<hbm>>
      %dma_wait3A_211 = tpu.memref_slice %arg11[%dma_wait3A_208] : memref<2x!tpu.dma_semaphore, #tpu.memory_space<semaphore_mem>> -> memref<1x!tpu.dma_semaphore, #tpu.memory_space<semaphore_mem>>
      %dma_wait3A_212 = tpu.memref_squeeze %dma_wait3A_211 : memref<1x!tpu.dma_semaphore, #tpu.memory_space<semaphore_mem>> -> memref<!tpu.dma_semaphore, #tpu.memory_space<semaphore_mem>>
      %dma_wait3A_213 = arith.constant 0 : i32
      %dma_wait3A_214 = tpu.memref_slice %arg4[%add3A_164, %dma_wait3A_213] : memref<172032x448xf32, #tpu.memory_space<hbm>> -> memref<64x448xf32, #tpu.memory_space<hbm>>
      tpu.wait_dma2 semaphore(%dma_wait3A_212 : memref<!tpu.dma_semaphore, #tpu.memory_space<semaphore_mem>>) src(%arg8 : memref<64x448xf32, #tpu.memory_space<vmem>>) dst(%dma_wait3A_214 : memref<64x448xf32, #tpu.memory_space<hbm>>)
      %parallel_loop3A_215 = arith.constant 0 : i32
      %parallel_loop3A_216 = arith.constant 64 : i32
      %parallel_loop3A_217 = arith.constant 1 : i32
      scf.for %parallel_loop3A_282 = %parallel_loop3A_215 to %parallel_loop3A_216 step %parallel_loop3A_217  : i32 {
        %parallel_loop3A_283 = arith.constant 0 : i32
        %parallel_loop3A_284 = arith.addi %sub3A_68, %parallel_loop3A_283 : i32
        %parallel_loop3A_285 = arith.index_cast %parallel_loop3A_282 : i32 to index
        %parallel_loop3A_286 = arith.index_cast %parallel_loop3A_284 : i32 to index
        %parallel_loop3A_287 = tpu.vector_load %arg6[%parallel_loop3A_285, %parallel_loop3A_286] {strides = array<i32>} : memref<64x456xf32, #tpu.memory_space<vmem>>, vector<16xf32>,
        %parallel_loop3A_288 = arith.index_cast %parallel_loop3A_282 : i32 to index
        %parallel_loop3A_289 = arith.constant 0 : index
        %parallel_loop3A_290 = tpu.vector_load %arg8[%parallel_loop3A_288, %parallel_loop3A_289] {strides = array<i32>} : memref<64x448xf32, #tpu.memory_space<vmem>>, vector<16xf32>,
        tpu.vector_store %arg8[%parallel_loop3A_288, %parallel_loop3A_289], %parallel_loop3A_287 {strides = array<i32>} : memref<64x448xf32, #tpu.memory_space<vmem>>, vector<16xf32>,
        %parallel_loop3A_291 = arith.constant 16 : i32
        %parallel_loop3A_292 = arith.addi %sub3A_68, %parallel_loop3A_291 : i32
        %parallel_loop3A_293 = arith.index_cast %parallel_loop3A_282 : i32 to index
        %parallel_loop3A_294 = arith.index_cast %parallel_loop3A_292 : i32 to index
        %parallel_loop3A_295 = tpu.vector_load %arg6[%parallel_loop3A_293, %parallel_loop3A_294] {strides = array<i32>} : memref<64x456xf32, #tpu.memory_space<vmem>>, vector<16xf32>,
        %parallel_loop3A_296 = arith.index_cast %parallel_loop3A_282 : i32 to index
        %parallel_loop3A_297 = arith.constant 16 : index
        %parallel_loop3A_298 = tpu.vector_load %arg8[%parallel_loop3A_296, %parallel_loop3A_297] {strides = array<i32>} : memref<64x448xf32, #tpu.memory_space<vmem>>, vector<16xf32>,
        tpu.vector_store %arg8[%parallel_loop3A_296, %parallel_loop3A_297], %parallel_loop3A_295 {strides = array<i32>} : memref<64x448xf32, #tpu.memory_space<vmem>>, vector<16xf32>,
        %parallel_loop3A_299 = arith.constant 32 : i32
        %parallel_loop3A_300 = arith.addi %sub3A_68, %parallel_loop3A_299 : i32
        %parallel_loop3A_301 = arith.index_cast %parallel_loop3A_282 : i32 to index
        %parallel_loop3A_302 = arith.index_cast %parallel_loop3A_300 : i32 to index
        %parallel_loop3A_303 = tpu.vector_load %arg6[%parallel_loop3A_301, %parallel_loop3A_302] {strides = array<i32>} : memref<64x456xf32, #tpu.memory_space<vmem>>, vector<16xf32>,
        %parallel_loop3A_304 = arith.index_cast %parallel_loop3A_282 : i32 to index
        %parallel_loop3A_305 = arith.constant 32 : index
        %parallel_loop3A_306 = tpu.vector_load %arg8[%parallel_loop3A_304, %parallel_loop3A_305] {strides = array<i32>} : memref<64x448xf32, #tpu.memory_space<vmem>>, vector<16xf32>,
        tpu.vector_store %arg8[%parallel_loop3A_304, %parallel_loop3A_305], %parallel_loop3A_303 {strides = array<i32>} : memref<64x448xf32, #tpu.memory_space<vmem>>, vector<16xf32>,
        %parallel_loop3A_307 = arith.constant 48 : i32
        %parallel_loop3A_308 = arith.addi %sub3A_68, %parallel_loop3A_307 : i32
        %parallel_loop3A_309 = arith.index_cast %parallel_loop3A_282 : i32 to index
        %parallel_loop3A_310 = arith.index_cast %parallel_loop3A_308 : i32 to index
        %parallel_loop3A_311 = tpu.vector_load %arg6[%parallel_loop3A_309, %parallel_loop3A_310] {strides = array<i32>} : memref<64x456xf32, #tpu.memory_space<vmem>>, vector<16xf32>,
        %parallel_loop3A_312 = arith.index_cast %parallel_loop3A_282 : i32 to index
        %parallel_loop3A_313 = arith.constant 48 : index
        %parallel_loop3A_314 = tpu.vector_load %arg8[%parallel_loop3A_312, %parallel_loop3A_313] {strides = array<i32>} : memref<64x448xf32, #tpu.memory_space<vmem>>, vector<16xf32>,
        tpu.vector_store %arg8[%parallel_loop3A_312, %parallel_loop3A_313], %parallel_loop3A_311 {strides = array<i32>} : memref<64x448xf32, #tpu.memory_space<vmem>>, vector<16xf32>,
        %parallel_loop3A_315 = arith.constant 64 : i32
        %parallel_loop3A_316 = arith.addi %sub3A_68, %parallel_loop3A_315 : i32
        %parallel_loop3A_317 = arith.index_cast %parallel_loop3A_282 : i32 to index
        %parallel_loop3A_318 = arith.index_cast %parallel_loop3A_316 : i32 to index
        %parallel_loop3A_319 = tpu.vector_load %arg6[%parallel_loop3A_317, %parallel_loop3A_318] {strides = array<i32>} : memref<64x456xf32, #tpu.memory_space<vmem>>, vector<16xf32>,
        %parallel_loop3A_320 = arith.index_cast %parallel_loop3A_282 : i32 to index
        %parallel_loop3A_321 = arith.constant 64 : index
        %parallel_loop3A_322 = tpu.vector_load %arg8[%parallel_loop3A_320, %parallel_loop3A_321] {strides = array<i32>} : memref<64x448xf32, #tpu.memory_space<vmem>>, vector<16xf32>,
        tpu.vector_store %arg8[%parallel_loop3A_320, %parallel_loop3A_321], %parallel_loop3A_319 {strides = array<i32>} : memref<64x448xf32, #tpu.memory_space<vmem>>, vector<16xf32>,
        %parallel_loop3A_323 = arith.constant 80 : i32
        %parallel_loop3A_324 = arith.addi %sub3A_68, %parallel_loop3A_323 : i32
        %parallel_loop3A_325 = arith.index_cast %parallel_loop3A_282 : i32 to index
        %parallel_loop3A_326 = arith.index_cast %parallel_loop3A_324 : i32 to index
        %parallel_loop3A_327 = tpu.vector_load %arg6[%parallel_loop3A_325, %parallel_loop3A_326] {strides = array<i32>} : memref<64x456xf32, #tpu.memory_space<vmem>>, vector<16xf32>,
        %parallel_loop3A_328 = arith.index_cast %parallel_loop3A_282 : i32 to index
        %parallel_loop3A_329 = arith.constant 80 : index
        %parallel_loop3A_330 = tpu.vector_load %arg8[%parallel_loop3A_328, %parallel_loop3A_329] {strides = array<i32>} : memref<64x448xf32, #tpu.memory_space<vmem>>, vector<16xf32>,
        tpu.vector_store %arg8[%parallel_loop3A_328, %parallel_loop3A_329], %parallel_loop3A_327 {strides = array<i32>} : memref<64x448xf32, #tpu.memory_space<vmem>>, vector<16xf32>,
        %parallel_loop3A_331 = arith.constant 96 : i32
        %parallel_loop3A_332 = arith.addi %sub3A_68, %parallel_loop3A_331 : i32
        %parallel_loop3A_333 = arith.index_cast %parallel_loop3A_282 : i32 to index
        %parallel_loop3A_334 = arith.index_cast %parallel_loop3A_332 : i32 to index
        %parallel_loop3A_335 = tpu.vector_load %arg6[%parallel_loop3A_333, %parallel_loop3A_334] {strides = array<i32>} : memref<64x456xf32, #tpu.memory_space<vmem>>, vector<16xf32>,
        %parallel_loop3A_336 = arith.index_cast %parallel_loop3A_282 : i32 to index
        %parallel_loop3A_337 = arith.constant 96 : index
        %parallel_loop3A_338 = tpu.vector_load %arg8[%parallel_loop3A_336, %parallel_loop3A_337] {strides = array<i32>} : memref<64x448xf32, #tpu.memory_space<vmem>>, vector<16xf32>,
        tpu.vector_store %arg8[%parallel_loop3A_336, %parallel_loop3A_337], %parallel_loop3A_335 {strides = array<i32>} : memref<64x448xf32, #tpu.memory_space<vmem>>, vector<16xf32>,
        %parallel_loop3A_339 = arith.constant 112 : i32
        %parallel_loop3A_340 = arith.addi %sub3A_68, %parallel_loop3A_339 : i32
        %parallel_loop3A_341 = arith.index_cast %parallel_loop3A_282 : i32 to index
        %parallel_loop3A_342 = arith.index_cast %parallel_loop3A_340 : i32 to index
        %parallel_loop3A_343 = tpu.vector_load %arg6[%parallel_loop3A_341, %parallel_loop3A_342] {strides = array<i32>} : memref<64x456xf32, #tpu.memory_space<vmem>>, vector<16xf32>,
        %parallel_loop3A_344 = arith.index_cast %parallel_loop3A_282 : i32 to index
        %parallel_loop3A_345 = arith.constant 112 : index
        %parallel_loop3A_346 = tpu.vector_load %arg8[%parallel_loop3A_344, %parallel_loop3A_345] {strides = array<i32>} : memref<64x448xf32, #tpu.memory_space<vmem>>, vector<16xf32>,
        tpu.vector_store %arg8[%parallel_loop3A_344, %parallel_loop3A_345], %parallel_loop3A_343 {strides = array<i32>} : memref<64x448xf32, #tpu.memory_space<vmem>>, vector<16xf32>,
        %parallel_loop3A_347 = arith.constant 128 : i32
        %parallel_loop3A_348 = arith.addi %sub3A_68, %parallel_loop3A_347 : i32
        %parallel_loop3A_349 = arith.index_cast %parallel_loop3A_282 : i32 to index
        %parallel_loop3A_350 = arith.index_cast %parallel_loop3A_348 : i32 to index
        %parallel_loop3A_351 = tpu.vector_load %arg6[%parallel_loop3A_349, %parallel_loop3A_350] {strides = array<i32>} : memref<64x456xf32, #tpu.memory_space<vmem>>, vector<16xf32>,
        %parallel_loop3A_352 = arith.index_cast %parallel_loop3A_282 : i32 to index
        %parallel_loop3A_353 = arith.constant 128 : index
        %parallel_loop3A_354 = tpu.vector_load %arg8[%parallel_loop3A_352, %parallel_loop3A_353] {strides = array<i32>} : memref<64x448xf32, #tpu.memory_space<vmem>>, vector<16xf32>,
        tpu.vector_store %arg8[%parallel_loop3A_352, %parallel_loop3A_353], %parallel_loop3A_351 {strides = array<i32>} : memref<64x448xf32, #tpu.memory_space<vmem>>, vector<16xf32>,
        %parallel_loop3A_355 = arith.constant 144 : i32
        %parallel_loop3A_356 = arith.addi %sub3A_68, %parallel_loop3A_355 : i32
        %parallel_loop3A_357 = arith.index_cast %parallel_loop3A_282 : i32 to index
        %parallel_loop3A_358 = arith.index_cast %parallel_loop3A_356 : i32 to index
        %parallel_loop3A_359 = tpu.vector_load %arg6[%parallel_loop3A_357, %parallel_loop3A_358] {strides = array<i32>} : memref<64x456xf32, #tpu.memory_space<vmem>>, vector<16xf32>,
        %parallel_loop3A_360 = arith.index_cast %parallel_loop3A_282 : i32 to index
        %parallel_loop3A_361 = arith.constant 144 : index
        %parallel_loop3A_362 = tpu.vector_load %arg8[%parallel_loop3A_360, %parallel_loop3A_361] {strides = array<i32>} : memref<64x448xf32, #tpu.memory_space<vmem>>, vector<16xf32>,
        tpu.vector_store %arg8[%parallel_loop3A_360, %parallel_loop3A_361], %parallel_loop3A_359 {strides = array<i32>} : memref<64x448xf32, #tpu.memory_space<vmem>>, vector<16xf32>,
        %parallel_loop3A_363 = arith.constant 160 : i32
        %parallel_loop3A_364 = arith.addi %sub3A_68, %parallel_loop3A_363 : i32
        %parallel_loop3A_365 = arith.index_cast %parallel_loop3A_282 : i32 to index
        %parallel_loop3A_366 = arith.index_cast %parallel_loop3A_364 : i32 to index
        %parallel_loop3A_367 = tpu.vector_load %arg6[%parallel_loop3A_365, %parallel_loop3A_366] {strides = array<i32>} : memref<64x456xf32, #tpu.memory_space<vmem>>, vector<16xf32>,
        %parallel_loop3A_368 = arith.index_cast %parallel_loop3A_282 : i32 to index
        %parallel_loop3A_369 = arith.constant 160 : index
        %parallel_loop3A_370 = tpu.vector_load %arg8[%parallel_loop3A_368, %parallel_loop3A_369] {strides = array<i32>} : memref<64x448xf32, #tpu.memory_space<vmem>>, vector<16xf32>,
        tpu.vector_store %arg8[%parallel_loop3A_368, %parallel_loop3A_369], %parallel_loop3A_367 {strides = array<i32>} : memref<64x448xf32, #tpu.memory_space<vmem>>, vector<16xf32>,
        %parallel_loop3A_371 = arith.constant 176 : i32
        %parallel_loop3A_372 = arith.addi %sub3A_68, %parallel_loop3A_371 : i32
        %parallel_loop3A_373 = arith.index_cast %parallel_loop3A_282 : i32 to index
        %parallel_loop3A_374 = arith.index_cast %parallel_loop3A_372 : i32 to index
        %parallel_loop3A_375 = tpu.vector_load %arg6[%parallel_loop3A_373, %parallel_loop3A_374] {strides = array<i32>} : memref<64x456xf32, #tpu.memory_space<vmem>>, vector<16xf32>,
        %parallel_loop3A_376 = arith.index_cast %parallel_loop3A_282 : i32 to index
        %parallel_loop3A_377 = arith.constant 176 : index
        %parallel_loop3A_378 = tpu.vector_load %arg8[%parallel_loop3A_376, %parallel_loop3A_377] {strides = array<i32>} : memref<64x448xf32, #tpu.memory_space<vmem>>, vector<16xf32>,
        tpu.vector_store %arg8[%parallel_loop3A_376, %parallel_loop3A_377], %parallel_loop3A_375 {strides = array<i32>} : memref<64x448xf32, #tpu.memory_space<vmem>>, vector<16xf32>,
        %parallel_loop3A_379 = arith.constant 192 : i32
        %parallel_loop3A_380 = arith.addi %sub3A_68, %parallel_loop3A_379 : i32
        %parallel_loop3A_381 = arith.index_cast %parallel_loop3A_282 : i32 to index
        %parallel_loop3A_382 = arith.index_cast %parallel_loop3A_380 : i32 to index
        %parallel_loop3A_383 = tpu.vector_load %arg6[%parallel_loop3A_381, %parallel_loop3A_382] {strides = array<i32>} : memref<64x456xf32, #tpu.memory_space<vmem>>, vector<16xf32>,
        %parallel_loop3A_384 = arith.index_cast %parallel_loop3A_282 : i32 to index
        %parallel_loop3A_385 = arith.constant 192 : index
        %parallel_loop3A_386 = tpu.vector_load %arg8[%parallel_loop3A_384, %parallel_loop3A_385] {strides = array<i32>} : memref<64x448xf32, #tpu.memory_space<vmem>>, vector<16xf32>,
        tpu.vector_store %arg8[%parallel_loop3A_384, %parallel_loop3A_385], %parallel_loop3A_383 {strides = array<i32>} : memref<64x448xf32, #tpu.memory_space<vmem>>, vector<16xf32>,
        %parallel_loop3A_387 = arith.constant 208 : i32
        %parallel_loop3A_388 = arith.addi %sub3A_68, %parallel_loop3A_387 : i32
        %parallel_loop3A_389 = arith.index_cast %parallel_loop3A_282 : i32 to index
        %parallel_loop3A_390 = arith.index_cast %parallel_loop3A_388 : i32 to index
        %parallel_loop3A_391 = tpu.vector_load %arg6[%parallel_loop3A_389, %parallel_loop3A_390] {strides = array<i32>} : memref<64x456xf32, #tpu.memory_space<vmem>>, vector<16xf32>,
        %parallel_loop3A_392 = arith.index_cast %parallel_loop3A_282 : i32 to index
        %parallel_loop3A_393 = arith.constant 208 : index
        %parallel_loop3A_394 = tpu.vector_load %arg8[%parallel_loop3A_392, %parallel_loop3A_393] {strides = array<i32>} : memref<64x448xf32, #tpu.memory_space<vmem>>, vector<16xf32>,
        tpu.vector_store %arg8[%parallel_loop3A_392, %parallel_loop3A_393], %parallel_loop3A_391 {strides = array<i32>} : memref<64x448xf32, #tpu.memory_space<vmem>>, vector<16xf32>,
        %parallel_loop3A_395 = arith.constant 224 : i32
        %parallel_loop3A_396 = arith.addi %sub3A_68, %parallel_loop3A_395 : i32
        %parallel_loop3A_397 = arith.index_cast %parallel_loop3A_282 : i32 to index
        %parallel_loop3A_398 = arith.index_cast %parallel_loop3A_396 : i32 to index
        %parallel_loop3A_399 = tpu.vector_load %arg6[%parallel_loop3A_397, %parallel_loop3A_398] {strides = array<i32>} : memref<64x456xf32, #tpu.memory_space<vmem>>, vector<16xf32>,
        %parallel_loop3A_400 = arith.index_cast %parallel_loop3A_282 : i32 to index
        %parallel_loop3A_401 = arith.constant 224 : index
        %parallel_loop3A_402 = tpu.vector_load %arg8[%parallel_loop3A_400, %parallel_loop3A_401] {strides = array<i32>} : memref<64x448xf32, #tpu.memory_space<vmem>>, vector<16xf32>,
        tpu.vector_store %arg8[%parallel_loop3A_400, %parallel_loop3A_401], %parallel_loop3A_399 {strides = array<i32>} : memref<64x448xf32, #tpu.memory_space<vmem>>, vector<16xf32>,
        %parallel_loop3A_403 = arith.constant 240 : i32
        %parallel_loop3A_404 = arith.addi %sub3A_68, %parallel_loop3A_403 : i32
        %parallel_loop3A_405 = arith.index_cast %parallel_loop3A_282 : i32 to index
        %parallel_loop3A_406 = arith.index_cast %parallel_loop3A_404 : i32 to index
        %parallel_loop3A_407 = tpu.vector_load %arg6[%parallel_loop3A_405, %parallel_loop3A_406] {strides = array<i32>} : memref<64x456xf32, #tpu.memory_space<vmem>>, vector<16xf32>,
        %parallel_loop3A_408 = arith.index_cast %parallel_loop3A_282 : i32 to index
        %parallel_loop3A_409 = arith.constant 240 : index
        %parallel_loop3A_410 = tpu.vector_load %arg8[%parallel_loop3A_408, %parallel_loop3A_409] {strides = array<i32>} : memref<64x448xf32, #tpu.memory_space<vmem>>, vector<16xf32>,
        tpu.vector_store %arg8[%parallel_loop3A_408, %parallel_loop3A_409], %parallel_loop3A_407 {strides = array<i32>} : memref<64x448xf32, #tpu.memory_space<vmem>>, vector<16xf32>,
        %parallel_loop3A_411 = arith.constant 256 : i32
        %parallel_loop3A_412 = arith.addi %sub3A_68, %parallel_loop3A_411 : i32
        %parallel_loop3A_413 = arith.index_cast %parallel_loop3A_282 : i32 to index
        %parallel_loop3A_414 = arith.index_cast %parallel_loop3A_412 : i32 to index
        %parallel_loop3A_415 = tpu.vector_load %arg6[%parallel_loop3A_413, %parallel_loop3A_414] {strides = array<i32>} : memref<64x456xf32, #tpu.memory_space<vmem>>, vector<16xf32>,
        %parallel_loop3A_416 = arith.index_cast %parallel_loop3A_282 : i32 to index
        %parallel_loop3A_417 = arith.constant 256 : index
        %parallel_loop3A_418 = tpu.vector_load %arg8[%parallel_loop3A_416, %parallel_loop3A_417] {strides = array<i32>} : memref<64x448xf32, #tpu.memory_space<vmem>>, vector<16xf32>,
        tpu.vector_store %arg8[%parallel_loop3A_416, %parallel_loop3A_417], %parallel_loop3A_415 {strides = array<i32>} : memref<64x448xf32, #tpu.memory_space<vmem>>, vector<16xf32>,
        %parallel_loop3A_419 = arith.constant 272 : i32
        %parallel_loop3A_420 = arith.addi %sub3A_68, %parallel_loop3A_419 : i32
        %parallel_loop3A_421 = arith.index_cast %parallel_loop3A_282 : i32 to index
        %parallel_loop3A_422 = arith.index_cast %parallel_loop3A_420 : i32 to index
        %parallel_loop3A_423 = tpu.vector_load %arg6[%parallel_loop3A_421, %parallel_loop3A_422] {strides = array<i32>} : memref<64x456xf32, #tpu.memory_space<vmem>>, vector<16xf32>,
        %parallel_loop3A_424 = arith.index_cast %parallel_loop3A_282 : i32 to index
        %parallel_loop3A_425 = arith.constant 272 : index
        %parallel_loop3A_426 = tpu.vector_load %arg8[%parallel_loop3A_424, %parallel_loop3A_425] {strides = array<i32>} : memref<64x448xf32, #tpu.memory_space<vmem>>, vector<16xf32>,
        tpu.vector_store %arg8[%parallel_loop3A_424, %parallel_loop3A_425], %parallel_loop3A_423 {strides = array<i32>} : memref<64x448xf32, #tpu.memory_space<vmem>>, vector<16xf32>,
        %parallel_loop3A_427 = arith.constant 288 : i32
        %parallel_loop3A_428 = arith.addi %sub3A_68, %parallel_loop3A_427 : i32
        %parallel_loop3A_429 = arith.index_cast %parallel_loop3A_282 : i32 to index
        %parallel_loop3A_430 = arith.index_cast %parallel_loop3A_428 : i32 to index
        %parallel_loop3A_431 = tpu.vector_load %arg6[%parallel_loop3A_429, %parallel_loop3A_430] {strides = array<i32>} : memref<64x456xf32, #tpu.memory_space<vmem>>, vector<16xf32>,
        %parallel_loop3A_432 = arith.index_cast %parallel_loop3A_282 : i32 to index
        %parallel_loop3A_433 = arith.constant 288 : index
        %parallel_loop3A_434 = tpu.vector_load %arg8[%parallel_loop3A_432, %parallel_loop3A_433] {strides = array<i32>} : memref<64x448xf32, #tpu.memory_space<vmem>>, vector<16xf32>,
        tpu.vector_store %arg8[%parallel_loop3A_432, %parallel_loop3A_433], %parallel_loop3A_431 {strides = array<i32>} : memref<64x448xf32, #tpu.memory_space<vmem>>, vector<16xf32>,
        %parallel_loop3A_435 = arith.constant 304 : i32
        %parallel_loop3A_436 = arith.addi %sub3A_68, %parallel_loop3A_435 : i32
        %parallel_loop3A_437 = arith.index_cast %parallel_loop3A_282 : i32 to index
        %parallel_loop3A_438 = arith.index_cast %parallel_loop3A_436 : i32 to index
        %parallel_loop3A_439 = tpu.vector_load %arg6[%parallel_loop3A_437, %parallel_loop3A_438] {strides = array<i32>} : memref<64x456xf32, #tpu.memory_space<vmem>>, vector<16xf32>,
        %parallel_loop3A_440 = arith.index_cast %parallel_loop3A_282 : i32 to index
        %parallel_loop3A_441 = arith.constant 304 : index
        %parallel_loop3A_442 = tpu.vector_load %arg8[%parallel_loop3A_440, %parallel_loop3A_441] {strides = array<i32>} : memref<64x448xf32, #tpu.memory_space<vmem>>, vector<16xf32>,
        tpu.vector_store %arg8[%parallel_loop3A_440, %parallel_loop3A_441], %parallel_loop3A_439 {strides = array<i32>} : memref<64x448xf32, #tpu.memory_space<vmem>>, vector<16xf32>,
        %parallel_loop3A_443 = arith.constant 320 : i32
        %parallel_loop3A_444 = arith.addi %sub3A_68, %parallel_loop3A_443 : i32
        %parallel_loop3A_445 = arith.index_cast %parallel_loop3A_282 : i32 to index
        %parallel_loop3A_446 = arith.index_cast %parallel_loop3A_444 : i32 to index
        %parallel_loop3A_447 = tpu.vector_load %arg6[%parallel_loop3A_445, %parallel_loop3A_446] {strides = array<i32>} : memref<64x456xf32, #tpu.memory_space<vmem>>, vector<16xf32>,
        %parallel_loop3A_448 = arith.index_cast %parallel_loop3A_282 : i32 to index
        %parallel_loop3A_449 = arith.constant 320 : index
        %parallel_loop3A_450 = tpu.vector_load %arg8[%parallel_loop3A_448, %parallel_loop3A_449] {strides = array<i32>} : memref<64x448xf32, #tpu.memory_space<vmem>>, vector<16xf32>,
        tpu.vector_store %arg8[%parallel_loop3A_448, %parallel_loop3A_449], %parallel_loop3A_447 {strides = array<i32>} : memref<64x448xf32, #tpu.memory_space<vmem>>, vector<16xf32>,
        %parallel_loop3A_451 = arith.constant 336 : i32
        %parallel_loop3A_452 = arith.addi %sub3A_68, %parallel_loop3A_451 : i32
        %parallel_loop3A_453 = arith.index_cast %parallel_loop3A_282 : i32 to index
        %parallel_loop3A_454 = arith.index_cast %parallel_loop3A_452 : i32 to index
        %parallel_loop3A_455 = tpu.vector_load %arg6[%parallel_loop3A_453, %parallel_loop3A_454] {strides = array<i32>} : memref<64x456xf32, #tpu.memory_space<vmem>>, vector<16xf32>,
        %parallel_loop3A_456 = arith.index_cast %parallel_loop3A_282 : i32 to index
        %parallel_loop3A_457 = arith.constant 336 : index
        %parallel_loop3A_458 = tpu.vector_load %arg8[%parallel_loop3A_456, %parallel_loop3A_457] {strides = array<i32>} : memref<64x448xf32, #tpu.memory_space<vmem>>, vector<16xf32>,
        tpu.vector_store %arg8[%parallel_loop3A_456, %parallel_loop3A_457], %parallel_loop3A_455 {strides = array<i32>} : memref<64x448xf32, #tpu.memory_space<vmem>>, vector<16xf32>,
        %parallel_loop3A_459 = arith.constant 352 : i32
        %parallel_loop3A_460 = arith.addi %sub3A_68, %parallel_loop3A_459 : i32
        %parallel_loop3A_461 = arith.index_cast %parallel_loop3A_282 : i32 to index
        %parallel_loop3A_462 = arith.index_cast %parallel_loop3A_460 : i32 to index
        %parallel_loop3A_463 = tpu.vector_load %arg6[%parallel_loop3A_461, %parallel_loop3A_462] {strides = array<i32>} : memref<64x456xf32, #tpu.memory_space<vmem>>, vector<16xf32>,
        %parallel_loop3A_464 = arith.index_cast %parallel_loop3A_282 : i32 to index
        %parallel_loop3A_465 = arith.constant 352 : index
        %parallel_loop3A_466 = tpu.vector_load %arg8[%parallel_loop3A_464, %parallel_loop3A_465] {strides = array<i32>} : memref<64x448xf32, #tpu.memory_space<vmem>>, vector<16xf32>,
        tpu.vector_store %arg8[%parallel_loop3A_464, %parallel_loop3A_465], %parallel_loop3A_463 {strides = array<i32>} : memref<64x448xf32, #tpu.memory_space<vmem>>, vector<16xf32>,
        %parallel_loop3A_467 = arith.constant 368 : i32
        %parallel_loop3A_468 = arith.addi %sub3A_68, %parallel_loop3A_467 : i32
        %parallel_loop3A_469 = arith.index_cast %parallel_loop3A_282 : i32 to index
        %parallel_loop3A_470 = arith.index_cast %parallel_loop3A_468 : i32 to index
        %parallel_loop3A_471 = tpu.vector_load %arg6[%parallel_loop3A_469, %parallel_loop3A_470] {strides = array<i32>} : memref<64x456xf32, #tpu.memory_space<vmem>>, vector<16xf32>,
        %parallel_loop3A_472 = arith.index_cast %parallel_loop3A_282 : i32 to index
        %parallel_loop3A_473 = arith.constant 368 : index
        %parallel_loop3A_474 = tpu.vector_load %arg8[%parallel_loop3A_472, %parallel_loop3A_473] {strides = array<i32>} : memref<64x448xf32, #tpu.memory_space<vmem>>, vector<16xf32>,
        tpu.vector_store %arg8[%parallel_loop3A_472, %parallel_loop3A_473], %parallel_loop3A_471 {strides = array<i32>} : memref<64x448xf32, #tpu.memory_space<vmem>>, vector<16xf32>,
        %parallel_loop3A_475 = arith.constant 384 : i32
        %parallel_loop3A_476 = arith.addi %sub3A_68, %parallel_loop3A_475 : i32
        %parallel_loop3A_477 = arith.index_cast %parallel_loop3A_282 : i32 to index
        %parallel_loop3A_478 = arith.index_cast %parallel_loop3A_476 : i32 to index
        %parallel_loop3A_479 = tpu.vector_load %arg6[%parallel_loop3A_477, %parallel_loop3A_478] {strides = array<i32>} : memref<64x456xf32, #tpu.memory_space<vmem>>, vector<16xf32>,
        %parallel_loop3A_480 = arith.index_cast %parallel_loop3A_282 : i32 to index
        %parallel_loop3A_481 = arith.constant 384 : index
        %parallel_loop3A_482 = tpu.vector_load %arg8[%parallel_loop3A_480, %parallel_loop3A_481] {strides = array<i32>} : memref<64x448xf32, #tpu.memory_space<vmem>>, vector<16xf32>,
        tpu.vector_store %arg8[%parallel_loop3A_480, %parallel_loop3A_481], %parallel_loop3A_479 {strides = array<i32>} : memref<64x448xf32, #tpu.memory_space<vmem>>, vector<16xf32>,
        %parallel_loop3A_483 = arith.constant 400 : i32
        %parallel_loop3A_484 = arith.addi %sub3A_68, %parallel_loop3A_483 : i32
        %parallel_loop3A_485 = arith.index_cast %parallel_loop3A_282 : i32 to index
        %parallel_loop3A_486 = arith.index_cast %parallel_loop3A_484 : i32 to index
        %parallel_loop3A_487 = tpu.vector_load %arg6[%parallel_loop3A_485, %parallel_loop3A_486] {strides = array<i32>} : memref<64x456xf32, #tpu.memory_space<vmem>>, vector<16xf32>,
        %parallel_loop3A_488 = arith.index_cast %parallel_loop3A_282 : i32 to index
        %parallel_loop3A_489 = arith.constant 400 : index
        %parallel_loop3A_490 = tpu.vector_load %arg8[%parallel_loop3A_488, %parallel_loop3A_489] {strides = array<i32>} : memref<64x448xf32, #tpu.memory_space<vmem>>, vector<16xf32>,
        tpu.vector_store %arg8[%parallel_loop3A_488, %parallel_loop3A_489], %parallel_loop3A_487 {strides = array<i32>} : memref<64x448xf32, #tpu.memory_space<vmem>>, vector<16xf32>,
        %parallel_loop3A_491 = arith.constant 416 : i32
        %parallel_loop3A_492 = arith.addi %sub3A_68, %parallel_loop3A_491 : i32
        %parallel_loop3A_493 = arith.index_cast %parallel_loop3A_282 : i32 to index
        %parallel_loop3A_494 = arith.index_cast %parallel_loop3A_492 : i32 to index
        %parallel_loop3A_495 = tpu.vector_load %arg6[%parallel_loop3A_493, %parallel_loop3A_494] {strides = array<i32>} : memref<64x456xf32, #tpu.memory_space<vmem>>, vector<16xf32>,
        %parallel_loop3A_496 = arith.index_cast %parallel_loop3A_282 : i32 to index
        %parallel_loop3A_497 = arith.constant 416 : index
        %parallel_loop3A_498 = tpu.vector_load %arg8[%parallel_loop3A_496, %parallel_loop3A_497] {strides = array<i32>} : memref<64x448xf32, #tpu.memory_space<vmem>>, vector<16xf32>,
        tpu.vector_store %arg8[%parallel_loop3A_496, %parallel_loop3A_497], %parallel_loop3A_495 {strides = array<i32>} : memref<64x448xf32, #tpu.memory_space<vmem>>, vector<16xf32>,
        %parallel_loop3A_499 = arith.constant 432 : i32
        %parallel_loop3A_500 = arith.addi %sub3A_68, %parallel_loop3A_499 : i32
        %parallel_loop3A_501 = arith.index_cast %parallel_loop3A_282 : i32 to index
        %parallel_loop3A_502 = arith.index_cast %parallel_loop3A_500 : i32 to index
        %parallel_loop3A_503 = tpu.vector_load %arg6[%parallel_loop3A_501, %parallel_loop3A_502] {strides = array<i32>} : memref<64x456xf32, #tpu.memory_space<vmem>>, vector<16xf32>,
        %parallel_loop3A_504 = arith.index_cast %parallel_loop3A_282 : i32 to index
        %parallel_loop3A_505 = arith.constant 432 : index
        %parallel_loop3A_506 = tpu.vector_load %arg8[%parallel_loop3A_504, %parallel_loop3A_505] {strides = array<i32>} : memref<64x448xf32, #tpu.memory_space<vmem>>, vector<16xf32>,
        tpu.vector_store %arg8[%parallel_loop3A_504, %parallel_loop3A_505], %parallel_loop3A_503 {strides = array<i32>} : memref<64x448xf32, #tpu.memory_space<vmem>>, vector<16xf32>,
      } {sc.loop_unroll_factor = 2 : i64, sc.parallel_access}
      %add3A_218 = arith.constant 384 : i32
      %add3A_219 = arith.addi %add3A_71, %add3A_218 : i32
      %dma_start3A_220 = arith.constant 0 : i32
      %dma_start3A_221 = tpu.memref_slice %arg2[%add3A_219, %multiple_of3A] : memref<196608x512xf32, #tpu.memory_space<hbm>> -> memref<64x456xf32, #tpu.memory_space<hbm>>
      %dma_start3A_222 = tpu.memref_slice %arg10[%dma_start3A_220] : memref<2x!tpu.dma_semaphore, #tpu.memory_space<semaphore_mem>> -> memref<1x!tpu.dma_semaphore, #tpu.memory_space<semaphore_mem>>
      %dma_start3A_223 = tpu.memref_squeeze %dma_start3A_222 : memref<1x!tpu.dma_semaphore, #tpu.memory_space<semaphore_mem>> -> memref<!tpu.dma_semaphore, #tpu.memory_space<semaphore_mem>>
      %dma_start3A_224 = tpu.memref_slice %arg2[%add3A_219, %multiple_of3A] : memref<196608x512xf32, #tpu.memory_space<hbm>> -> memref<64x456xf32, #tpu.memory_space<hbm>>
      tpu.enqueue_dma source(%dma_start3A_224 : memref<64x456xf32, #tpu.memory_space<hbm>>) target(%arg6 : memref<64x456xf32, #tpu.memory_space<vmem>>) target_semaphore(%dma_start3A_223 : memref<!tpu.dma_semaphore, #tpu.memory_space<semaphore_mem>>)
      %add3A_225 = arith.constant 256 : i32
      %add3A_226 = arith.addi %mul3A_73, %add3A_225 : i32
      %dma_start3A_227 = arith.constant 0 : i32
      %dma_start3A_228 = arith.constant 0 : i32
      %dma_start3A_229 = tpu.memref_slice %arg4[%add3A_226, %dma_start3A_228] : memref<172032x448xf32, #tpu.memory_space<hbm>> -> memref<64x448xf32, #tpu.memory_space<hbm>>
      %dma_start3A_230 = tpu.memref_slice %arg11[%dma_start3A_227] : memref<2x!tpu.dma_semaphore, #tpu.memory_space<semaphore_mem>> -> memref<1x!tpu.dma_semaphore, #tpu.memory_space<semaphore_mem>>
      %dma_start3A_231 = tpu.memref_squeeze %dma_start3A_230 : memref<1x!tpu.dma_semaphore, #tpu.memory_space<semaphore_mem>> -> memref<!tpu.dma_semaphore, #tpu.memory_space<semaphore_mem>>
      %dma_start3A_232 = arith.constant 0 : i32
      %dma_start3A_233 = tpu.memref_slice %arg4[%add3A_226, %dma_start3A_232] : memref<172032x448xf32, #tpu.memory_space<hbm>> -> memref<64x448xf32, #tpu.memory_space<hbm>>
      tpu.enqueue_dma source(%arg8 : memref<64x448xf32, #tpu.memory_space<vmem>>) target(%dma_start3A_233 : memref<64x448xf32, #tpu.memory_space<hbm>>) target_semaphore(%dma_start3A_231 : memref<!tpu.dma_semaphore, #tpu.memory_space<semaphore_mem>>)
      %dma_wait3A_234 = arith.constant 1 : i32
      %dma_wait3A_235 = tpu.memref_slice %arg2[%add3A_188, %multiple_of3A] : memref<196608x512xf32, #tpu.memory_space<hbm>> -> memref<64x456xf32, #tpu.memory_space<hbm>>
      %dma_wait3A_236 = tpu.memref_slice %arg10[%dma_wait3A_234] : memref<2x!tpu.dma_semaphore, #tpu.memory_space<semaphore_mem>> -> memref<1x!tpu.dma_semaphore, #tpu.memory_space<semaphore_mem>>
      %dma_wait3A_237 = tpu.memref_squeeze %dma_wait3A_236 : memref<1x!tpu.dma_semaphore, #tpu.memory_space<semaphore_mem>> -> memref<!tpu.dma_semaphore, #tpu.memory_space<semaphore_mem>>
      %dma_wait3A_238 = tpu.memref_slice %arg2[%add3A_188, %multiple_of3A] : memref<196608x512xf32, #tpu.memory_space<hbm>> -> memref<64x456xf32, #tpu.memory_space<hbm>>
      tpu.wait_dma2 semaphore(%dma_wait3A_237 : memref<!tpu.dma_semaphore, #tpu.memory_space<semaphore_mem>>) src(%dma_wait3A_238 : memref<64x456xf32, #tpu.memory_space<hbm>>) dst(%arg7 : memref<64x456xf32, #tpu.memory_space<vmem>>)
      %dma_wait3A_239 = arith.constant 1 : i32
      %dma_wait3A_240 = arith.constant 0 : i32
      %dma_wait3A_241 = tpu.memref_slice %arg4[%add3A_195, %dma_wait3A_240] : memref<172032x448xf32, #tpu.memory_space<hbm>> -> memref<64x448xf32, #tpu.memory_space<hbm>>
      %dma_wait3A_242 = tpu.memref_slice %arg11[%dma_wait3A_239] : memref<2x!tpu.dma_semaphore, #tpu.memory_space<semaphore_mem>> -> memref<1x!tpu.dma_semaphore, #tpu.memory_space<semaphore_mem>>
      %dma_wait3A_243 = tpu.memref_squeeze %dma_wait3A_242 : memref<1x!tpu.dma_semaphore, #tpu.memory_space<semaphore_mem>> -> memref<!tpu.dma_semaphore, #tpu.memory_space<semaphore_mem>>
      %dma_wait3A_244 = arith.constant 0 : i32
      %dma_wait3A_245 = tpu.memref_slice %arg4[%add3A_195, %dma_wait3A_244] : memref<172032x448xf32, #tpu.memory_space<hbm>> -> memref<64x448xf32, #tpu.memory_space<hbm>>
      tpu.wait_dma2 semaphore(%dma_wait3A_243 : memref<!tpu.dma_semaphore, #tpu.memory_space<semaphore_mem>>) src(%arg9 : memref<64x448xf32, #tpu.memory_space<vmem>>) dst(%dma_wait3A_245 : memref<64x448xf32, #tpu.memory_space<hbm>>)
      %parallel_loop3A_246 = arith.constant 0 : i32
      %parallel_loop3A_247 = arith.constant 64 : i32
      %parallel_loop3A_248 = arith.constant 1 : i32
      scf.for %parallel_loop3A_282 = %parallel_loop3A_246 to %parallel_loop3A_247 step %parallel_loop3A_248  : i32 {
        %parallel_loop3A_283 = arith.constant 0 : i32
        %parallel_loop3A_284 = arith.addi %sub3A_68, %parallel_loop3A_283 : i32
        %parallel_loop3A_285 = arith.index_cast %parallel_loop3A_282 : i32 to index
        %parallel_loop3A_286 = arith.index_cast %parallel_loop3A_284 : i32 to index
        %parallel_loop3A_287 = tpu.vector_load %arg7[%parallel_loop3A_285, %parallel_loop3A_286] {strides = array<i32>} : memref<64x456xf32, #tpu.memory_space<vmem>>, vector<16xf32>,
        %parallel_loop3A_288 = arith.index_cast %parallel_loop3A_282 : i32 to index
        %parallel_loop3A_289 = arith.constant 0 : index
        %parallel_loop3A_290 = tpu.vector_load %arg9[%parallel_loop3A_288, %parallel_loop3A_289] {strides = array<i32>} : memref<64x448xf32, #tpu.memory_space<vmem>>, vector<16xf32>,
        tpu.vector_store %arg9[%parallel_loop3A_288, %parallel_loop3A_289], %parallel_loop3A_287 {strides = array<i32>} : memref<64x448xf32, #tpu.memory_space<vmem>>, vector<16xf32>,
        %parallel_loop3A_291 = arith.constant 16 : i32
        %parallel_loop3A_292 = arith.addi %sub3A_68, %parallel_loop3A_291 : i32
        %parallel_loop3A_293 = arith.index_cast %parallel_loop3A_282 : i32 to index
        %parallel_loop3A_294 = arith.index_cast %parallel_loop3A_292 : i32 to index
        %parallel_loop3A_295 = tpu.vector_load %arg7[%parallel_loop3A_293, %parallel_loop3A_294] {strides = array<i32>} : memref<64x456xf32, #tpu.memory_space<vmem>>, vector<16xf32>,
        %parallel_loop3A_296 = arith.index_cast %parallel_loop3A_282 : i32 to index
        %parallel_loop3A_297 = arith.constant 16 : index
        %parallel_loop3A_298 = tpu.vector_load %arg9[%parallel_loop3A_296, %parallel_loop3A_297] {strides = array<i32>} : memref<64x448xf32, #tpu.memory_space<vmem>>, vector<16xf32>,
        tpu.vector_store %arg9[%parallel_loop3A_296, %parallel_loop3A_297], %parallel_loop3A_295 {strides = array<i32>} : memref<64x448xf32, #tpu.memory_space<vmem>>, vector<16xf32>,
        %parallel_loop3A_299 = arith.constant 32 : i32
        %parallel_loop3A_300 = arith.addi %sub3A_68, %parallel_loop3A_299 : i32
        %parallel_loop3A_301 = arith.index_cast %parallel_loop3A_282 : i32 to index
        %parallel_loop3A_302 = arith.index_cast %parallel_loop3A_300 : i32 to index
        %parallel_loop3A_303 = tpu.vector_load %arg7[%parallel_loop3A_301, %parallel_loop3A_302] {strides = array<i32>} : memref<64x456xf32, #tpu.memory_space<vmem>>, vector<16xf32>,
        %parallel_loop3A_304 = arith.index_cast %parallel_loop3A_282 : i32 to index
        %parallel_loop3A_305 = arith.constant 32 : index
        %parallel_loop3A_306 = tpu.vector_load %arg9[%parallel_loop3A_304, %parallel_loop3A_305] {strides = array<i32>} : memref<64x448xf32, #tpu.memory_space<vmem>>, vector<16xf32>,
        tpu.vector_store %arg9[%parallel_loop3A_304, %parallel_loop3A_305], %parallel_loop3A_303 {strides = array<i32>} : memref<64x448xf32, #tpu.memory_space<vmem>>, vector<16xf32>,
        %parallel_loop3A_307 = arith.constant 48 : i32
        %parallel_loop3A_308 = arith.addi %sub3A_68, %parallel_loop3A_307 : i32
        %parallel_loop3A_309 = arith.index_cast %parallel_loop3A_282 : i32 to index
        %parallel_loop3A_310 = arith.index_cast %parallel_loop3A_308 : i32 to index
        %parallel_loop3A_311 = tpu.vector_load %arg7[%parallel_loop3A_309, %parallel_loop3A_310] {strides = array<i32>} : memref<64x456xf32, #tpu.memory_space<vmem>>, vector<16xf32>,
        %parallel_loop3A_312 = arith.index_cast %parallel_loop3A_282 : i32 to index
        %parallel_loop3A_313 = arith.constant 48 : index
        %parallel_loop3A_314 = tpu.vector_load %arg9[%parallel_loop3A_312, %parallel_loop3A_313] {strides = array<i32>} : memref<64x448xf32, #tpu.memory_space<vmem>>, vector<16xf32>,
        tpu.vector_store %arg9[%parallel_loop3A_312, %parallel_loop3A_313], %parallel_loop3A_311 {strides = array<i32>} : memref<64x448xf32, #tpu.memory_space<vmem>>, vector<16xf32>,
        %parallel_loop3A_315 = arith.constant 64 : i32
        %parallel_loop3A_316 = arith.addi %sub3A_68, %parallel_loop3A_315 : i32
        %parallel_loop3A_317 = arith.index_cast %parallel_loop3A_282 : i32 to index
        %parallel_loop3A_318 = arith.index_cast %parallel_loop3A_316 : i32 to index
        %parallel_loop3A_319 = tpu.vector_load %arg7[%parallel_loop3A_317, %parallel_loop3A_318] {strides = array<i32>} : memref<64x456xf32, #tpu.memory_space<vmem>>, vector<16xf32>,
        %parallel_loop3A_320 = arith.index_cast %parallel_loop3A_282 : i32 to index
        %parallel_loop3A_321 = arith.constant 64 : index
        %parallel_loop3A_322 = tpu.vector_load %arg9[%parallel_loop3A_320, %parallel_loop3A_321] {strides = array<i32>} : memref<64x448xf32, #tpu.memory_space<vmem>>, vector<16xf32>,
        tpu.vector_store %arg9[%parallel_loop3A_320, %parallel_loop3A_321], %parallel_loop3A_319 {strides = array<i32>} : memref<64x448xf32, #tpu.memory_space<vmem>>, vector<16xf32>,
        %parallel_loop3A_323 = arith.constant 80 : i32
        %parallel_loop3A_324 = arith.addi %sub3A_68, %parallel_loop3A_323 : i32
        %parallel_loop3A_325 = arith.index_cast %parallel_loop3A_282 : i32 to index
        %parallel_loop3A_326 = arith.index_cast %parallel_loop3A_324 : i32 to index
        %parallel_loop3A_327 = tpu.vector_load %arg7[%parallel_loop3A_325, %parallel_loop3A_326] {strides = array<i32>} : memref<64x456xf32, #tpu.memory_space<vmem>>, vector<16xf32>,
        %parallel_loop3A_328 = arith.index_cast %parallel_loop3A_282 : i32 to index
        %parallel_loop3A_329 = arith.constant 80 : index
        %parallel_loop3A_330 = tpu.vector_load %arg9[%parallel_loop3A_328, %parallel_loop3A_329] {strides = array<i32>} : memref<64x448xf32, #tpu.memory_space<vmem>>, vector<16xf32>,
        tpu.vector_store %arg9[%parallel_loop3A_328, %parallel_loop3A_329], %parallel_loop3A_327 {strides = array<i32>} : memref<64x448xf32, #tpu.memory_space<vmem>>, vector<16xf32>,
        %parallel_loop3A_331 = arith.constant 96 : i32
        %parallel_loop3A_332 = arith.addi %sub3A_68, %parallel_loop3A_331 : i32
        %parallel_loop3A_333 = arith.index_cast %parallel_loop3A_282 : i32 to index
        %parallel_loop3A_334 = arith.index_cast %parallel_loop3A_332 : i32 to index
        %parallel_loop3A_335 = tpu.vector_load %arg7[%parallel_loop3A_333, %parallel_loop3A_334] {strides = array<i32>} : memref<64x456xf32, #tpu.memory_space<vmem>>, vector<16xf32>,
        %parallel_loop3A_336 = arith.index_cast %parallel_loop3A_282 : i32 to index
        %parallel_loop3A_337 = arith.constant 96 : index
        %parallel_loop3A_338 = tpu.vector_load %arg9[%parallel_loop3A_336, %parallel_loop3A_337] {strides = array<i32>} : memref<64x448xf32, #tpu.memory_space<vmem>>, vector<16xf32>,
        tpu.vector_store %arg9[%parallel_loop3A_336, %parallel_loop3A_337], %parallel_loop3A_335 {strides = array<i32>} : memref<64x448xf32, #tpu.memory_space<vmem>>, vector<16xf32>,
        %parallel_loop3A_339 = arith.constant 112 : i32
        %parallel_loop3A_340 = arith.addi %sub3A_68, %parallel_loop3A_339 : i32
        %parallel_loop3A_341 = arith.index_cast %parallel_loop3A_282 : i32 to index
        %parallel_loop3A_342 = arith.index_cast %parallel_loop3A_340 : i32 to index
        %parallel_loop3A_343 = tpu.vector_load %arg7[%parallel_loop3A_341, %parallel_loop3A_342] {strides = array<i32>} : memref<64x456xf32, #tpu.memory_space<vmem>>, vector<16xf32>,
        %parallel_loop3A_344 = arith.index_cast %parallel_loop3A_282 : i32 to index
        %parallel_loop3A_345 = arith.constant 112 : index
        %parallel_loop3A_346 = tpu.vector_load %arg9[%parallel_loop3A_344, %parallel_loop3A_345] {strides = array<i32>} : memref<64x448xf32, #tpu.memory_space<vmem>>, vector<16xf32>,
        tpu.vector_store %arg9[%parallel_loop3A_344, %parallel_loop3A_345], %parallel_loop3A_343 {strides = array<i32>} : memref<64x448xf32, #tpu.memory_space<vmem>>, vector<16xf32>,
        %parallel_loop3A_347 = arith.constant 128 : i32
        %parallel_loop3A_348 = arith.addi %sub3A_68, %parallel_loop3A_347 : i32
        %parallel_loop3A_349 = arith.index_cast %parallel_loop3A_282 : i32 to index
        %parallel_loop3A_350 = arith.index_cast %parallel_loop3A_348 : i32 to index
        %parallel_loop3A_351 = tpu.vector_load %arg7[%parallel_loop3A_349, %parallel_loop3A_350] {strides = array<i32>} : memref<64x456xf32, #tpu.memory_space<vmem>>, vector<16xf32>,
        %parallel_loop3A_352 = arith.index_cast %parallel_loop3A_282 : i32 to index
        %parallel_loop3A_353 = arith.constant 128 : index
        %parallel_loop3A_354 = tpu.vector_load %arg9[%parallel_loop3A_352, %parallel_loop3A_353] {strides = array<i32>} : memref<64x448xf32, #tpu.memory_space<vmem>>, vector<16xf32>,
        tpu.vector_store %arg9[%parallel_loop3A_352, %parallel_loop3A_353], %parallel_loop3A_351 {strides = array<i32>} : memref<64x448xf32, #tpu.memory_space<vmem>>, vector<16xf32>,
        %parallel_loop3A_355 = arith.constant 144 : i32
        %parallel_loop3A_356 = arith.addi %sub3A_68, %parallel_loop3A_355 : i32
        %parallel_loop3A_357 = arith.index_cast %parallel_loop3A_282 : i32 to index
        %parallel_loop3A_358 = arith.index_cast %parallel_loop3A_356 : i32 to index
        %parallel_loop3A_359 = tpu.vector_load %arg7[%parallel_loop3A_357, %parallel_loop3A_358] {strides = array<i32>} : memref<64x456xf32, #tpu.memory_space<vmem>>, vector<16xf32>,
        %parallel_loop3A_360 = arith.index_cast %parallel_loop3A_282 : i32 to index
        %parallel_loop3A_361 = arith.constant 144 : index
        %parallel_loop3A_362 = tpu.vector_load %arg9[%parallel_loop3A_360, %parallel_loop3A_361] {strides = array<i32>} : memref<64x448xf32, #tpu.memory_space<vmem>>, vector<16xf32>,
        tpu.vector_store %arg9[%parallel_loop3A_360, %parallel_loop3A_361], %parallel_loop3A_359 {strides = array<i32>} : memref<64x448xf32, #tpu.memory_space<vmem>>, vector<16xf32>,
        %parallel_loop3A_363 = arith.constant 160 : i32
        %parallel_loop3A_364 = arith.addi %sub3A_68, %parallel_loop3A_363 : i32
        %parallel_loop3A_365 = arith.index_cast %parallel_loop3A_282 : i32 to index
        %parallel_loop3A_366 = arith.index_cast %parallel_loop3A_364 : i32 to index
        %parallel_loop3A_367 = tpu.vector_load %arg7[%parallel_loop3A_365, %parallel_loop3A_366] {strides = array<i32>} : memref<64x456xf32, #tpu.memory_space<vmem>>, vector<16xf32>,
        %parallel_loop3A_368 = arith.index_cast %parallel_loop3A_282 : i32 to index
        %parallel_loop3A_369 = arith.constant 160 : index
        %parallel_loop3A_370 = tpu.vector_load %arg9[%parallel_loop3A_368, %parallel_loop3A_369] {strides = array<i32>} : memref<64x448xf32, #tpu.memory_space<vmem>>, vector<16xf32>,
        tpu.vector_store %arg9[%parallel_loop3A_368, %parallel_loop3A_369], %parallel_loop3A_367 {strides = array<i32>} : memref<64x448xf32, #tpu.memory_space<vmem>>, vector<16xf32>,
        %parallel_loop3A_371 = arith.constant 176 : i32
        %parallel_loop3A_372 = arith.addi %sub3A_68, %parallel_loop3A_371 : i32
        %parallel_loop3A_373 = arith.index_cast %parallel_loop3A_282 : i32 to index
        %parallel_loop3A_374 = arith.index_cast %parallel_loop3A_372 : i32 to index
        %parallel_loop3A_375 = tpu.vector_load %arg7[%parallel_loop3A_373, %parallel_loop3A_374] {strides = array<i32>} : memref<64x456xf32, #tpu.memory_space<vmem>>, vector<16xf32>,
        %parallel_loop3A_376 = arith.index_cast %parallel_loop3A_282 : i32 to index
        %parallel_loop3A_377 = arith.constant 176 : index
        %parallel_loop3A_378 = tpu.vector_load %arg9[%parallel_loop3A_376, %parallel_loop3A_377] {strides = array<i32>} : memref<64x448xf32, #tpu.memory_space<vmem>>, vector<16xf32>,
        tpu.vector_store %arg9[%parallel_loop3A_376, %parallel_loop3A_377], %parallel_loop3A_375 {strides = array<i32>} : memref<64x448xf32, #tpu.memory_space<vmem>>, vector<16xf32>,
        %parallel_loop3A_379 = arith.constant 192 : i32
        %parallel_loop3A_380 = arith.addi %sub3A_68, %parallel_loop3A_379 : i32
        %parallel_loop3A_381 = arith.index_cast %parallel_loop3A_282 : i32 to index
        %parallel_loop3A_382 = arith.index_cast %parallel_loop3A_380 : i32 to index
        %parallel_loop3A_383 = tpu.vector_load %arg7[%parallel_loop3A_381, %parallel_loop3A_382] {strides = array<i32>} : memref<64x456xf32, #tpu.memory_space<vmem>>, vector<16xf32>,
        %parallel_loop3A_384 = arith.index_cast %parallel_loop3A_282 : i32 to index
        %parallel_loop3A_385 = arith.constant 192 : index
        %parallel_loop3A_386 = tpu.vector_load %arg9[%parallel_loop3A_384, %parallel_loop3A_385] {strides = array<i32>} : memref<64x448xf32, #tpu.memory_space<vmem>>, vector<16xf32>,
        tpu.vector_store %arg9[%parallel_loop3A_384, %parallel_loop3A_385], %parallel_loop3A_383 {strides = array<i32>} : memref<64x448xf32, #tpu.memory_space<vmem>>, vector<16xf32>,
        %parallel_loop3A_387 = arith.constant 208 : i32
        %parallel_loop3A_388 = arith.addi %sub3A_68, %parallel_loop3A_387 : i32
        %parallel_loop3A_389 = arith.index_cast %parallel_loop3A_282 : i32 to index
        %parallel_loop3A_390 = arith.index_cast %parallel_loop3A_388 : i32 to index
        %parallel_loop3A_391 = tpu.vector_load %arg7[%parallel_loop3A_389, %parallel_loop3A_390] {strides = array<i32>} : memref<64x456xf32, #tpu.memory_space<vmem>>, vector<16xf32>,
        %parallel_loop3A_392 = arith.index_cast %parallel_loop3A_282 : i32 to index
        %parallel_loop3A_393 = arith.constant 208 : index
        %parallel_loop3A_394 = tpu.vector_load %arg9[%parallel_loop3A_392, %parallel_loop3A_393] {strides = array<i32>} : memref<64x448xf32, #tpu.memory_space<vmem>>, vector<16xf32>,
        tpu.vector_store %arg9[%parallel_loop3A_392, %parallel_loop3A_393], %parallel_loop3A_391 {strides = array<i32>} : memref<64x448xf32, #tpu.memory_space<vmem>>, vector<16xf32>,
        %parallel_loop3A_395 = arith.constant 224 : i32
        %parallel_loop3A_396 = arith.addi %sub3A_68, %parallel_loop3A_395 : i32
        %parallel_loop3A_397 = arith.index_cast %parallel_loop3A_282 : i32 to index
        %parallel_loop3A_398 = arith.index_cast %parallel_loop3A_396 : i32 to index
        %parallel_loop3A_399 = tpu.vector_load %arg7[%parallel_loop3A_397, %parallel_loop3A_398] {strides = array<i32>} : memref<64x456xf32, #tpu.memory_space<vmem>>, vector<16xf32>,
        %parallel_loop3A_400 = arith.index_cast %parallel_loop3A_282 : i32 to index
        %parallel_loop3A_401 = arith.constant 224 : index
        %parallel_loop3A_402 = tpu.vector_load %arg9[%parallel_loop3A_400, %parallel_loop3A_401] {strides = array<i32>} : memref<64x448xf32, #tpu.memory_space<vmem>>, vector<16xf32>,
        tpu.vector_store %arg9[%parallel_loop3A_400, %parallel_loop3A_401], %parallel_loop3A_399 {strides = array<i32>} : memref<64x448xf32, #tpu.memory_space<vmem>>, vector<16xf32>,
        %parallel_loop3A_403 = arith.constant 240 : i32
        %parallel_loop3A_404 = arith.addi %sub3A_68, %parallel_loop3A_403 : i32
        %parallel_loop3A_405 = arith.index_cast %parallel_loop3A_282 : i32 to index
        %parallel_loop3A_406 = arith.index_cast %parallel_loop3A_404 : i32 to index
        %parallel_loop3A_407 = tpu.vector_load %arg7[%parallel_loop3A_405, %parallel_loop3A_406] {strides = array<i32>} : memref<64x456xf32, #tpu.memory_space<vmem>>, vector<16xf32>,
        %parallel_loop3A_408 = arith.index_cast %parallel_loop3A_282 : i32 to index
        %parallel_loop3A_409 = arith.constant 240 : index
        %parallel_loop3A_410 = tpu.vector_load %arg9[%parallel_loop3A_408, %parallel_loop3A_409] {strides = array<i32>} : memref<64x448xf32, #tpu.memory_space<vmem>>, vector<16xf32>,
        tpu.vector_store %arg9[%parallel_loop3A_408, %parallel_loop3A_409], %parallel_loop3A_407 {strides = array<i32>} : memref<64x448xf32, #tpu.memory_space<vmem>>, vector<16xf32>,
        %parallel_loop3A_411 = arith.constant 256 : i32
        %parallel_loop3A_412 = arith.addi %sub3A_68, %parallel_loop3A_411 : i32
        %parallel_loop3A_413 = arith.index_cast %parallel_loop3A_282 : i32 to index
        %parallel_loop3A_414 = arith.index_cast %parallel_loop3A_412 : i32 to index
        %parallel_loop3A_415 = tpu.vector_load %arg7[%parallel_loop3A_413, %parallel_loop3A_414] {strides = array<i32>} : memref<64x456xf32, #tpu.memory_space<vmem>>, vector<16xf32>,
        %parallel_loop3A_416 = arith.index_cast %parallel_loop3A_282 : i32 to index
        %parallel_loop3A_417 = arith.constant 256 : index
        %parallel_loop3A_418 = tpu.vector_load %arg9[%parallel_loop3A_416, %parallel_loop3A_417] {strides = array<i32>} : memref<64x448xf32, #tpu.memory_space<vmem>>, vector<16xf32>,
        tpu.vector_store %arg9[%parallel_loop3A_416, %parallel_loop3A_417], %parallel_loop3A_415 {strides = array<i32>} : memref<64x448xf32, #tpu.memory_space<vmem>>, vector<16xf32>,
        %parallel_loop3A_419 = arith.constant 272 : i32
        %parallel_loop3A_420 = arith.addi %sub3A_68, %parallel_loop3A_419 : i32
        %parallel_loop3A_421 = arith.index_cast %parallel_loop3A_282 : i32 to index
        %parallel_loop3A_422 = arith.index_cast %parallel_loop3A_420 : i32 to index
        %parallel_loop3A_423 = tpu.vector_load %arg7[%parallel_loop3A_421, %parallel_loop3A_422] {strides = array<i32>} : memref<64x456xf32, #tpu.memory_space<vmem>>, vector<16xf32>,
        %parallel_loop3A_424 = arith.index_cast %parallel_loop3A_282 : i32 to index
        %parallel_loop3A_425 = arith.constant 272 : index
        %parallel_loop3A_426 = tpu.vector_load %arg9[%parallel_loop3A_424, %parallel_loop3A_425] {strides = array<i32>} : memref<64x448xf32, #tpu.memory_space<vmem>>, vector<16xf32>,
        tpu.vector_store %arg9[%parallel_loop3A_424, %parallel_loop3A_425], %parallel_loop3A_423 {strides = array<i32>} : memref<64x448xf32, #tpu.memory_space<vmem>>, vector<16xf32>,
        %parallel_loop3A_427 = arith.constant 288 : i32
        %parallel_loop3A_428 = arith.addi %sub3A_68, %parallel_loop3A_427 : i32
        %parallel_loop3A_429 = arith.index_cast %parallel_loop3A_282 : i32 to index
        %parallel_loop3A_430 = arith.index_cast %parallel_loop3A_428 : i32 to index
        %parallel_loop3A_431 = tpu.vector_load %arg7[%parallel_loop3A_429, %parallel_loop3A_430] {strides = array<i32>} : memref<64x456xf32, #tpu.memory_space<vmem>>, vector<16xf32>,
        %parallel_loop3A_432 = arith.index_cast %parallel_loop3A_282 : i32 to index
        %parallel_loop3A_433 = arith.constant 288 : index
        %parallel_loop3A_434 = tpu.vector_load %arg9[%parallel_loop3A_432, %parallel_loop3A_433] {strides = array<i32>} : memref<64x448xf32, #tpu.memory_space<vmem>>, vector<16xf32>,
        tpu.vector_store %arg9[%parallel_loop3A_432, %parallel_loop3A_433], %parallel_loop3A_431 {strides = array<i32>} : memref<64x448xf32, #tpu.memory_space<vmem>>, vector<16xf32>,
        %parallel_loop3A_435 = arith.constant 304 : i32
        %parallel_loop3A_436 = arith.addi %sub3A_68, %parallel_loop3A_435 : i32
        %parallel_loop3A_437 = arith.index_cast %parallel_loop3A_282 : i32 to index
        %parallel_loop3A_438 = arith.index_cast %parallel_loop3A_436 : i32 to index
        %parallel_loop3A_439 = tpu.vector_load %arg7[%parallel_loop3A_437, %parallel_loop3A_438] {strides = array<i32>} : memref<64x456xf32, #tpu.memory_space<vmem>>, vector<16xf32>,
        %parallel_loop3A_440 = arith.index_cast %parallel_loop3A_282 : i32 to index
        %parallel_loop3A_441 = arith.constant 304 : index
        %parallel_loop3A_442 = tpu.vector_load %arg9[%parallel_loop3A_440, %parallel_loop3A_441] {strides = array<i32>} : memref<64x448xf32, #tpu.memory_space<vmem>>, vector<16xf32>,
        tpu.vector_store %arg9[%parallel_loop3A_440, %parallel_loop3A_441], %parallel_loop3A_439 {strides = array<i32>} : memref<64x448xf32, #tpu.memory_space<vmem>>, vector<16xf32>,
        %parallel_loop3A_443 = arith.constant 320 : i32
        %parallel_loop3A_444 = arith.addi %sub3A_68, %parallel_loop3A_443 : i32
        %parallel_loop3A_445 = arith.index_cast %parallel_loop3A_282 : i32 to index
        %parallel_loop3A_446 = arith.index_cast %parallel_loop3A_444 : i32 to index
        %parallel_loop3A_447 = tpu.vector_load %arg7[%parallel_loop3A_445, %parallel_loop3A_446] {strides = array<i32>} : memref<64x456xf32, #tpu.memory_space<vmem>>, vector<16xf32>,
        %parallel_loop3A_448 = arith.index_cast %parallel_loop3A_282 : i32 to index
        %parallel_loop3A_449 = arith.constant 320 : index
        %parallel_loop3A_450 = tpu.vector_load %arg9[%parallel_loop3A_448, %parallel_loop3A_449] {strides = array<i32>} : memref<64x448xf32, #tpu.memory_space<vmem>>, vector<16xf32>,
        tpu.vector_store %arg9[%parallel_loop3A_448, %parallel_loop3A_449], %parallel_loop3A_447 {strides = array<i32>} : memref<64x448xf32, #tpu.memory_space<vmem>>, vector<16xf32>,
        %parallel_loop3A_451 = arith.constant 336 : i32
        %parallel_loop3A_452 = arith.addi %sub3A_68, %parallel_loop3A_451 : i32
        %parallel_loop3A_453 = arith.index_cast %parallel_loop3A_282 : i32 to index
        %parallel_loop3A_454 = arith.index_cast %parallel_loop3A_452 : i32 to index
        %parallel_loop3A_455 = tpu.vector_load %arg7[%parallel_loop3A_453, %parallel_loop3A_454] {strides = array<i32>} : memref<64x456xf32, #tpu.memory_space<vmem>>, vector<16xf32>,
        %parallel_loop3A_456 = arith.index_cast %parallel_loop3A_282 : i32 to index
        %parallel_loop3A_457 = arith.constant 336 : index
        %parallel_loop3A_458 = tpu.vector_load %arg9[%parallel_loop3A_456, %parallel_loop3A_457] {strides = array<i32>} : memref<64x448xf32, #tpu.memory_space<vmem>>, vector<16xf32>,
        tpu.vector_store %arg9[%parallel_loop3A_456, %parallel_loop3A_457], %parallel_loop3A_455 {strides = array<i32>} : memref<64x448xf32, #tpu.memory_space<vmem>>, vector<16xf32>,
        %parallel_loop3A_459 = arith.constant 352 : i32
        %parallel_loop3A_460 = arith.addi %sub3A_68, %parallel_loop3A_459 : i32
        %parallel_loop3A_461 = arith.index_cast %parallel_loop3A_282 : i32 to index
        %parallel_loop3A_462 = arith.index_cast %parallel_loop3A_460 : i32 to index
        %parallel_loop3A_463 = tpu.vector_load %arg7[%parallel_loop3A_461, %parallel_loop3A_462] {strides = array<i32>} : memref<64x456xf32, #tpu.memory_space<vmem>>, vector<16xf32>,
        %parallel_loop3A_464 = arith.index_cast %parallel_loop3A_282 : i32 to index
        %parallel_loop3A_465 = arith.constant 352 : index
        %parallel_loop3A_466 = tpu.vector_load %arg9[%parallel_loop3A_464, %parallel_loop3A_465] {strides = array<i32>} : memref<64x448xf32, #tpu.memory_space<vmem>>, vector<16xf32>,
        tpu.vector_store %arg9[%parallel_loop3A_464, %parallel_loop3A_465], %parallel_loop3A_463 {strides = array<i32>} : memref<64x448xf32, #tpu.memory_space<vmem>>, vector<16xf32>,
        %parallel_loop3A_467 = arith.constant 368 : i32
        %parallel_loop3A_468 = arith.addi %sub3A_68, %parallel_loop3A_467 : i32
        %parallel_loop3A_469 = arith.index_cast %parallel_loop3A_282 : i32 to index
        %parallel_loop3A_470 = arith.index_cast %parallel_loop3A_468 : i32 to index
        %parallel_loop3A_471 = tpu.vector_load %arg7[%parallel_loop3A_469, %parallel_loop3A_470] {strides = array<i32>} : memref<64x456xf32, #tpu.memory_space<vmem>>, vector<16xf32>,
        %parallel_loop3A_472 = arith.index_cast %parallel_loop3A_282 : i32 to index
        %parallel_loop3A_473 = arith.constant 368 : index
        %parallel_loop3A_474 = tpu.vector_load %arg9[%parallel_loop3A_472, %parallel_loop3A_473] {strides = array<i32>} : memref<64x448xf32, #tpu.memory_space<vmem>>, vector<16xf32>,
        tpu.vector_store %arg9[%parallel_loop3A_472, %parallel_loop3A_473], %parallel_loop3A_471 {strides = array<i32>} : memref<64x448xf32, #tpu.memory_space<vmem>>, vector<16xf32>,
        %parallel_loop3A_475 = arith.constant 384 : i32
        %parallel_loop3A_476 = arith.addi %sub3A_68, %parallel_loop3A_475 : i32
        %parallel_loop3A_477 = arith.index_cast %parallel_loop3A_282 : i32 to index
        %parallel_loop3A_478 = arith.index_cast %parallel_loop3A_476 : i32 to index
        %parallel_loop3A_479 = tpu.vector_load %arg7[%parallel_loop3A_477, %parallel_loop3A_478] {strides = array<i32>} : memref<64x456xf32, #tpu.memory_space<vmem>>, vector<16xf32>,
        %parallel_loop3A_480 = arith.index_cast %parallel_loop3A_282 : i32 to index
        %parallel_loop3A_481 = arith.constant 384 : index
        %parallel_loop3A_482 = tpu.vector_load %arg9[%parallel_loop3A_480, %parallel_loop3A_481] {strides = array<i32>} : memref<64x448xf32, #tpu.memory_space<vmem>>, vector<16xf32>,
        tpu.vector_store %arg9[%parallel_loop3A_480, %parallel_loop3A_481], %parallel_loop3A_479 {strides = array<i32>} : memref<64x448xf32, #tpu.memory_space<vmem>>, vector<16xf32>,
        %parallel_loop3A_483 = arith.constant 400 : i32
        %parallel_loop3A_484 = arith.addi %sub3A_68, %parallel_loop3A_483 : i32
        %parallel_loop3A_485 = arith.index_cast %parallel_loop3A_282 : i32 to index
        %parallel_loop3A_486 = arith.index_cast %parallel_loop3A_484 : i32 to index
        %parallel_loop3A_487 = tpu.vector_load %arg7[%parallel_loop3A_485, %parallel_loop3A_486] {strides = array<i32>} : memref<64x456xf32, #tpu.memory_space<vmem>>, vector<16xf32>,
        %parallel_loop3A_488 = arith.index_cast %parallel_loop3A_282 : i32 to index
        %parallel_loop3A_489 = arith.constant 400 : index
        %parallel_loop3A_490 = tpu.vector_load %arg9[%parallel_loop3A_488, %parallel_loop3A_489] {strides = array<i32>} : memref<64x448xf32, #tpu.memory_space<vmem>>, vector<16xf32>,
        tpu.vector_store %arg9[%parallel_loop3A_488, %parallel_loop3A_489], %parallel_loop3A_487 {strides = array<i32>} : memref<64x448xf32, #tpu.memory_space<vmem>>, vector<16xf32>,
        %parallel_loop3A_491 = arith.constant 416 : i32
        %parallel_loop3A_492 = arith.addi %sub3A_68, %parallel_loop3A_491 : i32
        %parallel_loop3A_493 = arith.index_cast %parallel_loop3A_282 : i32 to index
        %parallel_loop3A_494 = arith.index_cast %parallel_loop3A_492 : i32 to index
        %parallel_loop3A_495 = tpu.vector_load %arg7[%parallel_loop3A_493, %parallel_loop3A_494] {strides = array<i32>} : memref<64x456xf32, #tpu.memory_space<vmem>>, vector<16xf32>,
        %parallel_loop3A_496 = arith.index_cast %parallel_loop3A_282 : i32 to index
        %parallel_loop3A_497 = arith.constant 416 : index
        %parallel_loop3A_498 = tpu.vector_load %arg9[%parallel_loop3A_496, %parallel_loop3A_497] {strides = array<i32>} : memref<64x448xf32, #tpu.memory_space<vmem>>, vector<16xf32>,
        tpu.vector_store %arg9[%parallel_loop3A_496, %parallel_loop3A_497], %parallel_loop3A_495 {strides = array<i32>} : memref<64x448xf32, #tpu.memory_space<vmem>>, vector<16xf32>,
        %parallel_loop3A_499 = arith.constant 432 : i32
        %parallel_loop3A_500 = arith.addi %sub3A_68, %parallel_loop3A_499 : i32
        %parallel_loop3A_501 = arith.index_cast %parallel_loop3A_282 : i32 to index
        %parallel_loop3A_502 = arith.index_cast %parallel_loop3A_500 : i32 to index
        %parallel_loop3A_503 = tpu.vector_load %arg7[%parallel_loop3A_501, %parallel_loop3A_502] {strides = array<i32>} : memref<64x456xf32, #tpu.memory_space<vmem>>, vector<16xf32>,
        %parallel_loop3A_504 = arith.index_cast %parallel_loop3A_282 : i32 to index
        %parallel_loop3A_505 = arith.constant 432 : index
        %parallel_loop3A_506 = tpu.vector_load %arg9[%parallel_loop3A_504, %parallel_loop3A_505] {strides = array<i32>} : memref<64x448xf32, #tpu.memory_space<vmem>>, vector<16xf32>,
        tpu.vector_store %arg9[%parallel_loop3A_504, %parallel_loop3A_505], %parallel_loop3A_503 {strides = array<i32>} : memref<64x448xf32, #tpu.memory_space<vmem>>, vector<16xf32>,
      } {sc.loop_unroll_factor = 2 : i64, sc.parallel_access}
      %add3A_249 = arith.constant 320 : i32
      %add3A_250 = arith.addi %mul3A_73, %add3A_249 : i32
      %dma_start3A_251 = arith.constant 1 : i32
      %dma_start3A_252 = arith.constant 0 : i32
      %dma_start3A_253 = tpu.memref_slice %arg4[%add3A_250, %dma_start3A_252] : memref<172032x448xf32, #tpu.memory_space<hbm>> -> memref<64x448xf32, #tpu.memory_space<hbm>>
      %dma_start3A_254 = tpu.memref_slice %arg11[%dma_start3A_251] : memref<2x!tpu.dma_semaphore, #tpu.memory_space<semaphore_mem>> -> memref<1x!tpu.dma_semaphore, #tpu.memory_space<semaphore_mem>>
      %dma_start3A_255 = tpu.memref_squeeze %dma_start3A_254 : memref<1x!tpu.dma_semaphore, #tpu.memory_space<semaphore_mem>> -> memref<!tpu.dma_semaphore, #tpu.memory_space<semaphore_mem>>
      %dma_start3A_256 = arith.constant 0 : i32
      %dma_start3A_257 = tpu.memref_slice %arg4[%add3A_250, %dma_start3A_256] : memref<172032x448xf32, #tpu.memory_space<hbm>> -> memref<64x448xf32, #tpu.memory_space<hbm>>
      tpu.enqueue_dma source(%arg9 : memref<64x448xf32, #tpu.memory_space<vmem>>) target(%dma_start3A_257 : memref<64x448xf32, #tpu.memory_space<hbm>>) target_semaphore(%dma_start3A_255 : memref<!tpu.dma_semaphore, #tpu.memory_space<semaphore_mem>>)
      %dma_wait3A_258 = arith.constant 0 : i32
      %dma_wait3A_259 = tpu.memref_slice %arg2[%add3A_219, %multiple_of3A] : memref<196608x512xf32, #tpu.memory_space<hbm>> -> memref<64x456xf32, #tpu.memory_space<hbm>>
      %dma_wait3A_260 = tpu.memref_slice %arg10[%dma_wait3A_258] : memref<2x!tpu.dma_semaphore, #tpu.memory_space<semaphore_mem>> -> memref<1x!tpu.dma_semaphore, #tpu.memory_space<semaphore_mem>>
      %dma_wait3A_261 = tpu.memref_squeeze %dma_wait3A_260 : memref<1x!tpu.dma_semaphore, #tpu.memory_space<semaphore_mem>> -> memref<!tpu.dma_semaphore, #tpu.memory_space<semaphore_mem>>
      %dma_wait3A_262 = tpu.memref_slice %arg2[%add3A_219, %multiple_of3A] : memref<196608x512xf32, #tpu.memory_space<hbm>> -> memref<64x456xf32, #tpu.memory_space<hbm>>
      tpu.wait_dma2 semaphore(%dma_wait3A_261 : memref<!tpu.dma_semaphore, #tpu.memory_space<semaphore_mem>>) src(%dma_wait3A_262 : memref<64x456xf32, #tpu.memory_space<hbm>>) dst(%arg6 : memref<64x456xf32, #tpu.memory_space<vmem>>)
      %dma_wait3A_263 = arith.constant 0 : i32
      %dma_wait3A_264 = arith.constant 0 : i32
      %dma_wait3A_265 = tpu.memref_slice %arg4[%add3A_226, %dma_wait3A_264] : memref<172032x448xf32, #tpu.memory_space<hbm>> -> memref<64x448xf32, #tpu.memory_space<hbm>>
      %dma_wait3A_266 = tpu.memref_slice %arg11[%dma_wait3A_263] : memref<2x!tpu.dma_semaphore, #tpu.memory_space<semaphore_mem>> -> memref<1x!tpu.dma_semaphore, #tpu.memory_space<semaphore_mem>>
      %dma_wait3A_267 = tpu.memref_squeeze %dma_wait3A_266 : memref<1x!tpu.dma_semaphore, #tpu.memory_space<semaphore_mem>> -> memref<!tpu.dma_semaphore, #tpu.memory_space<semaphore_mem>>
      %dma_wait3A_268 = arith.constant 0 : i32
      %dma_wait3A_269 = tpu.memref_slice %arg4[%add3A_226, %dma_wait3A_268] : memref<172032x448xf32, #tpu.memory_space<hbm>> -> memref<64x448xf32, #tpu.memory_space<hbm>>
      tpu.wait_dma2 semaphore(%dma_wait3A_267 : memref<!tpu.dma_semaphore, #tpu.memory_space<semaphore_mem>>) src(%arg8 : memref<64x448xf32, #tpu.memory_space<vmem>>) dst(%dma_wait3A_269 : memref<64x448xf32, #tpu.memory_space<hbm>>)
      %parallel_loop3A_270 = arith.constant 0 : i32
      %parallel_loop3A_271 = arith.constant 64 : i32
      %parallel_loop3A_272 = arith.constant 1 : i32
      scf.for %parallel_loop3A_282 = %parallel_loop3A_270 to %parallel_loop3A_271 step %parallel_loop3A_272  : i32 {
        %parallel_loop3A_283 = arith.constant 0 : i32
        %parallel_loop3A_284 = arith.addi %sub3A_68, %parallel_loop3A_283 : i32
        %parallel_loop3A_285 = arith.index_cast %parallel_loop3A_282 : i32 to index
        %parallel_loop3A_286 = arith.index_cast %parallel_loop3A_284 : i32 to index
        %parallel_loop3A_287 = tpu.vector_load %arg6[%parallel_loop3A_285, %parallel_loop3A_286] {strides = array<i32>} : memref<64x456xf32, #tpu.memory_space<vmem>>, vector<16xf32>,
        %parallel_loop3A_288 = arith.index_cast %parallel_loop3A_282 : i32 to index
        %parallel_loop3A_289 = arith.constant 0 : index
        %parallel_loop3A_290 = tpu.vector_load %arg8[%parallel_loop3A_288, %parallel_loop3A_289] {strides = array<i32>} : memref<64x448xf32, #tpu.memory_space<vmem>>, vector<16xf32>,
        tpu.vector_store %arg8[%parallel_loop3A_288, %parallel_loop3A_289], %parallel_loop3A_287 {strides = array<i32>} : memref<64x448xf32, #tpu.memory_space<vmem>>, vector<16xf32>,
        %parallel_loop3A_291 = arith.constant 16 : i32
        %parallel_loop3A_292 = arith.addi %sub3A_68, %parallel_loop3A_291 : i32
        %parallel_loop3A_293 = arith.index_cast %parallel_loop3A_282 : i32 to index
        %parallel_loop3A_294 = arith.index_cast %parallel_loop3A_292 : i32 to index
        %parallel_loop3A_295 = tpu.vector_load %arg6[%parallel_loop3A_293, %parallel_loop3A_294] {strides = array<i32>} : memref<64x456xf32, #tpu.memory_space<vmem>>, vector<16xf32>,
        %parallel_loop3A_296 = arith.index_cast %parallel_loop3A_282 : i32 to index
        %parallel_loop3A_297 = arith.constant 16 : index
        %parallel_loop3A_298 = tpu.vector_load %arg8[%parallel_loop3A_296, %parallel_loop3A_297] {strides = array<i32>} : memref<64x448xf32, #tpu.memory_space<vmem>>, vector<16xf32>,
        tpu.vector_store %arg8[%parallel_loop3A_296, %parallel_loop3A_297], %parallel_loop3A_295 {strides = array<i32>} : memref<64x448xf32, #tpu.memory_space<vmem>>, vector<16xf32>,
        %parallel_loop3A_299 = arith.constant 32 : i32
        %parallel_loop3A_300 = arith.addi %sub3A_68, %parallel_loop3A_299 : i32
        %parallel_loop3A_301 = arith.index_cast %parallel_loop3A_282 : i32 to index
        %parallel_loop3A_302 = arith.index_cast %parallel_loop3A_300 : i32 to index
        %parallel_loop3A_303 = tpu.vector_load %arg6[%parallel_loop3A_301, %parallel_loop3A_302] {strides = array<i32>} : memref<64x456xf32, #tpu.memory_space<vmem>>, vector<16xf32>,
        %parallel_loop3A_304 = arith.index_cast %parallel_loop3A_282 : i32 to index
        %parallel_loop3A_305 = arith.constant 32 : index
        %parallel_loop3A_306 = tpu.vector_load %arg8[%parallel_loop3A_304, %parallel_loop3A_305] {strides = array<i32>} : memref<64x448xf32, #tpu.memory_space<vmem>>, vector<16xf32>,
        tpu.vector_store %arg8[%parallel_loop3A_304, %parallel_loop3A_305], %parallel_loop3A_303 {strides = array<i32>} : memref<64x448xf32, #tpu.memory_space<vmem>>, vector<16xf32>,
        %parallel_loop3A_307 = arith.constant 48 : i32
        %parallel_loop3A_308 = arith.addi %sub3A_68, %parallel_loop3A_307 : i32
        %parallel_loop3A_309 = arith.index_cast %parallel_loop3A_282 : i32 to index
        %parallel_loop3A_310 = arith.index_cast %parallel_loop3A_308 : i32 to index
        %parallel_loop3A_311 = tpu.vector_load %arg6[%parallel_loop3A_309, %parallel_loop3A_310] {strides = array<i32>} : memref<64x456xf32, #tpu.memory_space<vmem>>, vector<16xf32>,
        %parallel_loop3A_312 = arith.index_cast %parallel_loop3A_282 : i32 to index
        %parallel_loop3A_313 = arith.constant 48 : index
        %parallel_loop3A_314 = tpu.vector_load %arg8[%parallel_loop3A_312, %parallel_loop3A_313] {strides = array<i32>} : memref<64x448xf32, #tpu.memory_space<vmem>>, vector<16xf32>,
        tpu.vector_store %arg8[%parallel_loop3A_312, %parallel_loop3A_313], %parallel_loop3A_311 {strides = array<i32>} : memref<64x448xf32, #tpu.memory_space<vmem>>, vector<16xf32>,
        %parallel_loop3A_315 = arith.constant 64 : i32
        %parallel_loop3A_316 = arith.addi %sub3A_68, %parallel_loop3A_315 : i32
        %parallel_loop3A_317 = arith.index_cast %parallel_loop3A_282 : i32 to index
        %parallel_loop3A_318 = arith.index_cast %parallel_loop3A_316 : i32 to index
        %parallel_loop3A_319 = tpu.vector_load %arg6[%parallel_loop3A_317, %parallel_loop3A_318] {strides = array<i32>} : memref<64x456xf32, #tpu.memory_space<vmem>>, vector<16xf32>,
        %parallel_loop3A_320 = arith.index_cast %parallel_loop3A_282 : i32 to index
        %parallel_loop3A_321 = arith.constant 64 : index
        %parallel_loop3A_322 = tpu.vector_load %arg8[%parallel_loop3A_320, %parallel_loop3A_321] {strides = array<i32>} : memref<64x448xf32, #tpu.memory_space<vmem>>, vector<16xf32>,
        tpu.vector_store %arg8[%parallel_loop3A_320, %parallel_loop3A_321], %parallel_loop3A_319 {strides = array<i32>} : memref<64x448xf32, #tpu.memory_space<vmem>>, vector<16xf32>,
        %parallel_loop3A_323 = arith.constant 80 : i32
        %parallel_loop3A_324 = arith.addi %sub3A_68, %parallel_loop3A_323 : i32
        %parallel_loop3A_325 = arith.index_cast %parallel_loop3A_282 : i32 to index
        %parallel_loop3A_326 = arith.index_cast %parallel_loop3A_324 : i32 to index
        %parallel_loop3A_327 = tpu.vector_load %arg6[%parallel_loop3A_325, %parallel_loop3A_326] {strides = array<i32>} : memref<64x456xf32, #tpu.memory_space<vmem>>, vector<16xf32>,
        %parallel_loop3A_328 = arith.index_cast %parallel_loop3A_282 : i32 to index
        %parallel_loop3A_329 = arith.constant 80 : index
        %parallel_loop3A_330 = tpu.vector_load %arg8[%parallel_loop3A_328, %parallel_loop3A_329] {strides = array<i32>} : memref<64x448xf32, #tpu.memory_space<vmem>>, vector<16xf32>,
        tpu.vector_store %arg8[%parallel_loop3A_328, %parallel_loop3A_329], %parallel_loop3A_327 {strides = array<i32>} : memref<64x448xf32, #tpu.memory_space<vmem>>, vector<16xf32>,
        %parallel_loop3A_331 = arith.constant 96 : i32
        %parallel_loop3A_332 = arith.addi %sub3A_68, %parallel_loop3A_331 : i32
        %parallel_loop3A_333 = arith.index_cast %parallel_loop3A_282 : i32 to index
        %parallel_loop3A_334 = arith.index_cast %parallel_loop3A_332 : i32 to index
        %parallel_loop3A_335 = tpu.vector_load %arg6[%parallel_loop3A_333, %parallel_loop3A_334] {strides = array<i32>} : memref<64x456xf32, #tpu.memory_space<vmem>>, vector<16xf32>,
        %parallel_loop3A_336 = arith.index_cast %parallel_loop3A_282 : i32 to index
        %parallel_loop3A_337 = arith.constant 96 : index
        %parallel_loop3A_338 = tpu.vector_load %arg8[%parallel_loop3A_336, %parallel_loop3A_337] {strides = array<i32>} : memref<64x448xf32, #tpu.memory_space<vmem>>, vector<16xf32>,
        tpu.vector_store %arg8[%parallel_loop3A_336, %parallel_loop3A_337], %parallel_loop3A_335 {strides = array<i32>} : memref<64x448xf32, #tpu.memory_space<vmem>>, vector<16xf32>,
        %parallel_loop3A_339 = arith.constant 112 : i32
        %parallel_loop3A_340 = arith.addi %sub3A_68, %parallel_loop3A_339 : i32
        %parallel_loop3A_341 = arith.index_cast %parallel_loop3A_282 : i32 to index
        %parallel_loop3A_342 = arith.index_cast %parallel_loop3A_340 : i32 to index
        %parallel_loop3A_343 = tpu.vector_load %arg6[%parallel_loop3A_341, %parallel_loop3A_342] {strides = array<i32>} : memref<64x456xf32, #tpu.memory_space<vmem>>, vector<16xf32>,
        %parallel_loop3A_344 = arith.index_cast %parallel_loop3A_282 : i32 to index
        %parallel_loop3A_345 = arith.constant 112 : index
        %parallel_loop3A_346 = tpu.vector_load %arg8[%parallel_loop3A_344, %parallel_loop3A_345] {strides = array<i32>} : memref<64x448xf32, #tpu.memory_space<vmem>>, vector<16xf32>,
        tpu.vector_store %arg8[%parallel_loop3A_344, %parallel_loop3A_345], %parallel_loop3A_343 {strides = array<i32>} : memref<64x448xf32, #tpu.memory_space<vmem>>, vector<16xf32>,
        %parallel_loop3A_347 = arith.constant 128 : i32
        %parallel_loop3A_348 = arith.addi %sub3A_68, %parallel_loop3A_347 : i32
        %parallel_loop3A_349 = arith.index_cast %parallel_loop3A_282 : i32 to index
        %parallel_loop3A_350 = arith.index_cast %parallel_loop3A_348 : i32 to index
        %parallel_loop3A_351 = tpu.vector_load %arg6[%parallel_loop3A_349, %parallel_loop3A_350] {strides = array<i32>} : memref<64x456xf32, #tpu.memory_space<vmem>>, vector<16xf32>,
        %parallel_loop3A_352 = arith.index_cast %parallel_loop3A_282 : i32 to index
        %parallel_loop3A_353 = arith.constant 128 : index
        %parallel_loop3A_354 = tpu.vector_load %arg8[%parallel_loop3A_352, %parallel_loop3A_353] {strides = array<i32>} : memref<64x448xf32, #tpu.memory_space<vmem>>, vector<16xf32>,
        tpu.vector_store %arg8[%parallel_loop3A_352, %parallel_loop3A_353], %parallel_loop3A_351 {strides = array<i32>} : memref<64x448xf32, #tpu.memory_space<vmem>>, vector<16xf32>,
        %parallel_loop3A_355 = arith.constant 144 : i32
        %parallel_loop3A_356 = arith.addi %sub3A_68, %parallel_loop3A_355 : i32
        %parallel_loop3A_357 = arith.index_cast %parallel_loop3A_282 : i32 to index
        %parallel_loop3A_358 = arith.index_cast %parallel_loop3A_356 : i32 to index
        %parallel_loop3A_359 = tpu.vector_load %arg6[%parallel_loop3A_357, %parallel_loop3A_358] {strides = array<i32>} : memref<64x456xf32, #tpu.memory_space<vmem>>, vector<16xf32>,
        %parallel_loop3A_360 = arith.index_cast %parallel_loop3A_282 : i32 to index
        %parallel_loop3A_361 = arith.constant 144 : index
        %parallel_loop3A_362 = tpu.vector_load %arg8[%parallel_loop3A_360, %parallel_loop3A_361] {strides = array<i32>} : memref<64x448xf32, #tpu.memory_space<vmem>>, vector<16xf32>,
        tpu.vector_store %arg8[%parallel_loop3A_360, %parallel_loop3A_361], %parallel_loop3A_359 {strides = array<i32>} : memref<64x448xf32, #tpu.memory_space<vmem>>, vector<16xf32>,
        %parallel_loop3A_363 = arith.constant 160 : i32
        %parallel_loop3A_364 = arith.addi %sub3A_68, %parallel_loop3A_363 : i32
        %parallel_loop3A_365 = arith.index_cast %parallel_loop3A_282 : i32 to index
        %parallel_loop3A_366 = arith.index_cast %parallel_loop3A_364 : i32 to index
        %parallel_loop3A_367 = tpu.vector_load %arg6[%parallel_loop3A_365, %parallel_loop3A_366] {strides = array<i32>} : memref<64x456xf32, #tpu.memory_space<vmem>>, vector<16xf32>,
        %parallel_loop3A_368 = arith.index_cast %parallel_loop3A_282 : i32 to index
        %parallel_loop3A_369 = arith.constant 160 : index
        %parallel_loop3A_370 = tpu.vector_load %arg8[%parallel_loop3A_368, %parallel_loop3A_369] {strides = array<i32>} : memref<64x448xf32, #tpu.memory_space<vmem>>, vector<16xf32>,
        tpu.vector_store %arg8[%parallel_loop3A_368, %parallel_loop3A_369], %parallel_loop3A_367 {strides = array<i32>} : memref<64x448xf32, #tpu.memory_space<vmem>>, vector<16xf32>,
        %parallel_loop3A_371 = arith.constant 176 : i32
        %parallel_loop3A_372 = arith.addi %sub3A_68, %parallel_loop3A_371 : i32
        %parallel_loop3A_373 = arith.index_cast %parallel_loop3A_282 : i32 to index
        %parallel_loop3A_374 = arith.index_cast %parallel_loop3A_372 : i32 to index
        %parallel_loop3A_375 = tpu.vector_load %arg6[%parallel_loop3A_373, %parallel_loop3A_374] {strides = array<i32>} : memref<64x456xf32, #tpu.memory_space<vmem>>, vector<16xf32>,
        %parallel_loop3A_376 = arith.index_cast %parallel_loop3A_282 : i32 to index
        %parallel_loop3A_377 = arith.constant 176 : index
        %parallel_loop3A_378 = tpu.vector_load %arg8[%parallel_loop3A_376, %parallel_loop3A_377] {strides = array<i32>} : memref<64x448xf32, #tpu.memory_space<vmem>>, vector<16xf32>,
        tpu.vector_store %arg8[%parallel_loop3A_376, %parallel_loop3A_377], %parallel_loop3A_375 {strides = array<i32>} : memref<64x448xf32, #tpu.memory_space<vmem>>, vector<16xf32>,
        %parallel_loop3A_379 = arith.constant 192 : i32
        %parallel_loop3A_380 = arith.addi %sub3A_68, %parallel_loop3A_379 : i32
        %parallel_loop3A_381 = arith.index_cast %parallel_loop3A_282 : i32 to index
        %parallel_loop3A_382 = arith.index_cast %parallel_loop3A_380 : i32 to index
        %parallel_loop3A_383 = tpu.vector_load %arg6[%parallel_loop3A_381, %parallel_loop3A_382] {strides = array<i32>} : memref<64x456xf32, #tpu.memory_space<vmem>>, vector<16xf32>,
        %parallel_loop3A_384 = arith.index_cast %parallel_loop3A_282 : i32 to index
        %parallel_loop3A_385 = arith.constant 192 : index
        %parallel_loop3A_386 = tpu.vector_load %arg8[%parallel_loop3A_384, %parallel_loop3A_385] {strides = array<i32>} : memref<64x448xf32, #tpu.memory_space<vmem>>, vector<16xf32>,
        tpu.vector_store %arg8[%parallel_loop3A_384, %parallel_loop3A_385], %parallel_loop3A_383 {strides = array<i32>} : memref<64x448xf32, #tpu.memory_space<vmem>>, vector<16xf32>,
        %parallel_loop3A_387 = arith.constant 208 : i32
        %parallel_loop3A_388 = arith.addi %sub3A_68, %parallel_loop3A_387 : i32
        %parallel_loop3A_389 = arith.index_cast %parallel_loop3A_282 : i32 to index
        %parallel_loop3A_390 = arith.index_cast %parallel_loop3A_388 : i32 to index
        %parallel_loop3A_391 = tpu.vector_load %arg6[%parallel_loop3A_389, %parallel_loop3A_390] {strides = array<i32>} : memref<64x456xf32, #tpu.memory_space<vmem>>, vector<16xf32>,
        %parallel_loop3A_392 = arith.index_cast %parallel_loop3A_282 : i32 to index
        %parallel_loop3A_393 = arith.constant 208 : index
        %parallel_loop3A_394 = tpu.vector_load %arg8[%parallel_loop3A_392, %parallel_loop3A_393] {strides = array<i32>} : memref<64x448xf32, #tpu.memory_space<vmem>>, vector<16xf32>,
        tpu.vector_store %arg8[%parallel_loop3A_392, %parallel_loop3A_393], %parallel_loop3A_391 {strides = array<i32>} : memref<64x448xf32, #tpu.memory_space<vmem>>, vector<16xf32>,
        %parallel_loop3A_395 = arith.constant 224 : i32
        %parallel_loop3A_396 = arith.addi %sub3A_68, %parallel_loop3A_395 : i32
        %parallel_loop3A_397 = arith.index_cast %parallel_loop3A_282 : i32 to index
        %parallel_loop3A_398 = arith.index_cast %parallel_loop3A_396 : i32 to index
        %parallel_loop3A_399 = tpu.vector_load %arg6[%parallel_loop3A_397, %parallel_loop3A_398] {strides = array<i32>} : memref<64x456xf32, #tpu.memory_space<vmem>>, vector<16xf32>,
        %parallel_loop3A_400 = arith.index_cast %parallel_loop3A_282 : i32 to index
        %parallel_loop3A_401 = arith.constant 224 : index
        %parallel_loop3A_402 = tpu.vector_load %arg8[%parallel_loop3A_400, %parallel_loop3A_401] {strides = array<i32>} : memref<64x448xf32, #tpu.memory_space<vmem>>, vector<16xf32>,
        tpu.vector_store %arg8[%parallel_loop3A_400, %parallel_loop3A_401], %parallel_loop3A_399 {strides = array<i32>} : memref<64x448xf32, #tpu.memory_space<vmem>>, vector<16xf32>,
        %parallel_loop3A_403 = arith.constant 240 : i32
        %parallel_loop3A_404 = arith.addi %sub3A_68, %parallel_loop3A_403 : i32
        %parallel_loop3A_405 = arith.index_cast %parallel_loop3A_282 : i32 to index
        %parallel_loop3A_406 = arith.index_cast %parallel_loop3A_404 : i32 to index
        %parallel_loop3A_407 = tpu.vector_load %arg6[%parallel_loop3A_405, %parallel_loop3A_406] {strides = array<i32>} : memref<64x456xf32, #tpu.memory_space<vmem>>, vector<16xf32>,
        %parallel_loop3A_408 = arith.index_cast %parallel_loop3A_282 : i32 to index
        %parallel_loop3A_409 = arith.constant 240 : index
        %parallel_loop3A_410 = tpu.vector_load %arg8[%parallel_loop3A_408, %parallel_loop3A_409] {strides = array<i32>} : memref<64x448xf32, #tpu.memory_space<vmem>>, vector<16xf32>,
        tpu.vector_store %arg8[%parallel_loop3A_408, %parallel_loop3A_409], %parallel_loop3A_407 {strides = array<i32>} : memref<64x448xf32, #tpu.memory_space<vmem>>, vector<16xf32>,
        %parallel_loop3A_411 = arith.constant 256 : i32
        %parallel_loop3A_412 = arith.addi %sub3A_68, %parallel_loop3A_411 : i32
        %parallel_loop3A_413 = arith.index_cast %parallel_loop3A_282 : i32 to index
        %parallel_loop3A_414 = arith.index_cast %parallel_loop3A_412 : i32 to index
        %parallel_loop3A_415 = tpu.vector_load %arg6[%parallel_loop3A_413, %parallel_loop3A_414] {strides = array<i32>} : memref<64x456xf32, #tpu.memory_space<vmem>>, vector<16xf32>,
        %parallel_loop3A_416 = arith.index_cast %parallel_loop3A_282 : i32 to index
        %parallel_loop3A_417 = arith.constant 256 : index
        %parallel_loop3A_418 = tpu.vector_load %arg8[%parallel_loop3A_416, %parallel_loop3A_417] {strides = array<i32>} : memref<64x448xf32, #tpu.memory_space<vmem>>, vector<16xf32>,
        tpu.vector_store %arg8[%parallel_loop3A_416, %parallel_loop3A_417], %parallel_loop3A_415 {strides = array<i32>} : memref<64x448xf32, #tpu.memory_space<vmem>>, vector<16xf32>,
        %parallel_loop3A_419 = arith.constant 272 : i32
        %parallel_loop3A_420 = arith.addi %sub3A_68, %parallel_loop3A_419 : i32
        %parallel_loop3A_421 = arith.index_cast %parallel_loop3A_282 : i32 to index
        %parallel_loop3A_422 = arith.index_cast %parallel_loop3A_420 : i32 to index
        %parallel_loop3A_423 = tpu.vector_load %arg6[%parallel_loop3A_421, %parallel_loop3A_422] {strides = array<i32>} : memref<64x456xf32, #tpu.memory_space<vmem>>, vector<16xf32>,
        %parallel_loop3A_424 = arith.index_cast %parallel_loop3A_282 : i32 to index
        %parallel_loop3A_425 = arith.constant 272 : index
        %parallel_loop3A_426 = tpu.vector_load %arg8[%parallel_loop3A_424, %parallel_loop3A_425] {strides = array<i32>} : memref<64x448xf32, #tpu.memory_space<vmem>>, vector<16xf32>,
        tpu.vector_store %arg8[%parallel_loop3A_424, %parallel_loop3A_425], %parallel_loop3A_423 {strides = array<i32>} : memref<64x448xf32, #tpu.memory_space<vmem>>, vector<16xf32>,
        %parallel_loop3A_427 = arith.constant 288 : i32
        %parallel_loop3A_428 = arith.addi %sub3A_68, %parallel_loop3A_427 : i32
        %parallel_loop3A_429 = arith.index_cast %parallel_loop3A_282 : i32 to index
        %parallel_loop3A_430 = arith.index_cast %parallel_loop3A_428 : i32 to index
        %parallel_loop3A_431 = tpu.vector_load %arg6[%parallel_loop3A_429, %parallel_loop3A_430] {strides = array<i32>} : memref<64x456xf32, #tpu.memory_space<vmem>>, vector<16xf32>,
        %parallel_loop3A_432 = arith.index_cast %parallel_loop3A_282 : i32 to index
        %parallel_loop3A_433 = arith.constant 288 : index
        %parallel_loop3A_434 = tpu.vector_load %arg8[%parallel_loop3A_432, %parallel_loop3A_433] {strides = array<i32>} : memref<64x448xf32, #tpu.memory_space<vmem>>, vector<16xf32>,
        tpu.vector_store %arg8[%parallel_loop3A_432, %parallel_loop3A_433], %parallel_loop3A_431 {strides = array<i32>} : memref<64x448xf32, #tpu.memory_space<vmem>>, vector<16xf32>,
        %parallel_loop3A_435 = arith.constant 304 : i32
        %parallel_loop3A_436 = arith.addi %sub3A_68, %parallel_loop3A_435 : i32
        %parallel_loop3A_437 = arith.index_cast %parallel_loop3A_282 : i32 to index
        %parallel_loop3A_438 = arith.index_cast %parallel_loop3A_436 : i32 to index
        %parallel_loop3A_439 = tpu.vector_load %arg6[%parallel_loop3A_437, %parallel_loop3A_438] {strides = array<i32>} : memref<64x456xf32, #tpu.memory_space<vmem>>, vector<16xf32>,
        %parallel_loop3A_440 = arith.index_cast %parallel_loop3A_282 : i32 to index
        %parallel_loop3A_441 = arith.constant 304 : index
        %parallel_loop3A_442 = tpu.vector_load %arg8[%parallel_loop3A_440, %parallel_loop3A_441] {strides = array<i32>} : memref<64x448xf32, #tpu.memory_space<vmem>>, vector<16xf32>,
        tpu.vector_store %arg8[%parallel_loop3A_440, %parallel_loop3A_441], %parallel_loop3A_439 {strides = array<i32>} : memref<64x448xf32, #tpu.memory_space<vmem>>, vector<16xf32>,
        %parallel_loop3A_443 = arith.constant 320 : i32
        %parallel_loop3A_444 = arith.addi %sub3A_68, %parallel_loop3A_443 : i32
        %parallel_loop3A_445 = arith.index_cast %parallel_loop3A_282 : i32 to index
        %parallel_loop3A_446 = arith.index_cast %parallel_loop3A_444 : i32 to index
        %parallel_loop3A_447 = tpu.vector_load %arg6[%parallel_loop3A_445, %parallel_loop3A_446] {strides = array<i32>} : memref<64x456xf32, #tpu.memory_space<vmem>>, vector<16xf32>,
        %parallel_loop3A_448 = arith.index_cast %parallel_loop3A_282 : i32 to index
        %parallel_loop3A_449 = arith.constant 320 : index
        %parallel_loop3A_450 = tpu.vector_load %arg8[%parallel_loop3A_448, %parallel_loop3A_449] {strides = array<i32>} : memref<64x448xf32, #tpu.memory_space<vmem>>, vector<16xf32>,
        tpu.vector_store %arg8[%parallel_loop3A_448, %parallel_loop3A_449], %parallel_loop3A_447 {strides = array<i32>} : memref<64x448xf32, #tpu.memory_space<vmem>>, vector<16xf32>,
        %parallel_loop3A_451 = arith.constant 336 : i32
        %parallel_loop3A_452 = arith.addi %sub3A_68, %parallel_loop3A_451 : i32
        %parallel_loop3A_453 = arith.index_cast %parallel_loop3A_282 : i32 to index
        %parallel_loop3A_454 = arith.index_cast %parallel_loop3A_452 : i32 to index
        %parallel_loop3A_455 = tpu.vector_load %arg6[%parallel_loop3A_453, %parallel_loop3A_454] {strides = array<i32>} : memref<64x456xf32, #tpu.memory_space<vmem>>, vector<16xf32>,
        %parallel_loop3A_456 = arith.index_cast %parallel_loop3A_282 : i32 to index
        %parallel_loop3A_457 = arith.constant 336 : index
        %parallel_loop3A_458 = tpu.vector_load %arg8[%parallel_loop3A_456, %parallel_loop3A_457] {strides = array<i32>} : memref<64x448xf32, #tpu.memory_space<vmem>>, vector<16xf32>,
        tpu.vector_store %arg8[%parallel_loop3A_456, %parallel_loop3A_457], %parallel_loop3A_455 {strides = array<i32>} : memref<64x448xf32, #tpu.memory_space<vmem>>, vector<16xf32>,
        %parallel_loop3A_459 = arith.constant 352 : i32
        %parallel_loop3A_460 = arith.addi %sub3A_68, %parallel_loop3A_459 : i32
        %parallel_loop3A_461 = arith.index_cast %parallel_loop3A_282 : i32 to index
        %parallel_loop3A_462 = arith.index_cast %parallel_loop3A_460 : i32 to index
        %parallel_loop3A_463 = tpu.vector_load %arg6[%parallel_loop3A_461, %parallel_loop3A_462] {strides = array<i32>} : memref<64x456xf32, #tpu.memory_space<vmem>>, vector<16xf32>,
        %parallel_loop3A_464 = arith.index_cast %parallel_loop3A_282 : i32 to index
        %parallel_loop3A_465 = arith.constant 352 : index
        %parallel_loop3A_466 = tpu.vector_load %arg8[%parallel_loop3A_464, %parallel_loop3A_465] {strides = array<i32>} : memref<64x448xf32, #tpu.memory_space<vmem>>, vector<16xf32>,
        tpu.vector_store %arg8[%parallel_loop3A_464, %parallel_loop3A_465], %parallel_loop3A_463 {strides = array<i32>} : memref<64x448xf32, #tpu.memory_space<vmem>>, vector<16xf32>,
        %parallel_loop3A_467 = arith.constant 368 : i32
        %parallel_loop3A_468 = arith.addi %sub3A_68, %parallel_loop3A_467 : i32
        %parallel_loop3A_469 = arith.index_cast %parallel_loop3A_282 : i32 to index
        %parallel_loop3A_470 = arith.index_cast %parallel_loop3A_468 : i32 to index
        %parallel_loop3A_471 = tpu.vector_load %arg6[%parallel_loop3A_469, %parallel_loop3A_470] {strides = array<i32>} : memref<64x456xf32, #tpu.memory_space<vmem>>, vector<16xf32>,
        %parallel_loop3A_472 = arith.index_cast %parallel_loop3A_282 : i32 to index
        %parallel_loop3A_473 = arith.constant 368 : index
        %parallel_loop3A_474 = tpu.vector_load %arg8[%parallel_loop3A_472, %parallel_loop3A_473] {strides = array<i32>} : memref<64x448xf32, #tpu.memory_space<vmem>>, vector<16xf32>,
        tpu.vector_store %arg8[%parallel_loop3A_472, %parallel_loop3A_473], %parallel_loop3A_471 {strides = array<i32>} : memref<64x448xf32, #tpu.memory_space<vmem>>, vector<16xf32>,
        %parallel_loop3A_475 = arith.constant 384 : i32
        %parallel_loop3A_476 = arith.addi %sub3A_68, %parallel_loop3A_475 : i32
        %parallel_loop3A_477 = arith.index_cast %parallel_loop3A_282 : i32 to index
        %parallel_loop3A_478 = arith.index_cast %parallel_loop3A_476 : i32 to index
        %parallel_loop3A_479 = tpu.vector_load %arg6[%parallel_loop3A_477, %parallel_loop3A_478] {strides = array<i32>} : memref<64x456xf32, #tpu.memory_space<vmem>>, vector<16xf32>,
        %parallel_loop3A_480 = arith.index_cast %parallel_loop3A_282 : i32 to index
        %parallel_loop3A_481 = arith.constant 384 : index
        %parallel_loop3A_482 = tpu.vector_load %arg8[%parallel_loop3A_480, %parallel_loop3A_481] {strides = array<i32>} : memref<64x448xf32, #tpu.memory_space<vmem>>, vector<16xf32>,
        tpu.vector_store %arg8[%parallel_loop3A_480, %parallel_loop3A_481], %parallel_loop3A_479 {strides = array<i32>} : memref<64x448xf32, #tpu.memory_space<vmem>>, vector<16xf32>,
        %parallel_loop3A_483 = arith.constant 400 : i32
        %parallel_loop3A_484 = arith.addi %sub3A_68, %parallel_loop3A_483 : i32
        %parallel_loop3A_485 = arith.index_cast %parallel_loop3A_282 : i32 to index
        %parallel_loop3A_486 = arith.index_cast %parallel_loop3A_484 : i32 to index
        %parallel_loop3A_487 = tpu.vector_load %arg6[%parallel_loop3A_485, %parallel_loop3A_486] {strides = array<i32>} : memref<64x456xf32, #tpu.memory_space<vmem>>, vector<16xf32>,
        %parallel_loop3A_488 = arith.index_cast %parallel_loop3A_282 : i32 to index
        %parallel_loop3A_489 = arith.constant 400 : index
        %parallel_loop3A_490 = tpu.vector_load %arg8[%parallel_loop3A_488, %parallel_loop3A_489] {strides = array<i32>} : memref<64x448xf32, #tpu.memory_space<vmem>>, vector<16xf32>,
        tpu.vector_store %arg8[%parallel_loop3A_488, %parallel_loop3A_489], %parallel_loop3A_487 {strides = array<i32>} : memref<64x448xf32, #tpu.memory_space<vmem>>, vector<16xf32>,
        %parallel_loop3A_491 = arith.constant 416 : i32
        %parallel_loop3A_492 = arith.addi %sub3A_68, %parallel_loop3A_491 : i32
        %parallel_loop3A_493 = arith.index_cast %parallel_loop3A_282 : i32 to index
        %parallel_loop3A_494 = arith.index_cast %parallel_loop3A_492 : i32 to index
        %parallel_loop3A_495 = tpu.vector_load %arg6[%parallel_loop3A_493, %parallel_loop3A_494] {strides = array<i32>} : memref<64x456xf32, #tpu.memory_space<vmem>>, vector<16xf32>,
        %parallel_loop3A_496 = arith.index_cast %parallel_loop3A_282 : i32 to index
        %parallel_loop3A_497 = arith.constant 416 : index
        %parallel_loop3A_498 = tpu.vector_load %arg8[%parallel_loop3A_496, %parallel_loop3A_497] {strides = array<i32>} : memref<64x448xf32, #tpu.memory_space<vmem>>, vector<16xf32>,
        tpu.vector_store %arg8[%parallel_loop3A_496, %parallel_loop3A_497], %parallel_loop3A_495 {strides = array<i32>} : memref<64x448xf32, #tpu.memory_space<vmem>>, vector<16xf32>,
        %parallel_loop3A_499 = arith.constant 432 : i32
        %parallel_loop3A_500 = arith.addi %sub3A_68, %parallel_loop3A_499 : i32
        %parallel_loop3A_501 = arith.index_cast %parallel_loop3A_282 : i32 to index
        %parallel_loop3A_502 = arith.index_cast %parallel_loop3A_500 : i32 to index
        %parallel_loop3A_503 = tpu.vector_load %arg6[%parallel_loop3A_501, %parallel_loop3A_502] {strides = array<i32>} : memref<64x456xf32, #tpu.memory_space<vmem>>, vector<16xf32>,
        %parallel_loop3A_504 = arith.index_cast %parallel_loop3A_282 : i32 to index
        %parallel_loop3A_505 = arith.constant 432 : index
        %parallel_loop3A_506 = tpu.vector_load %arg8[%parallel_loop3A_504, %parallel_loop3A_505] {strides = array<i32>} : memref<64x448xf32, #tpu.memory_space<vmem>>, vector<16xf32>,
        tpu.vector_store %arg8[%parallel_loop3A_504, %parallel_loop3A_505], %parallel_loop3A_503 {strides = array<i32>} : memref<64x448xf32, #tpu.memory_space<vmem>>, vector<16xf32>,
      } {sc.loop_unroll_factor = 2 : i64, sc.parallel_access}
      %add3A_273 = arith.constant 384 : i32
      %add3A_274 = arith.addi %mul3A_73, %add3A_273 : i32
      %dma_start3A_275 = arith.constant 0 : i32
      %dma_start3A_276 = arith.constant 0 : i32
      %dma_start3A_277 = tpu.memref_slice %arg4[%add3A_274, %dma_start3A_276] : memref<172032x448xf32, #tpu.memory_space<hbm>> -> memref<64x448xf32, #tpu.memory_space<hbm>>
      %dma_start3A_278 = tpu.memref_slice %arg11[%dma_start3A_275] : memref<2x!tpu.dma_semaphore, #tpu.memory_space<semaphore_mem>> -> memref<1x!tpu.dma_semaphore, #tpu.memory_space<semaphore_mem>>
      %dma_start3A_279 = tpu.memref_squeeze %dma_start3A_278 : memref<1x!tpu.dma_semaphore, #tpu.memory_space<semaphore_mem>> -> memref<!tpu.dma_semaphore, #tpu.memory_space<semaphore_mem>>
      %dma_start3A_280 = arith.constant 0 : i32
      %dma_start3A_281 = tpu.memref_slice %arg4[%add3A_274, %dma_start3A_280] : memref<172032x448xf32, #tpu.memory_space<hbm>> -> memref<64x448xf32, #tpu.memory_space<hbm>>
      tpu.enqueue_dma source(%arg8 : memref<64x448xf32, #tpu.memory_space<vmem>>) target(%dma_start3A_281 : memref<64x448xf32, #tpu.memory_space<hbm>>) target_semaphore(%dma_start3A_279 : memref<!tpu.dma_semaphore, #tpu.memory_space<semaphore_mem>>)
    }
    %scan3A_5 = arith.constant 12 : i32
    %dma_wait3A = arith.constant 0 : i32
    %dma_wait3A_6 = arith.constant 0 : i32
    %dma_wait3A_7 = arith.constant 0 : i32
    %dma_wait3A_8 = tpu.memref_slice %arg4[%dma_wait3A_6, %dma_wait3A_7] : memref<172032x448xf32, #tpu.memory_space<hbm>> -> memref<64x448xf32, #tpu.memory_space<hbm>>
    %dma_wait3A_9 = tpu.memref_slice %arg11[%dma_wait3A] : memref<2x!tpu.dma_semaphore, #tpu.memory_space<semaphore_mem>> -> memref<1x!tpu.dma_semaphore, #tpu.memory_space<semaphore_mem>>
    %dma_wait3A_10 = tpu.memref_squeeze %dma_wait3A_9 : memref<1x!tpu.dma_semaphore, #tpu.memory_space<semaphore_mem>> -> memref<!tpu.dma_semaphore, #tpu.memory_space<semaphore_mem>>
    %dma_wait3A_11 = arith.constant 0 : i32
    %dma_wait3A_12 = arith.constant 0 : i32
    %dma_wait3A_13 = tpu.memref_slice %arg4[%dma_wait3A_11, %dma_wait3A_12] : memref<172032x448xf32, #tpu.memory_space<hbm>> -> memref<64x448xf32, #tpu.memory_space<hbm>>
    tpu.wait_dma2 semaphore(%dma_wait3A_10 : memref<!tpu.dma_semaphore, #tpu.memory_space<semaphore_mem>>) src(%arg8 : memref<64x448xf32, #tpu.memory_space<vmem>>) dst(%dma_wait3A_13 : memref<64x448xf32, #tpu.memory_space<hbm>>)
    %dma_wait3A_14 = arith.constant 1 : i32
    %dma_wait3A_15 = arith.constant 0 : i32
    %dma_wait3A_16 = arith.constant 0 : i32
    %dma_wait3A_17 = tpu.memref_slice %arg4[%dma_wait3A_15, %dma_wait3A_16] : memref<172032x448xf32, #tpu.memory_space<hbm>> -> memref<64x448xf32, #tpu.memory_space<hbm>>
    %dma_wait3A_18 = tpu.memref_slice %arg11[%dma_wait3A_14] : memref<2x!tpu.dma_semaphore, #tpu.memory_space<semaphore_mem>> -> memref<1x!tpu.dma_semaphore, #tpu.memory_space<semaphore_mem>>
    %dma_wait3A_19 = tpu.memref_squeeze %dma_wait3A_18 : memref<1x!tpu.dma_semaphore, #tpu.memory_space<semaphore_mem>> -> memref<!tpu.dma_semaphore, #tpu.memory_space<semaphore_mem>>
    %dma_wait3A_20 = arith.constant 0 : i32
    %dma_wait3A_21 = arith.constant 0 : i32
    %dma_wait3A_22 = tpu.memref_slice %arg4[%dma_wait3A_20, %dma_wait3A_21] : memref<172032x448xf32, #tpu.memory_space<hbm>> -> memref<64x448xf32, #tpu.memory_space<hbm>>
    tpu.wait_dma2 semaphore(%dma_wait3A_19 : memref<!tpu.dma_semaphore, #tpu.memory_space<semaphore_mem>>) src(%arg9 : memref<64x448xf32, #tpu.memory_space<vmem>>) dst(%dma_wait3A_22 : memref<64x448xf32, #tpu.memory_space<hbm>>)
    return
  }
}

</mosaic_0001>

<sc_bundles>
// kernel: kernel.3.cloned.1.call-start
scs
__scs_entry_jumppad:
0x0: {  	(pc) =	sbr.rel $0x88, $3  }
0x1: {  	(tag) =	ssettag $0x0;
	lr =	simm.s32 $0x1  }
0x2: {  	[smem:$0x3F9E] =	sst lr;
	_ =	strace $0xD0000000  }
0x3: {  	_ = 	snop  }
0x4: {  	_ = 	snop  }
0x5: {  	_ = 	snop  }
0x6: {  	_ = 	snop  }
0x7: {  	_ = 	snop  }
__scs_overlays_trampoline_lowered:
0x8: {  	[smem:$0x3FAD] =	sst s0  }
0x9: {  	[smem:$0x3FAE] =	sst s1  }
0xa: {  	[smem:$0x3FAF] =	sst s2  }
0xb: {  	[smem:$0x3FB0] =	sst s3  }
0xc: {  	[smem:$0x3FB1] =	sst s4  }
0xd: {  	[smem:$0x3FB2] =	sst s5  }
0xe: {  	[smem:$0x3FB3] =	sst s6  }
0xf: {  	[smem:$0x3FB4] =	sst s7  }
0x10: {  	[smem:$0x3FB5] =	sst s8  }
0x11: {  	[smem:$0x3FB6] =	sst s9;
	s0 =	simm.s32 @!p0 $0x0  }
0x12: {  	s1 =	sld [smem:$0x3F9C];
	s0 =	simm.s32 @p0 $0x1  }
0x13: {  	[smem:$0x3FB7] =	sst s0;
	s0 =	simm.s32 @!p1 $0x0  }
0x14: {  	s2 =	sld [smem:$0x3F9B];
	s0 =	simm.s32 @p1 $0x1  }
0x15: {  	[smem:$0x3FB8] =	sst s0;
	s0 =	simm.s32 @!p2 $0x0  }
0x16: {  	s3 =	sld [smem:$0x3FDB];
	s0 =	simm.s32 @p2 $0x1  }
0x17: {  	s4 =	simm.s32 $0x1BF5;
	[smem:$0x3FBA] =	sst s0  }
0x18: {  	s0 =	sld [smem:$0x3F9D];
	_ =	swait.ge [sflag:s4], $0x0  }
0x19: {  	s7 =	sld [smem:$0x3F9E]  }
0x1a: {  	s8 =	sadd.s32 $0xFFFFE003, lr  }
0x1b: {  	s9 =	sadd.s32 $0xFFFFFEF7, lr;
	s5 =	simm.s32 $0xFFFFFFFF;
	p2 =	slt.u32 s8, $0xFFFFF086  }
0x1c: {  	p1 =	slt.u32 s9, $0xF7A;
	s5 =	simm.s32 @!p2 $0x0  }
0x1d: {  	s5 =	simm.s32 @p1 $0x1;
	p0 =	seq.s32 s7, s2  }
0x1e: {  	s7 =	smul.u32 @!p0 $0xF7A, s2;
	p2 =	seq.s32 @!p0 s5, $0x0  }
0x1f: {  	s9 =	smul.u32 $0xF7A, s1;
	s8 =	simm.s32 @!p0 $0x1BF5;
	p2 =	por !p2, p0  }
0x20: {  	[sflag:s8] =	ssyncset.s32 @!p0 $0xFFFFF086;
	s6 =	sadd.s32 @!p0 s3, s7;
	s7 =	simm.s32 @!p0 $0x108  }
0x21: {  	s3 =	sadd.s32 s3, s9;
	s6 =	sadd.s32 @!p0 $0x88, s6;
	s7 =	simm.s32 @p2 $0x1082  }
0x22: {  	[simem:s7], [sflag:s8] =	dma.local @!p0 [hbm:s6], $0xF7A  }
0x23: {  	s9 =	sor.u32 $0xD0000000, s2;
	s6 =	simm.s32 $0x108;
	_ =	swait.ge @!p0 [sflag:s8], $0x0  }
0x24: {  	s3 =	sadd.s32 $0x88, s3;
	s6 =	simm.s32 @!p1 $0x1082;
	[sflag:s4] =	ssyncset.s32 $0xFFFFF086  }
0x25: {  	[simem:s6], [sflag:s4] =	dma.local [hbm:s3], $0xF7A  }
0x26: {  	[smem:$0x3F9E] =	sst s1;
	(tag) =	ssettag s2;
	_ =	strace s9  }
0x27: {  	s1 =	sld [smem:$0x3FAE]  }
0x28: {  	s2 =	sld [smem:$0x3FAF]  }
0x29: {  	s4 =	sld [smem:$0x3FB1]  }
0x2a: {  	p0 =	seq.s32 s5, $0x0;
	s5 =	sld [smem:$0x3FB2]  }
0x2b: {  	s6 =	sld [smem:$0x3FB3]  }
0x2c: {  	s7 =	sld [smem:$0x3FB4]  }
0x2d: {  	s3 =	simm.s32 $0x108;
	s8 =	sld [smem:$0x3FB5]  }
0x2e: {  	s3 =	simm.s32 @!p0 $0x1082;
	s9 =	sld [smem:$0x3FB6]  }
0x2f: {  	lr =	sadd.s32 s0, s3;
	s0 =	sld [smem:$0x3FAD]  }
0x30: {  	s3 =	sld [smem:$0x3FB0]  }
0x31: {  	[smem:$0x3FB9] =	sst s10  }
0x32: {  	s10 =	sld [smem:$0x3FB7];
	_ =	sdelay $0x3  }
0x33: {  	p0 =	seq.s32 s10, $0x1;
	s10 =	sld [smem:$0x3FB9];
	_ =	sdelay $0x3  }
0x34: {  	[smem:$0x3FB9] =	sst s10  }
0x35: {  	s10 =	sld [smem:$0x3FB8];
	_ =	sdelay $0x3  }
0x36: {  	p1 =	seq.s32 s10, $0x1;
	s10 =	sld [smem:$0x3FB9];
	_ =	sdelay $0x3  }
0x37: {  	[smem:$0x3FB9] =	sst s10  }
0x38: {  	s10 =	sld [smem:$0x3FBA]  }
0x39: {  	_ = 	snop;
	(pc) =	sbr.ind lr, $3  }
0x3a: {  	_ = 	snop  }
0x3b: {  	_ = 	snop  }
0x3c: {  	p2 =	seq.s32 s10, $0x1;
	s10 =	sld [smem:$0x3FB9]  }
0x3d: {  	_ =	shalt  }
0x3e: {  	_ =	shalt  }
0x3f: {  	_ =	shalt  }
0x40: {  	_ =	shalt  }
0x41: {  	_ =	shalt  }
0x42: {  	_ =	shalt  }
0x43: {  	_ =	shalt  }
0x44: {  	_ =	shalt  }
0x45: {  	_ =	shalt  }
0x46: {  	_ =	shalt  }
0x47: {  	_ =	shalt  }
0x48: {  	_ =	shalt  }
0x49: {  	_ =	shalt  }
0x4a: {  	_ =	shalt  }
0x4b: {  	_ =	shalt  }
0x4c: {  	_ =	shalt  }
0x4d: {  	_ =	shalt  }
0x4e: {  	_ =	shalt  }
0x4f: {  	_ =	shalt  }
0x50: {  	_ =	shalt  }
0x51: {  	_ =	shalt  }
0x52: {  	_ =	shalt  }
0x53: {  	_ =	shalt  }
0x54: {  	_ =	shalt  }
0x55: {  	_ =	shalt  }
0x56: {  	_ =	shalt  }
0x57: {  	_ =	shalt  }
0x58: {  	_ =	shalt  }
0x59: {  	_ =	shalt  }
0x5a: {  	_ =	shalt  }
0x5b: {  	_ =	shalt  }
0x5c: {  	_ =	shalt  }
0x5d: {  	_ =	shalt  }
0x5e: {  	_ =	shalt  }
0x5f: {  	_ =	shalt  }
0x60: {  	_ =	shalt  }
0x61: {  	_ =	shalt  }
0x62: {  	_ =	shalt  }
0x63: {  	_ =	shalt  }
0x64: {  	_ =	shalt  }
0x65: {  	_ =	shalt  }
0x66: {  	_ =	shalt  }
0x67: {  	_ =	shalt  }
0x68: {  	_ =	shalt  }
0x69: {  	_ =	shalt  }
0x6a: {  	_ =	shalt  }
0x6b: {  	_ =	shalt  }
0x6c: {  	_ =	shalt  }
0x6d: {  	_ =	shalt  }
0x6e: {  	_ =	shalt  }
0x6f: {  	_ =	shalt  }
0x70: {  	_ =	shalt  }
0x71: {  	_ =	shalt  }
0x72: {  	_ =	shalt  }
0x73: {  	_ =	shalt  }
0x74: {  	_ =	shalt  }
0x75: {  	_ =	shalt  }
0x76: {  	_ =	shalt  }
0x77: {  	_ =	shalt  }
0x78: {  	_ =	shalt  }
0x79: {  	_ =	shalt  }
0x7a: {  	_ =	shalt  }
0x7b: {  	_ =	shalt  }
0x7c: {  	_ =	shalt  }
0x7d: {  	_ =	shalt  }
0x7e: {  	_ =	shalt  }
0x7f: {  	_ =	shalt  }
0x80: {  	_ =	shalt  }
0x81: {  	_ =	shalt  }
0x82: {  	_ =	shalt  }
0x83: {  	_ =	shalt  }
0x84: {  	_ =	shalt  }
0x85: {  	_ =	shalt  }
0x86: {  	_ =	shalt  }
0x87: {  	_ =	shalt  }
.Lfunc_end0:
.L_simem_size_0:
called_computation.1_lowered:
.L_overlay_start_0:
0x88: {  	s2 =	sld [smem:$0x3FD9]  }
0x89: {  	s3 =	sld [smem:$0x3FFE];
	_ =	sdelay $0x1  }
0x8a: {  	s1 =	srdreg.scid  }
0x8b: {  	s0 =	sand.u32 $0x1, s1  }
0x8c: {  	s17 =	sshll.u32 s0, $0xA;
	s2 =	sadd.s32 s3, s2  }
0x8d: {  	s2 =	sadd.s32 s2, s17  }
0x8e: {  	[smem:$0x3FC5] =	sst s2  }
0x8f: {  	_ = 	snop  }
0x90: {  	s2 =	sld [smem:$0x3FD0];
	(tm) =	ssettm $0x1  }
0x91: {  	s18 =	sld [smem:$0x3FFB];
	_ =	sdelay $0x3  }
0x92: {  	_ =	strace s18  }
0x93: {  	s3 =	sld [smem:$0x3FFC];
	_ =	sdelay $0x3  }
0x94: {  	_ =	strace s3  }
0x95: {  	s3 =	sld [smem:$0x3FFD];
	_ =	sdelay $0x3  }
0x96: {  	_ =	strace s3  }
0x97: {  	_ =	strace $0x8FFFFFFF  }
0x98: {  	s19 =	sld [smem:$0x3FDB];
	_ =	sdelay $0x1  }
0x99: {  	s4 =	simm.s32 $_scs_section_size  }
0x9a: {  	s5 =	simm.s32 $_size__tile_overlayer_lowered;
	s6 =	simm.s32 $_tile_overlayer_lowered  }
0x9b: {  	s22 =	simm.s32 $0x1BFF;
	s21 =	sshll.u32 s6, $0x1;
	s3 =	sadd.s32 s4, s19  }
0x9c: {  	s7 =	simm.s32 $0x0;
	s20 =	sshll.u32 s5, $0x1;
	s5 =	sadd.s32 s21, s3  }
0x9d: {  	[timem:s7], [sflag:s22] =	dma.local [hbm:s5], s20  }
0x9e: {  	_ =	swait.ge [sflag:s22], s20  }
0x9f: {  	s4 =	ssub.s32 $0x0, s20;
	[sflag:s22] =	ssyncset.done $0x0  }
0xa0: {  	[sflag:s22] =	ssyncadd.s32 s4;
	_ =	sdelay $0x1  }
0xa1: {  	s23 =	simm.s32 $0x1B8B  }
0xa2: {  	_ =	swait.ge [sflag:s23], $0x1  }
0xa3: {  	[sflag:s23] =	ssyncset.done $0x0  }
0xa4: {  	s25 =	simm.s32 $0x1B8E;
	s24 =	sld [smem:$0x3FFE];
	[sflag:s23] =	ssyncadd.s32 $0xFFFFFFFF  }
0xa5: {  	s26 =	simm.s32 $execute0_lowered;
	[smem:$0x3FD2] =	sst s25  }
0xa6: {  	s5 =	sshll.u32 s26, $0x1;
	_ =	strace $0x80000049;
	[dreg:$0x1] =	wrdreg $0xFFFFFFFF  }
0xa7: {  	s28 =	simm.s32 $_size_execute0_lowered;
	s3 =	sadd.s32 s3, s5;
	[dreg:$0x0] =	wrdreg $0x0  }
0xa8: {  	s5 =	sshll.u32 s28, $0x1;
	[dreg:$0x2] =	wrdreg s3  }
0xa9: {  	[dreg:$0x3] =	wrdreg s5  }
0xaa: {  	[dreg:$0x4] =	wrdreg $0xC0  }
0xab: {  	_ =	task [dreg:s7], $0x5FFFF  }
0xac: {  	[dreg:$0x1] =	wrdreg $0xFFFFFFFF  }
0xad: {  	[dreg:$0x0] =	wrdreg $0x60  }
0xae: {  	[dreg:$0x2] =	wrdreg s24  }
0xaf: {  	[dreg:$0x3] =	wrdreg s2  }
0xb0: {  	[dreg:$0x4] =	wrdreg $0x9  }
0xb1: {  	_ =	task.clear_ibuf [dreg:s7], $0x5FFFF;
	_ =	strace $0x90000049  }
0xb2: {  	s29 =	simm.s32 $0x9;
	_ =	strace $0x8000004B  }
0xb3: {  	_ =	swait.ge [sflag:s29], $0x1  }
0xb4: {  	[sflag:s29] =	ssyncadd.s32 $0xFFFFFFFF  }
0xb5: {  	_ =	strace $0x9000004B  }
0xb6: {  	_ =	sfence  }
0xb7: {  	s30 =	sld [smem:$0x0];
	_ =	sdelay $0x2  }
0xb8: {  	s31 =	sshll.u32 s1, $0xD;
	s1 =	sshrl.u32 s1, $0x2  }
0xb9: {  	s3 =	sand.u32 $0x4000, s31;
	s1 =	sadd.s32 s1, s30  }
0xba: {  	s0 =	sor.u32 s3, s0;
	s1 =	sshll.u32 s1, $0x11  }
0xbb: {  	s0 =	sor.u32 s1, s0  }
0xbc: {  	s0 =	sadd.s32 $0x8F2B, s0  }
0xbd: {  	[sflag:s0] =	ssyncadd.remote.s32 $0x1  }
0xbe: {  	_ =	sfence.sel $0xFFFF  }
0xbf: {  	[dreg:$0x0] =	wrdreg $0xFFFFFFFF;
	(pc) =	sbr.abs _section_cstart, $3  }
0xc0: {  	[dreg:$0x1] =	wrdreg $0xFFFFFFFF  }
0xc1: {  	_ =	task.clear_ibuf [dreg:s7], $0x2FFFF;
	_ =	strace $0x9FFFFFFF  }
0xc2: {  	(tm) =	ssettm $0x7FFFFFFF  }
0xc3: {  	_ =	shalt  }
tec
execute0_lowered:
.L_overlay_start_1:
0x0: {  	(tag) =	ssettag $0x1  }
0x1: {  	s0 =	rddreg [dreg:$0x0]  }
0x2: {  	s1 =	srdreg.scid;
	s3 =	simm.s32 $0x0;
	s4 =	stileid.u32  }
0x3: {  	s9 =	simm.s32 $0x1C8;
	s10 =	simm.s32 $0x200;
	s11 =	simm.s32 $0x10  }
0x4: {  	s12 =	simm.s32 $0x7210;
	s13 =	simm.s32 $0x1;
	s14 =	simm.s32 $0xE410  }
0x5: {  	s15 =	simm.s32 $0x2;
	s16 =	simm.s32 $0x15410;
	s1 =	sand.u32 $0x1, s1  }
0x6: {  	s17 =	simm.s32 $0x3;
	s18 =	simm.s32 $0x4;
	s2 =	ssub.s32 $0x2, s1  }
0x7: {  	s19 =	simm.s32 $0x0;
	[smem:$0x7FF] =	sst s3;
	s5 =	sshrl.u32 s2, $0x1  }
0x8: {  	s6 =	sshll.u32 s4, $0x1;
	s4 =	sadd.s32 $0xC00, s0;
	s2 =	ssub.s32 s2, s5  }
0x9: {  	_ =	strace $0x8000004A;
	s1 =	sor.u32 s1, s6;
	s31 =	smax.u32 s2, $0x1  }
0xa: {  	s6 =	smul.u32 $0xC, s1;
	s5 =	sadd.s32 $0xC00C00, s0;
	[dreg:$0x3] =	wrdreg s31  }
.LBB2_1:
0xb: {  	s0 =	rddreg [dreg:$0x1];
	s31 =	simm.s32 $0x5  }
0xc: {  	[tilespmem:s3], [sflag:$0x5] =	stream.linear.gather [hbm4b:s0+s3], $0x10, $0x38;
	[tilespmem:$0x1C410] =	vst v63  }
0xd: {  	_ =	swait.ge [sflag:s31], $0x10  }
0xe: {  	[sflag:s31] =	ssyncset.done $0x0  }
0xf: {  	s20 =	simm.s32 $0x0;
	[sflag:s31] =	ssyncadd.s32 $0xFFFFFFF0  }
.LBB2_2:
0x10: {  	s22 =	sadd.s32 s6, s20  }
0x11: {  	s0 =	smulhi.u32 $0xAAAAAAAB, s22;
	_ =	sdelay $0x1  }
0x12: {  	s0 =	sshrl.u32 s0, $0x6  }
0x13: {  	v0 =	vmov s0  }
0x14: {  	v1 =	vadd.s32 $0x4, v0;
	_ =	sdelay $0x3  }
0x15: {  	v0 =	vld.idx.msk [tilespmem:v0+s3+$0x0], $0xffff  }
0x16: {  	v1 =	vld.idx.msk [tilespmem:v1+s3+$0x0], $0xffff;
	_ =	sdelay $0x3  }
0x17: {  	v0 =	vxor.u32 $0x80000000, v0  }
0x18: {  	(xrf0) =	vmax.scan.msk.u32 $0xffff, v0;
	v0 =	vxor.u32 $0x80000000, v1  }
0x19: {  	(xrf0) =	vmax.scan.msk.u32 $0xffff, v0;
	_ =	sdelay $0x4  }
0x1a: {  	v0, _, _ =	vpop (xrf0)  }
0x1b: {  	(v2sf) =	vpush v0, $0xF;
	v0, _, _ =	vpop (xrf0)  }
0x1c: {  	(v2sf) =	vpush v0, $0xF;
	_ =	sdelay $0xd  }
0x1d: {  	s25 =	spop (v2sf)  }
0x1e: {  	s1 =	spop (v2sf)  }
0x1f: {  	s2 =	sxor.u32 $0x80000000, s1  }
0x20: {  	s7 =	sand.u32 $0xFFFFFFF8, s2  }
0x21: {  	s8 =	sshll.u32 s22, $0x12;
	s0 =	sshll.u32 s25, $0x9;
	p0 =	slt.s32 s7, $0x38  }
0x22: {  	s0 =	sadd.s32 s8, s0;
	s7 =	simm.s32 @!p0 $0x38  }
0x23: {  	s21 =	sadd.s32 s0, s7  }
0x24: {  	s0 =	sshrl.u32 s21, $0x3  }
0x25: {  	s26 =	sadd.s32 $0x8000, s21;
	s0 =	sadd.s32 s4, s0  }
0x26: {  	[tilespmem:s11], [sflag:$0x1] =	stream.strided.gather [hbm4b:s0+s9], $0x7200, s10, s9, $0x38;
	[tilespmem:$0x1C410] =	vst v63  }
0x27: {  	s0 =	sshrl.u32 s26, $0x3  }
0x28: {  	s1 =	sshll.u32 s1, $0x2;
	s0 =	sadd.s32 s4, s0  }
0x29: {  	[tilespmem:s12], [sflag:$0x2] =	stream.strided.gather [hbm4b:s0+s9], $0x7200, s10, s9, $0x38;
	[tilespmem:$0x1C410] =	vst v63  }
0x2a: {  	s24 =	sand.u32 $0x1C, s1;
	s30 =	ssub.s32 s2, s7;
	_ =	swait.ge [sflag:s13], $0x7200  }
0x2b: {  	p0 =	seq.s32 s20, $0x0;
	s0 =	sshll.u32 s30, $0x2;
	[sflag:s13] =	ssyncset.done $0x0  }
0x2c: {  	s2 =	simm.s32 @!p0 $0x3;
	s23 =	sand.u32 $0xFFFFFFE0, s0;
	[sflag:s13] =	ssyncadd.s32 $0xFFFF8E00  }
0x2d: {  	s0 =	sor.u32 s24, s23;
	_ =	swait.ge @!p0 [sflag:s2], $0x7000  }
0x2e: {  	s0 =	sshra.s32 s0, $0x2;
	[sflag:s2] =	ssyncset.done @!p0 $0x0  }
0x2f: {  	s31 =	sadd.s32 $0x1D8, s0;
	[sflag:s2] =	ssyncadd.s32 @!p0 $0xFFFF9000  }
0x30: {  	v0 =	vld [tilespmem:s31+$0x0]  }
0x31: {  	v1 =	vld [tilespmem:s31+$0xFFFFFE38];
	_ =	sdelay $0x2  }
0x32: {  	s25 =	simm.s32 $0xE5D0  }
0x33: {  	[tilespmem:s25+$0x0] =	vst v0  }
0x34: {  	[tilespmem:s25+$0xFFFFFE40] =	vst v1;
	v0 =	vld [tilespmem:s31+$0x10]  }
0x35: {  	v1 =	vld [tilespmem:s31+$0xFFFFFE48];
	_ =	sdelay $0x3  }
0x36: {  	[tilespmem:s25+$0x10] =	vst v0  }
0x37: {  	[tilespmem:s25+$0xFFFFFE50] =	vst v1;
	v0 =	vld [tilespmem:s31+$0x20]  }
0x38: {  	v1 =	vld [tilespmem:s31+$0xFFFFFE58];
	_ =	sdelay $0x3  }
0x39: {  	[tilespmem:s25+$0x20] =	vst v0  }
0x3a: {  	[tilespmem:s25+$0xFFFFFE60] =	vst v1;
	v0 =	vld [tilespmem:s31+$0x30]  }
0x3b: {  	v1 =	vld [tilespmem:s31+$0xFFFFFE68];
	_ =	sdelay $0x3  }
0x3c: {  	[tilespmem:s25+$0x30] =	vst v0  }
0x3d: {  	[tilespmem:s25+$0xFFFFFE70] =	vst v1;
	v0 =	vld [tilespmem:s31+$0x40]  }
0x3e: {  	v1 =	vld [tilespmem:s31+$0xFFFFFE78];
	_ =	sdelay $0x3  }
0x3f: {  	[tilespmem:s25+$0x40] =	vst v0  }
0x40: {  	[tilespmem:s25+$0xFFFFFE80] =	vst v1;
	v0 =	vld [tilespmem:s31+$0x50]  }
0x41: {  	v1 =	vld [tilespmem:s31+$0xFFFFFE88];
	_ =	sdelay $0x3  }
0x42: {  	[tilespmem:s25+$0x50] =	vst v0  }
0x43: {  	[tilespmem:s25+$0xFFFFFE90] =	vst v1;
	v0 =	vld [tilespmem:s31+$0x60]  }
0x44: {  	v1 =	vld [tilespmem:s31+$0xFFFFFE98];
	_ =	sdelay $0x3  }
0x45: {  	[tilespmem:s25+$0x60] =	vst v0  }
0x46: {  	[tilespmem:s25+$0xFFFFFEA0] =	vst v1;
	v0 =	vld [tilespmem:s31+$0x70]  }
0x47: {  	v1 =	vld [tilespmem:s31+$0xFFFFFEA8];
	_ =	sdelay $0x3  }
0x48: {  	[tilespmem:s25+$0x70] =	vst v0  }
0x49: {  	[tilespmem:s25+$0xFFFFFEB0] =	vst v1;
	v0 =	vld [tilespmem:s31+$0x80]  }
0x4a: {  	v1 =	vld [tilespmem:s31+$0xFFFFFEB8];
	_ =	sdelay $0x3  }
0x4b: {  	[tilespmem:s25+$0x80] =	vst v0  }
0x4c: {  	[tilespmem:s25+$0xFFFFFEC0] =	vst v1;
	v0 =	vld [tilespmem:s31+$0x90]  }
0x4d: {  	s28 =	sadd.s32 $0x390, s31;
	v1 =	vld [tilespmem:s31+$0xFFFFFEC8]  }
0x4e: {  	v2 =	vld [tilespmem:s28+$0x0]  }
0x4f: {  	v3 =	vld [tilespmem:s28+$0xFFFFFE38];
	_ =	sdelay $0x1  }
0x50: {  	[tilespmem:s25+$0x90] =	vst v0  }
0x51: {  	s26 =	simm.s32 $0xE950;
	[tilespmem:s25+$0xFFFFFED0] =	vst v1;
	v0 =	vld [tilespmem:s31+$0xA0]  }
0x52: {  	[tilespmem:s26+$0x0] =	vst v2;
	v1 =	vld [tilespmem:s31+$0xFFFFFED8]  }
0x53: {  	[tilespmem:s26+$0xFFFFFE40] =	vst v3;
	v2 =	vld [tilespmem:s28+$0x10]  }
0x54: {  	v3 =	vld [tilespmem:s28+$0xFFFFFE48];
	_ =	sdelay $0x1  }
0x55: {  	[tilespmem:s25+$0xA0] =	vst v0  }
0x56: {  	[tilespmem:s25+$0xFFFFFEE0] =	vst v1;
	v0 =	vld [tilespmem:s31+$0xB0]  }
0x57: {  	[tilespmem:s26+$0x10] =	vst v2;
	v1 =	vld [tilespmem:s31+$0xFFFFFEE8]  }
0x58: {  	[tilespmem:s26+$0xFFFFFE50] =	vst v3;
	v2 =	vld [tilespmem:s28+$0x20]  }
0x59: {  	v3 =	vld [tilespmem:s28+$0xFFFFFE58];
	_ =	sdelay $0x1  }
0x5a: {  	[tilespmem:s25+$0xB0] =	vst v0  }
0x5b: {  	[tilespmem:s25+$0xFFFFFEF0] =	vst v1;
	v0 =	vld [tilespmem:s31+$0xC0]  }
0x5c: {  	[tilespmem:s26+$0x20] =	vst v2;
	v1 =	vld [tilespmem:s31+$0xFFFFFEF8]  }
0x5d: {  	[tilespmem:s26+$0xFFFFFE60] =	vst v3;
	v2 =	vld [tilespmem:s28+$0x30]  }
0x5e: {  	v3 =	vld [tilespmem:s28+$0xFFFFFE68];
	_ =	sdelay $0x1  }
0x5f: {  	[tilespmem:s25+$0xC0] =	vst v0  }
0x60: {  	[tilespmem:s25+$0xFFFFFF00] =	vst v1;
	v0 =	vld [tilespmem:s31+$0xD0]  }
0x61: {  	[tilespmem:s26+$0x30] =	vst v2;
	v1 =	vld [tilespmem:s31+$0xFFFFFF08]  }
0x62: {  	[tilespmem:s26+$0xFFFFFE70] =	vst v3;
	v2 =	vld [tilespmem:s28+$0x40]  }
0x63: {  	v3 =	vld [tilespmem:s28+$0xFFFFFE78];
	_ =	sdelay $0x1  }
0x64: {  	[tilespmem:s25+$0xD0] =	vst v0  }
0x65: {  	[tilespmem:s25+$0xFFFFFF10] =	vst v1;
	v0 =	vld [tilespmem:s31+$0xE0]  }
0x66: {  	[tilespmem:s26+$0x40] =	vst v2;
	v1 =	vld [tilespmem:s31+$0xFFFFFF18]  }
0x67: {  	[tilespmem:s26+$0xFFFFFE80] =	vst v3;
	v2 =	vld [tilespmem:s28+$0x50]  }
0x68: {  	v3 =	vld [tilespmem:s28+$0xFFFFFE88];
	_ =	sdelay $0x1  }
0x69: {  	[tilespmem:s25+$0xE0] =	vst v0  }
0x6a: {  	[tilespmem:s25+$0xFFFFFF20] =	vst v1;
	v0 =	vld [tilespmem:s31+$0xF0]  }
0x6b: {  	[tilespmem:s26+$0x50] =	vst v2;
	v1 =	vld [tilespmem:s31+$0xFFFFFF28]  }
0x6c: {  	[tilespmem:s26+$0xFFFFFE90] =	vst v3;
	v2 =	vld [tilespmem:s28+$0x60]  }
0x6d: {  	v3 =	vld [tilespmem:s28+$0xFFFFFE98];
	_ =	sdelay $0x1  }
0x6e: {  	[tilespmem:s25+$0xF0] =	vst v0  }
0x6f: {  	[tilespmem:s25+$0xFFFFFF30] =	vst v1;
	v0 =	vld [tilespmem:s31+$0x100]  }
0x70: {  	[tilespmem:s26+$0x60] =	vst v2;
	v1 =	vld [tilespmem:s31+$0xFFFFFF38]  }
0x71: {  	[tilespmem:s26+$0xFFFFFEA0] =	vst v3;
	v2 =	vld [tilespmem:s28+$0x70]  }
0x72: {  	v3 =	vld [tilespmem:s28+$0xFFFFFEA8];
	_ =	sdelay $0x1  }
0x73: {  	[tilespmem:s25+$0x100] =	vst v0  }
0x74: {  	[tilespmem:s25+$0xFFFFFF40] =	vst v1;
	v0 =	vld [tilespmem:s31+$0x110]  }
0x75: {  	[tilespmem:s26+$0x70] =	vst v2;
	v1 =	vld [tilespmem:s31+$0xFFFFFF48]  }
0x76: {  	[tilespmem:s26+$0xFFFFFEB0] =	vst v3;
	v2 =	vld [tilespmem:s28+$0x80]  }
0x77: {  	v3 =	vld [tilespmem:s28+$0xFFFFFEB8];
	_ =	sdelay $0x1  }
0x78: {  	[tilespmem:s25+$0x110] =	vst v0  }
0x79: {  	[tilespmem:s25+$0xFFFFFF50] =	vst v1;
	v0 =	vld [tilespmem:s31+$0x120]  }
0x7a: {  	[tilespmem:s26+$0x80] =	vst v2;
	v1 =	vld [tilespmem:s31+$0xFFFFFF58]  }
0x7b: {  	[tilespmem:s26+$0xFFFFFEC0] =	vst v3;
	v2 =	vld [tilespmem:s28+$0x90]  }
0x7c: {  	s29 =	sadd.s32 $0x390, s28;
	v3 =	vld [tilespmem:s28+$0xFFFFFEC8]  }
0x7d: {  	v4 =	vld [tilespmem:s29+$0x0]  }
0x7e: {  	v5 =	vld [tilespmem:s29+$0xFFFFFE38];
	[tilespmem:s25+$0x120] =	vst v0  }
0x7f: {  	[tilespmem:s25+$0xFFFFFF60] =	vst v1;
	v0 =	vld [tilespmem:s31+$0x130]  }
0x80: {  	[tilespmem:s26+$0x90] =	vst v2;
	v1 =	vld [tilespmem:s31+$0xFFFFFF68]  }
0x81: {  	s0 =	simm.s32 $0xECD0;
	[tilespmem:s26+$0xFFFFFED0] =	vst v3;
	v2 =	vld [tilespmem:s28+$0xA0]  }
0x82: {  	[tilespmem:s0+$0x0] =	vst v4;
	v3 =	vld [tilespmem:s28+$0xFFFFFED8]  }
0x83: {  	[tilespmem:s0+$0xFFFFFE40] =	vst v5;
	v4 =	vld [tilespmem:s29+$0x10]  }
0x84: {  	v5 =	vld [tilespmem:s29+$0xFFFFFE48];
	[tilespmem:s25+$0x130] =	vst v0  }
0x85: {  	[tilespmem:s25+$0xFFFFFF70] =	vst v1;
	v0 =	vld [tilespmem:s31+$0x140]  }
0x86: {  	[tilespmem:s26+$0xA0] =	vst v2;
	v1 =	vld [tilespmem:s31+$0xFFFFFF78]  }
0x87: {  	[tilespmem:s26+$0xFFFFFEE0] =	vst v3;
	v2 =	vld [tilespmem:s28+$0xB0]  }
0x88: {  	[tilespmem:s0+$0x10] =	vst v4;
	v3 =	vld [tilespmem:s28+$0xFFFFFEE8]  }
0x89: {  	[tilespmem:s0+$0xFFFFFE50] =	vst v5;
	v4 =	vld [tilespmem:s29+$0x20]  }
0x8a: {  	v5 =	vld [tilespmem:s29+$0xFFFFFE58];
	[tilespmem:s25+$0x140] =	vst v0  }
0x8b: {  	[tilespmem:s25+$0xFFFFFF80] =	vst v1;
	v0 =	vld [tilespmem:s31+$0x150]  }
0x8c: {  	[tilespmem:s26+$0xB0] =	vst v2;
	v1 =	vld [tilespmem:s31+$0xFFFFFF88]  }
0x8d: {  	[tilespmem:s26+$0xFFFFFEF0] =	vst v3;
	v2 =	vld [tilespmem:s28+$0xC0]  }
0x8e: {  	[tilespmem:s0+$0x20] =	vst v4;
	v3 =	vld [tilespmem:s28+$0xFFFFFEF8]  }
0x8f: {  	[tilespmem:s0+$0xFFFFFE60] =	vst v5;
	v4 =	vld [tilespmem:s29+$0x30]  }
0x90: {  	v5 =	vld [tilespmem:s29+$0xFFFFFE68];
	[tilespmem:s25+$0x150] =	vst v0  }
0x91: {  	[tilespmem:s25+$0xFFFFFF90] =	vst v1;
	v0 =	vld [tilespmem:s31+$0x160]  }
0x92: {  	[tilespmem:s26+$0xC0] =	vst v2;
	v1 =	vld [tilespmem:s31+$0xFFFFFF98]  }
0x93: {  	[tilespmem:s26+$0xFFFFFF00] =	vst v3;
	v2 =	vld [tilespmem:s28+$0xD0]  }
0x94: {  	[tilespmem:s0+$0x30] =	vst v4;
	v3 =	vld [tilespmem:s28+$0xFFFFFF08]  }
0x95: {  	[tilespmem:s0+$0xFFFFFE70] =	vst v5;
	v4 =	vld [tilespmem:s29+$0x40]  }
0x96: {  	v5 =	vld [tilespmem:s29+$0xFFFFFE78];
	[tilespmem:s25+$0x160] =	vst v0  }
0x97: {  	[tilespmem:s25+$0xFFFFFFA0] =	vst v1;
	v0 =	vld [tilespmem:s31+$0x170]  }
0x98: {  	[tilespmem:s26+$0xD0] =	vst v2;
	v1 =	vld [tilespmem:s31+$0xFFFFFFA8]  }
0x99: {  	[tilespmem:s26+$0xFFFFFF10] =	vst v3;
	v2 =	vld [tilespmem:s28+$0xE0]  }
0x9a: {  	[tilespmem:s0+$0x40] =	vst v4;
	v3 =	vld [tilespmem:s28+$0xFFFFFF18]  }
0x9b: {  	[tilespmem:s0+$0xFFFFFE80] =	vst v5;
	v4 =	vld [tilespmem:s29+$0x50]  }
0x9c: {  	v5 =	vld [tilespmem:s29+$0xFFFFFE88];
	[tilespmem:s25+$0x170] =	vst v0  }
0x9d: {  	[tilespmem:s25+$0xFFFFFFB0] =	vst v1;
	v0 =	vld [tilespmem:s31+$0x180]  }
0x9e: {  	[tilespmem:s26+$0xE0] =	vst v2;
	v1 =	vld [tilespmem:s31+$0xFFFFFFB8]  }
0x9f: {  	[tilespmem:s26+$0xFFFFFF20] =	vst v3;
	v2 =	vld [tilespmem:s28+$0xF0]  }
0xa0: {  	[tilespmem:s0+$0x50] =	vst v4;
	v3 =	vld [tilespmem:s28+$0xFFFFFF28]  }
0xa1: {  	[tilespmem:s0+$0xFFFFFE90] =	vst v5;
	v4 =	vld [tilespmem:s29+$0x60]  }
0xa2: {  	v5 =	vld [tilespmem:s29+$0xFFFFFE98];
	[tilespmem:s25+$0x180] =	vst v0  }
0xa3: {  	[tilespmem:s25+$0xFFFFFFC0] =	vst v1;
	v0 =	vld [tilespmem:s31+$0x190]  }
0xa4: {  	[tilespmem:s26+$0xF0] =	vst v2;
	v1 =	vld [tilespmem:s31+$0xFFFFFFC8]  }
0xa5: {  	[tilespmem:s26+$0xFFFFFF30] =	vst v3;
	v2 =	vld [tilespmem:s28+$0x100]  }
0xa6: {  	[tilespmem:s0+$0x60] =	vst v4;
	v3 =	vld [tilespmem:s28+$0xFFFFFF38]  }
0xa7: {  	[tilespmem:s0+$0xFFFFFEA0] =	vst v5;
	v4 =	vld [tilespmem:s29+$0x70]  }
0xa8: {  	v5 =	vld [tilespmem:s29+$0xFFFFFEA8];
	[tilespmem:s25+$0x190] =	vst v0  }
0xa9: {  	[tilespmem:s25+$0xFFFFFFD0] =	vst v1;
	v0 =	vld [tilespmem:s31+$0x1A0]  }
0xaa: {  	[tilespmem:s26+$0x100] =	vst v2;
	v1 =	vld [tilespmem:s31+$0xFFFFFFD8]  }
0xab: {  	[tilespmem:s26+$0xFFFFFF40] =	vst v3;
	v2 =	vld [tilespmem:s28+$0x110]  }
0xac: {  	[tilespmem:s0+$0x70] =	vst v4;
	v3 =	vld [tilespmem:s28+$0xFFFFFF48]  }
0xad: {  	[tilespmem:s0+$0xFFFFFEB0] =	vst v5;
	v4 =	vld [tilespmem:s29+$0x80]  }
0xae: {  	v5 =	vld [tilespmem:s29+$0xFFFFFEB8];
	[tilespmem:s25+$0x1A0] =	vst v0  }
0xaf: {  	[tilespmem:s25+$0xFFFFFFE0] =	vst v1;
	v6 =	vld [tilespmem:s31+$0x1B0]  }
0xb0: {  	[tilespmem:s26+$0x110] =	vst v2;
	v0 =	vld [tilespmem:s31+$0xFFFFFFE8]  }
0xb1: {  	[tilespmem:s26+$0xFFFFFF50] =	vst v3;
	v1 =	vld [tilespmem:s28+$0x120]  }
0xb2: {  	[tilespmem:s0+$0x80] =	vst v4;
	v2 =	vld [tilespmem:s28+$0xFFFFFF58]  }
0xb3: {  	[tilespmem:s0+$0xFFFFFEC0] =	vst v5;
	v3 =	vld [tilespmem:s29+$0x90]  }
0xb4: {  	s1 =	simm.s32 $0x4;
	s2 =	sadd.s32 $0x390, s29;
	v4 =	vld [tilespmem:s29+$0xFFFFFEC8];
	[tilespmem:s25+$0x1B0] =	vst v6  }
.LBB2_3:
0xb5: {  	v5 =	vld [tilespmem:s2+$0x0];
	s1 =	sadd.s32 $0x2, s1;
	[tilespmem:s25+$0xFFFFFFF0] =	vst v0;
	s25 =	smov.u32 s26;
	s26 =	smov.u32 s0  }
0xb6: {  	v0 =	vld [tilespmem:s2+$0xFFFFFE38];
	p1 =	slt.u32 s1, $0x3E;
	[tilespmem:s25+$0x120] =	vst v1  }
0xb7: {  	[tilespmem:s25+$0xFFFFFF60] =	vst v2;
	v1 =	vld [tilespmem:s28+$0x130]  }
0xb8: {  	[tilespmem:s0+$0x90] =	vst v3;
	v2 =	vld [tilespmem:s28+$0xFFFFFF68]  }
0xb9: {  	s0 =	sadd.s32 $0x380, s0;
	[tilespmem:s26+$0xFFFFFED0] =	vst v4;
	v3 =	vld [tilespmem:s29+$0xA0]  }
0xba: {  	[tilespmem:s0+$0x0] =	vst v5;
	v4 =	vld [tilespmem:s29+$0xFFFFFED8]  }
0xbb: {  	[tilespmem:s0+$0xFFFFFE40] =	vst v0;
	v0 =	vld [tilespmem:s2+$0x10]  }
0xbc: {  	v5 =	vld [tilespmem:s2+$0xFFFFFE48];
	[tilespmem:s25+$0x130] =	vst v1  }
0xbd: {  	[tilespmem:s25+$0xFFFFFF70] =	vst v2;
	v1 =	vld [tilespmem:s28+$0x140]  }
0xbe: {  	[tilespmem:s26+$0xA0] =	vst v3;
	v2 =	vld [tilespmem:s28+$0xFFFFFF78]  }
0xbf: {  	[tilespmem:s26+$0xFFFFFEE0] =	vst v4;
	v3 =	vld [tilespmem:s29+$0xB0]  }
0xc0: {  	[tilespmem:s0+$0x10] =	vst v0;
	v0 =	vld [tilespmem:s29+$0xFFFFFEE8]  }
0xc1: {  	[tilespmem:s0+$0xFFFFFE50] =	vst v5;
	v4 =	vld [tilespmem:s2+$0x20]  }
0xc2: {  	v5 =	vld [tilespmem:s2+$0xFFFFFE58];
	[tilespmem:s25+$0x140] =	vst v1  }
0xc3: {  	[tilespmem:s25+$0xFFFFFF80] =	vst v2;
	v1 =	vld [tilespmem:s28+$0x150]  }
0xc4: {  	[tilespmem:s26+$0xB0] =	vst v3;
	v2 =	vld [tilespmem:s28+$0xFFFFFF88]  }
0xc5: {  	[tilespmem:s26+$0xFFFFFEF0] =	vst v0;
	v0 =	vld [tilespmem:s29+$0xC0]  }
0xc6: {  	[tilespmem:s0+$0x20] =	vst v4;
	v3 =	vld [tilespmem:s29+$0xFFFFFEF8]  }
0xc7: {  	[tilespmem:s0+$0xFFFFFE60] =	vst v5;
	v4 =	vld [tilespmem:s2+$0x30]  }
0xc8: {  	v5 =	vld [tilespmem:s2+$0xFFFFFE68];
	[tilespmem:s25+$0x150] =	vst v1  }
0xc9: {  	[tilespmem:s25+$0xFFFFFF90] =	vst v2;
	v1 =	vld [tilespmem:s28+$0x160]  }
0xca: {  	[tilespmem:s26+$0xC0] =	vst v0;
	v0 =	vld [tilespmem:s28+$0xFFFFFF98]  }
0xcb: {  	[tilespmem:s26+$0xFFFFFF00] =	vst v3;
	v2 =	vld [tilespmem:s29+$0xD0]  }
0xcc: {  	[tilespmem:s0+$0x30] =	vst v4;
	v3 =	vld [tilespmem:s29+$0xFFFFFF08]  }
0xcd: {  	[tilespmem:s0+$0xFFFFFE70] =	vst v5;
	v4 =	vld [tilespmem:s2+$0x40]  }
0xce: {  	v5 =	vld [tilespmem:s2+$0xFFFFFE78];
	[tilespmem:s25+$0x160] =	vst v1  }
0xcf: {  	[tilespmem:s25+$0xFFFFFFA0] =	vst v0;
	v0 =	vld [tilespmem:s28+$0x170]  }
0xd0: {  	[tilespmem:s26+$0xD0] =	vst v2;
	v1 =	vld [tilespmem:s28+$0xFFFFFFA8]  }
0xd1: {  	[tilespmem:s26+$0xFFFFFF10] =	vst v3;
	v2 =	vld [tilespmem:s29+$0xE0]  }
0xd2: {  	[tilespmem:s0+$0x40] =	vst v4;
	v3 =	vld [tilespmem:s29+$0xFFFFFF18]  }
0xd3: {  	[tilespmem:s0+$0xFFFFFE80] =	vst v5;
	v4 =	vld [tilespmem:s2+$0x50]  }
0xd4: {  	v5 =	vld [tilespmem:s2+$0xFFFFFE88];
	[tilespmem:s25+$0x170] =	vst v0  }
0xd5: {  	[tilespmem:s25+$0xFFFFFFB0] =	vst v1;
	v0 =	vld [tilespmem:s28+$0x180]  }
0xd6: {  	[tilespmem:s26+$0xE0] =	vst v2;
	v1 =	vld [tilespmem:s28+$0xFFFFFFB8]  }
0xd7: {  	[tilespmem:s26+$0xFFFFFF20] =	vst v3;
	v2 =	vld [tilespmem:s29+$0xF0]  }
0xd8: {  	[tilespmem:s0+$0x50] =	vst v4;
	v3 =	vld [tilespmem:s29+$0xFFFFFF28]  }
0xd9: {  	[tilespmem:s0+$0xFFFFFE90] =	vst v5;
	v4 =	vld [tilespmem:s2+$0x60]  }
0xda: {  	v5 =	vld [tilespmem:s2+$0xFFFFFE98];
	[tilespmem:s25+$0x180] =	vst v0  }
0xdb: {  	[tilespmem:s25+$0xFFFFFFC0] =	vst v1;
	v0 =	vld [tilespmem:s28+$0x190]  }
0xdc: {  	[tilespmem:s26+$0xF0] =	vst v2;
	v1 =	vld [tilespmem:s28+$0xFFFFFFC8]  }
0xdd: {  	[tilespmem:s26+$0xFFFFFF30] =	vst v3;
	v2 =	vld [tilespmem:s29+$0x100]  }
0xde: {  	[tilespmem:s0+$0x60] =	vst v4;
	v3 =	vld [tilespmem:s29+$0xFFFFFF38]  }
0xdf: {  	[tilespmem:s0+$0xFFFFFEA0] =	vst v5;
	v4 =	vld [tilespmem:s2+$0x70]  }
0xe0: {  	v5 =	vld [tilespmem:s2+$0xFFFFFEA8];
	[tilespmem:s25+$0x190] =	vst v0  }
0xe1: {  	[tilespmem:s25+$0xFFFFFFD0] =	vst v1;
	v0 =	vld [tilespmem:s28+$0x1A0]  }
0xe2: {  	[tilespmem:s26+$0x100] =	vst v2;
	v1 =	vld [tilespmem:s28+$0xFFFFFFD8]  }
0xe3: {  	[tilespmem:s26+$0xFFFFFF40] =	vst v3;
	v2 =	vld [tilespmem:s29+$0x110]  }
0xe4: {  	[tilespmem:s0+$0x70] =	vst v4;
	v3 =	vld [tilespmem:s29+$0xFFFFFF48]  }
0xe5: {  	[tilespmem:s0+$0xFFFFFEB0] =	vst v5;
	v4 =	vld [tilespmem:s2+$0x80]  }
0xe6: {  	v5 =	vld [tilespmem:s2+$0xFFFFFEB8];
	[tilespmem:s25+$0x1A0] =	vst v0  }
0xe7: {  	[tilespmem:s25+$0xFFFFFFE0] =	vst v1;
	v6 =	vld [tilespmem:s28+$0x1B0]  }
.Ltmp0:
0xe8: {  	[tilespmem:s26+$0x110] =	vst v2;
	v0 =	vld [tilespmem:s28+$0xFFFFFFE8];
	s28 =	smov.u32 s29;
	s29 =	smov.u32 s2;
	(pc) =	sbr.rel @p1 .LBB2_3-.Ltmp0, $4  }
0xe9: {  	[tilespmem:s26+$0xFFFFFF50] =	vst v3;
	v1 =	vld [tilespmem:s28+$0x120]  }
0xea: {  	[tilespmem:s0+$0x80] =	vst v4;
	v2 =	vld [tilespmem:s28+$0xFFFFFF58]  }
0xeb: {  	[tilespmem:s0+$0xFFFFFEC0] =	vst v5;
	v3 =	vld [tilespmem:s2+$0x90]  }
0xec: {  	s2 =	sadd.s32 $0x390, s2;
	v4 =	vld [tilespmem:s29+$0xFFFFFEC8];
	[tilespmem:s25+$0x1B0] =	vst v6  }
0xed: {  	_ =	sdelay $0x2  }
0xee: {  	[tilespmem:s0+$0x90] =	vst v3  }
0xef: {  	[tilespmem:s0+$0xFFFFFED0] =	vst v4;
	v3 =	vld [tilespmem:s29+$0xA0]  }
0xf0: {  	v4 =	vld [tilespmem:s29+$0xFFFFFED8];
	_ =	sdelay $0x3  }
0xf1: {  	[tilespmem:s0+$0xA0] =	vst v3  }
0xf2: {  	[tilespmem:s0+$0xFFFFFEE0] =	vst v4;
	v3 =	vld [tilespmem:s29+$0xB0]  }
0xf3: {  	v4 =	vld [tilespmem:s29+$0xFFFFFEE8];
	_ =	sdelay $0x3  }
0xf4: {  	[tilespmem:s0+$0xB0] =	vst v3  }
0xf5: {  	[tilespmem:s0+$0xFFFFFEF0] =	vst v4;
	v3 =	vld [tilespmem:s29+$0xC0]  }
0xf6: {  	v4 =	vld [tilespmem:s29+$0xFFFFFEF8];
	_ =	sdelay $0x3  }
0xf7: {  	[tilespmem:s0+$0xC0] =	vst v3  }
0xf8: {  	[tilespmem:s0+$0xFFFFFF00] =	vst v4;
	v3 =	vld [tilespmem:s29+$0xD0]  }
0xf9: {  	v4 =	vld [tilespmem:s29+$0xFFFFFF08];
	_ =	sdelay $0x3  }
0xfa: {  	[tilespmem:s0+$0xD0] =	vst v3  }
0xfb: {  	[tilespmem:s0+$0xFFFFFF10] =	vst v4;
	v3 =	vld [tilespmem:s29+$0xE0]  }
0xfc: {  	v4 =	vld [tilespmem:s29+$0xFFFFFF18];
	_ =	sdelay $0x3  }
0xfd: {  	[tilespmem:s0+$0xE0] =	vst v3  }
0xfe: {  	[tilespmem:s0+$0xFFFFFF20] =	vst v4;
	v3 =	vld [tilespmem:s29+$0xF0]  }
0xff: {  	v4 =	vld [tilespmem:s29+$0xFFFFFF28];
	_ =	sdelay $0x3  }
0x100: {  	[tilespmem:s0+$0xF0] =	vst v3  }
0x101: {  	[tilespmem:s0+$0xFFFFFF30] =	vst v4;
	v3 =	vld [tilespmem:s29+$0x100]  }
0x102: {  	v4 =	vld [tilespmem:s29+$0xFFFFFF38];
	_ =	sdelay $0x3  }
0x103: {  	[tilespmem:s0+$0x100] =	vst v3  }
0x104: {  	[tilespmem:s0+$0xFFFFFF40] =	vst v4;
	v3 =	vld [tilespmem:s29+$0x110]  }
0x105: {  	v4 =	vld [tilespmem:s29+$0xFFFFFF48];
	_ =	sdelay $0x3  }
0x106: {  	[tilespmem:s0+$0x110] =	vst v3  }
0x107: {  	[tilespmem:s0+$0xFFFFFF50] =	vst v4;
	v3 =	vld [tilespmem:s29+$0x120]  }
0x108: {  	v4 =	vld [tilespmem:s29+$0xFFFFFF58];
	_ =	sdelay $0x1  }
0x109: {  	[tilespmem:s26+$0x120] =	vst v1  }
0x10a: {  	[tilespmem:s26+$0xFFFFFF60] =	vst v2;
	v1 =	vld [tilespmem:s28+$0x130]  }
0x10b: {  	v2 =	vld [tilespmem:s28+$0xFFFFFF68];
	[tilespmem:s0+$0x120] =	vst v3  }
0x10c: {  	[tilespmem:s0+$0xFFFFFF60] =	vst v4;
	v3 =	vld [tilespmem:s29+$0x130]  }
0x10d: {  	v4 =	vld [tilespmem:s29+$0xFFFFFF68];
	_ =	sdelay $0x1  }
0x10e: {  	[tilespmem:s26+$0x130] =	vst v1  }
0x10f: {  	[tilespmem:s26+$0xFFFFFF70] =	vst v2;
	v1 =	vld [tilespmem:s28+$0x140]  }
0x110: {  	v2 =	vld [tilespmem:s28+$0xFFFFFF78];
	[tilespmem:s0+$0x130] =	vst v3  }
0x111: {  	[tilespmem:s0+$0xFFFFFF70] =	vst v4;
	v3 =	vld [tilespmem:s29+$0x140]  }
0x112: {  	v4 =	vld [tilespmem:s29+$0xFFFFFF78];
	_ =	sdelay $0x1  }
0x113: {  	[tilespmem:s26+$0x140] =	vst v1  }
0x114: {  	[tilespmem:s26+$0xFFFFFF80] =	vst v2;
	v1 =	vld [tilespmem:s28+$0x150]  }
0x115: {  	v2 =	vld [tilespmem:s28+$0xFFFFFF88];
	[tilespmem:s0+$0x140] =	vst v3  }
0x116: {  	[tilespmem:s0+$0xFFFFFF80] =	vst v4;
	v3 =	vld [tilespmem:s29+$0x150]  }
0x117: {  	v4 =	vld [tilespmem:s29+$0xFFFFFF88];
	_ =	sdelay $0x1  }
0x118: {  	[tilespmem:s26+$0x150] =	vst v1  }
0x119: {  	[tilespmem:s26+$0xFFFFFF90] =	vst v2;
	v1 =	vld [tilespmem:s28+$0x160]  }
0x11a: {  	v2 =	vld [tilespmem:s28+$0xFFFFFF98];
	[tilespmem:s0+$0x150] =	vst v3  }
0x11b: {  	[tilespmem:s0+$0xFFFFFF90] =	vst v4;
	v3 =	vld [tilespmem:s29+$0x160]  }
0x11c: {  	v4 =	vld [tilespmem:s29+$0xFFFFFF98];
	_ =	sdelay $0x1  }
0x11d: {  	[tilespmem:s26+$0x160] =	vst v1  }
0x11e: {  	[tilespmem:s26+$0xFFFFFFA0] =	vst v2;
	v1 =	vld [tilespmem:s28+$0x170]  }
0x11f: {  	v2 =	vld [tilespmem:s28+$0xFFFFFFA8];
	[tilespmem:s0+$0x160] =	vst v3  }
0x120: {  	[tilespmem:s0+$0xFFFFFFA0] =	vst v4;
	v3 =	vld [tilespmem:s29+$0x170]  }
0x121: {  	v4 =	vld [tilespmem:s29+$0xFFFFFFA8];
	_ =	sdelay $0x1  }
0x122: {  	[tilespmem:s26+$0x170] =	vst v1  }
0x123: {  	[tilespmem:s26+$0xFFFFFFB0] =	vst v2;
	v1 =	vld [tilespmem:s28+$0x180]  }
0x124: {  	v2 =	vld [tilespmem:s28+$0xFFFFFFB8];
	[tilespmem:s0+$0x170] =	vst v3  }
0x125: {  	[tilespmem:s0+$0xFFFFFFB0] =	vst v4;
	v3 =	vld [tilespmem:s29+$0x180]  }
0x126: {  	v4 =	vld [tilespmem:s29+$0xFFFFFFB8];
	_ =	sdelay $0x1  }
0x127: {  	[tilespmem:s26+$0x180] =	vst v1  }
0x128: {  	[tilespmem:s26+$0xFFFFFFC0] =	vst v2;
	v1 =	vld [tilespmem:s28+$0x190]  }
0x129: {  	v2 =	vld [tilespmem:s28+$0xFFFFFFC8];
	[tilespmem:s0+$0x180] =	vst v3  }
0x12a: {  	[tilespmem:s0+$0xFFFFFFC0] =	vst v4;
	v3 =	vld [tilespmem:s29+$0x190]  }
0x12b: {  	v4 =	vld [tilespmem:s29+$0xFFFFFFC8];
	_ =	sdelay $0x1  }
0x12c: {  	[tilespmem:s26+$0x190] =	vst v1  }
0x12d: {  	[tilespmem:s26+$0xFFFFFFD0] =	vst v2;
	v1 =	vld [tilespmem:s28+$0x1A0]  }
0x12e: {  	v2 =	vld [tilespmem:s28+$0xFFFFFFD8];
	[tilespmem:s0+$0x190] =	vst v3  }
0x12f: {  	[tilespmem:s0+$0xFFFFFFD0] =	vst v4;
	v3 =	vld [tilespmem:s29+$0x1A0]  }
0x130: {  	v4 =	vld [tilespmem:s29+$0xFFFFFFD8];
	_ =	sdelay $0x1  }
0x131: {  	[tilespmem:s26+$0x1A0] =	vst v1  }
0x132: {  	[tilespmem:s26+$0xFFFFFFE0] =	vst v2;
	v1 =	vld [tilespmem:s28+$0x1B0]  }
0x133: {  	v2 =	vld [tilespmem:s28+$0xFFFFFFE8];
	[tilespmem:s0+$0x1A0] =	vst v3  }
0x134: {  	[tilespmem:s0+$0xFFFFFFE0] =	vst v4;
	v3 =	vld [tilespmem:s29+$0x1B0]  }
0x135: {  	v4 =	vld [tilespmem:s29+$0xFFFFFFE8]  }
0x136: {  	[tilespmem:s25+$0xFFFFFFF0] =	vst v0  }
0x137: {  	[tilespmem:s26+$0x1B0] =	vst v1  }
0x138: {  	s1 =	sadd.s32 $0x10000, s21;
	[tilespmem:s26+$0xFFFFFFF0] =	vst v2  }
0x139: {  	s1 =	sshrl.u32 s1, $0x3;
	[tilespmem:s0+$0x1B0] =	vst v3  }
0x13a: {  	s25 =	smul.u32 $0x6200, s22;
	s8 =	sadd.s32 s4, s1;
	[tilespmem:s0+$0xFFFFFFF0] =	vst v4  }
0x13b: {  	[tilespmem:s11], [sflag:$0x1] =	stream.strided.gather [hbm4b:s8+s9], $0x7200, s10, s9, $0x38;
	[tilespmem:$0x1C410] =	vst v63  }
0x13c: {  	s26 =	sadd.s32 s5, s25  }
0x13d: {  	[hbm4b:s26+s3] =	stream.linear.scatter [tilespmem:s14], [sflag:$0x3], $0x7000, $0x38;
	[tilespmem:$0x1C410] =	vst v63  }
0x13e: {  	_ =	swait.ge [sflag:s15], $0x7200  }
0x13f: {  	[sflag:s15] =	ssyncset.done $0x0  }
0x140: {  	s0 =	simm.s32 @!p0 $0x4;
	[sflag:s15] =	ssyncadd.s32 $0xFFFF8E00  }
0x141: {  	s31 =	sadd.s32 s24, s23;
	_ =	swait.ge @!p0 [sflag:s0], $0x7000  }
0x142: {  	s24 =	sshra.s32 s31, $0x2;
	[sflag:s0] =	ssyncset.done @!p0 $0x0  }
0x143: {  	s28 =	sadd.s32 $0x73D8, s24;
	[sflag:s0] =	ssyncadd.s32 @!p0 $0xFFFF9000  }
0x144: {  	v0 =	vld [tilespmem:s28+$0x0]  }
0x145: {  	v1 =	vld [tilespmem:s28+$0xFFFFFE38];
	_ =	sdelay $0x2  }
0x146: {  	s26 =	simm.s32 $0x155D0  }
0x147: {  	[tilespmem:s26+$0x0] =	vst v0  }
0x148: {  	[tilespmem:s26+$0xFFFFFE40] =	vst v1;
	v0 =	vld [tilespmem:s28+$0x10]  }
0x149: {  	v1 =	vld [tilespmem:s28+$0xFFFFFE48];
	_ =	sdelay $0x3  }
0x14a: {  	[tilespmem:s26+$0x10] =	vst v0  }
0x14b: {  	[tilespmem:s26+$0xFFFFFE50] =	vst v1;
	v0 =	vld [tilespmem:s28+$0x20]  }
0x14c: {  	v1 =	vld [tilespmem:s28+$0xFFFFFE58];
	_ =	sdelay $0x3  }
0x14d: {  	[tilespmem:s26+$0x20] =	vst v0  }
0x14e: {  	[tilespmem:s26+$0xFFFFFE60] =	vst v1;
	v0 =	vld [tilespmem:s28+$0x30]  }
0x14f: {  	v1 =	vld [tilespmem:s28+$0xFFFFFE68];
	_ =	sdelay $0x3  }
0x150: {  	[tilespmem:s26+$0x30] =	vst v0  }
0x151: {  	[tilespmem:s26+$0xFFFFFE70] =	vst v1;
	v0 =	vld [tilespmem:s28+$0x40]  }
0x152: {  	v1 =	vld [tilespmem:s28+$0xFFFFFE78];
	_ =	sdelay $0x3  }
0x153: {  	[tilespmem:s26+$0x40] =	vst v0  }
0x154: {  	[tilespmem:s26+$0xFFFFFE80] =	vst v1;
	v0 =	vld [tilespmem:s28+$0x50]  }
0x155: {  	v1 =	vld [tilespmem:s28+$0xFFFFFE88];
	_ =	sdelay $0x3  }
0x156: {  	[tilespmem:s26+$0x50] =	vst v0  }
0x157: {  	[tilespmem:s26+$0xFFFFFE90] =	vst v1;
	v0 =	vld [tilespmem:s28+$0x60]  }
0x158: {  	v1 =	vld [tilespmem:s28+$0xFFFFFE98];
	_ =	sdelay $0x3  }
0x159: {  	[tilespmem:s26+$0x60] =	vst v0  }
0x15a: {  	[tilespmem:s26+$0xFFFFFEA0] =	vst v1;
	v0 =	vld [tilespmem:s28+$0x70]  }
0x15b: {  	v1 =	vld [tilespmem:s28+$0xFFFFFEA8];
	_ =	sdelay $0x3  }
0x15c: {  	[tilespmem:s26+$0x70] =	vst v0  }
0x15d: {  	[tilespmem:s26+$0xFFFFFEB0] =	vst v1;
	v0 =	vld [tilespmem:s28+$0x80]  }
0x15e: {  	v1 =	vld [tilespmem:s28+$0xFFFFFEB8];
	_ =	sdelay $0x3  }
0x15f: {  	[tilespmem:s26+$0x80] =	vst v0  }
0x160: {  	[tilespmem:s26+$0xFFFFFEC0] =	vst v1;
	v0 =	vld [tilespmem:s28+$0x90]  }
0x161: {  	s23 =	sadd.s32 $0x390, s28;
	v1 =	vld [tilespmem:s28+$0xFFFFFEC8]  }
0x162: {  	v2 =	vld [tilespmem:s23+$0x0]  }
0x163: {  	v3 =	vld [tilespmem:s23+$0xFFFFFE38];
	_ =	sdelay $0x1  }
0x164: {  	[tilespmem:s26+$0x90] =	vst v0  }
0x165: {  	s29 =	simm.s32 $0x15950;
	[tilespmem:s26+$0xFFFFFED0] =	vst v1;
	v0 =	vld [tilespmem:s28+$0xA0]  }
0x166: {  	[tilespmem:s29+$0x0] =	vst v2;
	v1 =	vld [tilespmem:s28+$0xFFFFFED8]  }
0x167: {  	[tilespmem:s29+$0xFFFFFE40] =	vst v3;
	v2 =	vld [tilespmem:s23+$0x10]  }
0x168: {  	v3 =	vld [tilespmem:s23+$0xFFFFFE48];
	_ =	sdelay $0x1  }
0x169: {  	[tilespmem:s26+$0xA0] =	vst v0  }
0x16a: {  	[tilespmem:s26+$0xFFFFFEE0] =	vst v1;
	v0 =	vld [tilespmem:s28+$0xB0]  }
0x16b: {  	[tilespmem:s29+$0x10] =	vst v2;
	v1 =	vld [tilespmem:s28+$0xFFFFFEE8]  }
0x16c: {  	[tilespmem:s29+$0xFFFFFE50] =	vst v3;
	v2 =	vld [tilespmem:s23+$0x20]  }
0x16d: {  	v3 =	vld [tilespmem:s23+$0xFFFFFE58];
	_ =	sdelay $0x1  }
0x16e: {  	[tilespmem:s26+$0xB0] =	vst v0  }
0x16f: {  	[tilespmem:s26+$0xFFFFFEF0] =	vst v1;
	v0 =	vld [tilespmem:s28+$0xC0]  }
0x170: {  	[tilespmem:s29+$0x20] =	vst v2;
	v1 =	vld [tilespmem:s28+$0xFFFFFEF8]  }
0x171: {  	[tilespmem:s29+$0xFFFFFE60] =	vst v3;
	v2 =	vld [tilespmem:s23+$0x30]  }
0x172: {  	v3 =	vld [tilespmem:s23+$0xFFFFFE68];
	_ =	sdelay $0x1  }
0x173: {  	[tilespmem:s26+$0xC0] =	vst v0  }
0x174: {  	[tilespmem:s26+$0xFFFFFF00] =	vst v1;
	v0 =	vld [tilespmem:s28+$0xD0]  }
0x175: {  	[tilespmem:s29+$0x30] =	vst v2;
	v1 =	vld [tilespmem:s28+$0xFFFFFF08]  }
0x176: {  	[tilespmem:s29+$0xFFFFFE70] =	vst v3;
	v2 =	vld [tilespmem:s23+$0x40]  }
0x177: {  	v3 =	vld [tilespmem:s23+$0xFFFFFE78];
	_ =	sdelay $0x1  }
0x178: {  	[tilespmem:s26+$0xD0] =	vst v0  }
0x179: {  	[tilespmem:s26+$0xFFFFFF10] =	vst v1;
	v0 =	vld [tilespmem:s28+$0xE0]  }
0x17a: {  	[tilespmem:s29+$0x40] =	vst v2;
	v1 =	vld [tilespmem:s28+$0xFFFFFF18]  }
0x17b: {  	[tilespmem:s29+$0xFFFFFE80] =	vst v3;
	v2 =	vld [tilespmem:s23+$0x50]  }
0x17c: {  	v3 =	vld [tilespmem:s23+$0xFFFFFE88];
	_ =	sdelay $0x1  }
0x17d: {  	[tilespmem:s26+$0xE0] =	vst v0  }
0x17e: {  	[tilespmem:s26+$0xFFFFFF20] =	vst v1;
	v0 =	vld [tilespmem:s28+$0xF0]  }
0x17f: {  	[tilespmem:s29+$0x50] =	vst v2;
	v1 =	vld [tilespmem:s28+$0xFFFFFF28]  }
0x180: {  	[tilespmem:s29+$0xFFFFFE90] =	vst v3;
	v2 =	vld [tilespmem:s23+$0x60]  }
0x181: {  	v3 =	vld [tilespmem:s23+$0xFFFFFE98];
	_ =	sdelay $0x1  }
0x182: {  	[tilespmem:s26+$0xF0] =	vst v0  }
0x183: {  	[tilespmem:s26+$0xFFFFFF30] =	vst v1;
	v0 =	vld [tilespmem:s28+$0x100]  }
0x184: {  	[tilespmem:s29+$0x60] =	vst v2;
	v1 =	vld [tilespmem:s28+$0xFFFFFF38]  }
0x185: {  	[tilespmem:s29+$0xFFFFFEA0] =	vst v3;
	v2 =	vld [tilespmem:s23+$0x70]  }
0x186: {  	v3 =	vld [tilespmem:s23+$0xFFFFFEA8];
	_ =	sdelay $0x1  }
0x187: {  	[tilespmem:s26+$0x100] =	vst v0  }
0x188: {  	[tilespmem:s26+$0xFFFFFF40] =	vst v1;
	v0 =	vld [tilespmem:s28+$0x110]  }
0x189: {  	[tilespmem:s29+$0x70] =	vst v2;
	v1 =	vld [tilespmem:s28+$0xFFFFFF48]  }
0x18a: {  	[tilespmem:s29+$0xFFFFFEB0] =	vst v3;
	v2 =	vld [tilespmem:s23+$0x80]  }
0x18b: {  	v3 =	vld [tilespmem:s23+$0xFFFFFEB8];
	_ =	sdelay $0x1  }
0x18c: {  	[tilespmem:s26+$0x110] =	vst v0  }
0x18d: {  	[tilespmem:s26+$0xFFFFFF50] =	vst v1;
	v0 =	vld [tilespmem:s28+$0x120]  }
0x18e: {  	[tilespmem:s29+$0x80] =	vst v2;
	v1 =	vld [tilespmem:s28+$0xFFFFFF58]  }
0x18f: {  	[tilespmem:s29+$0xFFFFFEC0] =	vst v3;
	v2 =	vld [tilespmem:s23+$0x90]  }
0x190: {  	s25 =	sadd.s32 $0x390, s23;
	v3 =	vld [tilespmem:s23+$0xFFFFFEC8]  }
0x191: {  	v4 =	vld [tilespmem:s25+$0x0]  }
0x192: {  	v5 =	vld [tilespmem:s25+$0xFFFFFE38];
	[tilespmem:s26+$0x120] =	vst v0  }
0x193: {  	[tilespmem:s26+$0xFFFFFF60] =	vst v1;
	v0 =	vld [tilespmem:s28+$0x130]  }
0x194: {  	[tilespmem:s29+$0x90] =	vst v2;
	v1 =	vld [tilespmem:s28+$0xFFFFFF68]  }
0x195: {  	s30 =	simm.s32 $0x15CD0;
	[tilespmem:s29+$0xFFFFFED0] =	vst v3;
	v2 =	vld [tilespmem:s23+$0xA0]  }
0x196: {  	[tilespmem:s30+$0x0] =	vst v4;
	v3 =	vld [tilespmem:s23+$0xFFFFFED8]  }
0x197: {  	[tilespmem:s30+$0xFFFFFE40] =	vst v5;
	v4 =	vld [tilespmem:s25+$0x10]  }
0x198: {  	v5 =	vld [tilespmem:s25+$0xFFFFFE48];
	[tilespmem:s26+$0x130] =	vst v0  }
0x199: {  	[tilespmem:s26+$0xFFFFFF70] =	vst v1;
	v0 =	vld [tilespmem:s28+$0x140]  }
0x19a: {  	[tilespmem:s29+$0xA0] =	vst v2;
	v1 =	vld [tilespmem:s28+$0xFFFFFF78]  }
0x19b: {  	[tilespmem:s29+$0xFFFFFEE0] =	vst v3;
	v2 =	vld [tilespmem:s23+$0xB0]  }
0x19c: {  	[tilespmem:s30+$0x10] =	vst v4;
	v3 =	vld [tilespmem:s23+$0xFFFFFEE8]  }
0x19d: {  	[tilespmem:s30+$0xFFFFFE50] =	vst v5;
	v4 =	vld [tilespmem:s25+$0x20]  }
0x19e: {  	v5 =	vld [tilespmem:s25+$0xFFFFFE58];
	[tilespmem:s26+$0x140] =	vst v0  }
0x19f: {  	[tilespmem:s26+$0xFFFFFF80] =	vst v1;
	v0 =	vld [tilespmem:s28+$0x150]  }
0x1a0: {  	[tilespmem:s29+$0xB0] =	vst v2;
	v1 =	vld [tilespmem:s28+$0xFFFFFF88]  }
0x1a1: {  	[tilespmem:s29+$0xFFFFFEF0] =	vst v3;
	v2 =	vld [tilespmem:s23+$0xC0]  }
0x1a2: {  	[tilespmem:s30+$0x20] =	vst v4;
	v3 =	vld [tilespmem:s23+$0xFFFFFEF8]  }
0x1a3: {  	[tilespmem:s30+$0xFFFFFE60] =	vst v5;
	v4 =	vld [tilespmem:s25+$0x30]  }
0x1a4: {  	v5 =	vld [tilespmem:s25+$0xFFFFFE68];
	[tilespmem:s26+$0x150] =	vst v0  }
0x1a5: {  	[tilespmem:s26+$0xFFFFFF90] =	vst v1;
	v0 =	vld [tilespmem:s28+$0x160]  }
0x1a6: {  	[tilespmem:s29+$0xC0] =	vst v2;
	v1 =	vld [tilespmem:s28+$0xFFFFFF98]  }
0x1a7: {  	[tilespmem:s29+$0xFFFFFF00] =	vst v3;
	v2 =	vld [tilespmem:s23+$0xD0]  }
0x1a8: {  	[tilespmem:s30+$0x30] =	vst v4;
	v3 =	vld [tilespmem:s23+$0xFFFFFF08]  }
0x1a9: {  	[tilespmem:s30+$0xFFFFFE70] =	vst v5;
	v4 =	vld [tilespmem:s25+$0x40]  }
0x1aa: {  	v5 =	vld [tilespmem:s25+$0xFFFFFE78];
	[tilespmem:s26+$0x160] =	vst v0  }
0x1ab: {  	[tilespmem:s26+$0xFFFFFFA0] =	vst v1;
	v0 =	vld [tilespmem:s28+$0x170]  }
0x1ac: {  	[tilespmem:s29+$0xD0] =	vst v2;
	v1 =	vld [tilespmem:s28+$0xFFFFFFA8]  }
0x1ad: {  	[tilespmem:s29+$0xFFFFFF10] =	vst v3;
	v2 =	vld [tilespmem:s23+$0xE0]  }
0x1ae: {  	[tilespmem:s30+$0x40] =	vst v4;
	v3 =	vld [tilespmem:s23+$0xFFFFFF18]  }
0x1af: {  	[tilespmem:s30+$0xFFFFFE80] =	vst v5;
	v4 =	vld [tilespmem:s25+$0x50]  }
0x1b0: {  	v5 =	vld [tilespmem:s25+$0xFFFFFE88];
	[tilespmem:s26+$0x170] =	vst v0  }
0x1b1: {  	[tilespmem:s26+$0xFFFFFFB0] =	vst v1;
	v0 =	vld [tilespmem:s28+$0x180]  }
0x1b2: {  	[tilespmem:s29+$0xE0] =	vst v2;
	v1 =	vld [tilespmem:s28+$0xFFFFFFB8]  }
0x1b3: {  	[tilespmem:s29+$0xFFFFFF20] =	vst v3;
	v2 =	vld [tilespmem:s23+$0xF0]  }
0x1b4: {  	[tilespmem:s30+$0x50] =	vst v4;
	v3 =	vld [tilespmem:s23+$0xFFFFFF28]  }
0x1b5: {  	[tilespmem:s30+$0xFFFFFE90] =	vst v5;
	v4 =	vld [tilespmem:s25+$0x60]  }
0x1b6: {  	v5 =	vld [tilespmem:s25+$0xFFFFFE98];
	[tilespmem:s26+$0x180] =	vst v0  }
0x1b7: {  	[tilespmem:s26+$0xFFFFFFC0] =	vst v1;
	v0 =	vld [tilespmem:s28+$0x190]  }
0x1b8: {  	[tilespmem:s29+$0xF0] =	vst v2;
	v1 =	vld [tilespmem:s28+$0xFFFFFFC8]  }
0x1b9: {  	[tilespmem:s29+$0xFFFFFF30] =	vst v3;
	v2 =	vld [tilespmem:s23+$0x100]  }
0x1ba: {  	[tilespmem:s30+$0x60] =	vst v4;
	v3 =	vld [tilespmem:s23+$0xFFFFFF38]  }
0x1bb: {  	[tilespmem:s30+$0xFFFFFEA0] =	vst v5;
	v4 =	vld [tilespmem:s25+$0x70]  }
0x1bc: {  	v5 =	vld [tilespmem:s25+$0xFFFFFEA8];
	[tilespmem:s26+$0x190] =	vst v0  }
0x1bd: {  	[tilespmem:s26+$0xFFFFFFD0] =	vst v1;
	v0 =	vld [tilespmem:s28+$0x1A0]  }
0x1be: {  	[tilespmem:s29+$0x100] =	vst v2;
	v1 =	vld [tilespmem:s28+$0xFFFFFFD8]  }
0x1bf: {  	[tilespmem:s29+$0xFFFFFF40] =	vst v3;
	v2 =	vld [tilespmem:s23+$0x110]  }
0x1c0: {  	[tilespmem:s30+$0x70] =	vst v4;
	v3 =	vld [tilespmem:s23+$0xFFFFFF48]  }
0x1c1: {  	[tilespmem:s30+$0xFFFFFEB0] =	vst v5;
	v4 =	vld [tilespmem:s25+$0x80]  }
0x1c2: {  	v5 =	vld [tilespmem:s25+$0xFFFFFEB8];
	[tilespmem:s26+$0x1A0] =	vst v0  }
0x1c3: {  	[tilespmem:s26+$0xFFFFFFE0] =	vst v1;
	v6 =	vld [tilespmem:s28+$0x1B0]  }
0x1c4: {  	[tilespmem:s29+$0x110] =	vst v2;
	v0 =	vld [tilespmem:s28+$0xFFFFFFE8]  }
0x1c5: {  	[tilespmem:s29+$0xFFFFFF50] =	vst v3;
	v1 =	vld [tilespmem:s23+$0x120]  }
0x1c6: {  	[tilespmem:s30+$0x80] =	vst v4;
	v2 =	vld [tilespmem:s23+$0xFFFFFF58]  }
0x1c7: {  	s1 =	simm.s32 $0x4;
	[tilespmem:s30+$0xFFFFFEC0] =	vst v5;
	v3 =	vld [tilespmem:s25+$0x90]  }
0x1c8: {  	s2 =	smov.u32 s23;
	s7 =	sadd.s32 $0x390, s25;
	s0 =	smov.u32 s25;
	v4 =	vld [tilespmem:s25+$0xFFFFFEC8];
	[tilespmem:s26+$0x1B0] =	vst v6  }
.LBB2_5:
0x1c9: {  	v5 =	vld [tilespmem:s7+$0x0];
	s1 =	sadd.s32 $0x2, s1;
	[tilespmem:s26+$0xFFFFFFF0] =	vst v0;
	s26 =	smov.u32 s29;
	s29 =	smov.u32 s30  }
0x1ca: {  	v0 =	vld [tilespmem:s7+$0xFFFFFE38];
	p0 =	slt.u32 s1, $0x3E;
	[tilespmem:s26+$0x120] =	vst v1  }
0x1cb: {  	[tilespmem:s26+$0xFFFFFF60] =	vst v2;
	v1 =	vld [tilespmem:s2+$0x130]  }
0x1cc: {  	[tilespmem:s30+$0x90] =	vst v3;
	v2 =	vld [tilespmem:s2+$0xFFFFFF68]  }
0x1cd: {  	s30 =	sadd.s32 $0x380, s30;
	[tilespmem:s29+$0xFFFFFED0] =	vst v4;
	v3 =	vld [tilespmem:s0+$0xA0]  }
0x1ce: {  	[tilespmem:s30+$0x0] =	vst v5;
	v4 =	vld [tilespmem:s0+$0xFFFFFED8]  }
0x1cf: {  	[tilespmem:s30+$0xFFFFFE40] =	vst v0;
	v0 =	vld [tilespmem:s7+$0x10]  }
0x1d0: {  	v5 =	vld [tilespmem:s7+$0xFFFFFE48];
	[tilespmem:s26+$0x130] =	vst v1  }
0x1d1: {  	[tilespmem:s26+$0xFFFFFF70] =	vst v2;
	v1 =	vld [tilespmem:s2+$0x140]  }
0x1d2: {  	[tilespmem:s29+$0xA0] =	vst v3;
	v2 =	vld [tilespmem:s2+$0xFFFFFF78]  }
0x1d3: {  	[tilespmem:s29+$0xFFFFFEE0] =	vst v4;
	v3 =	vld [tilespmem:s0+$0xB0]  }
0x1d4: {  	[tilespmem:s30+$0x10] =	vst v0;
	v0 =	vld [tilespmem:s0+$0xFFFFFEE8]  }
0x1d5: {  	[tilespmem:s30+$0xFFFFFE50] =	vst v5;
	v4 =	vld [tilespmem:s7+$0x20]  }
0x1d6: {  	v5 =	vld [tilespmem:s7+$0xFFFFFE58];
	[tilespmem:s26+$0x140] =	vst v1  }
0x1d7: {  	[tilespmem:s26+$0xFFFFFF80] =	vst v2;
	v1 =	vld [tilespmem:s2+$0x150]  }
0x1d8: {  	[tilespmem:s29+$0xB0] =	vst v3;
	v2 =	vld [tilespmem:s2+$0xFFFFFF88]  }
0x1d9: {  	[tilespmem:s29+$0xFFFFFEF0] =	vst v0;
	v0 =	vld [tilespmem:s0+$0xC0]  }
0x1da: {  	[tilespmem:s30+$0x20] =	vst v4;
	v3 =	vld [tilespmem:s0+$0xFFFFFEF8]  }
0x1db: {  	[tilespmem:s30+$0xFFFFFE60] =	vst v5;
	v4 =	vld [tilespmem:s7+$0x30]  }
0x1dc: {  	v5 =	vld [tilespmem:s7+$0xFFFFFE68];
	[tilespmem:s26+$0x150] =	vst v1  }
0x1dd: {  	[tilespmem:s26+$0xFFFFFF90] =	vst v2;
	v1 =	vld [tilespmem:s2+$0x160]  }
0x1de: {  	[tilespmem:s29+$0xC0] =	vst v0;
	v0 =	vld [tilespmem:s2+$0xFFFFFF98]  }
0x1df: {  	[tilespmem:s29+$0xFFFFFF00] =	vst v3;
	v2 =	vld [tilespmem:s0+$0xD0]  }
0x1e0: {  	[tilespmem:s30+$0x30] =	vst v4;
	v3 =	vld [tilespmem:s0+$0xFFFFFF08]  }
0x1e1: {  	[tilespmem:s30+$0xFFFFFE70] =	vst v5;
	v4 =	vld [tilespmem:s7+$0x40]  }
0x1e2: {  	v5 =	vld [tilespmem:s7+$0xFFFFFE78];
	[tilespmem:s26+$0x160] =	vst v1  }
0x1e3: {  	[tilespmem:s26+$0xFFFFFFA0] =	vst v0;
	v0 =	vld [tilespmem:s2+$0x170]  }
0x1e4: {  	[tilespmem:s29+$0xD0] =	vst v2;
	v1 =	vld [tilespmem:s2+$0xFFFFFFA8]  }
0x1e5: {  	[tilespmem:s29+$0xFFFFFF10] =	vst v3;
	v2 =	vld [tilespmem:s0+$0xE0]  }
0x1e6: {  	[tilespmem:s30+$0x40] =	vst v4;
	v3 =	vld [tilespmem:s0+$0xFFFFFF18]  }
0x1e7: {  	[tilespmem:s30+$0xFFFFFE80] =	vst v5;
	v4 =	vld [tilespmem:s7+$0x50]  }
0x1e8: {  	v5 =	vld [tilespmem:s7+$0xFFFFFE88];
	[tilespmem:s26+$0x170] =	vst v0  }
0x1e9: {  	[tilespmem:s26+$0xFFFFFFB0] =	vst v1;
	v0 =	vld [tilespmem:s2+$0x180]  }
0x1ea: {  	[tilespmem:s29+$0xE0] =	vst v2;
	v1 =	vld [tilespmem:s2+$0xFFFFFFB8]  }
0x1eb: {  	[tilespmem:s29+$0xFFFFFF20] =	vst v3;
	v2 =	vld [tilespmem:s0+$0xF0]  }
0x1ec: {  	[tilespmem:s30+$0x50] =	vst v4;
	v3 =	vld [tilespmem:s0+$0xFFFFFF28]  }
0x1ed: {  	[tilespmem:s30+$0xFFFFFE90] =	vst v5;
	v4 =	vld [tilespmem:s7+$0x60]  }
0x1ee: {  	v5 =	vld [tilespmem:s7+$0xFFFFFE98];
	[tilespmem:s26+$0x180] =	vst v0  }
0x1ef: {  	[tilespmem:s26+$0xFFFFFFC0] =	vst v1;
	v0 =	vld [tilespmem:s2+$0x190]  }
0x1f0: {  	[tilespmem:s29+$0xF0] =	vst v2;
	v1 =	vld [tilespmem:s2+$0xFFFFFFC8]  }
0x1f1: {  	[tilespmem:s29+$0xFFFFFF30] =	vst v3;
	v2 =	vld [tilespmem:s0+$0x100]  }
0x1f2: {  	[tilespmem:s30+$0x60] =	vst v4;
	v3 =	vld [tilespmem:s0+$0xFFFFFF38]  }
0x1f3: {  	[tilespmem:s30+$0xFFFFFEA0] =	vst v5;
	v4 =	vld [tilespmem:s7+$0x70]  }
0x1f4: {  	v5 =	vld [tilespmem:s7+$0xFFFFFEA8];
	[tilespmem:s26+$0x190] =	vst v0  }
0x1f5: {  	[tilespmem:s26+$0xFFFFFFD0] =	vst v1;
	v0 =	vld [tilespmem:s2+$0x1A0]  }
0x1f6: {  	[tilespmem:s29+$0x100] =	vst v2;
	v1 =	vld [tilespmem:s2+$0xFFFFFFD8]  }
0x1f7: {  	[tilespmem:s29+$0xFFFFFF40] =	vst v3;
	v2 =	vld [tilespmem:s0+$0x110]  }
0x1f8: {  	[tilespmem:s30+$0x70] =	vst v4;
	v3 =	vld [tilespmem:s0+$0xFFFFFF48]  }
0x1f9: {  	[tilespmem:s30+$0xFFFFFEB0] =	vst v5;
	v4 =	vld [tilespmem:s7+$0x80]  }
0x1fa: {  	v5 =	vld [tilespmem:s7+$0xFFFFFEB8];
	[tilespmem:s26+$0x1A0] =	vst v0  }
0x1fb: {  	[tilespmem:s26+$0xFFFFFFE0] =	vst v1;
	v6 =	vld [tilespmem:s2+$0x1B0]  }
.Ltmp1:
0x1fc: {  	[tilespmem:s29+$0x110] =	vst v2;
	v0 =	vld [tilespmem:s2+$0xFFFFFFE8];
	s2 =	smov.u32 s0;
	s0 =	smov.u32 s7;
	(pc) =	sbr.rel @p0 .LBB2_5-.Ltmp1, $4  }
0x1fd: {  	[tilespmem:s29+$0xFFFFFF50] =	vst v3;
	v1 =	vld [tilespmem:s2+$0x120]  }
0x1fe: {  	[tilespmem:s30+$0x80] =	vst v4;
	v2 =	vld [tilespmem:s2+$0xFFFFFF58]  }
0x1ff: {  	[tilespmem:s30+$0xFFFFFEC0] =	vst v5;
	v3 =	vld [tilespmem:s7+$0x90]  }
0x200: {  	s7 =	sadd.s32 $0x390, s7;
	v4 =	vld [tilespmem:s0+$0xFFFFFEC8];
	[tilespmem:s26+$0x1B0] =	vst v6  }
0x201: {  	_ =	sdelay $0x2  }
0x202: {  	[tilespmem:s30+$0x90] =	vst v3  }
0x203: {  	[tilespmem:s30+$0xFFFFFED0] =	vst v4;
	v3 =	vld [tilespmem:s0+$0xA0]  }
0x204: {  	v4 =	vld [tilespmem:s0+$0xFFFFFED8];
	_ =	sdelay $0x3  }
0x205: {  	[tilespmem:s30+$0xA0] =	vst v3  }
0x206: {  	[tilespmem:s30+$0xFFFFFEE0] =	vst v4;
	v3 =	vld [tilespmem:s0+$0xB0]  }
0x207: {  	v4 =	vld [tilespmem:s0+$0xFFFFFEE8];
	_ =	sdelay $0x3  }
0x208: {  	[tilespmem:s30+$0xB0] =	vst v3  }
0x209: {  	[tilespmem:s30+$0xFFFFFEF0] =	vst v4;
	v3 =	vld [tilespmem:s0+$0xC0]  }
0x20a: {  	v4 =	vld [tilespmem:s0+$0xFFFFFEF8];
	_ =	sdelay $0x3  }
0x20b: {  	[tilespmem:s30+$0xC0] =	vst v3  }
0x20c: {  	[tilespmem:s30+$0xFFFFFF00] =	vst v4;
	v3 =	vld [tilespmem:s0+$0xD0]  }
0x20d: {  	v4 =	vld [tilespmem:s0+$0xFFFFFF08];
	_ =	sdelay $0x3  }
0x20e: {  	[tilespmem:s30+$0xD0] =	vst v3  }
0x20f: {  	[tilespmem:s30+$0xFFFFFF10] =	vst v4;
	v3 =	vld [tilespmem:s0+$0xE0]  }
0x210: {  	v4 =	vld [tilespmem:s0+$0xFFFFFF18];
	_ =	sdelay $0x3  }
0x211: {  	[tilespmem:s30+$0xE0] =	vst v3  }
0x212: {  	[tilespmem:s30+$0xFFFFFF20] =	vst v4;
	v3 =	vld [tilespmem:s0+$0xF0]  }
0x213: {  	v4 =	vld [tilespmem:s0+$0xFFFFFF28];
	_ =	sdelay $0x3  }
0x214: {  	[tilespmem:s30+$0xF0] =	vst v3  }
0x215: {  	[tilespmem:s30+$0xFFFFFF30] =	vst v4;
	v3 =	vld [tilespmem:s0+$0x100]  }
0x216: {  	v4 =	vld [tilespmem:s0+$0xFFFFFF38];
	_ =	sdelay $0x3  }
0x217: {  	[tilespmem:s30+$0x100] =	vst v3  }
0x218: {  	[tilespmem:s30+$0xFFFFFF40] =	vst v4;
	v3 =	vld [tilespmem:s0+$0x110]  }
0x219: {  	v4 =	vld [tilespmem:s0+$0xFFFFFF48];
	_ =	sdelay $0x3  }
0x21a: {  	[tilespmem:s30+$0x110] =	vst v3  }
0x21b: {  	[tilespmem:s30+$0xFFFFFF50] =	vst v4;
	v3 =	vld [tilespmem:s0+$0x120]  }
0x21c: {  	v4 =	vld [tilespmem:s0+$0xFFFFFF58];
	_ =	sdelay $0x1  }
0x21d: {  	[tilespmem:s29+$0x120] =	vst v1  }
0x21e: {  	[tilespmem:s29+$0xFFFFFF60] =	vst v2;
	v1 =	vld [tilespmem:s2+$0x130]  }
0x21f: {  	v2 =	vld [tilespmem:s2+$0xFFFFFF68];
	[tilespmem:s30+$0x120] =	vst v3  }
0x220: {  	[tilespmem:s30+$0xFFFFFF60] =	vst v4;
	v3 =	vld [tilespmem:s0+$0x130]  }
0x221: {  	v4 =	vld [tilespmem:s0+$0xFFFFFF68];
	_ =	sdelay $0x1  }
0x222: {  	[tilespmem:s29+$0x130] =	vst v1  }
0x223: {  	[tilespmem:s29+$0xFFFFFF70] =	vst v2;
	v1 =	vld [tilespmem:s2+$0x140]  }
0x224: {  	v2 =	vld [tilespmem:s2+$0xFFFFFF78];
	[tilespmem:s30+$0x130] =	vst v3  }
0x225: {  	[tilespmem:s30+$0xFFFFFF70] =	vst v4;
	v3 =	vld [tilespmem:s0+$0x140]  }
0x226: {  	v4 =	vld [tilespmem:s0+$0xFFFFFF78];
	_ =	sdelay $0x1  }
0x227: {  	[tilespmem:s29+$0x140] =	vst v1  }
0x228: {  	[tilespmem:s29+$0xFFFFFF80] =	vst v2;
	v1 =	vld [tilespmem:s2+$0x150]  }
0x229: {  	v2 =	vld [tilespmem:s2+$0xFFFFFF88];
	[tilespmem:s30+$0x140] =	vst v3  }
0x22a: {  	[tilespmem:s30+$0xFFFFFF80] =	vst v4;
	v3 =	vld [tilespmem:s0+$0x150]  }
0x22b: {  	v4 =	vld [tilespmem:s0+$0xFFFFFF88];
	_ =	sdelay $0x1  }
0x22c: {  	[tilespmem:s29+$0x150] =	vst v1  }
0x22d: {  	[tilespmem:s29+$0xFFFFFF90] =	vst v2;
	v1 =	vld [tilespmem:s2+$0x160]  }
0x22e: {  	v2 =	vld [tilespmem:s2+$0xFFFFFF98];
	[tilespmem:s30+$0x150] =	vst v3  }
0x22f: {  	[tilespmem:s30+$0xFFFFFF90] =	vst v4;
	v3 =	vld [tilespmem:s0+$0x160]  }
0x230: {  	v4 =	vld [tilespmem:s0+$0xFFFFFF98];
	_ =	sdelay $0x1  }
0x231: {  	[tilespmem:s29+$0x160] =	vst v1  }
0x232: {  	[tilespmem:s29+$0xFFFFFFA0] =	vst v2;
	v1 =	vld [tilespmem:s2+$0x170]  }
0x233: {  	v2 =	vld [tilespmem:s2+$0xFFFFFFA8];
	[tilespmem:s30+$0x160] =	vst v3  }
0x234: {  	[tilespmem:s30+$0xFFFFFFA0] =	vst v4;
	v3 =	vld [tilespmem:s0+$0x170]  }
0x235: {  	v4 =	vld [tilespmem:s0+$0xFFFFFFA8];
	_ =	sdelay $0x1  }
0x236: {  	[tilespmem:s29+$0x170] =	vst v1  }
0x237: {  	[tilespmem:s29+$0xFFFFFFB0] =	vst v2;
	v1 =	vld [tilespmem:s2+$0x180]  }
0x238: {  	v2 =	vld [tilespmem:s2+$0xFFFFFFB8];
	[tilespmem:s30+$0x170] =	vst v3  }
0x239: {  	[tilespmem:s30+$0xFFFFFFB0] =	vst v4;
	v3 =	vld [tilespmem:s0+$0x180]  }
0x23a: {  	v4 =	vld [tilespmem:s0+$0xFFFFFFB8];
	_ =	sdelay $0x1  }
0x23b: {  	[tilespmem:s29+$0x180] =	vst v1  }
0x23c: {  	[tilespmem:s29+$0xFFFFFFC0] =	vst v2;
	v1 =	vld [tilespmem:s2+$0x190]  }
0x23d: {  	v2 =	vld [tilespmem:s2+$0xFFFFFFC8];
	[tilespmem:s30+$0x180] =	vst v3  }
0x23e: {  	[tilespmem:s30+$0xFFFFFFC0] =	vst v4;
	v3 =	vld [tilespmem:s0+$0x190]  }
0x23f: {  	v4 =	vld [tilespmem:s0+$0xFFFFFFC8];
	_ =	sdelay $0x1  }
0x240: {  	[tilespmem:s29+$0x190] =	vst v1  }
0x241: {  	[tilespmem:s29+$0xFFFFFFD0] =	vst v2;
	v1 =	vld [tilespmem:s2+$0x1A0]  }
0x242: {  	v2 =	vld [tilespmem:s2+$0xFFFFFFD8];
	[tilespmem:s30+$0x190] =	vst v3  }
0x243: {  	[tilespmem:s30+$0xFFFFFFD0] =	vst v4;
	v3 =	vld [tilespmem:s0+$0x1A0]  }
0x244: {  	v4 =	vld [tilespmem:s0+$0xFFFFFFD8];
	_ =	sdelay $0x1  }
0x245: {  	[tilespmem:s29+$0x1A0] =	vst v1  }
0x246: {  	[tilespmem:s29+$0xFFFFFFE0] =	vst v2;
	v1 =	vld [tilespmem:s2+$0x1B0]  }
0x247: {  	v2 =	vld [tilespmem:s2+$0xFFFFFFE8];
	[tilespmem:s30+$0x1A0] =	vst v3  }
0x248: {  	[tilespmem:s30+$0xFFFFFFE0] =	vst v4;
	v3 =	vld [tilespmem:s0+$0x1B0]  }
0x249: {  	v4 =	vld [tilespmem:s0+$0xFFFFFFE8]  }
0x24a: {  	[tilespmem:s26+$0xFFFFFFF0] =	vst v0  }
0x24b: {  	s1 =	smul.u32 $0x31000, s22;
	[tilespmem:s29+$0x1B0] =	vst v1  }
0x24c: {  	s8 =	sadd.s32 $0x18000, s21;
	[tilespmem:s29+$0xFFFFFFF0] =	vst v2  }
0x24d: {  	s26 =	sshrl.u32 s1, $0x3;
	s0 =	sshrl.u32 s8, $0x3;
	[tilespmem:s30+$0x1B0] =	vst v3  }
0x24e: {  	s22 =	sadd.s32 s5, s26;
	s0 =	sadd.s32 s4, s0;
	[tilespmem:s30+$0xFFFFFFF0] =	vst v4  }
0x24f: {  	[tilespmem:s12], [sflag:$0x2] =	stream.strided.gather [hbm4b:s0+s9], $0x7200, s10, s9, $0x38;
	[tilespmem:$0x1C410] =	vst v63  }
0x250: {  	s0 =	sadd.s32 $0xE00, s22  }
0x251: {  	[hbm4b:s0+s3] =	stream.linear.scatter [tilespmem:s16], [sflag:$0x4], $0x7000, $0x38;
	[tilespmem:$0x1C410] =	vst v63  }
0x252: {  	_ =	swait.ge [sflag:s13], $0x7200  }
0x253: {  	[sflag:s13] =	ssyncset.done $0x0  }
0x254: {  	[sflag:s13] =	ssyncadd.s32 $0xFFFF8E00  }
0x255: {  	_ =	swait.ge [sflag:s17], $0x7000  }
0x256: {  	[sflag:s17] =	ssyncset.done $0x0  }
0x257: {  	s29 =	sadd.s32 $0x1D8, s24;
	[sflag:s17] =	ssyncadd.s32 $0xFFFF9000  }
0x258: {  	v0 =	vld [tilespmem:s29+$0x0]  }
0x259: {  	v1 =	vld [tilespmem:s29+$0xFFFFFE38];
	_ =	sdelay $0x2  }
0x25a: {  	s30 =	simm.s32 $0xE5D0  }
0x25b: {  	[tilespmem:s30+$0x0] =	vst v0  }
0x25c: {  	[tilespmem:s30+$0xFFFFFE40] =	vst v1;
	v0 =	vld [tilespmem:s29+$0x10]  }
0x25d: {  	v1 =	vld [tilespmem:s29+$0xFFFFFE48];
	_ =	sdelay $0x3  }
0x25e: {  	[tilespmem:s30+$0x10] =	vst v0  }
0x25f: {  	[tilespmem:s30+$0xFFFFFE50] =	vst v1;
	v0 =	vld [tilespmem:s29+$0x20]  }
0x260: {  	v1 =	vld [tilespmem:s29+$0xFFFFFE58];
	_ =	sdelay $0x3  }
0x261: {  	[tilespmem:s30+$0x20] =	vst v0  }
0x262: {  	[tilespmem:s30+$0xFFFFFE60] =	vst v1;
	v0 =	vld [tilespmem:s29+$0x30]  }
0x263: {  	v1 =	vld [tilespmem:s29+$0xFFFFFE68];
	_ =	sdelay $0x3  }
0x264: {  	[tilespmem:s30+$0x30] =	vst v0  }
0x265: {  	[tilespmem:s30+$0xFFFFFE70] =	vst v1;
	v0 =	vld [tilespmem:s29+$0x40]  }
0x266: {  	v1 =	vld [tilespmem:s29+$0xFFFFFE78];
	_ =	sdelay $0x3  }
0x267: {  	[tilespmem:s30+$0x40] =	vst v0  }
0x268: {  	[tilespmem:s30+$0xFFFFFE80] =	vst v1;
	v0 =	vld [tilespmem:s29+$0x50]  }
0x269: {  	v1 =	vld [tilespmem:s29+$0xFFFFFE88];
	_ =	sdelay $0x3  }
0x26a: {  	[tilespmem:s30+$0x50] =	vst v0  }
0x26b: {  	[tilespmem:s30+$0xFFFFFE90] =	vst v1;
	v0 =	vld [tilespmem:s29+$0x60]  }
0x26c: {  	v1 =	vld [tilespmem:s29+$0xFFFFFE98];
	_ =	sdelay $0x3  }
0x26d: {  	[tilespmem:s30+$0x60] =	vst v0  }
0x26e: {  	[tilespmem:s30+$0xFFFFFEA0] =	vst v1;
	v0 =	vld [tilespmem:s29+$0x70]  }
0x26f: {  	v1 =	vld [tilespmem:s29+$0xFFFFFEA8];
	_ =	sdelay $0x3  }
0x270: {  	[tilespmem:s30+$0x70] =	vst v0  }
0x271: {  	[tilespmem:s30+$0xFFFFFEB0] =	vst v1;
	v0 =	vld [tilespmem:s29+$0x80]  }
0x272: {  	v1 =	vld [tilespmem:s29+$0xFFFFFEB8];
	_ =	sdelay $0x3  }
0x273: {  	[tilespmem:s30+$0x80] =	vst v0  }
0x274: {  	[tilespmem:s30+$0xFFFFFEC0] =	vst v1;
	v0 =	vld [tilespmem:s29+$0x90]  }
0x275: {  	s1 =	sadd.s32 $0x390, s29;
	v1 =	vld [tilespmem:s29+$0xFFFFFEC8]  }
0x276: {  	v2 =	vld [tilespmem:s1+$0x0]  }
0x277: {  	v3 =	vld [tilespmem:s1+$0xFFFFFE38];
	_ =	sdelay $0x1  }
0x278: {  	[tilespmem:s30+$0x90] =	vst v0  }
0x279: {  	s31 =	simm.s32 $0xE950;
	[tilespmem:s30+$0xFFFFFED0] =	vst v1;
	v0 =	vld [tilespmem:s29+$0xA0]  }
0x27a: {  	[tilespmem:s31+$0x0] =	vst v2;
	v1 =	vld [tilespmem:s29+$0xFFFFFED8]  }
0x27b: {  	[tilespmem:s31+$0xFFFFFE40] =	vst v3;
	v2 =	vld [tilespmem:s1+$0x10]  }
0x27c: {  	v3 =	vld [tilespmem:s1+$0xFFFFFE48];
	_ =	sdelay $0x1  }
0x27d: {  	[tilespmem:s30+$0xA0] =	vst v0  }
0x27e: {  	[tilespmem:s30+$0xFFFFFEE0] =	vst v1;
	v0 =	vld [tilespmem:s29+$0xB0]  }
0x27f: {  	[tilespmem:s31+$0x10] =	vst v2;
	v1 =	vld [tilespmem:s29+$0xFFFFFEE8]  }
0x280: {  	[tilespmem:s31+$0xFFFFFE50] =	vst v3;
	v2 =	vld [tilespmem:s1+$0x20]  }
0x281: {  	v3 =	vld [tilespmem:s1+$0xFFFFFE58];
	_ =	sdelay $0x1  }
0x282: {  	[tilespmem:s30+$0xB0] =	vst v0  }
0x283: {  	[tilespmem:s30+$0xFFFFFEF0] =	vst v1;
	v0 =	vld [tilespmem:s29+$0xC0]  }
0x284: {  	[tilespmem:s31+$0x20] =	vst v2;
	v1 =	vld [tilespmem:s29+$0xFFFFFEF8]  }
0x285: {  	[tilespmem:s31+$0xFFFFFE60] =	vst v3;
	v2 =	vld [tilespmem:s1+$0x30]  }
0x286: {  	v3 =	vld [tilespmem:s1+$0xFFFFFE68];
	_ =	sdelay $0x1  }
0x287: {  	[tilespmem:s30+$0xC0] =	vst v0  }
0x288: {  	[tilespmem:s30+$0xFFFFFF00] =	vst v1;
	v0 =	vld [tilespmem:s29+$0xD0]  }
0x289: {  	[tilespmem:s31+$0x30] =	vst v2;
	v1 =	vld [tilespmem:s29+$0xFFFFFF08]  }
0x28a: {  	[tilespmem:s31+$0xFFFFFE70] =	vst v3;
	v2 =	vld [tilespmem:s1+$0x40]  }
0x28b: {  	v3 =	vld [tilespmem:s1+$0xFFFFFE78];
	_ =	sdelay $0x1  }
0x28c: {  	[tilespmem:s30+$0xD0] =	vst v0  }
0x28d: {  	[tilespmem:s30+$0xFFFFFF10] =	vst v1;
	v0 =	vld [tilespmem:s29+$0xE0]  }
0x28e: {  	[tilespmem:s31+$0x40] =	vst v2;
	v1 =	vld [tilespmem:s29+$0xFFFFFF18]  }
0x28f: {  	[tilespmem:s31+$0xFFFFFE80] =	vst v3;
	v2 =	vld [tilespmem:s1+$0x50]  }
0x290: {  	v3 =	vld [tilespmem:s1+$0xFFFFFE88];
	_ =	sdelay $0x1  }
0x291: {  	[tilespmem:s30+$0xE0] =	vst v0  }
0x292: {  	[tilespmem:s30+$0xFFFFFF20] =	vst v1;
	v0 =	vld [tilespmem:s29+$0xF0]  }
0x293: {  	[tilespmem:s31+$0x50] =	vst v2;
	v1 =	vld [tilespmem:s29+$0xFFFFFF28]  }
0x294: {  	[tilespmem:s31+$0xFFFFFE90] =	vst v3;
	v2 =	vld [tilespmem:s1+$0x60]  }
0x295: {  	v3 =	vld [tilespmem:s1+$0xFFFFFE98];
	_ =	sdelay $0x1  }
0x296: {  	[tilespmem:s30+$0xF0] =	vst v0  }
0x297: {  	[tilespmem:s30+$0xFFFFFF30] =	vst v1;
	v0 =	vld [tilespmem:s29+$0x100]  }
0x298: {  	[tilespmem:s31+$0x60] =	vst v2;
	v1 =	vld [tilespmem:s29+$0xFFFFFF38]  }
0x299: {  	[tilespmem:s31+$0xFFFFFEA0] =	vst v3;
	v2 =	vld [tilespmem:s1+$0x70]  }
0x29a: {  	v3 =	vld [tilespmem:s1+$0xFFFFFEA8];
	_ =	sdelay $0x1  }
0x29b: {  	[tilespmem:s30+$0x100] =	vst v0  }
0x29c: {  	[tilespmem:s30+$0xFFFFFF40] =	vst v1;
	v0 =	vld [tilespmem:s29+$0x110]  }
0x29d: {  	[tilespmem:s31+$0x70] =	vst v2;
	v1 =	vld [tilespmem:s29+$0xFFFFFF48]  }
0x29e: {  	[tilespmem:s31+$0xFFFFFEB0] =	vst v3;
	v2 =	vld [tilespmem:s1+$0x80]  }
0x29f: {  	v3 =	vld [tilespmem:s1+$0xFFFFFEB8];
	_ =	sdelay $0x1  }
0x2a0: {  	[tilespmem:s30+$0x110] =	vst v0  }
0x2a1: {  	[tilespmem:s30+$0xFFFFFF50] =	vst v1;
	v0 =	vld [tilespmem:s29+$0x120]  }
0x2a2: {  	[tilespmem:s31+$0x80] =	vst v2;
	v1 =	vld [tilespmem:s29+$0xFFFFFF58]  }
0x2a3: {  	[tilespmem:s31+$0xFFFFFEC0] =	vst v3;
	v2 =	vld [tilespmem:s1+$0x90]  }
0x2a4: {  	s2 =	sadd.s32 $0x390, s1;
	v3 =	vld [tilespmem:s1+$0xFFFFFEC8]  }
0x2a5: {  	v4 =	vld [tilespmem:s2+$0x0]  }
0x2a6: {  	v5 =	vld [tilespmem:s2+$0xFFFFFE38];
	[tilespmem:s30+$0x120] =	vst v0  }
0x2a7: {  	[tilespmem:s30+$0xFFFFFF60] =	vst v1;
	v0 =	vld [tilespmem:s29+$0x130]  }
0x2a8: {  	[tilespmem:s31+$0x90] =	vst v2;
	v1 =	vld [tilespmem:s29+$0xFFFFFF68]  }
0x2a9: {  	s0 =	simm.s32 $0xECD0;
	[tilespmem:s31+$0xFFFFFED0] =	vst v3;
	v2 =	vld [tilespmem:s1+$0xA0]  }
0x2aa: {  	[tilespmem:s0+$0x0] =	vst v4;
	v3 =	vld [tilespmem:s1+$0xFFFFFED8]  }
0x2ab: {  	[tilespmem:s0+$0xFFFFFE40] =	vst v5;
	v4 =	vld [tilespmem:s2+$0x10]  }
0x2ac: {  	v5 =	vld [tilespmem:s2+$0xFFFFFE48];
	[tilespmem:s30+$0x130] =	vst v0  }
0x2ad: {  	[tilespmem:s30+$0xFFFFFF70] =	vst v1;
	v0 =	vld [tilespmem:s29+$0x140]  }
0x2ae: {  	[tilespmem:s31+$0xA0] =	vst v2;
	v1 =	vld [tilespmem:s29+$0xFFFFFF78]  }
0x2af: {  	[tilespmem:s31+$0xFFFFFEE0] =	vst v3;
	v2 =	vld [tilespmem:s1+$0xB0]  }
0x2b0: {  	[tilespmem:s0+$0x10] =	vst v4;
	v3 =	vld [tilespmem:s1+$0xFFFFFEE8]  }
0x2b1: {  	[tilespmem:s0+$0xFFFFFE50] =	vst v5;
	v4 =	vld [tilespmem:s2+$0x20]  }
0x2b2: {  	v5 =	vld [tilespmem:s2+$0xFFFFFE58];
	[tilespmem:s30+$0x140] =	vst v0  }
0x2b3: {  	[tilespmem:s30+$0xFFFFFF80] =	vst v1;
	v0 =	vld [tilespmem:s29+$0x150]  }
0x2b4: {  	[tilespmem:s31+$0xB0] =	vst v2;
	v1 =	vld [tilespmem:s29+$0xFFFFFF88]  }
0x2b5: {  	[tilespmem:s31+$0xFFFFFEF0] =	vst v3;
	v2 =	vld [tilespmem:s1+$0xC0]  }
0x2b6: {  	[tilespmem:s0+$0x20] =	vst v4;
	v3 =	vld [tilespmem:s1+$0xFFFFFEF8]  }
0x2b7: {  	[tilespmem:s0+$0xFFFFFE60] =	vst v5;
	v4 =	vld [tilespmem:s2+$0x30]  }
0x2b8: {  	v5 =	vld [tilespmem:s2+$0xFFFFFE68];
	[tilespmem:s30+$0x150] =	vst v0  }
0x2b9: {  	[tilespmem:s30+$0xFFFFFF90] =	vst v1;
	v0 =	vld [tilespmem:s29+$0x160]  }
0x2ba: {  	[tilespmem:s31+$0xC0] =	vst v2;
	v1 =	vld [tilespmem:s29+$0xFFFFFF98]  }
0x2bb: {  	[tilespmem:s31+$0xFFFFFF00] =	vst v3;
	v2 =	vld [tilespmem:s1+$0xD0]  }
0x2bc: {  	[tilespmem:s0+$0x30] =	vst v4;
	v3 =	vld [tilespmem:s1+$0xFFFFFF08]  }
0x2bd: {  	[tilespmem:s0+$0xFFFFFE70] =	vst v5;
	v4 =	vld [tilespmem:s2+$0x40]  }
0x2be: {  	v5 =	vld [tilespmem:s2+$0xFFFFFE78];
	[tilespmem:s30+$0x160] =	vst v0  }
0x2bf: {  	[tilespmem:s30+$0xFFFFFFA0] =	vst v1;
	v0 =	vld [tilespmem:s29+$0x170]  }
0x2c0: {  	[tilespmem:s31+$0xD0] =	vst v2;
	v1 =	vld [tilespmem:s29+$0xFFFFFFA8]  }
0x2c1: {  	[tilespmem:s31+$0xFFFFFF10] =	vst v3;
	v2 =	vld [tilespmem:s1+$0xE0]  }
0x2c2: {  	[tilespmem:s0+$0x40] =	vst v4;
	v3 =	vld [tilespmem:s1+$0xFFFFFF18]  }
0x2c3: {  	[tilespmem:s0+$0xFFFFFE80] =	vst v5;
	v4 =	vld [tilespmem:s2+$0x50]  }
0x2c4: {  	v5 =	vld [tilespmem:s2+$0xFFFFFE88];
	[tilespmem:s30+$0x170] =	vst v0  }
0x2c5: {  	[tilespmem:s30+$0xFFFFFFB0] =	vst v1;
	v0 =	vld [tilespmem:s29+$0x180]  }
0x2c6: {  	[tilespmem:s31+$0xE0] =	vst v2;
	v1 =	vld [tilespmem:s29+$0xFFFFFFB8]  }
0x2c7: {  	[tilespmem:s31+$0xFFFFFF20] =	vst v3;
	v2 =	vld [tilespmem:s1+$0xF0]  }
0x2c8: {  	[tilespmem:s0+$0x50] =	vst v4;
	v3 =	vld [tilespmem:s1+$0xFFFFFF28]  }
0x2c9: {  	[tilespmem:s0+$0xFFFFFE90] =	vst v5;
	v4 =	vld [tilespmem:s2+$0x60]  }
0x2ca: {  	v5 =	vld [tilespmem:s2+$0xFFFFFE98];
	[tilespmem:s30+$0x180] =	vst v0  }
0x2cb: {  	[tilespmem:s30+$0xFFFFFFC0] =	vst v1;
	v0 =	vld [tilespmem:s29+$0x190]  }
0x2cc: {  	[tilespmem:s31+$0xF0] =	vst v2;
	v1 =	vld [tilespmem:s29+$0xFFFFFFC8]  }
0x2cd: {  	[tilespmem:s31+$0xFFFFFF30] =	vst v3;
	v2 =	vld [tilespmem:s1+$0x100]  }
0x2ce: {  	[tilespmem:s0+$0x60] =	vst v4;
	v3 =	vld [tilespmem:s1+$0xFFFFFF38]  }
0x2cf: {  	[tilespmem:s0+$0xFFFFFEA0] =	vst v5;
	v4 =	vld [tilespmem:s2+$0x70]  }
0x2d0: {  	v5 =	vld [tilespmem:s2+$0xFFFFFEA8];
	[tilespmem:s30+$0x190] =	vst v0  }
0x2d1: {  	[tilespmem:s30+$0xFFFFFFD0] =	vst v1;
	v0 =	vld [tilespmem:s29+$0x1A0]  }
0x2d2: {  	[tilespmem:s31+$0x100] =	vst v2;
	v1 =	vld [tilespmem:s29+$0xFFFFFFD8]  }
0x2d3: {  	[tilespmem:s31+$0xFFFFFF40] =	vst v3;
	v2 =	vld [tilespmem:s1+$0x110]  }
0x2d4: {  	[tilespmem:s0+$0x70] =	vst v4;
	v3 =	vld [tilespmem:s1+$0xFFFFFF48]  }
0x2d5: {  	[tilespmem:s0+$0xFFFFFEB0] =	vst v5;
	v4 =	vld [tilespmem:s2+$0x80]  }
0x2d6: {  	v5 =	vld [tilespmem:s2+$0xFFFFFEB8];
	[tilespmem:s30+$0x1A0] =	vst v0  }
0x2d7: {  	[tilespmem:s30+$0xFFFFFFE0] =	vst v1;
	v6 =	vld [tilespmem:s29+$0x1B0]  }
0x2d8: {  	[tilespmem:s31+$0x110] =	vst v2;
	v0 =	vld [tilespmem:s29+$0xFFFFFFE8]  }
0x2d9: {  	[tilespmem:s31+$0xFFFFFF50] =	vst v3;
	v1 =	vld [tilespmem:s1+$0x120]  }
0x2da: {  	[tilespmem:s0+$0x80] =	vst v4;
	v2 =	vld [tilespmem:s1+$0xFFFFFF58]  }
0x2db: {  	s7 =	simm.s32 $0x4;
	[tilespmem:s0+$0xFFFFFEC0] =	vst v5;
	v3 =	vld [tilespmem:s2+$0x90]  }
0x2dc: {  	s24 =	smov.u32 s1;
	s26 =	smov.u32 s2;
	s8 =	sadd.s32 $0x390, s2;
	v4 =	vld [tilespmem:s2+$0xFFFFFEC8];
	[tilespmem:s30+$0x1B0] =	vst v6  }
.LBB2_7:
0x2dd: {  	v5 =	vld [tilespmem:s8+$0x0];
	s7 =	sadd.s32 $0x2, s7;
	[tilespmem:s30+$0xFFFFFFF0] =	vst v0;
	s30 =	smov.u32 s31;
	s31 =	smov.u32 s0  }
0x2de: {  	v0 =	vld [tilespmem:s8+$0xFFFFFE38];
	p0 =	slt.u32 s7, $0x3E;
	[tilespmem:s30+$0x120] =	vst v1  }
0x2df: {  	[tilespmem:s30+$0xFFFFFF60] =	vst v2;
	v1 =	vld [tilespmem:s24+$0x130]  }
0x2e0: {  	[tilespmem:s0+$0x90] =	vst v3;
	v2 =	vld [tilespmem:s24+$0xFFFFFF68]  }
0x2e1: {  	s0 =	sadd.s32 $0x380, s0;
	[tilespmem:s31+$0xFFFFFED0] =	vst v4;
	v3 =	vld [tilespmem:s26+$0xA0]  }
0x2e2: {  	[tilespmem:s0+$0x0] =	vst v5;
	v4 =	vld [tilespmem:s26+$0xFFFFFED8]  }
0x2e3: {  	[tilespmem:s0+$0xFFFFFE40] =	vst v0;
	v0 =	vld [tilespmem:s8+$0x10]  }
0x2e4: {  	v5 =	vld [tilespmem:s8+$0xFFFFFE48];
	[tilespmem:s30+$0x130] =	vst v1  }
0x2e5: {  	[tilespmem:s30+$0xFFFFFF70] =	vst v2;
	v1 =	vld [tilespmem:s24+$0x140]  }
0x2e6: {  	[tilespmem:s31+$0xA0] =	vst v3;
	v2 =	vld [tilespmem:s24+$0xFFFFFF78]  }
0x2e7: {  	[tilespmem:s31+$0xFFFFFEE0] =	vst v4;
	v3 =	vld [tilespmem:s26+$0xB0]  }
0x2e8: {  	[tilespmem:s0+$0x10] =	vst v0;
	v0 =	vld [tilespmem:s26+$0xFFFFFEE8]  }
0x2e9: {  	[tilespmem:s0+$0xFFFFFE50] =	vst v5;
	v4 =	vld [tilespmem:s8+$0x20]  }
0x2ea: {  	v5 =	vld [tilespmem:s8+$0xFFFFFE58];
	[tilespmem:s30+$0x140] =	vst v1  }
0x2eb: {  	[tilespmem:s30+$0xFFFFFF80] =	vst v2;
	v1 =	vld [tilespmem:s24+$0x150]  }
0x2ec: {  	[tilespmem:s31+$0xB0] =	vst v3;
	v2 =	vld [tilespmem:s24+$0xFFFFFF88]  }
0x2ed: {  	[tilespmem:s31+$0xFFFFFEF0] =	vst v0;
	v0 =	vld [tilespmem:s26+$0xC0]  }
0x2ee: {  	[tilespmem:s0+$0x20] =	vst v4;
	v3 =	vld [tilespmem:s26+$0xFFFFFEF8]  }
0x2ef: {  	[tilespmem:s0+$0xFFFFFE60] =	vst v5;
	v4 =	vld [tilespmem:s8+$0x30]  }
0x2f0: {  	v5 =	vld [tilespmem:s8+$0xFFFFFE68];
	[tilespmem:s30+$0x150] =	vst v1  }
0x2f1: {  	[tilespmem:s30+$0xFFFFFF90] =	vst v2;
	v1 =	vld [tilespmem:s24+$0x160]  }
0x2f2: {  	[tilespmem:s31+$0xC0] =	vst v0;
	v0 =	vld [tilespmem:s24+$0xFFFFFF98]  }
0x2f3: {  	[tilespmem:s31+$0xFFFFFF00] =	vst v3;
	v2 =	vld [tilespmem:s26+$0xD0]  }
0x2f4: {  	[tilespmem:s0+$0x30] =	vst v4;
	v3 =	vld [tilespmem:s26+$0xFFFFFF08]  }
0x2f5: {  	[tilespmem:s0+$0xFFFFFE70] =	vst v5;
	v4 =	vld [tilespmem:s8+$0x40]  }
0x2f6: {  	v5 =	vld [tilespmem:s8+$0xFFFFFE78];
	[tilespmem:s30+$0x160] =	vst v1  }
0x2f7: {  	[tilespmem:s30+$0xFFFFFFA0] =	vst v0;
	v0 =	vld [tilespmem:s24+$0x170]  }
0x2f8: {  	[tilespmem:s31+$0xD0] =	vst v2;
	v1 =	vld [tilespmem:s24+$0xFFFFFFA8]  }
0x2f9: {  	[tilespmem:s31+$0xFFFFFF10] =	vst v3;
	v2 =	vld [tilespmem:s26+$0xE0]  }
0x2fa: {  	[tilespmem:s0+$0x40] =	vst v4;
	v3 =	vld [tilespmem:s26+$0xFFFFFF18]  }
0x2fb: {  	[tilespmem:s0+$0xFFFFFE80] =	vst v5;
	v4 =	vld [tilespmem:s8+$0x50]  }
0x2fc: {  	v5 =	vld [tilespmem:s8+$0xFFFFFE88];
	[tilespmem:s30+$0x170] =	vst v0  }
0x2fd: {  	[tilespmem:s30+$0xFFFFFFB0] =	vst v1;
	v0 =	vld [tilespmem:s24+$0x180]  }
0x2fe: {  	[tilespmem:s31+$0xE0] =	vst v2;
	v1 =	vld [tilespmem:s24+$0xFFFFFFB8]  }
0x2ff: {  	[tilespmem:s31+$0xFFFFFF20] =	vst v3;
	v2 =	vld [tilespmem:s26+$0xF0]  }
0x300: {  	[tilespmem:s0+$0x50] =	vst v4;
	v3 =	vld [tilespmem:s26+$0xFFFFFF28]  }
0x301: {  	[tilespmem:s0+$0xFFFFFE90] =	vst v5;
	v4 =	vld [tilespmem:s8+$0x60]  }
0x302: {  	v5 =	vld [tilespmem:s8+$0xFFFFFE98];
	[tilespmem:s30+$0x180] =	vst v0  }
0x303: {  	[tilespmem:s30+$0xFFFFFFC0] =	vst v1;
	v0 =	vld [tilespmem:s24+$0x190]  }
0x304: {  	[tilespmem:s31+$0xF0] =	vst v2;
	v1 =	vld [tilespmem:s24+$0xFFFFFFC8]  }
0x305: {  	[tilespmem:s31+$0xFFFFFF30] =	vst v3;
	v2 =	vld [tilespmem:s26+$0x100]  }
0x306: {  	[tilespmem:s0+$0x60] =	vst v4;
	v3 =	vld [tilespmem:s26+$0xFFFFFF38]  }
0x307: {  	[tilespmem:s0+$0xFFFFFEA0] =	vst v5;
	v4 =	vld [tilespmem:s8+$0x70]  }
0x308: {  	v5 =	vld [tilespmem:s8+$0xFFFFFEA8];
	[tilespmem:s30+$0x190] =	vst v0  }
0x309: {  	[tilespmem:s30+$0xFFFFFFD0] =	vst v1;
	v0 =	vld [tilespmem:s24+$0x1A0]  }
0x30a: {  	[tilespmem:s31+$0x100] =	vst v2;
	v1 =	vld [tilespmem:s24+$0xFFFFFFD8]  }
0x30b: {  	[tilespmem:s31+$0xFFFFFF40] =	vst v3;
	v2 =	vld [tilespmem:s26+$0x110]  }
0x30c: {  	[tilespmem:s0+$0x70] =	vst v4;
	v3 =	vld [tilespmem:s26+$0xFFFFFF48]  }
0x30d: {  	[tilespmem:s0+$0xFFFFFEB0] =	vst v5;
	v4 =	vld [tilespmem:s8+$0x80]  }
0x30e: {  	v5 =	vld [tilespmem:s8+$0xFFFFFEB8];
	[tilespmem:s30+$0x1A0] =	vst v0  }
0x30f: {  	[tilespmem:s30+$0xFFFFFFE0] =	vst v1;
	v6 =	vld [tilespmem:s24+$0x1B0]  }
.Ltmp2:
0x310: {  	[tilespmem:s31+$0x110] =	vst v2;
	v0 =	vld [tilespmem:s24+$0xFFFFFFE8];
	s24 =	smov.u32 s26;
	s26 =	smov.u32 s8;
	(pc) =	sbr.rel @p0 .LBB2_7-.Ltmp2, $4  }
0x311: {  	[tilespmem:s31+$0xFFFFFF50] =	vst v3;
	v1 =	vld [tilespmem:s24+$0x120]  }
0x312: {  	[tilespmem:s0+$0x80] =	vst v4;
	v2 =	vld [tilespmem:s24+$0xFFFFFF58]  }
0x313: {  	[tilespmem:s0+$0xFFFFFEC0] =	vst v5;
	v3 =	vld [tilespmem:s8+$0x90]  }
0x314: {  	s8 =	sadd.s32 $0x390, s8;
	v4 =	vld [tilespmem:s26+$0xFFFFFEC8];
	[tilespmem:s30+$0x1B0] =	vst v6  }
0x315: {  	_ =	sdelay $0x2  }
0x316: {  	[tilespmem:s0+$0x90] =	vst v3  }
0x317: {  	[tilespmem:s0+$0xFFFFFED0] =	vst v4;
	v3 =	vld [tilespmem:s26+$0xA0]  }
0x318: {  	v4 =	vld [tilespmem:s26+$0xFFFFFED8];
	_ =	sdelay $0x3  }
0x319: {  	[tilespmem:s0+$0xA0] =	vst v3  }
0x31a: {  	[tilespmem:s0+$0xFFFFFEE0] =	vst v4;
	v3 =	vld [tilespmem:s26+$0xB0]  }
0x31b: {  	v4 =	vld [tilespmem:s26+$0xFFFFFEE8];
	_ =	sdelay $0x3  }
0x31c: {  	[tilespmem:s0+$0xB0] =	vst v3  }
0x31d: {  	[tilespmem:s0+$0xFFFFFEF0] =	vst v4;
	v3 =	vld [tilespmem:s26+$0xC0]  }
0x31e: {  	v4 =	vld [tilespmem:s26+$0xFFFFFEF8];
	_ =	sdelay $0x3  }
0x31f: {  	[tilespmem:s0+$0xC0] =	vst v3  }
0x320: {  	[tilespmem:s0+$0xFFFFFF00] =	vst v4;
	v3 =	vld [tilespmem:s26+$0xD0]  }
0x321: {  	v4 =	vld [tilespmem:s26+$0xFFFFFF08];
	_ =	sdelay $0x3  }
0x322: {  	[tilespmem:s0+$0xD0] =	vst v3  }
0x323: {  	[tilespmem:s0+$0xFFFFFF10] =	vst v4;
	v3 =	vld [tilespmem:s26+$0xE0]  }
0x324: {  	v4 =	vld [tilespmem:s26+$0xFFFFFF18];
	_ =	sdelay $0x3  }
0x325: {  	[tilespmem:s0+$0xE0] =	vst v3  }
0x326: {  	[tilespmem:s0+$0xFFFFFF20] =	vst v4;
	v3 =	vld [tilespmem:s26+$0xF0]  }
0x327: {  	v4 =	vld [tilespmem:s26+$0xFFFFFF28];
	_ =	sdelay $0x3  }
0x328: {  	[tilespmem:s0+$0xF0] =	vst v3  }
0x329: {  	[tilespmem:s0+$0xFFFFFF30] =	vst v4;
	v3 =	vld [tilespmem:s26+$0x100]  }
0x32a: {  	v4 =	vld [tilespmem:s26+$0xFFFFFF38];
	_ =	sdelay $0x3  }
0x32b: {  	[tilespmem:s0+$0x100] =	vst v3  }
0x32c: {  	[tilespmem:s0+$0xFFFFFF40] =	vst v4;
	v3 =	vld [tilespmem:s26+$0x110]  }
0x32d: {  	v4 =	vld [tilespmem:s26+$0xFFFFFF48];
	_ =	sdelay $0x3  }
0x32e: {  	[tilespmem:s0+$0x110] =	vst v3  }
0x32f: {  	[tilespmem:s0+$0xFFFFFF50] =	vst v4;
	v3 =	vld [tilespmem:s26+$0x120]  }
0x330: {  	v4 =	vld [tilespmem:s26+$0xFFFFFF58];
	_ =	sdelay $0x1  }
0x331: {  	[tilespmem:s31+$0x120] =	vst v1  }
0x332: {  	[tilespmem:s31+$0xFFFFFF60] =	vst v2;
	v1 =	vld [tilespmem:s24+$0x130]  }
0x333: {  	v2 =	vld [tilespmem:s24+$0xFFFFFF68];
	[tilespmem:s0+$0x120] =	vst v3  }
0x334: {  	[tilespmem:s0+$0xFFFFFF60] =	vst v4;
	v3 =	vld [tilespmem:s26+$0x130]  }
0x335: {  	v4 =	vld [tilespmem:s26+$0xFFFFFF68];
	_ =	sdelay $0x1  }
0x336: {  	[tilespmem:s31+$0x130] =	vst v1  }
0x337: {  	[tilespmem:s31+$0xFFFFFF70] =	vst v2;
	v1 =	vld [tilespmem:s24+$0x140]  }
0x338: {  	v2 =	vld [tilespmem:s24+$0xFFFFFF78];
	[tilespmem:s0+$0x130] =	vst v3  }
0x339: {  	[tilespmem:s0+$0xFFFFFF70] =	vst v4;
	v3 =	vld [tilespmem:s26+$0x140]  }
0x33a: {  	v4 =	vld [tilespmem:s26+$0xFFFFFF78];
	_ =	sdelay $0x1  }
0x33b: {  	[tilespmem:s31+$0x140] =	vst v1  }
0x33c: {  	[tilespmem:s31+$0xFFFFFF80] =	vst v2;
	v1 =	vld [tilespmem:s24+$0x150]  }
0x33d: {  	v2 =	vld [tilespmem:s24+$0xFFFFFF88];
	[tilespmem:s0+$0x140] =	vst v3  }
0x33e: {  	[tilespmem:s0+$0xFFFFFF80] =	vst v4;
	v3 =	vld [tilespmem:s26+$0x150]  }
0x33f: {  	v4 =	vld [tilespmem:s26+$0xFFFFFF88];
	_ =	sdelay $0x1  }
0x340: {  	[tilespmem:s31+$0x150] =	vst v1  }
0x341: {  	[tilespmem:s31+$0xFFFFFF90] =	vst v2;
	v1 =	vld [tilespmem:s24+$0x160]  }
0x342: {  	v2 =	vld [tilespmem:s24+$0xFFFFFF98];
	[tilespmem:s0+$0x150] =	vst v3  }
0x343: {  	[tilespmem:s0+$0xFFFFFF90] =	vst v4;
	v3 =	vld [tilespmem:s26+$0x160]  }
0x344: {  	v4 =	vld [tilespmem:s26+$0xFFFFFF98];
	_ =	sdelay $0x1  }
0x345: {  	[tilespmem:s31+$0x160] =	vst v1  }
0x346: {  	[tilespmem:s31+$0xFFFFFFA0] =	vst v2;
	v1 =	vld [tilespmem:s24+$0x170]  }
0x347: {  	v2 =	vld [tilespmem:s24+$0xFFFFFFA8];
	[tilespmem:s0+$0x160] =	vst v3  }
0x348: {  	[tilespmem:s0+$0xFFFFFFA0] =	vst v4;
	v3 =	vld [tilespmem:s26+$0x170]  }
0x349: {  	v4 =	vld [tilespmem:s26+$0xFFFFFFA8];
	_ =	sdelay $0x1  }
0x34a: {  	[tilespmem:s31+$0x170] =	vst v1  }
0x34b: {  	[tilespmem:s31+$0xFFFFFFB0] =	vst v2;
	v1 =	vld [tilespmem:s24+$0x180]  }
0x34c: {  	v2 =	vld [tilespmem:s24+$0xFFFFFFB8];
	[tilespmem:s0+$0x170] =	vst v3  }
0x34d: {  	[tilespmem:s0+$0xFFFFFFB0] =	vst v4;
	v3 =	vld [tilespmem:s26+$0x180]  }
0x34e: {  	v4 =	vld [tilespmem:s26+$0xFFFFFFB8];
	_ =	sdelay $0x1  }
0x34f: {  	[tilespmem:s31+$0x180] =	vst v1  }
0x350: {  	[tilespmem:s31+$0xFFFFFFC0] =	vst v2;
	v1 =	vld [tilespmem:s24+$0x190]  }
0x351: {  	v2 =	vld [tilespmem:s24+$0xFFFFFFC8];
	[tilespmem:s0+$0x180] =	vst v3  }
0x352: {  	[tilespmem:s0+$0xFFFFFFC0] =	vst v4;
	v3 =	vld [tilespmem:s26+$0x190]  }
0x353: {  	v4 =	vld [tilespmem:s26+$0xFFFFFFC8];
	_ =	sdelay $0x1  }
0x354: {  	[tilespmem:s31+$0x190] =	vst v1  }
0x355: {  	[tilespmem:s31+$0xFFFFFFD0] =	vst v2;
	v1 =	vld [tilespmem:s24+$0x1A0]  }
0x356: {  	v2 =	vld [tilespmem:s24+$0xFFFFFFD8];
	[tilespmem:s0+$0x190] =	vst v3  }
0x357: {  	[tilespmem:s0+$0xFFFFFFD0] =	vst v4;
	v3 =	vld [tilespmem:s26+$0x1A0]  }
0x358: {  	v4 =	vld [tilespmem:s26+$0xFFFFFFD8];
	_ =	sdelay $0x1  }
0x359: {  	[tilespmem:s31+$0x1A0] =	vst v1  }
0x35a: {  	[tilespmem:s31+$0xFFFFFFE0] =	vst v2;
	v1 =	vld [tilespmem:s24+$0x1B0]  }
0x35b: {  	v2 =	vld [tilespmem:s24+$0xFFFFFFE8];
	[tilespmem:s0+$0x1A0] =	vst v3  }
0x35c: {  	[tilespmem:s0+$0xFFFFFFE0] =	vst v4;
	v3 =	vld [tilespmem:s26+$0x1B0]  }
0x35d: {  	v4 =	vld [tilespmem:s26+$0xFFFFFFE8]  }
0x35e: {  	[tilespmem:s30+$0xFFFFFFF0] =	vst v0  }
0x35f: {  	[tilespmem:s31+$0x1B0] =	vst v1  }
0x360: {  	s7 =	sadd.s32 $0x20000, s21;
	[tilespmem:s31+$0xFFFFFFF0] =	vst v2  }
0x361: {  	s7 =	sshrl.u32 s7, $0x3;
	[tilespmem:s0+$0x1B0] =	vst v3  }
0x362: {  	s24 =	sadd.s32 s4, s7;
	[tilespmem:s0+$0xFFFFFFF0] =	vst v4  }
0x363: {  	[tilespmem:s11], [sflag:$0x1] =	stream.strided.gather [hbm4b:s24+s9], $0x7200, s10, s9, $0x38;
	[tilespmem:$0x1C410] =	vst v63  }
0x364: {  	s26 =	sadd.s32 $0x1C00, s22  }
0x365: {  	[hbm4b:s26+s3] =	stream.linear.scatter [tilespmem:s14], [sflag:$0x3], $0x7000, $0x38;
	[tilespmem:$0x1C410] =	vst v63  }
0x366: {  	_ =	swait.ge [sflag:s15], $0x7200  }
0x367: {  	[sflag:s15] =	ssyncset.done $0x0  }
0x368: {  	[sflag:s15] =	ssyncadd.s32 $0xFFFF8E00  }
0x369: {  	_ =	swait.ge [sflag:s18], $0x7000  }
0x36a: {  	[sflag:s18] =	ssyncset.done $0x0  }
0x36b: {  	[sflag:s18] =	ssyncadd.s32 $0xFFFF9000  }
0x36c: {  	v0 =	vld [tilespmem:s28+$0x0]  }
0x36d: {  	v1 =	vld [tilespmem:s28+$0xFFFFFE38];
	_ =	sdelay $0x2  }
0x36e: {  	s30 =	simm.s32 $0x155D0  }
0x36f: {  	[tilespmem:s30+$0x0] =	vst v0  }
0x370: {  	[tilespmem:s30+$0xFFFFFE40] =	vst v1;
	v0 =	vld [tilespmem:s28+$0x10]  }
0x371: {  	v1 =	vld [tilespmem:s28+$0xFFFFFE48];
	_ =	sdelay $0x3  }
0x372: {  	[tilespmem:s30+$0x10] =	vst v0  }
0x373: {  	[tilespmem:s30+$0xFFFFFE50] =	vst v1;
	v0 =	vld [tilespmem:s28+$0x20]  }
0x374: {  	v1 =	vld [tilespmem:s28+$0xFFFFFE58];
	_ =	sdelay $0x3  }
0x375: {  	[tilespmem:s30+$0x20] =	vst v0  }
0x376: {  	[tilespmem:s30+$0xFFFFFE60] =	vst v1;
	v0 =	vld [tilespmem:s28+$0x30]  }
0x377: {  	v1 =	vld [tilespmem:s28+$0xFFFFFE68];
	_ =	sdelay $0x3  }
0x378: {  	[tilespmem:s30+$0x30] =	vst v0  }
0x379: {  	[tilespmem:s30+$0xFFFFFE70] =	vst v1;
	v0 =	vld [tilespmem:s28+$0x40]  }
0x37a: {  	v1 =	vld [tilespmem:s28+$0xFFFFFE78];
	_ =	sdelay $0x3  }
0x37b: {  	[tilespmem:s30+$0x40] =	vst v0  }
0x37c: {  	[tilespmem:s30+$0xFFFFFE80] =	vst v1;
	v0 =	vld [tilespmem:s28+$0x50]  }
0x37d: {  	v1 =	vld [tilespmem:s28+$0xFFFFFE88];
	_ =	sdelay $0x3  }
0x37e: {  	[tilespmem:s30+$0x50] =	vst v0  }
0x37f: {  	[tilespmem:s30+$0xFFFFFE90] =	vst v1;
	v0 =	vld [tilespmem:s28+$0x60]  }
0x380: {  	v1 =	vld [tilespmem:s28+$0xFFFFFE98];
	_ =	sdelay $0x3  }
0x381: {  	[tilespmem:s30+$0x60] =	vst v0  }
0x382: {  	[tilespmem:s30+$0xFFFFFEA0] =	vst v1;
	v0 =	vld [tilespmem:s28+$0x70]  }
0x383: {  	v1 =	vld [tilespmem:s28+$0xFFFFFEA8];
	_ =	sdelay $0x3  }
0x384: {  	[tilespmem:s30+$0x70] =	vst v0  }
0x385: {  	[tilespmem:s30+$0xFFFFFEB0] =	vst v1;
	v0 =	vld [tilespmem:s28+$0x80]  }
0x386: {  	v1 =	vld [tilespmem:s28+$0xFFFFFEB8];
	_ =	sdelay $0x3  }
0x387: {  	[tilespmem:s30+$0x80] =	vst v0  }
0x388: {  	[tilespmem:s30+$0xFFFFFEC0] =	vst v1;
	v0 =	vld [tilespmem:s28+$0x90]  }
0x389: {  	v1 =	vld [tilespmem:s28+$0xFFFFFEC8]  }
0x38a: {  	v2 =	vld [tilespmem:s23+$0x0]  }
0x38b: {  	v3 =	vld [tilespmem:s23+$0xFFFFFE38];
	_ =	sdelay $0x1  }
0x38c: {  	[tilespmem:s30+$0x90] =	vst v0  }
0x38d: {  	s31 =	simm.s32 $0x15950;
	[tilespmem:s30+$0xFFFFFED0] =	vst v1;
	v0 =	vld [tilespmem:s28+$0xA0]  }
0x38e: {  	[tilespmem:s31+$0x0] =	vst v2;
	v1 =	vld [tilespmem:s28+$0xFFFFFED8]  }
0x38f: {  	[tilespmem:s31+$0xFFFFFE40] =	vst v3;
	v2 =	vld [tilespmem:s23+$0x10]  }
0x390: {  	v3 =	vld [tilespmem:s23+$0xFFFFFE48];
	_ =	sdelay $0x1  }
0x391: {  	[tilespmem:s30+$0xA0] =	vst v0  }
0x392: {  	[tilespmem:s30+$0xFFFFFEE0] =	vst v1;
	v0 =	vld [tilespmem:s28+$0xB0]  }
0x393: {  	[tilespmem:s31+$0x10] =	vst v2;
	v1 =	vld [tilespmem:s28+$0xFFFFFEE8]  }
0x394: {  	[tilespmem:s31+$0xFFFFFE50] =	vst v3;
	v2 =	vld [tilespmem:s23+$0x20]  }
0x395: {  	v3 =	vld [tilespmem:s23+$0xFFFFFE58];
	_ =	sdelay $0x1  }
0x396: {  	[tilespmem:s30+$0xB0] =	vst v0  }
0x397: {  	[tilespmem:s30+$0xFFFFFEF0] =	vst v1;
	v0 =	vld [tilespmem:s28+$0xC0]  }
0x398: {  	[tilespmem:s31+$0x20] =	vst v2;
	v1 =	vld [tilespmem:s28+$0xFFFFFEF8]  }
0x399: {  	[tilespmem:s31+$0xFFFFFE60] =	vst v3;
	v2 =	vld [tilespmem:s23+$0x30]  }
0x39a: {  	v3 =	vld [tilespmem:s23+$0xFFFFFE68];
	_ =	sdelay $0x1  }
0x39b: {  	[tilespmem:s30+$0xC0] =	vst v0  }
0x39c: {  	[tilespmem:s30+$0xFFFFFF00] =	vst v1;
	v0 =	vld [tilespmem:s28+$0xD0]  }
0x39d: {  	[tilespmem:s31+$0x30] =	vst v2;
	v1 =	vld [tilespmem:s28+$0xFFFFFF08]  }
0x39e: {  	[tilespmem:s31+$0xFFFFFE70] =	vst v3;
	v2 =	vld [tilespmem:s23+$0x40]  }
0x39f: {  	v3 =	vld [tilespmem:s23+$0xFFFFFE78];
	_ =	sdelay $0x1  }
0x3a0: {  	[tilespmem:s30+$0xD0] =	vst v0  }
0x3a1: {  	[tilespmem:s30+$0xFFFFFF10] =	vst v1;
	v0 =	vld [tilespmem:s28+$0xE0]  }
0x3a2: {  	[tilespmem:s31+$0x40] =	vst v2;
	v1 =	vld [tilespmem:s28+$0xFFFFFF18]  }
0x3a3: {  	[tilespmem:s31+$0xFFFFFE80] =	vst v3;
	v2 =	vld [tilespmem:s23+$0x50]  }
0x3a4: {  	v3 =	vld [tilespmem:s23+$0xFFFFFE88];
	_ =	sdelay $0x1  }
0x3a5: {  	[tilespmem:s30+$0xE0] =	vst v0  }
0x3a6: {  	[tilespmem:s30+$0xFFFFFF20] =	vst v1;
	v0 =	vld [tilespmem:s28+$0xF0]  }
0x3a7: {  	[tilespmem:s31+$0x50] =	vst v2;
	v1 =	vld [tilespmem:s28+$0xFFFFFF28]  }
0x3a8: {  	[tilespmem:s31+$0xFFFFFE90] =	vst v3;
	v2 =	vld [tilespmem:s23+$0x60]  }
0x3a9: {  	v3 =	vld [tilespmem:s23+$0xFFFFFE98];
	_ =	sdelay $0x1  }
0x3aa: {  	[tilespmem:s30+$0xF0] =	vst v0  }
0x3ab: {  	[tilespmem:s30+$0xFFFFFF30] =	vst v1;
	v0 =	vld [tilespmem:s28+$0x100]  }
0x3ac: {  	[tilespmem:s31+$0x60] =	vst v2;
	v1 =	vld [tilespmem:s28+$0xFFFFFF38]  }
0x3ad: {  	[tilespmem:s31+$0xFFFFFEA0] =	vst v3;
	v2 =	vld [tilespmem:s23+$0x70]  }
0x3ae: {  	v3 =	vld [tilespmem:s23+$0xFFFFFEA8];
	_ =	sdelay $0x1  }
0x3af: {  	[tilespmem:s30+$0x100] =	vst v0  }
0x3b0: {  	[tilespmem:s30+$0xFFFFFF40] =	vst v1;
	v0 =	vld [tilespmem:s28+$0x110]  }
0x3b1: {  	[tilespmem:s31+$0x70] =	vst v2;
	v1 =	vld [tilespmem:s28+$0xFFFFFF48]  }
0x3b2: {  	[tilespmem:s31+$0xFFFFFEB0] =	vst v3;
	v2 =	vld [tilespmem:s23+$0x80]  }
0x3b3: {  	v3 =	vld [tilespmem:s23+$0xFFFFFEB8];
	_ =	sdelay $0x1  }
0x3b4: {  	[tilespmem:s30+$0x110] =	vst v0  }
0x3b5: {  	[tilespmem:s30+$0xFFFFFF50] =	vst v1;
	v0 =	vld [tilespmem:s28+$0x120]  }
0x3b6: {  	[tilespmem:s31+$0x80] =	vst v2;
	v1 =	vld [tilespmem:s28+$0xFFFFFF58]  }
0x3b7: {  	[tilespmem:s31+$0xFFFFFEC0] =	vst v3;
	v2 =	vld [tilespmem:s23+$0x90]  }
0x3b8: {  	v3 =	vld [tilespmem:s23+$0xFFFFFEC8]  }
0x3b9: {  	v4 =	vld [tilespmem:s25+$0x0]  }
0x3ba: {  	v5 =	vld [tilespmem:s25+$0xFFFFFE38];
	[tilespmem:s30+$0x120] =	vst v0  }
0x3bb: {  	[tilespmem:s30+$0xFFFFFF60] =	vst v1;
	v0 =	vld [tilespmem:s28+$0x130]  }
0x3bc: {  	[tilespmem:s31+$0x90] =	vst v2;
	v1 =	vld [tilespmem:s28+$0xFFFFFF68]  }
0x3bd: {  	s0 =	simm.s32 $0x15CD0;
	[tilespmem:s31+$0xFFFFFED0] =	vst v3;
	v2 =	vld [tilespmem:s23+$0xA0]  }
0x3be: {  	[tilespmem:s0+$0x0] =	vst v4;
	v3 =	vld [tilespmem:s23+$0xFFFFFED8]  }
0x3bf: {  	[tilespmem:s0+$0xFFFFFE40] =	vst v5;
	v4 =	vld [tilespmem:s25+$0x10]  }
0x3c0: {  	v5 =	vld [tilespmem:s25+$0xFFFFFE48];
	[tilespmem:s30+$0x130] =	vst v0  }
0x3c1: {  	[tilespmem:s30+$0xFFFFFF70] =	vst v1;
	v0 =	vld [tilespmem:s28+$0x140]  }
0x3c2: {  	[tilespmem:s31+$0xA0] =	vst v2;
	v1 =	vld [tilespmem:s28+$0xFFFFFF78]  }
0x3c3: {  	[tilespmem:s31+$0xFFFFFEE0] =	vst v3;
	v2 =	vld [tilespmem:s23+$0xB0]  }
0x3c4: {  	[tilespmem:s0+$0x10] =	vst v4;
	v3 =	vld [tilespmem:s23+$0xFFFFFEE8]  }
0x3c5: {  	[tilespmem:s0+$0xFFFFFE50] =	vst v5;
	v4 =	vld [tilespmem:s25+$0x20]  }
0x3c6: {  	v5 =	vld [tilespmem:s25+$0xFFFFFE58];
	[tilespmem:s30+$0x140] =	vst v0  }
0x3c7: {  	[tilespmem:s30+$0xFFFFFF80] =	vst v1;
	v0 =	vld [tilespmem:s28+$0x150]  }
0x3c8: {  	[tilespmem:s31+$0xB0] =	vst v2;
	v1 =	vld [tilespmem:s28+$0xFFFFFF88]  }
0x3c9: {  	[tilespmem:s31+$0xFFFFFEF0] =	vst v3;
	v2 =	vld [tilespmem:s23+$0xC0]  }
0x3ca: {  	[tilespmem:s0+$0x20] =	vst v4;
	v3 =	vld [tilespmem:s23+$0xFFFFFEF8]  }
0x3cb: {  	[tilespmem:s0+$0xFFFFFE60] =	vst v5;
	v4 =	vld [tilespmem:s25+$0x30]  }
0x3cc: {  	v5 =	vld [tilespmem:s25+$0xFFFFFE68];
	[tilespmem:s30+$0x150] =	vst v0  }
0x3cd: {  	[tilespmem:s30+$0xFFFFFF90] =	vst v1;
	v0 =	vld [tilespmem:s28+$0x160]  }
0x3ce: {  	[tilespmem:s31+$0xC0] =	vst v2;
	v1 =	vld [tilespmem:s28+$0xFFFFFF98]  }
0x3cf: {  	[tilespmem:s31+$0xFFFFFF00] =	vst v3;
	v2 =	vld [tilespmem:s23+$0xD0]  }
0x3d0: {  	[tilespmem:s0+$0x30] =	vst v4;
	v3 =	vld [tilespmem:s23+$0xFFFFFF08]  }
0x3d1: {  	[tilespmem:s0+$0xFFFFFE70] =	vst v5;
	v4 =	vld [tilespmem:s25+$0x40]  }
0x3d2: {  	v5 =	vld [tilespmem:s25+$0xFFFFFE78];
	[tilespmem:s30+$0x160] =	vst v0  }
0x3d3: {  	[tilespmem:s30+$0xFFFFFFA0] =	vst v1;
	v0 =	vld [tilespmem:s28+$0x170]  }
0x3d4: {  	[tilespmem:s31+$0xD0] =	vst v2;
	v1 =	vld [tilespmem:s28+$0xFFFFFFA8]  }
0x3d5: {  	[tilespmem:s31+$0xFFFFFF10] =	vst v3;
	v2 =	vld [tilespmem:s23+$0xE0]  }
0x3d6: {  	[tilespmem:s0+$0x40] =	vst v4;
	v3 =	vld [tilespmem:s23+$0xFFFFFF18]  }
0x3d7: {  	[tilespmem:s0+$0xFFFFFE80] =	vst v5;
	v4 =	vld [tilespmem:s25+$0x50]  }
0x3d8: {  	v5 =	vld [tilespmem:s25+$0xFFFFFE88];
	[tilespmem:s30+$0x170] =	vst v0  }
0x3d9: {  	[tilespmem:s30+$0xFFFFFFB0] =	vst v1;
	v0 =	vld [tilespmem:s28+$0x180]  }
0x3da: {  	[tilespmem:s31+$0xE0] =	vst v2;
	v1 =	vld [tilespmem:s28+$0xFFFFFFB8]  }
0x3db: {  	[tilespmem:s31+$0xFFFFFF20] =	vst v3;
	v2 =	vld [tilespmem:s23+$0xF0]  }
0x3dc: {  	[tilespmem:s0+$0x50] =	vst v4;
	v3 =	vld [tilespmem:s23+$0xFFFFFF28]  }
0x3dd: {  	[tilespmem:s0+$0xFFFFFE90] =	vst v5;
	v4 =	vld [tilespmem:s25+$0x60]  }
0x3de: {  	v5 =	vld [tilespmem:s25+$0xFFFFFE98];
	[tilespmem:s30+$0x180] =	vst v0  }
0x3df: {  	[tilespmem:s30+$0xFFFFFFC0] =	vst v1;
	v0 =	vld [tilespmem:s28+$0x190]  }
0x3e0: {  	[tilespmem:s31+$0xF0] =	vst v2;
	v1 =	vld [tilespmem:s28+$0xFFFFFFC8]  }
0x3e1: {  	[tilespmem:s31+$0xFFFFFF30] =	vst v3;
	v2 =	vld [tilespmem:s23+$0x100]  }
0x3e2: {  	[tilespmem:s0+$0x60] =	vst v4;
	v3 =	vld [tilespmem:s23+$0xFFFFFF38]  }
0x3e3: {  	[tilespmem:s0+$0xFFFFFEA0] =	vst v5;
	v4 =	vld [tilespmem:s25+$0x70]  }
0x3e4: {  	v5 =	vld [tilespmem:s25+$0xFFFFFEA8];
	[tilespmem:s30+$0x190] =	vst v0  }
0x3e5: {  	[tilespmem:s30+$0xFFFFFFD0] =	vst v1;
	v0 =	vld [tilespmem:s28+$0x1A0]  }
0x3e6: {  	[tilespmem:s31+$0x100] =	vst v2;
	v1 =	vld [tilespmem:s28+$0xFFFFFFD8]  }
0x3e7: {  	[tilespmem:s31+$0xFFFFFF40] =	vst v3;
	v2 =	vld [tilespmem:s23+$0x110]  }
0x3e8: {  	[tilespmem:s0+$0x70] =	vst v4;
	v3 =	vld [tilespmem:s23+$0xFFFFFF48]  }
0x3e9: {  	[tilespmem:s0+$0xFFFFFEB0] =	vst v5;
	v4 =	vld [tilespmem:s25+$0x80]  }
0x3ea: {  	v5 =	vld [tilespmem:s25+$0xFFFFFEB8];
	[tilespmem:s30+$0x1A0] =	vst v0  }
0x3eb: {  	[tilespmem:s30+$0xFFFFFFE0] =	vst v1;
	v6 =	vld [tilespmem:s28+$0x1B0]  }
0x3ec: {  	[tilespmem:s31+$0x110] =	vst v2;
	v0 =	vld [tilespmem:s28+$0xFFFFFFE8]  }
0x3ed: {  	[tilespmem:s31+$0xFFFFFF50] =	vst v3;
	v1 =	vld [tilespmem:s23+$0x120]  }
0x3ee: {  	[tilespmem:s0+$0x80] =	vst v4;
	v2 =	vld [tilespmem:s23+$0xFFFFFF58]  }
0x3ef: {  	s8 =	sadd.s32 $0x390, s25;
	[tilespmem:s0+$0xFFFFFEC0] =	vst v5;
	v3 =	vld [tilespmem:s25+$0x90]  }
0x3f0: {  	s7 =	simm.s32 $0x4;
	s24 =	smov.u32 s23;
	s26 =	smov.u32 s25;
	v4 =	vld [tilespmem:s25+$0xFFFFFEC8];
	[tilespmem:s30+$0x1B0] =	vst v6  }
.LBB2_9:
0x3f1: {  	v5 =	vld [tilespmem:s8+$0x0];
	s7 =	sadd.s32 $0x2, s7;
	[tilespmem:s30+$0xFFFFFFF0] =	vst v0;
	s30 =	smov.u32 s31;
	s31 =	smov.u32 s0  }
0x3f2: {  	v0 =	vld [tilespmem:s8+$0xFFFFFE38];
	p0 =	slt.u32 s7, $0x3E;
	[tilespmem:s30+$0x120] =	vst v1  }
0x3f3: {  	[tilespmem:s30+$0xFFFFFF60] =	vst v2;
	v1 =	vld [tilespmem:s24+$0x130]  }
0x3f4: {  	[tilespmem:s0+$0x90] =	vst v3;
	v2 =	vld [tilespmem:s24+$0xFFFFFF68]  }
0x3f5: {  	s0 =	sadd.s32 $0x380, s0;
	[tilespmem:s31+$0xFFFFFED0] =	vst v4;
	v3 =	vld [tilespmem:s26+$0xA0]  }
0x3f6: {  	[tilespmem:s0+$0x0] =	vst v5;
	v4 =	vld [tilespmem:s26+$0xFFFFFED8]  }
0x3f7: {  	[tilespmem:s0+$0xFFFFFE40] =	vst v0;
	v0 =	vld [tilespmem:s8+$0x10]  }
0x3f8: {  	v5 =	vld [tilespmem:s8+$0xFFFFFE48];
	[tilespmem:s30+$0x130] =	vst v1  }
0x3f9: {  	[tilespmem:s30+$0xFFFFFF70] =	vst v2;
	v1 =	vld [tilespmem:s24+$0x140]  }
0x3fa: {  	[tilespmem:s31+$0xA0] =	vst v3;
	v2 =	vld [tilespmem:s24+$0xFFFFFF78]  }
0x3fb: {  	[tilespmem:s31+$0xFFFFFEE0] =	vst v4;
	v3 =	vld [tilespmem:s26+$0xB0]  }
0x3fc: {  	[tilespmem:s0+$0x10] =	vst v0;
	v0 =	vld [tilespmem:s26+$0xFFFFFEE8]  }
0x3fd: {  	[tilespmem:s0+$0xFFFFFE50] =	vst v5;
	v4 =	vld [tilespmem:s8+$0x20]  }
0x3fe: {  	v5 =	vld [tilespmem:s8+$0xFFFFFE58];
	[tilespmem:s30+$0x140] =	vst v1  }
0x3ff: {  	[tilespmem:s30+$0xFFFFFF80] =	vst v2;
	v1 =	vld [tilespmem:s24+$0x150]  }
0x400: {  	[tilespmem:s31+$0xB0] =	vst v3;
	v2 =	vld [tilespmem:s24+$0xFFFFFF88]  }
0x401: {  	[tilespmem:s31+$0xFFFFFEF0] =	vst v0;
	v0 =	vld [tilespmem:s26+$0xC0]  }
0x402: {  	[tilespmem:s0+$0x20] =	vst v4;
	v3 =	vld [tilespmem:s26+$0xFFFFFEF8]  }
0x403: {  	[tilespmem:s0+$0xFFFFFE60] =	vst v5;
	v4 =	vld [tilespmem:s8+$0x30]  }
0x404: {  	v5 =	vld [tilespmem:s8+$0xFFFFFE68];
	[tilespmem:s30+$0x150] =	vst v1  }
0x405: {  	[tilespmem:s30+$0xFFFFFF90] =	vst v2;
	v1 =	vld [tilespmem:s24+$0x160]  }
0x406: {  	[tilespmem:s31+$0xC0] =	vst v0;
	v0 =	vld [tilespmem:s24+$0xFFFFFF98]  }
0x407: {  	[tilespmem:s31+$0xFFFFFF00] =	vst v3;
	v2 =	vld [tilespmem:s26+$0xD0]  }
0x408: {  	[tilespmem:s0+$0x30] =	vst v4;
	v3 =	vld [tilespmem:s26+$0xFFFFFF08]  }
0x409: {  	[tilespmem:s0+$0xFFFFFE70] =	vst v5;
	v4 =	vld [tilespmem:s8+$0x40]  }
0x40a: {  	v5 =	vld [tilespmem:s8+$0xFFFFFE78];
	[tilespmem:s30+$0x160] =	vst v1  }
0x40b: {  	[tilespmem:s30+$0xFFFFFFA0] =	vst v0;
	v0 =	vld [tilespmem:s24+$0x170]  }
0x40c: {  	[tilespmem:s31+$0xD0] =	vst v2;
	v1 =	vld [tilespmem:s24+$0xFFFFFFA8]  }
0x40d: {  	[tilespmem:s31+$0xFFFFFF10] =	vst v3;
	v2 =	vld [tilespmem:s26+$0xE0]  }
0x40e: {  	[tilespmem:s0+$0x40] =	vst v4;
	v3 =	vld [tilespmem:s26+$0xFFFFFF18]  }
0x40f: {  	[tilespmem:s0+$0xFFFFFE80] =	vst v5;
	v4 =	vld [tilespmem:s8+$0x50]  }
0x410: {  	v5 =	vld [tilespmem:s8+$0xFFFFFE88];
	[tilespmem:s30+$0x170] =	vst v0  }
0x411: {  	[tilespmem:s30+$0xFFFFFFB0] =	vst v1;
	v0 =	vld [tilespmem:s24+$0x180]  }
0x412: {  	[tilespmem:s31+$0xE0] =	vst v2;
	v1 =	vld [tilespmem:s24+$0xFFFFFFB8]  }
0x413: {  	[tilespmem:s31+$0xFFFFFF20] =	vst v3;
	v2 =	vld [tilespmem:s26+$0xF0]  }
0x414: {  	[tilespmem:s0+$0x50] =	vst v4;
	v3 =	vld [tilespmem:s26+$0xFFFFFF28]  }
0x415: {  	[tilespmem:s0+$0xFFFFFE90] =	vst v5;
	v4 =	vld [tilespmem:s8+$0x60]  }
0x416: {  	v5 =	vld [tilespmem:s8+$0xFFFFFE98];
	[tilespmem:s30+$0x180] =	vst v0  }
0x417: {  	[tilespmem:s30+$0xFFFFFFC0] =	vst v1;
	v0 =	vld [tilespmem:s24+$0x190]  }
0x418: {  	[tilespmem:s31+$0xF0] =	vst v2;
	v1 =	vld [tilespmem:s24+$0xFFFFFFC8]  }
0x419: {  	[tilespmem:s31+$0xFFFFFF30] =	vst v3;
	v2 =	vld [tilespmem:s26+$0x100]  }
0x41a: {  	[tilespmem:s0+$0x60] =	vst v4;
	v3 =	vld [tilespmem:s26+$0xFFFFFF38]  }
0x41b: {  	[tilespmem:s0+$0xFFFFFEA0] =	vst v5;
	v4 =	vld [tilespmem:s8+$0x70]  }
0x41c: {  	v5 =	vld [tilespmem:s8+$0xFFFFFEA8];
	[tilespmem:s30+$0x190] =	vst v0  }
0x41d: {  	[tilespmem:s30+$0xFFFFFFD0] =	vst v1;
	v0 =	vld [tilespmem:s24+$0x1A0]  }
0x41e: {  	[tilespmem:s31+$0x100] =	vst v2;
	v1 =	vld [tilespmem:s24+$0xFFFFFFD8]  }
0x41f: {  	[tilespmem:s31+$0xFFFFFF40] =	vst v3;
	v2 =	vld [tilespmem:s26+$0x110]  }
0x420: {  	[tilespmem:s0+$0x70] =	vst v4;
	v3 =	vld [tilespmem:s26+$0xFFFFFF48]  }
0x421: {  	[tilespmem:s0+$0xFFFFFEB0] =	vst v5;
	v4 =	vld [tilespmem:s8+$0x80]  }
0x422: {  	v5 =	vld [tilespmem:s8+$0xFFFFFEB8];
	[tilespmem:s30+$0x1A0] =	vst v0  }
0x423: {  	[tilespmem:s30+$0xFFFFFFE0] =	vst v1;
	v6 =	vld [tilespmem:s24+$0x1B0]  }
.Ltmp3:
0x424: {  	[tilespmem:s31+$0x110] =	vst v2;
	v0 =	vld [tilespmem:s24+$0xFFFFFFE8];
	s24 =	smov.u32 s26;
	s26 =	smov.u32 s8;
	(pc) =	sbr.rel @p0 .LBB2_9-.Ltmp3, $4  }
0x425: {  	[tilespmem:s31+$0xFFFFFF50] =	vst v3;
	v1 =	vld [tilespmem:s24+$0x120]  }
0x426: {  	[tilespmem:s0+$0x80] =	vst v4;
	v2 =	vld [tilespmem:s24+$0xFFFFFF58]  }
0x427: {  	[tilespmem:s0+$0xFFFFFEC0] =	vst v5;
	v3 =	vld [tilespmem:s8+$0x90]  }
0x428: {  	s8 =	sadd.s32 $0x390, s8;
	v4 =	vld [tilespmem:s26+$0xFFFFFEC8];
	[tilespmem:s30+$0x1B0] =	vst v6  }
0x429: {  	_ =	sdelay $0x2  }
0x42a: {  	[tilespmem:s0+$0x90] =	vst v3  }
0x42b: {  	[tilespmem:s0+$0xFFFFFED0] =	vst v4;
	v3 =	vld [tilespmem:s26+$0xA0]  }
0x42c: {  	v4 =	vld [tilespmem:s26+$0xFFFFFED8];
	_ =	sdelay $0x3  }
0x42d: {  	[tilespmem:s0+$0xA0] =	vst v3  }
0x42e: {  	[tilespmem:s0+$0xFFFFFEE0] =	vst v4;
	v3 =	vld [tilespmem:s26+$0xB0]  }
0x42f: {  	v4 =	vld [tilespmem:s26+$0xFFFFFEE8];
	_ =	sdelay $0x3  }
0x430: {  	[tilespmem:s0+$0xB0] =	vst v3  }
0x431: {  	[tilespmem:s0+$0xFFFFFEF0] =	vst v4;
	v3 =	vld [tilespmem:s26+$0xC0]  }
0x432: {  	v4 =	vld [tilespmem:s26+$0xFFFFFEF8];
	_ =	sdelay $0x3  }
0x433: {  	[tilespmem:s0+$0xC0] =	vst v3  }
0x434: {  	[tilespmem:s0+$0xFFFFFF00] =	vst v4;
	v3 =	vld [tilespmem:s26+$0xD0]  }
0x435: {  	v4 =	vld [tilespmem:s26+$0xFFFFFF08];
	_ =	sdelay $0x3  }
0x436: {  	[tilespmem:s0+$0xD0] =	vst v3  }
0x437: {  	[tilespmem:s0+$0xFFFFFF10] =	vst v4;
	v3 =	vld [tilespmem:s26+$0xE0]  }
0x438: {  	v4 =	vld [tilespmem:s26+$0xFFFFFF18];
	_ =	sdelay $0x3  }
0x439: {  	[tilespmem:s0+$0xE0] =	vst v3  }
0x43a: {  	[tilespmem:s0+$0xFFFFFF20] =	vst v4;
	v3 =	vld [tilespmem:s26+$0xF0]  }
0x43b: {  	v4 =	vld [tilespmem:s26+$0xFFFFFF28];
	_ =	sdelay $0x3  }
0x43c: {  	[tilespmem:s0+$0xF0] =	vst v3  }
0x43d: {  	[tilespmem:s0+$0xFFFFFF30] =	vst v4;
	v3 =	vld [tilespmem:s26+$0x100]  }
0x43e: {  	v4 =	vld [tilespmem:s26+$0xFFFFFF38];
	_ =	sdelay $0x3  }
0x43f: {  	[tilespmem:s0+$0x100] =	vst v3  }
0x440: {  	[tilespmem:s0+$0xFFFFFF40] =	vst v4;
	v3 =	vld [tilespmem:s26+$0x110]  }
0x441: {  	v4 =	vld [tilespmem:s26+$0xFFFFFF48];
	_ =	sdelay $0x3  }
0x442: {  	[tilespmem:s0+$0x110] =	vst v3  }
0x443: {  	[tilespmem:s0+$0xFFFFFF50] =	vst v4;
	v3 =	vld [tilespmem:s26+$0x120]  }
0x444: {  	v4 =	vld [tilespmem:s26+$0xFFFFFF58];
	_ =	sdelay $0x1  }
0x445: {  	[tilespmem:s31+$0x120] =	vst v1  }
0x446: {  	[tilespmem:s31+$0xFFFFFF60] =	vst v2;
	v1 =	vld [tilespmem:s24+$0x130]  }
0x447: {  	v2 =	vld [tilespmem:s24+$0xFFFFFF68];
	[tilespmem:s0+$0x120] =	vst v3  }
0x448: {  	[tilespmem:s0+$0xFFFFFF60] =	vst v4;
	v3 =	vld [tilespmem:s26+$0x130]  }
0x449: {  	v4 =	vld [tilespmem:s26+$0xFFFFFF68];
	_ =	sdelay $0x1  }
0x44a: {  	[tilespmem:s31+$0x130] =	vst v1  }
0x44b: {  	[tilespmem:s31+$0xFFFFFF70] =	vst v2;
	v1 =	vld [tilespmem:s24+$0x140]  }
0x44c: {  	v2 =	vld [tilespmem:s24+$0xFFFFFF78];
	[tilespmem:s0+$0x130] =	vst v3  }
0x44d: {  	[tilespmem:s0+$0xFFFFFF70] =	vst v4;
	v3 =	vld [tilespmem:s26+$0x140]  }
0x44e: {  	v4 =	vld [tilespmem:s26+$0xFFFFFF78];
	_ =	sdelay $0x1  }
0x44f: {  	[tilespmem:s31+$0x140] =	vst v1  }
0x450: {  	[tilespmem:s31+$0xFFFFFF80] =	vst v2;
	v1 =	vld [tilespmem:s24+$0x150]  }
0x451: {  	v2 =	vld [tilespmem:s24+$0xFFFFFF88];
	[tilespmem:s0+$0x140] =	vst v3  }
0x452: {  	[tilespmem:s0+$0xFFFFFF80] =	vst v4;
	v3 =	vld [tilespmem:s26+$0x150]  }
0x453: {  	v4 =	vld [tilespmem:s26+$0xFFFFFF88];
	_ =	sdelay $0x1  }
0x454: {  	[tilespmem:s31+$0x150] =	vst v1  }
0x455: {  	[tilespmem:s31+$0xFFFFFF90] =	vst v2;
	v1 =	vld [tilespmem:s24+$0x160]  }
0x456: {  	v2 =	vld [tilespmem:s24+$0xFFFFFF98];
	[tilespmem:s0+$0x150] =	vst v3  }
0x457: {  	[tilespmem:s0+$0xFFFFFF90] =	vst v4;
	v3 =	vld [tilespmem:s26+$0x160]  }
0x458: {  	v4 =	vld [tilespmem:s26+$0xFFFFFF98];
	_ =	sdelay $0x1  }
0x459: {  	[tilespmem:s31+$0x160] =	vst v1  }
0x45a: {  	[tilespmem:s31+$0xFFFFFFA0] =	vst v2;
	v1 =	vld [tilespmem:s24+$0x170]  }
0x45b: {  	v2 =	vld [tilespmem:s24+$0xFFFFFFA8];
	[tilespmem:s0+$0x160] =	vst v3  }
0x45c: {  	[tilespmem:s0+$0xFFFFFFA0] =	vst v4;
	v3 =	vld [tilespmem:s26+$0x170]  }
0x45d: {  	v4 =	vld [tilespmem:s26+$0xFFFFFFA8];
	_ =	sdelay $0x1  }
0x45e: {  	[tilespmem:s31+$0x170] =	vst v1  }
0x45f: {  	[tilespmem:s31+$0xFFFFFFB0] =	vst v2;
	v1 =	vld [tilespmem:s24+$0x180]  }
0x460: {  	v2 =	vld [tilespmem:s24+$0xFFFFFFB8];
	[tilespmem:s0+$0x170] =	vst v3  }
0x461: {  	[tilespmem:s0+$0xFFFFFFB0] =	vst v4;
	v3 =	vld [tilespmem:s26+$0x180]  }
0x462: {  	v4 =	vld [tilespmem:s26+$0xFFFFFFB8];
	_ =	sdelay $0x1  }
0x463: {  	[tilespmem:s31+$0x180] =	vst v1  }
0x464: {  	[tilespmem:s31+$0xFFFFFFC0] =	vst v2;
	v1 =	vld [tilespmem:s24+$0x190]  }
0x465: {  	v2 =	vld [tilespmem:s24+$0xFFFFFFC8];
	[tilespmem:s0+$0x180] =	vst v3  }
0x466: {  	[tilespmem:s0+$0xFFFFFFC0] =	vst v4;
	v3 =	vld [tilespmem:s26+$0x190]  }
0x467: {  	v4 =	vld [tilespmem:s26+$0xFFFFFFC8];
	_ =	sdelay $0x1  }
0x468: {  	[tilespmem:s31+$0x190] =	vst v1  }
0x469: {  	[tilespmem:s31+$0xFFFFFFD0] =	vst v2;
	v1 =	vld [tilespmem:s24+$0x1A0]  }
0x46a: {  	v2 =	vld [tilespmem:s24+$0xFFFFFFD8];
	[tilespmem:s0+$0x190] =	vst v3  }
0x46b: {  	[tilespmem:s0+$0xFFFFFFD0] =	vst v4;
	v3 =	vld [tilespmem:s26+$0x1A0]  }
0x46c: {  	v4 =	vld [tilespmem:s26+$0xFFFFFFD8];
	_ =	sdelay $0x1  }
0x46d: {  	[tilespmem:s31+$0x1A0] =	vst v1  }
0x46e: {  	[tilespmem:s31+$0xFFFFFFE0] =	vst v2;
	v1 =	vld [tilespmem:s24+$0x1B0]  }
0x46f: {  	v2 =	vld [tilespmem:s24+$0xFFFFFFE8];
	[tilespmem:s0+$0x1A0] =	vst v3  }
0x470: {  	[tilespmem:s0+$0xFFFFFFE0] =	vst v4;
	v3 =	vld [tilespmem:s26+$0x1B0]  }
0x471: {  	v4 =	vld [tilespmem:s26+$0xFFFFFFE8]  }
0x472: {  	[tilespmem:s30+$0xFFFFFFF0] =	vst v0  }
0x473: {  	[tilespmem:s31+$0x1B0] =	vst v1  }
0x474: {  	s7 =	sadd.s32 $0x28000, s21;
	[tilespmem:s31+$0xFFFFFFF0] =	vst v2  }
0x475: {  	s7 =	sshrl.u32 s7, $0x3;
	[tilespmem:s0+$0x1B0] =	vst v3  }
0x476: {  	s24 =	sadd.s32 s4, s7;
	[tilespmem:s0+$0xFFFFFFF0] =	vst v4  }
0x477: {  	[tilespmem:s12], [sflag:$0x2] =	stream.strided.gather [hbm4b:s24+s9], $0x7200, s10, s9, $0x38;
	[tilespmem:$0x1C410] =	vst v63  }
0x478: {  	s26 =	sadd.s32 $0x2A00, s22  }
0x479: {  	[hbm4b:s26+s3] =	stream.linear.scatter [tilespmem:s16], [sflag:$0x4], $0x7000, $0x38;
	[tilespmem:$0x1C410] =	vst v63  }
0x47a: {  	_ =	swait.ge [sflag:s13], $0x7200  }
0x47b: {  	[sflag:s13] =	ssyncset.done $0x0  }
0x47c: {  	[sflag:s13] =	ssyncadd.s32 $0xFFFF8E00  }
0x47d: {  	_ =	swait.ge [sflag:s17], $0x7000  }
0x47e: {  	[sflag:s17] =	ssyncset.done $0x0  }
0x47f: {  	[sflag:s17] =	ssyncadd.s32 $0xFFFF9000  }
0x480: {  	v0 =	vld [tilespmem:s29+$0x0]  }
0x481: {  	v1 =	vld [tilespmem:s29+$0xFFFFFE38];
	_ =	sdelay $0x2  }
0x482: {  	s30 =	simm.s32 $0xE5D0  }
0x483: {  	[tilespmem:s30+$0x0] =	vst v0  }
0x484: {  	[tilespmem:s30+$0xFFFFFE40] =	vst v1;
	v0 =	vld [tilespmem:s29+$0x10]  }
0x485: {  	v1 =	vld [tilespmem:s29+$0xFFFFFE48];
	_ =	sdelay $0x3  }
0x486: {  	[tilespmem:s30+$0x10] =	vst v0  }
0x487: {  	[tilespmem:s30+$0xFFFFFE50] =	vst v1;
	v0 =	vld [tilespmem:s29+$0x20]  }
0x488: {  	v1 =	vld [tilespmem:s29+$0xFFFFFE58];
	_ =	sdelay $0x3  }
0x489: {  	[tilespmem:s30+$0x20] =	vst v0  }
0x48a: {  	[tilespmem:s30+$0xFFFFFE60] =	vst v1;
	v0 =	vld [tilespmem:s29+$0x30]  }
0x48b: {  	v1 =	vld [tilespmem:s29+$0xFFFFFE68];
	_ =	sdelay $0x3  }
0x48c: {  	[tilespmem:s30+$0x30] =	vst v0  }
0x48d: {  	[tilespmem:s30+$0xFFFFFE70] =	vst v1;
	v0 =	vld [tilespmem:s29+$0x40]  }
0x48e: {  	v1 =	vld [tilespmem:s29+$0xFFFFFE78];
	_ =	sdelay $0x3  }
0x48f: {  	[tilespmem:s30+$0x40] =	vst v0  }
0x490: {  	[tilespmem:s30+$0xFFFFFE80] =	vst v1;
	v0 =	vld [tilespmem:s29+$0x50]  }
0x491: {  	v1 =	vld [tilespmem:s29+$0xFFFFFE88];
	_ =	sdelay $0x3  }
0x492: {  	[tilespmem:s30+$0x50] =	vst v0  }
0x493: {  	[tilespmem:s30+$0xFFFFFE90] =	vst v1;
	v0 =	vld [tilespmem:s29+$0x60]  }
0x494: {  	v1 =	vld [tilespmem:s29+$0xFFFFFE98];
	_ =	sdelay $0x3  }
0x495: {  	[tilespmem:s30+$0x60] =	vst v0  }
0x496: {  	[tilespmem:s30+$0xFFFFFEA0] =	vst v1;
	v0 =	vld [tilespmem:s29+$0x70]  }
0x497: {  	v1 =	vld [tilespmem:s29+$0xFFFFFEA8];
	_ =	sdelay $0x3  }
0x498: {  	[tilespmem:s30+$0x70] =	vst v0  }
0x499: {  	[tilespmem:s30+$0xFFFFFEB0] =	vst v1;
	v0 =	vld [tilespmem:s29+$0x80]  }
0x49a: {  	v1 =	vld [tilespmem:s29+$0xFFFFFEB8];
	_ =	sdelay $0x3  }
0x49b: {  	[tilespmem:s30+$0x80] =	vst v0  }
0x49c: {  	[tilespmem:s30+$0xFFFFFEC0] =	vst v1;
	v0 =	vld [tilespmem:s29+$0x90]  }
0x49d: {  	v1 =	vld [tilespmem:s29+$0xFFFFFEC8]  }
0x49e: {  	v2 =	vld [tilespmem:s1+$0x0]  }
0x49f: {  	v3 =	vld [tilespmem:s1+$0xFFFFFE38];
	_ =	sdelay $0x1  }
0x4a0: {  	[tilespmem:s30+$0x90] =	vst v0  }
0x4a1: {  	s31 =	simm.s32 $0xE950;
	[tilespmem:s30+$0xFFFFFED0] =	vst v1;
	v0 =	vld [tilespmem:s29+$0xA0]  }
0x4a2: {  	[tilespmem:s31+$0x0] =	vst v2;
	v1 =	vld [tilespmem:s29+$0xFFFFFED8]  }
0x4a3: {  	[tilespmem:s31+$0xFFFFFE40] =	vst v3;
	v2 =	vld [tilespmem:s1+$0x10]  }
0x4a4: {  	v3 =	vld [tilespmem:s1+$0xFFFFFE48];
	_ =	sdelay $0x1  }
0x4a5: {  	[tilespmem:s30+$0xA0] =	vst v0  }
0x4a6: {  	[tilespmem:s30+$0xFFFFFEE0] =	vst v1;
	v0 =	vld [tilespmem:s29+$0xB0]  }
0x4a7: {  	[tilespmem:s31+$0x10] =	vst v2;
	v1 =	vld [tilespmem:s29+$0xFFFFFEE8]  }
0x4a8: {  	[tilespmem:s31+$0xFFFFFE50] =	vst v3;
	v2 =	vld [tilespmem:s1+$0x20]  }
0x4a9: {  	v3 =	vld [tilespmem:s1+$0xFFFFFE58];
	_ =	sdelay $0x1  }
0x4aa: {  	[tilespmem:s30+$0xB0] =	vst v0  }
0x4ab: {  	[tilespmem:s30+$0xFFFFFEF0] =	vst v1;
	v0 =	vld [tilespmem:s29+$0xC0]  }
0x4ac: {  	[tilespmem:s31+$0x20] =	vst v2;
	v1 =	vld [tilespmem:s29+$0xFFFFFEF8]  }
0x4ad: {  	[tilespmem:s31+$0xFFFFFE60] =	vst v3;
	v2 =	vld [tilespmem:s1+$0x30]  }
0x4ae: {  	v3 =	vld [tilespmem:s1+$0xFFFFFE68];
	_ =	sdelay $0x1  }
0x4af: {  	[tilespmem:s30+$0xC0] =	vst v0  }
0x4b0: {  	[tilespmem:s30+$0xFFFFFF00] =	vst v1;
	v0 =	vld [tilespmem:s29+$0xD0]  }
0x4b1: {  	[tilespmem:s31+$0x30] =	vst v2;
	v1 =	vld [tilespmem:s29+$0xFFFFFF08]  }
0x4b2: {  	[tilespmem:s31+$0xFFFFFE70] =	vst v3;
	v2 =	vld [tilespmem:s1+$0x40]  }
0x4b3: {  	v3 =	vld [tilespmem:s1+$0xFFFFFE78];
	_ =	sdelay $0x1  }
0x4b4: {  	[tilespmem:s30+$0xD0] =	vst v0  }
0x4b5: {  	[tilespmem:s30+$0xFFFFFF10] =	vst v1;
	v0 =	vld [tilespmem:s29+$0xE0]  }
0x4b6: {  	[tilespmem:s31+$0x40] =	vst v2;
	v1 =	vld [tilespmem:s29+$0xFFFFFF18]  }
0x4b7: {  	[tilespmem:s31+$0xFFFFFE80] =	vst v3;
	v2 =	vld [tilespmem:s1+$0x50]  }
0x4b8: {  	v3 =	vld [tilespmem:s1+$0xFFFFFE88];
	_ =	sdelay $0x1  }
0x4b9: {  	[tilespmem:s30+$0xE0] =	vst v0  }
0x4ba: {  	[tilespmem:s30+$0xFFFFFF20] =	vst v1;
	v0 =	vld [tilespmem:s29+$0xF0]  }
0x4bb: {  	[tilespmem:s31+$0x50] =	vst v2;
	v1 =	vld [tilespmem:s29+$0xFFFFFF28]  }
0x4bc: {  	[tilespmem:s31+$0xFFFFFE90] =	vst v3;
	v2 =	vld [tilespmem:s1+$0x60]  }
0x4bd: {  	v3 =	vld [tilespmem:s1+$0xFFFFFE98];
	_ =	sdelay $0x1  }
0x4be: {  	[tilespmem:s30+$0xF0] =	vst v0  }
0x4bf: {  	[tilespmem:s30+$0xFFFFFF30] =	vst v1;
	v0 =	vld [tilespmem:s29+$0x100]  }
0x4c0: {  	[tilespmem:s31+$0x60] =	vst v2;
	v1 =	vld [tilespmem:s29+$0xFFFFFF38]  }
0x4c1: {  	[tilespmem:s31+$0xFFFFFEA0] =	vst v3;
	v2 =	vld [tilespmem:s1+$0x70]  }
0x4c2: {  	v3 =	vld [tilespmem:s1+$0xFFFFFEA8];
	_ =	sdelay $0x1  }
0x4c3: {  	[tilespmem:s30+$0x100] =	vst v0  }
0x4c4: {  	[tilespmem:s30+$0xFFFFFF40] =	vst v1;
	v0 =	vld [tilespmem:s29+$0x110]  }
0x4c5: {  	[tilespmem:s31+$0x70] =	vst v2;
	v1 =	vld [tilespmem:s29+$0xFFFFFF48]  }
0x4c6: {  	[tilespmem:s31+$0xFFFFFEB0] =	vst v3;
	v2 =	vld [tilespmem:s1+$0x80]  }
0x4c7: {  	v3 =	vld [tilespmem:s1+$0xFFFFFEB8];
	_ =	sdelay $0x1  }
0x4c8: {  	[tilespmem:s30+$0x110] =	vst v0  }
0x4c9: {  	[tilespmem:s30+$0xFFFFFF50] =	vst v1;
	v0 =	vld [tilespmem:s29+$0x120]  }
0x4ca: {  	[tilespmem:s31+$0x80] =	vst v2;
	v1 =	vld [tilespmem:s29+$0xFFFFFF58]  }
0x4cb: {  	[tilespmem:s31+$0xFFFFFEC0] =	vst v3;
	v2 =	vld [tilespmem:s1+$0x90]  }
0x4cc: {  	v3 =	vld [tilespmem:s1+$0xFFFFFEC8]  }
0x4cd: {  	v4 =	vld [tilespmem:s2+$0x0]  }
0x4ce: {  	v5 =	vld [tilespmem:s2+$0xFFFFFE38];
	[tilespmem:s30+$0x120] =	vst v0  }
0x4cf: {  	[tilespmem:s30+$0xFFFFFF60] =	vst v1;
	v0 =	vld [tilespmem:s29+$0x130]  }
0x4d0: {  	[tilespmem:s31+$0x90] =	vst v2;
	v1 =	vld [tilespmem:s29+$0xFFFFFF68]  }
0x4d1: {  	s0 =	simm.s32 $0xECD0;
	[tilespmem:s31+$0xFFFFFED0] =	vst v3;
	v2 =	vld [tilespmem:s1+$0xA0]  }
0x4d2: {  	[tilespmem:s0+$0x0] =	vst v4;
	v3 =	vld [tilespmem:s1+$0xFFFFFED8]  }
0x4d3: {  	[tilespmem:s0+$0xFFFFFE40] =	vst v5;
	v4 =	vld [tilespmem:s2+$0x10]  }
0x4d4: {  	v5 =	vld [tilespmem:s2+$0xFFFFFE48];
	[tilespmem:s30+$0x130] =	vst v0  }
0x4d5: {  	[tilespmem:s30+$0xFFFFFF70] =	vst v1;
	v0 =	vld [tilespmem:s29+$0x140]  }
0x4d6: {  	[tilespmem:s31+$0xA0] =	vst v2;
	v1 =	vld [tilespmem:s29+$0xFFFFFF78]  }
0x4d7: {  	[tilespmem:s31+$0xFFFFFEE0] =	vst v3;
	v2 =	vld [tilespmem:s1+$0xB0]  }
0x4d8: {  	[tilespmem:s0+$0x10] =	vst v4;
	v3 =	vld [tilespmem:s1+$0xFFFFFEE8]  }
0x4d9: {  	[tilespmem:s0+$0xFFFFFE50] =	vst v5;
	v4 =	vld [tilespmem:s2+$0x20]  }
0x4da: {  	v5 =	vld [tilespmem:s2+$0xFFFFFE58];
	[tilespmem:s30+$0x140] =	vst v0  }
0x4db: {  	[tilespmem:s30+$0xFFFFFF80] =	vst v1;
	v0 =	vld [tilespmem:s29+$0x150]  }
0x4dc: {  	[tilespmem:s31+$0xB0] =	vst v2;
	v1 =	vld [tilespmem:s29+$0xFFFFFF88]  }
0x4dd: {  	[tilespmem:s31+$0xFFFFFEF0] =	vst v3;
	v2 =	vld [tilespmem:s1+$0xC0]  }
0x4de: {  	[tilespmem:s0+$0x20] =	vst v4;
	v3 =	vld [tilespmem:s1+$0xFFFFFEF8]  }
0x4df: {  	[tilespmem:s0+$0xFFFFFE60] =	vst v5;
	v4 =	vld [tilespmem:s2+$0x30]  }
0x4e0: {  	v5 =	vld [tilespmem:s2+$0xFFFFFE68];
	[tilespmem:s30+$0x150] =	vst v0  }
0x4e1: {  	[tilespmem:s30+$0xFFFFFF90] =	vst v1;
	v0 =	vld [tilespmem:s29+$0x160]  }
0x4e2: {  	[tilespmem:s31+$0xC0] =	vst v2;
	v1 =	vld [tilespmem:s29+$0xFFFFFF98]  }
0x4e3: {  	[tilespmem:s31+$0xFFFFFF00] =	vst v3;
	v2 =	vld [tilespmem:s1+$0xD0]  }
0x4e4: {  	[tilespmem:s0+$0x30] =	vst v4;
	v3 =	vld [tilespmem:s1+$0xFFFFFF08]  }
0x4e5: {  	[tilespmem:s0+$0xFFFFFE70] =	vst v5;
	v4 =	vld [tilespmem:s2+$0x40]  }
0x4e6: {  	v5 =	vld [tilespmem:s2+$0xFFFFFE78];
	[tilespmem:s30+$0x160] =	vst v0  }
0x4e7: {  	[tilespmem:s30+$0xFFFFFFA0] =	vst v1;
	v0 =	vld [tilespmem:s29+$0x170]  }
0x4e8: {  	[tilespmem:s31+$0xD0] =	vst v2;
	v1 =	vld [tilespmem:s29+$0xFFFFFFA8]  }
0x4e9: {  	[tilespmem:s31+$0xFFFFFF10] =	vst v3;
	v2 =	vld [tilespmem:s1+$0xE0]  }
0x4ea: {  	[tilespmem:s0+$0x40] =	vst v4;
	v3 =	vld [tilespmem:s1+$0xFFFFFF18]  }
0x4eb: {  	[tilespmem:s0+$0xFFFFFE80] =	vst v5;
	v4 =	vld [tilespmem:s2+$0x50]  }
0x4ec: {  	v5 =	vld [tilespmem:s2+$0xFFFFFE88];
	[tilespmem:s30+$0x170] =	vst v0  }
0x4ed: {  	[tilespmem:s30+$0xFFFFFFB0] =	vst v1;
	v0 =	vld [tilespmem:s29+$0x180]  }
0x4ee: {  	[tilespmem:s31+$0xE0] =	vst v2;
	v1 =	vld [tilespmem:s29+$0xFFFFFFB8]  }
0x4ef: {  	[tilespmem:s31+$0xFFFFFF20] =	vst v3;
	v2 =	vld [tilespmem:s1+$0xF0]  }
0x4f0: {  	[tilespmem:s0+$0x50] =	vst v4;
	v3 =	vld [tilespmem:s1+$0xFFFFFF28]  }
0x4f1: {  	[tilespmem:s0+$0xFFFFFE90] =	vst v5;
	v4 =	vld [tilespmem:s2+$0x60]  }
0x4f2: {  	v5 =	vld [tilespmem:s2+$0xFFFFFE98];
	[tilespmem:s30+$0x180] =	vst v0  }
0x4f3: {  	[tilespmem:s30+$0xFFFFFFC0] =	vst v1;
	v0 =	vld [tilespmem:s29+$0x190]  }
0x4f4: {  	[tilespmem:s31+$0xF0] =	vst v2;
	v1 =	vld [tilespmem:s29+$0xFFFFFFC8]  }
0x4f5: {  	[tilespmem:s31+$0xFFFFFF30] =	vst v3;
	v2 =	vld [tilespmem:s1+$0x100]  }
0x4f6: {  	[tilespmem:s0+$0x60] =	vst v4;
	v3 =	vld [tilespmem:s1+$0xFFFFFF38]  }
0x4f7: {  	[tilespmem:s0+$0xFFFFFEA0] =	vst v5;
	v4 =	vld [tilespmem:s2+$0x70]  }
0x4f8: {  	v5 =	vld [tilespmem:s2+$0xFFFFFEA8];
	[tilespmem:s30+$0x190] =	vst v0  }
0x4f9: {  	[tilespmem:s30+$0xFFFFFFD0] =	vst v1;
	v0 =	vld [tilespmem:s29+$0x1A0]  }
0x4fa: {  	[tilespmem:s31+$0x100] =	vst v2;
	v1 =	vld [tilespmem:s29+$0xFFFFFFD8]  }
0x4fb: {  	[tilespmem:s31+$0xFFFFFF40] =	vst v3;
	v2 =	vld [tilespmem:s1+$0x110]  }
0x4fc: {  	[tilespmem:s0+$0x70] =	vst v4;
	v3 =	vld [tilespmem:s1+$0xFFFFFF48]  }
0x4fd: {  	[tilespmem:s0+$0xFFFFFEB0] =	vst v5;
	v4 =	vld [tilespmem:s2+$0x80]  }
0x4fe: {  	v5 =	vld [tilespmem:s2+$0xFFFFFEB8];
	[tilespmem:s30+$0x1A0] =	vst v0  }
0x4ff: {  	[tilespmem:s30+$0xFFFFFFE0] =	vst v1;
	v6 =	vld [tilespmem:s29+$0x1B0]  }
0x500: {  	[tilespmem:s31+$0x110] =	vst v2;
	v0 =	vld [tilespmem:s29+$0xFFFFFFE8]  }
0x501: {  	[tilespmem:s31+$0xFFFFFF50] =	vst v3;
	v1 =	vld [tilespmem:s1+$0x120]  }
0x502: {  	[tilespmem:s0+$0x80] =	vst v4;
	v2 =	vld [tilespmem:s1+$0xFFFFFF58]  }
0x503: {  	s8 =	sadd.s32 $0x390, s2;
	[tilespmem:s0+$0xFFFFFEC0] =	vst v5;
	v3 =	vld [tilespmem:s2+$0x90]  }
0x504: {  	s7 =	simm.s32 $0x4;
	s24 =	smov.u32 s1;
	s26 =	smov.u32 s2;
	v4 =	vld [tilespmem:s2+$0xFFFFFEC8];
	[tilespmem:s30+$0x1B0] =	vst v6  }
.LBB2_11:
0x505: {  	v5 =	vld [tilespmem:s8+$0x0];
	s7 =	sadd.s32 $0x2, s7;
	[tilespmem:s30+$0xFFFFFFF0] =	vst v0;
	s30 =	smov.u32 s31;
	s31 =	smov.u32 s0  }
0x506: {  	v0 =	vld [tilespmem:s8+$0xFFFFFE38];
	p0 =	slt.u32 s7, $0x3E;
	[tilespmem:s30+$0x120] =	vst v1  }
0x507: {  	[tilespmem:s30+$0xFFFFFF60] =	vst v2;
	v1 =	vld [tilespmem:s24+$0x130]  }
0x508: {  	[tilespmem:s0+$0x90] =	vst v3;
	v2 =	vld [tilespmem:s24+$0xFFFFFF68]  }
0x509: {  	s0 =	sadd.s32 $0x380, s0;
	[tilespmem:s31+$0xFFFFFED0] =	vst v4;
	v3 =	vld [tilespmem:s26+$0xA0]  }
0x50a: {  	[tilespmem:s0+$0x0] =	vst v5;
	v4 =	vld [tilespmem:s26+$0xFFFFFED8]  }
0x50b: {  	[tilespmem:s0+$0xFFFFFE40] =	vst v0;
	v0 =	vld [tilespmem:s8+$0x10]  }
0x50c: {  	v5 =	vld [tilespmem:s8+$0xFFFFFE48];
	[tilespmem:s30+$0x130] =	vst v1  }
0x50d: {  	[tilespmem:s30+$0xFFFFFF70] =	vst v2;
	v1 =	vld [tilespmem:s24+$0x140]  }
0x50e: {  	[tilespmem:s31+$0xA0] =	vst v3;
	v2 =	vld [tilespmem:s24+$0xFFFFFF78]  }
0x50f: {  	[tilespmem:s31+$0xFFFFFEE0] =	vst v4;
	v3 =	vld [tilespmem:s26+$0xB0]  }
0x510: {  	[tilespmem:s0+$0x10] =	vst v0;
	v0 =	vld [tilespmem:s26+$0xFFFFFEE8]  }
0x511: {  	[tilespmem:s0+$0xFFFFFE50] =	vst v5;
	v4 =	vld [tilespmem:s8+$0x20]  }
0x512: {  	v5 =	vld [tilespmem:s8+$0xFFFFFE58];
	[tilespmem:s30+$0x140] =	vst v1  }
0x513: {  	[tilespmem:s30+$0xFFFFFF80] =	vst v2;
	v1 =	vld [tilespmem:s24+$0x150]  }
0x514: {  	[tilespmem:s31+$0xB0] =	vst v3;
	v2 =	vld [tilespmem:s24+$0xFFFFFF88]  }
0x515: {  	[tilespmem:s31+$0xFFFFFEF0] =	vst v0;
	v0 =	vld [tilespmem:s26+$0xC0]  }
0x516: {  	[tilespmem:s0+$0x20] =	vst v4;
	v3 =	vld [tilespmem:s26+$0xFFFFFEF8]  }
0x517: {  	[tilespmem:s0+$0xFFFFFE60] =	vst v5;
	v4 =	vld [tilespmem:s8+$0x30]  }
0x518: {  	v5 =	vld [tilespmem:s8+$0xFFFFFE68];
	[tilespmem:s30+$0x150] =	vst v1  }
0x519: {  	[tilespmem:s30+$0xFFFFFF90] =	vst v2;
	v1 =	vld [tilespmem:s24+$0x160]  }
0x51a: {  	[tilespmem:s31+$0xC0] =	vst v0;
	v0 =	vld [tilespmem:s24+$0xFFFFFF98]  }
0x51b: {  	[tilespmem:s31+$0xFFFFFF00] =	vst v3;
	v2 =	vld [tilespmem:s26+$0xD0]  }
0x51c: {  	[tilespmem:s0+$0x30] =	vst v4;
	v3 =	vld [tilespmem:s26+$0xFFFFFF08]  }
0x51d: {  	[tilespmem:s0+$0xFFFFFE70] =	vst v5;
	v4 =	vld [tilespmem:s8+$0x40]  }
0x51e: {  	v5 =	vld [tilespmem:s8+$0xFFFFFE78];
	[tilespmem:s30+$0x160] =	vst v1  }
0x51f: {  	[tilespmem:s30+$0xFFFFFFA0] =	vst v0;
	v0 =	vld [tilespmem:s24+$0x170]  }
0x520: {  	[tilespmem:s31+$0xD0] =	vst v2;
	v1 =	vld [tilespmem:s24+$0xFFFFFFA8]  }
0x521: {  	[tilespmem:s31+$0xFFFFFF10] =	vst v3;
	v2 =	vld [tilespmem:s26+$0xE0]  }
0x522: {  	[tilespmem:s0+$0x40] =	vst v4;
	v3 =	vld [tilespmem:s26+$0xFFFFFF18]  }
0x523: {  	[tilespmem:s0+$0xFFFFFE80] =	vst v5;
	v4 =	vld [tilespmem:s8+$0x50]  }
0x524: {  	v5 =	vld [tilespmem:s8+$0xFFFFFE88];
	[tilespmem:s30+$0x170] =	vst v0  }
0x525: {  	[tilespmem:s30+$0xFFFFFFB0] =	vst v1;
	v0 =	vld [tilespmem:s24+$0x180]  }
0x526: {  	[tilespmem:s31+$0xE0] =	vst v2;
	v1 =	vld [tilespmem:s24+$0xFFFFFFB8]  }
0x527: {  	[tilespmem:s31+$0xFFFFFF20] =	vst v3;
	v2 =	vld [tilespmem:s26+$0xF0]  }
0x528: {  	[tilespmem:s0+$0x50] =	vst v4;
	v3 =	vld [tilespmem:s26+$0xFFFFFF28]  }
0x529: {  	[tilespmem:s0+$0xFFFFFE90] =	vst v5;
	v4 =	vld [tilespmem:s8+$0x60]  }
0x52a: {  	v5 =	vld [tilespmem:s8+$0xFFFFFE98];
	[tilespmem:s30+$0x180] =	vst v0  }
0x52b: {  	[tilespmem:s30+$0xFFFFFFC0] =	vst v1;
	v0 =	vld [tilespmem:s24+$0x190]  }
0x52c: {  	[tilespmem:s31+$0xF0] =	vst v2;
	v1 =	vld [tilespmem:s24+$0xFFFFFFC8]  }
0x52d: {  	[tilespmem:s31+$0xFFFFFF30] =	vst v3;
	v2 =	vld [tilespmem:s26+$0x100]  }
0x52e: {  	[tilespmem:s0+$0x60] =	vst v4;
	v3 =	vld [tilespmem:s26+$0xFFFFFF38]  }
0x52f: {  	[tilespmem:s0+$0xFFFFFEA0] =	vst v5;
	v4 =	vld [tilespmem:s8+$0x70]  }
0x530: {  	v5 =	vld [tilespmem:s8+$0xFFFFFEA8];
	[tilespmem:s30+$0x190] =	vst v0  }
0x531: {  	[tilespmem:s30+$0xFFFFFFD0] =	vst v1;
	v0 =	vld [tilespmem:s24+$0x1A0]  }
0x532: {  	[tilespmem:s31+$0x100] =	vst v2;
	v1 =	vld [tilespmem:s24+$0xFFFFFFD8]  }
0x533: {  	[tilespmem:s31+$0xFFFFFF40] =	vst v3;
	v2 =	vld [tilespmem:s26+$0x110]  }
0x534: {  	[tilespmem:s0+$0x70] =	vst v4;
	v3 =	vld [tilespmem:s26+$0xFFFFFF48]  }
0x535: {  	[tilespmem:s0+$0xFFFFFEB0] =	vst v5;
	v4 =	vld [tilespmem:s8+$0x80]  }
0x536: {  	v5 =	vld [tilespmem:s8+$0xFFFFFEB8];
	[tilespmem:s30+$0x1A0] =	vst v0  }
0x537: {  	[tilespmem:s30+$0xFFFFFFE0] =	vst v1;
	v6 =	vld [tilespmem:s24+$0x1B0]  }
.Ltmp4:
0x538: {  	[tilespmem:s31+$0x110] =	vst v2;
	v0 =	vld [tilespmem:s24+$0xFFFFFFE8];
	s24 =	smov.u32 s26;
	s26 =	smov.u32 s8;
	(pc) =	sbr.rel @p0 .LBB2_11-.Ltmp4, $4  }
0x539: {  	[tilespmem:s31+$0xFFFFFF50] =	vst v3;
	v1 =	vld [tilespmem:s24+$0x120]  }
0x53a: {  	[tilespmem:s0+$0x80] =	vst v4;
	v2 =	vld [tilespmem:s24+$0xFFFFFF58]  }
0x53b: {  	[tilespmem:s0+$0xFFFFFEC0] =	vst v5;
	v3 =	vld [tilespmem:s8+$0x90]  }
0x53c: {  	s8 =	sadd.s32 $0x390, s8;
	v4 =	vld [tilespmem:s26+$0xFFFFFEC8];
	[tilespmem:s30+$0x1B0] =	vst v6  }
0x53d: {  	_ =	sdelay $0x2  }
0x53e: {  	[tilespmem:s0+$0x90] =	vst v3  }
0x53f: {  	[tilespmem:s0+$0xFFFFFED0] =	vst v4;
	v3 =	vld [tilespmem:s26+$0xA0]  }
0x540: {  	v4 =	vld [tilespmem:s26+$0xFFFFFED8];
	_ =	sdelay $0x3  }
0x541: {  	[tilespmem:s0+$0xA0] =	vst v3  }
0x542: {  	[tilespmem:s0+$0xFFFFFEE0] =	vst v4;
	v3 =	vld [tilespmem:s26+$0xB0]  }
0x543: {  	v4 =	vld [tilespmem:s26+$0xFFFFFEE8];
	_ =	sdelay $0x3  }
0x544: {  	[tilespmem:s0+$0xB0] =	vst v3  }
0x545: {  	[tilespmem:s0+$0xFFFFFEF0] =	vst v4;
	v3 =	vld [tilespmem:s26+$0xC0]  }
0x546: {  	v4 =	vld [tilespmem:s26+$0xFFFFFEF8];
	_ =	sdelay $0x3  }
0x547: {  	[tilespmem:s0+$0xC0] =	vst v3  }
0x548: {  	[tilespmem:s0+$0xFFFFFF00] =	vst v4;
	v3 =	vld [tilespmem:s26+$0xD0]  }
0x549: {  	v4 =	vld [tilespmem:s26+$0xFFFFFF08];
	_ =	sdelay $0x3  }
0x54a: {  	[tilespmem:s0+$0xD0] =	vst v3  }
0x54b: {  	[tilespmem:s0+$0xFFFFFF10] =	vst v4;
	v3 =	vld [tilespmem:s26+$0xE0]  }
0x54c: {  	v4 =	vld [tilespmem:s26+$0xFFFFFF18];
	_ =	sdelay $0x3  }
0x54d: {  	[tilespmem:s0+$0xE0] =	vst v3  }
0x54e: {  	[tilespmem:s0+$0xFFFFFF20] =	vst v4;
	v3 =	vld [tilespmem:s26+$0xF0]  }
0x54f: {  	v4 =	vld [tilespmem:s26+$0xFFFFFF28];
	_ =	sdelay $0x3  }
0x550: {  	[tilespmem:s0+$0xF0] =	vst v3  }
0x551: {  	[tilespmem:s0+$0xFFFFFF30] =	vst v4;
	v3 =	vld [tilespmem:s26+$0x100]  }
0x552: {  	v4 =	vld [tilespmem:s26+$0xFFFFFF38];
	_ =	sdelay $0x3  }
0x553: {  	[tilespmem:s0+$0x100] =	vst v3  }
0x554: {  	[tilespmem:s0+$0xFFFFFF40] =	vst v4;
	v3 =	vld [tilespmem:s26+$0x110]  }
0x555: {  	v4 =	vld [tilespmem:s26+$0xFFFFFF48];
	_ =	sdelay $0x3  }
0x556: {  	[tilespmem:s0+$0x110] =	vst v3  }
0x557: {  	[tilespmem:s0+$0xFFFFFF50] =	vst v4;
	v3 =	vld [tilespmem:s26+$0x120]  }
0x558: {  	v4 =	vld [tilespmem:s26+$0xFFFFFF58];
	_ =	sdelay $0x1  }
0x559: {  	[tilespmem:s31+$0x120] =	vst v1  }
0x55a: {  	[tilespmem:s31+$0xFFFFFF60] =	vst v2;
	v1 =	vld [tilespmem:s24+$0x130]  }
0x55b: {  	v2 =	vld [tilespmem:s24+$0xFFFFFF68];
	[tilespmem:s0+$0x120] =	vst v3  }
0x55c: {  	[tilespmem:s0+$0xFFFFFF60] =	vst v4;
	v3 =	vld [tilespmem:s26+$0x130]  }
0x55d: {  	v4 =	vld [tilespmem:s26+$0xFFFFFF68];
	_ =	sdelay $0x1  }
0x55e: {  	[tilespmem:s31+$0x130] =	vst v1  }
0x55f: {  	[tilespmem:s31+$0xFFFFFF70] =	vst v2;
	v1 =	vld [tilespmem:s24+$0x140]  }
0x560: {  	v2 =	vld [tilespmem:s24+$0xFFFFFF78];
	[tilespmem:s0+$0x130] =	vst v3  }
0x561: {  	[tilespmem:s0+$0xFFFFFF70] =	vst v4;
	v3 =	vld [tilespmem:s26+$0x140]  }
0x562: {  	v4 =	vld [tilespmem:s26+$0xFFFFFF78];
	_ =	sdelay $0x1  }
0x563: {  	[tilespmem:s31+$0x140] =	vst v1  }
0x564: {  	[tilespmem:s31+$0xFFFFFF80] =	vst v2;
	v1 =	vld [tilespmem:s24+$0x150]  }
0x565: {  	v2 =	vld [tilespmem:s24+$0xFFFFFF88];
	[tilespmem:s0+$0x140] =	vst v3  }
0x566: {  	[tilespmem:s0+$0xFFFFFF80] =	vst v4;
	v3 =	vld [tilespmem:s26+$0x150]  }
0x567: {  	v4 =	vld [tilespmem:s26+$0xFFFFFF88];
	_ =	sdelay $0x1  }
0x568: {  	[tilespmem:s31+$0x150] =	vst v1  }
0x569: {  	[tilespmem:s31+$0xFFFFFF90] =	vst v2;
	v1 =	vld [tilespmem:s24+$0x160]  }
0x56a: {  	v2 =	vld [tilespmem:s24+$0xFFFFFF98];
	[tilespmem:s0+$0x150] =	vst v3  }
0x56b: {  	[tilespmem:s0+$0xFFFFFF90] =	vst v4;
	v3 =	vld [tilespmem:s26+$0x160]  }
0x56c: {  	v4 =	vld [tilespmem:s26+$0xFFFFFF98];
	_ =	sdelay $0x1  }
0x56d: {  	[tilespmem:s31+$0x160] =	vst v1  }
0x56e: {  	[tilespmem:s31+$0xFFFFFFA0] =	vst v2;
	v1 =	vld [tilespmem:s24+$0x170]  }
0x56f: {  	v2 =	vld [tilespmem:s24+$0xFFFFFFA8];
	[tilespmem:s0+$0x160] =	vst v3  }
0x570: {  	[tilespmem:s0+$0xFFFFFFA0] =	vst v4;
	v3 =	vld [tilespmem:s26+$0x170]  }
0x571: {  	v4 =	vld [tilespmem:s26+$0xFFFFFFA8];
	_ =	sdelay $0x1  }
0x572: {  	[tilespmem:s31+$0x170] =	vst v1  }
0x573: {  	[tilespmem:s31+$0xFFFFFFB0] =	vst v2;
	v1 =	vld [tilespmem:s24+$0x180]  }
0x574: {  	v2 =	vld [tilespmem:s24+$0xFFFFFFB8];
	[tilespmem:s0+$0x170] =	vst v3  }
0x575: {  	[tilespmem:s0+$0xFFFFFFB0] =	vst v4;
	v3 =	vld [tilespmem:s26+$0x180]  }
0x576: {  	v4 =	vld [tilespmem:s26+$0xFFFFFFB8];
	_ =	sdelay $0x1  }
0x577: {  	[tilespmem:s31+$0x180] =	vst v1  }
0x578: {  	[tilespmem:s31+$0xFFFFFFC0] =	vst v2;
	v1 =	vld [tilespmem:s24+$0x190]  }
0x579: {  	v2 =	vld [tilespmem:s24+$0xFFFFFFC8];
	[tilespmem:s0+$0x180] =	vst v3  }
0x57a: {  	[tilespmem:s0+$0xFFFFFFC0] =	vst v4;
	v3 =	vld [tilespmem:s26+$0x190]  }
0x57b: {  	v4 =	vld [tilespmem:s26+$0xFFFFFFC8];
	_ =	sdelay $0x1  }
0x57c: {  	[tilespmem:s31+$0x190] =	vst v1  }
0x57d: {  	[tilespmem:s31+$0xFFFFFFD0] =	vst v2;
	v1 =	vld [tilespmem:s24+$0x1A0]  }
0x57e: {  	v2 =	vld [tilespmem:s24+$0xFFFFFFD8];
	[tilespmem:s0+$0x190] =	vst v3  }
0x57f: {  	[tilespmem:s0+$0xFFFFFFD0] =	vst v4;
	v3 =	vld [tilespmem:s26+$0x1A0]  }
0x580: {  	v4 =	vld [tilespmem:s26+$0xFFFFFFD8];
	_ =	sdelay $0x1  }
0x581: {  	[tilespmem:s31+$0x1A0] =	vst v1  }
0x582: {  	[tilespmem:s31+$0xFFFFFFE0] =	vst v2;
	v1 =	vld [tilespmem:s24+$0x1B0]  }
0x583: {  	v2 =	vld [tilespmem:s24+$0xFFFFFFE8];
	[tilespmem:s0+$0x1A0] =	vst v3  }
0x584: {  	[tilespmem:s0+$0xFFFFFFE0] =	vst v4;
	v3 =	vld [tilespmem:s26+$0x1B0]  }
0x585: {  	v4 =	vld [tilespmem:s26+$0xFFFFFFE8]  }
0x586: {  	[tilespmem:s30+$0xFFFFFFF0] =	vst v0  }
0x587: {  	[tilespmem:s31+$0x1B0] =	vst v1  }
0x588: {  	s7 =	sadd.s32 $0x30000, s21;
	[tilespmem:s31+$0xFFFFFFF0] =	vst v2  }
0x589: {  	s7 =	sshrl.u32 s7, $0x3;
	[tilespmem:s0+$0x1B0] =	vst v3  }
0x58a: {  	s26 =	sadd.s32 s4, s7;
	[tilespmem:s0+$0xFFFFFFF0] =	vst v4  }
0x58b: {  	[tilespmem:s11], [sflag:$0x1] =	stream.strided.gather [hbm4b:s26+s9], $0x7200, s10, s9, $0x38;
	[tilespmem:$0x1C410] =	vst v63  }
0x58c: {  	s31 =	sadd.s32 $0x3800, s22  }
0x58d: {  	[hbm4b:s31+s3] =	stream.linear.scatter [tilespmem:s14], [sflag:$0x3], $0x7000, $0x38;
	[tilespmem:$0x1C410] =	vst v63  }
0x58e: {  	_ =	swait.ge [sflag:s15], $0x7200  }
0x58f: {  	[sflag:s15] =	ssyncset.done $0x0  }
0x590: {  	[sflag:s15] =	ssyncadd.s32 $0xFFFF8E00  }
0x591: {  	_ =	swait.ge [sflag:s18], $0x7000  }
0x592: {  	[sflag:s18] =	ssyncset.done $0x0  }
0x593: {  	[sflag:s18] =	ssyncadd.s32 $0xFFFF9000  }
0x594: {  	v0 =	vld [tilespmem:s28+$0x0]  }
0x595: {  	v1 =	vld [tilespmem:s28+$0xFFFFFE38];
	_ =	sdelay $0x2  }
0x596: {  	s21 =	simm.s32 $0x155D0  }
0x597: {  	[tilespmem:s21+$0x0] =	vst v0  }
0x598: {  	[tilespmem:s21+$0xFFFFFE40] =	vst v1;
	v0 =	vld [tilespmem:s28+$0x10]  }
0x599: {  	v1 =	vld [tilespmem:s28+$0xFFFFFE48];
	_ =	sdelay $0x3  }
0x59a: {  	[tilespmem:s21+$0x10] =	vst v0  }
0x59b: {  	[tilespmem:s21+$0xFFFFFE50] =	vst v1;
	v0 =	vld [tilespmem:s28+$0x20]  }
0x59c: {  	v1 =	vld [tilespmem:s28+$0xFFFFFE58];
	_ =	sdelay $0x3  }
0x59d: {  	[tilespmem:s21+$0x20] =	vst v0  }
0x59e: {  	[tilespmem:s21+$0xFFFFFE60] =	vst v1;
	v0 =	vld [tilespmem:s28+$0x30]  }
0x59f: {  	v1 =	vld [tilespmem:s28+$0xFFFFFE68];
	_ =	sdelay $0x3  }
0x5a0: {  	[tilespmem:s21+$0x30] =	vst v0  }
0x5a1: {  	[tilespmem:s21+$0xFFFFFE70] =	vst v1;
	v0 =	vld [tilespmem:s28+$0x40]  }
0x5a2: {  	v1 =	vld [tilespmem:s28+$0xFFFFFE78];
	_ =	sdelay $0x3  }
0x5a3: {  	[tilespmem:s21+$0x40] =	vst v0  }
0x5a4: {  	[tilespmem:s21+$0xFFFFFE80] =	vst v1;
	v0 =	vld [tilespmem:s28+$0x50]  }
0x5a5: {  	v1 =	vld [tilespmem:s28+$0xFFFFFE88];
	_ =	sdelay $0x3  }
0x5a6: {  	[tilespmem:s21+$0x50] =	vst v0  }
0x5a7: {  	[tilespmem:s21+$0xFFFFFE90] =	vst v1;
	v0 =	vld [tilespmem:s28+$0x60]  }
0x5a8: {  	v1 =	vld [tilespmem:s28+$0xFFFFFE98];
	_ =	sdelay $0x3  }
0x5a9: {  	[tilespmem:s21+$0x60] =	vst v0  }
0x5aa: {  	[tilespmem:s21+$0xFFFFFEA0] =	vst v1;
	v0 =	vld [tilespmem:s28+$0x70]  }
0x5ab: {  	v1 =	vld [tilespmem:s28+$0xFFFFFEA8];
	_ =	sdelay $0x3  }
0x5ac: {  	[tilespmem:s21+$0x70] =	vst v0  }
0x5ad: {  	[tilespmem:s21+$0xFFFFFEB0] =	vst v1;
	v0 =	vld [tilespmem:s28+$0x80]  }
0x5ae: {  	v1 =	vld [tilespmem:s28+$0xFFFFFEB8];
	_ =	sdelay $0x3  }
0x5af: {  	[tilespmem:s21+$0x80] =	vst v0  }
0x5b0: {  	[tilespmem:s21+$0xFFFFFEC0] =	vst v1;
	v0 =	vld [tilespmem:s28+$0x90]  }
0x5b1: {  	v1 =	vld [tilespmem:s28+$0xFFFFFEC8]  }
0x5b2: {  	v2 =	vld [tilespmem:s23+$0x0]  }
0x5b3: {  	v3 =	vld [tilespmem:s23+$0xFFFFFE38];
	_ =	sdelay $0x1  }
0x5b4: {  	[tilespmem:s21+$0x90] =	vst v0  }
0x5b5: {  	s30 =	simm.s32 $0x15950;
	[tilespmem:s21+$0xFFFFFED0] =	vst v1;
	v0 =	vld [tilespmem:s28+$0xA0]  }
0x5b6: {  	[tilespmem:s30+$0x0] =	vst v2;
	v1 =	vld [tilespmem:s28+$0xFFFFFED8]  }
0x5b7: {  	[tilespmem:s30+$0xFFFFFE40] =	vst v3;
	v2 =	vld [tilespmem:s23+$0x10]  }
0x5b8: {  	v3 =	vld [tilespmem:s23+$0xFFFFFE48];
	_ =	sdelay $0x1  }
0x5b9: {  	[tilespmem:s21+$0xA0] =	vst v0  }
0x5ba: {  	[tilespmem:s21+$0xFFFFFEE0] =	vst v1;
	v0 =	vld [tilespmem:s28+$0xB0]  }
0x5bb: {  	[tilespmem:s30+$0x10] =	vst v2;
	v1 =	vld [tilespmem:s28+$0xFFFFFEE8]  }
0x5bc: {  	[tilespmem:s30+$0xFFFFFE50] =	vst v3;
	v2 =	vld [tilespmem:s23+$0x20]  }
0x5bd: {  	v3 =	vld [tilespmem:s23+$0xFFFFFE58];
	_ =	sdelay $0x1  }
0x5be: {  	[tilespmem:s21+$0xB0] =	vst v0  }
0x5bf: {  	[tilespmem:s21+$0xFFFFFEF0] =	vst v1;
	v0 =	vld [tilespmem:s28+$0xC0]  }
0x5c0: {  	[tilespmem:s30+$0x20] =	vst v2;
	v1 =	vld [tilespmem:s28+$0xFFFFFEF8]  }
0x5c1: {  	[tilespmem:s30+$0xFFFFFE60] =	vst v3;
	v2 =	vld [tilespmem:s23+$0x30]  }
0x5c2: {  	v3 =	vld [tilespmem:s23+$0xFFFFFE68];
	_ =	sdelay $0x1  }
0x5c3: {  	[tilespmem:s21+$0xC0] =	vst v0  }
0x5c4: {  	[tilespmem:s21+$0xFFFFFF00] =	vst v1;
	v0 =	vld [tilespmem:s28+$0xD0]  }
0x5c5: {  	[tilespmem:s30+$0x30] =	vst v2;
	v1 =	vld [tilespmem:s28+$0xFFFFFF08]  }
0x5c6: {  	[tilespmem:s30+$0xFFFFFE70] =	vst v3;
	v2 =	vld [tilespmem:s23+$0x40]  }
0x5c7: {  	v3 =	vld [tilespmem:s23+$0xFFFFFE78];
	_ =	sdelay $0x1  }
0x5c8: {  	[tilespmem:s21+$0xD0] =	vst v0  }
0x5c9: {  	[tilespmem:s21+$0xFFFFFF10] =	vst v1;
	v0 =	vld [tilespmem:s28+$0xE0]  }
0x5ca: {  	[tilespmem:s30+$0x40] =	vst v2;
	v1 =	vld [tilespmem:s28+$0xFFFFFF18]  }
0x5cb: {  	[tilespmem:s30+$0xFFFFFE80] =	vst v3;
	v2 =	vld [tilespmem:s23+$0x50]  }
0x5cc: {  	v3 =	vld [tilespmem:s23+$0xFFFFFE88];
	_ =	sdelay $0x1  }
0x5cd: {  	[tilespmem:s21+$0xE0] =	vst v0  }
0x5ce: {  	[tilespmem:s21+$0xFFFFFF20] =	vst v1;
	v0 =	vld [tilespmem:s28+$0xF0]  }
0x5cf: {  	[tilespmem:s30+$0x50] =	vst v2;
	v1 =	vld [tilespmem:s28+$0xFFFFFF28]  }
0x5d0: {  	[tilespmem:s30+$0xFFFFFE90] =	vst v3;
	v2 =	vld [tilespmem:s23+$0x60]  }
0x5d1: {  	v3 =	vld [tilespmem:s23+$0xFFFFFE98];
	_ =	sdelay $0x1  }
0x5d2: {  	[tilespmem:s21+$0xF0] =	vst v0  }
0x5d3: {  	[tilespmem:s21+$0xFFFFFF30] =	vst v1;
	v0 =	vld [tilespmem:s28+$0x100]  }
0x5d4: {  	[tilespmem:s30+$0x60] =	vst v2;
	v1 =	vld [tilespmem:s28+$0xFFFFFF38]  }
0x5d5: {  	[tilespmem:s30+$0xFFFFFEA0] =	vst v3;
	v2 =	vld [tilespmem:s23+$0x70]  }
0x5d6: {  	v3 =	vld [tilespmem:s23+$0xFFFFFEA8];
	_ =	sdelay $0x1  }
0x5d7: {  	[tilespmem:s21+$0x100] =	vst v0  }
0x5d8: {  	[tilespmem:s21+$0xFFFFFF40] =	vst v1;
	v0 =	vld [tilespmem:s28+$0x110]  }
0x5d9: {  	[tilespmem:s30+$0x70] =	vst v2;
	v1 =	vld [tilespmem:s28+$0xFFFFFF48]  }
0x5da: {  	[tilespmem:s30+$0xFFFFFEB0] =	vst v3;
	v2 =	vld [tilespmem:s23+$0x80]  }
0x5db: {  	v3 =	vld [tilespmem:s23+$0xFFFFFEB8];
	_ =	sdelay $0x1  }
0x5dc: {  	[tilespmem:s21+$0x110] =	vst v0  }
0x5dd: {  	[tilespmem:s21+$0xFFFFFF50] =	vst v1;
	v0 =	vld [tilespmem:s28+$0x120]  }
0x5de: {  	[tilespmem:s30+$0x80] =	vst v2;
	v1 =	vld [tilespmem:s28+$0xFFFFFF58]  }
0x5df: {  	[tilespmem:s30+$0xFFFFFEC0] =	vst v3;
	v2 =	vld [tilespmem:s23+$0x90]  }
0x5e0: {  	v3 =	vld [tilespmem:s23+$0xFFFFFEC8]  }
0x5e1: {  	v4 =	vld [tilespmem:s25+$0x0]  }
0x5e2: {  	v5 =	vld [tilespmem:s25+$0xFFFFFE38];
	[tilespmem:s21+$0x120] =	vst v0  }
0x5e3: {  	[tilespmem:s21+$0xFFFFFF60] =	vst v1;
	v0 =	vld [tilespmem:s28+$0x130]  }
0x5e4: {  	[tilespmem:s30+$0x90] =	vst v2;
	v1 =	vld [tilespmem:s28+$0xFFFFFF68]  }
0x5e5: {  	s0 =	simm.s32 $0x15CD0;
	[tilespmem:s30+$0xFFFFFED0] =	vst v3;
	v2 =	vld [tilespmem:s23+$0xA0]  }
0x5e6: {  	[tilespmem:s0+$0x0] =	vst v4;
	v3 =	vld [tilespmem:s23+$0xFFFFFED8]  }
0x5e7: {  	[tilespmem:s0+$0xFFFFFE40] =	vst v5;
	v4 =	vld [tilespmem:s25+$0x10]  }
0x5e8: {  	v5 =	vld [tilespmem:s25+$0xFFFFFE48];
	[tilespmem:s21+$0x130] =	vst v0  }
0x5e9: {  	[tilespmem:s21+$0xFFFFFF70] =	vst v1;
	v0 =	vld [tilespmem:s28+$0x140]  }
0x5ea: {  	[tilespmem:s30+$0xA0] =	vst v2;
	v1 =	vld [tilespmem:s28+$0xFFFFFF78]  }
0x5eb: {  	[tilespmem:s30+$0xFFFFFEE0] =	vst v3;
	v2 =	vld [tilespmem:s23+$0xB0]  }
0x5ec: {  	[tilespmem:s0+$0x10] =	vst v4;
	v3 =	vld [tilespmem:s23+$0xFFFFFEE8]  }
0x5ed: {  	[tilespmem:s0+$0xFFFFFE50] =	vst v5;
	v4 =	vld [tilespmem:s25+$0x20]  }
0x5ee: {  	v5 =	vld [tilespmem:s25+$0xFFFFFE58];
	[tilespmem:s21+$0x140] =	vst v0  }
0x5ef: {  	[tilespmem:s21+$0xFFFFFF80] =	vst v1;
	v0 =	vld [tilespmem:s28+$0x150]  }
0x5f0: {  	[tilespmem:s30+$0xB0] =	vst v2;
	v1 =	vld [tilespmem:s28+$0xFFFFFF88]  }
0x5f1: {  	[tilespmem:s30+$0xFFFFFEF0] =	vst v3;
	v2 =	vld [tilespmem:s23+$0xC0]  }
0x5f2: {  	[tilespmem:s0+$0x20] =	vst v4;
	v3 =	vld [tilespmem:s23+$0xFFFFFEF8]  }
0x5f3: {  	[tilespmem:s0+$0xFFFFFE60] =	vst v5;
	v4 =	vld [tilespmem:s25+$0x30]  }
0x5f4: {  	v5 =	vld [tilespmem:s25+$0xFFFFFE68];
	[tilespmem:s21+$0x150] =	vst v0  }
0x5f5: {  	[tilespmem:s21+$0xFFFFFF90] =	vst v1;
	v0 =	vld [tilespmem:s28+$0x160]  }
0x5f6: {  	[tilespmem:s30+$0xC0] =	vst v2;
	v1 =	vld [tilespmem:s28+$0xFFFFFF98]  }
0x5f7: {  	[tilespmem:s30+$0xFFFFFF00] =	vst v3;
	v2 =	vld [tilespmem:s23+$0xD0]  }
0x5f8: {  	[tilespmem:s0+$0x30] =	vst v4;
	v3 =	vld [tilespmem:s23+$0xFFFFFF08]  }
0x5f9: {  	[tilespmem:s0+$0xFFFFFE70] =	vst v5;
	v4 =	vld [tilespmem:s25+$0x40]  }
0x5fa: {  	v5 =	vld [tilespmem:s25+$0xFFFFFE78];
	[tilespmem:s21+$0x160] =	vst v0  }
0x5fb: {  	[tilespmem:s21+$0xFFFFFFA0] =	vst v1;
	v0 =	vld [tilespmem:s28+$0x170]  }
0x5fc: {  	[tilespmem:s30+$0xD0] =	vst v2;
	v1 =	vld [tilespmem:s28+$0xFFFFFFA8]  }
0x5fd: {  	[tilespmem:s30+$0xFFFFFF10] =	vst v3;
	v2 =	vld [tilespmem:s23+$0xE0]  }
0x5fe: {  	[tilespmem:s0+$0x40] =	vst v4;
	v3 =	vld [tilespmem:s23+$0xFFFFFF18]  }
0x5ff: {  	[tilespmem:s0+$0xFFFFFE80] =	vst v5;
	v4 =	vld [tilespmem:s25+$0x50]  }
0x600: {  	v5 =	vld [tilespmem:s25+$0xFFFFFE88];
	[tilespmem:s21+$0x170] =	vst v0  }
0x601: {  	[tilespmem:s21+$0xFFFFFFB0] =	vst v1;
	v0 =	vld [tilespmem:s28+$0x180]  }
0x602: {  	[tilespmem:s30+$0xE0] =	vst v2;
	v1 =	vld [tilespmem:s28+$0xFFFFFFB8]  }
0x603: {  	[tilespmem:s30+$0xFFFFFF20] =	vst v3;
	v2 =	vld [tilespmem:s23+$0xF0]  }
0x604: {  	[tilespmem:s0+$0x50] =	vst v4;
	v3 =	vld [tilespmem:s23+$0xFFFFFF28]  }
0x605: {  	[tilespmem:s0+$0xFFFFFE90] =	vst v5;
	v4 =	vld [tilespmem:s25+$0x60]  }
0x606: {  	v5 =	vld [tilespmem:s25+$0xFFFFFE98];
	[tilespmem:s21+$0x180] =	vst v0  }
0x607: {  	[tilespmem:s21+$0xFFFFFFC0] =	vst v1;
	v0 =	vld [tilespmem:s28+$0x190]  }
0x608: {  	[tilespmem:s30+$0xF0] =	vst v2;
	v1 =	vld [tilespmem:s28+$0xFFFFFFC8]  }
0x609: {  	[tilespmem:s30+$0xFFFFFF30] =	vst v3;
	v2 =	vld [tilespmem:s23+$0x100]  }
0x60a: {  	[tilespmem:s0+$0x60] =	vst v4;
	v3 =	vld [tilespmem:s23+$0xFFFFFF38]  }
0x60b: {  	[tilespmem:s0+$0xFFFFFEA0] =	vst v5;
	v4 =	vld [tilespmem:s25+$0x70]  }
0x60c: {  	v5 =	vld [tilespmem:s25+$0xFFFFFEA8];
	[tilespmem:s21+$0x190] =	vst v0  }
0x60d: {  	[tilespmem:s21+$0xFFFFFFD0] =	vst v1;
	v0 =	vld [tilespmem:s28+$0x1A0]  }
0x60e: {  	[tilespmem:s30+$0x100] =	vst v2;
	v1 =	vld [tilespmem:s28+$0xFFFFFFD8]  }
0x60f: {  	[tilespmem:s30+$0xFFFFFF40] =	vst v3;
	v2 =	vld [tilespmem:s23+$0x110]  }
0x610: {  	[tilespmem:s0+$0x70] =	vst v4;
	v3 =	vld [tilespmem:s23+$0xFFFFFF48]  }
0x611: {  	[tilespmem:s0+$0xFFFFFEB0] =	vst v5;
	v4 =	vld [tilespmem:s25+$0x80]  }
0x612: {  	v5 =	vld [tilespmem:s25+$0xFFFFFEB8];
	[tilespmem:s21+$0x1A0] =	vst v0  }
0x613: {  	[tilespmem:s21+$0xFFFFFFE0] =	vst v1;
	v6 =	vld [tilespmem:s28+$0x1B0]  }
0x614: {  	[tilespmem:s30+$0x110] =	vst v2;
	v0 =	vld [tilespmem:s28+$0xFFFFFFE8]  }
0x615: {  	[tilespmem:s30+$0xFFFFFF50] =	vst v3;
	v1 =	vld [tilespmem:s23+$0x120]  }
0x616: {  	[tilespmem:s0+$0x80] =	vst v4;
	v2 =	vld [tilespmem:s23+$0xFFFFFF58]  }
0x617: {  	[tilespmem:s0+$0xFFFFFEC0] =	vst v5;
	v3 =	vld [tilespmem:s25+$0x90]  }
0x618: {  	s8 =	sadd.s32 $0x390, s25;
	s7 =	simm.s32 $0x4;
	v4 =	vld [tilespmem:s25+$0xFFFFFEC8];
	[tilespmem:s21+$0x1B0] =	vst v6  }
.LBB2_13:
0x619: {  	v5 =	vld [tilespmem:s8+$0x0];
	s7 =	sadd.s32 $0x2, s7;
	[tilespmem:s21+$0xFFFFFFF0] =	vst v0;
	s21 =	smov.u32 s30;
	s30 =	smov.u32 s0  }
0x61a: {  	v0 =	vld [tilespmem:s8+$0xFFFFFE38];
	p0 =	slt.u32 s7, $0x3E;
	[tilespmem:s21+$0x120] =	vst v1  }
0x61b: {  	[tilespmem:s21+$0xFFFFFF60] =	vst v2;
	v1 =	vld [tilespmem:s23+$0x130]  }
0x61c: {  	[tilespmem:s0+$0x90] =	vst v3;
	v2 =	vld [tilespmem:s23+$0xFFFFFF68]  }
0x61d: {  	s0 =	sadd.s32 $0x380, s0;
	[tilespmem:s30+$0xFFFFFED0] =	vst v4;
	v3 =	vld [tilespmem:s25+$0xA0]  }
0x61e: {  	[tilespmem:s0+$0x0] =	vst v5;
	v4 =	vld [tilespmem:s25+$0xFFFFFED8]  }
0x61f: {  	[tilespmem:s0+$0xFFFFFE40] =	vst v0;
	v0 =	vld [tilespmem:s8+$0x10]  }
0x620: {  	v5 =	vld [tilespmem:s8+$0xFFFFFE48];
	[tilespmem:s21+$0x130] =	vst v1  }
0x621: {  	[tilespmem:s21+$0xFFFFFF70] =	vst v2;
	v1 =	vld [tilespmem:s23+$0x140]  }
0x622: {  	[tilespmem:s30+$0xA0] =	vst v3;
	v2 =	vld [tilespmem:s23+$0xFFFFFF78]  }
0x623: {  	[tilespmem:s30+$0xFFFFFEE0] =	vst v4;
	v3 =	vld [tilespmem:s25+$0xB0]  }
0x624: {  	[tilespmem:s0+$0x10] =	vst v0;
	v0 =	vld [tilespmem:s25+$0xFFFFFEE8]  }
0x625: {  	[tilespmem:s0+$0xFFFFFE50] =	vst v5;
	v4 =	vld [tilespmem:s8+$0x20]  }
0x626: {  	v5 =	vld [tilespmem:s8+$0xFFFFFE58];
	[tilespmem:s21+$0x140] =	vst v1  }
0x627: {  	[tilespmem:s21+$0xFFFFFF80] =	vst v2;
	v1 =	vld [tilespmem:s23+$0x150]  }
0x628: {  	[tilespmem:s30+$0xB0] =	vst v3;
	v2 =	vld [tilespmem:s23+$0xFFFFFF88]  }
0x629: {  	[tilespmem:s30+$0xFFFFFEF0] =	vst v0;
	v0 =	vld [tilespmem:s25+$0xC0]  }
0x62a: {  	[tilespmem:s0+$0x20] =	vst v4;
	v3 =	vld [tilespmem:s25+$0xFFFFFEF8]  }
0x62b: {  	[tilespmem:s0+$0xFFFFFE60] =	vst v5;
	v4 =	vld [tilespmem:s8+$0x30]  }
0x62c: {  	v5 =	vld [tilespmem:s8+$0xFFFFFE68];
	[tilespmem:s21+$0x150] =	vst v1  }
0x62d: {  	[tilespmem:s21+$0xFFFFFF90] =	vst v2;
	v1 =	vld [tilespmem:s23+$0x160]  }
0x62e: {  	[tilespmem:s30+$0xC0] =	vst v0;
	v0 =	vld [tilespmem:s23+$0xFFFFFF98]  }
0x62f: {  	[tilespmem:s30+$0xFFFFFF00] =	vst v3;
	v2 =	vld [tilespmem:s25+$0xD0]  }
0x630: {  	[tilespmem:s0+$0x30] =	vst v4;
	v3 =	vld [tilespmem:s25+$0xFFFFFF08]  }
0x631: {  	[tilespmem:s0+$0xFFFFFE70] =	vst v5;
	v4 =	vld [tilespmem:s8+$0x40]  }
0x632: {  	v5 =	vld [tilespmem:s8+$0xFFFFFE78];
	[tilespmem:s21+$0x160] =	vst v1  }
0x633: {  	[tilespmem:s21+$0xFFFFFFA0] =	vst v0;
	v0 =	vld [tilespmem:s23+$0x170]  }
0x634: {  	[tilespmem:s30+$0xD0] =	vst v2;
	v1 =	vld [tilespmem:s23+$0xFFFFFFA8]  }
0x635: {  	[tilespmem:s30+$0xFFFFFF10] =	vst v3;
	v2 =	vld [tilespmem:s25+$0xE0]  }
0x636: {  	[tilespmem:s0+$0x40] =	vst v4;
	v3 =	vld [tilespmem:s25+$0xFFFFFF18]  }
0x637: {  	[tilespmem:s0+$0xFFFFFE80] =	vst v5;
	v4 =	vld [tilespmem:s8+$0x50]  }
0x638: {  	v5 =	vld [tilespmem:s8+$0xFFFFFE88];
	[tilespmem:s21+$0x170] =	vst v0  }
0x639: {  	[tilespmem:s21+$0xFFFFFFB0] =	vst v1;
	v0 =	vld [tilespmem:s23+$0x180]  }
0x63a: {  	[tilespmem:s30+$0xE0] =	vst v2;
	v1 =	vld [tilespmem:s23+$0xFFFFFFB8]  }
0x63b: {  	[tilespmem:s30+$0xFFFFFF20] =	vst v3;
	v2 =	vld [tilespmem:s25+$0xF0]  }
0x63c: {  	[tilespmem:s0+$0x50] =	vst v4;
	v3 =	vld [tilespmem:s25+$0xFFFFFF28]  }
0x63d: {  	[tilespmem:s0+$0xFFFFFE90] =	vst v5;
	v4 =	vld [tilespmem:s8+$0x60]  }
0x63e: {  	v5 =	vld [tilespmem:s8+$0xFFFFFE98];
	[tilespmem:s21+$0x180] =	vst v0  }
0x63f: {  	[tilespmem:s21+$0xFFFFFFC0] =	vst v1;
	v0 =	vld [tilespmem:s23+$0x190]  }
0x640: {  	[tilespmem:s30+$0xF0] =	vst v2;
	v1 =	vld [tilespmem:s23+$0xFFFFFFC8]  }
0x641: {  	[tilespmem:s30+$0xFFFFFF30] =	vst v3;
	v2 =	vld [tilespmem:s25+$0x100]  }
0x642: {  	[tilespmem:s0+$0x60] =	vst v4;
	v3 =	vld [tilespmem:s25+$0xFFFFFF38]  }
0x643: {  	[tilespmem:s0+$0xFFFFFEA0] =	vst v5;
	v4 =	vld [tilespmem:s8+$0x70]  }
0x644: {  	v5 =	vld [tilespmem:s8+$0xFFFFFEA8];
	[tilespmem:s21+$0x190] =	vst v0  }
0x645: {  	[tilespmem:s21+$0xFFFFFFD0] =	vst v1;
	v0 =	vld [tilespmem:s23+$0x1A0]  }
0x646: {  	[tilespmem:s30+$0x100] =	vst v2;
	v1 =	vld [tilespmem:s23+$0xFFFFFFD8]  }
0x647: {  	[tilespmem:s30+$0xFFFFFF40] =	vst v3;
	v2 =	vld [tilespmem:s25+$0x110]  }
0x648: {  	[tilespmem:s0+$0x70] =	vst v4;
	v3 =	vld [tilespmem:s25+$0xFFFFFF48]  }
0x649: {  	[tilespmem:s0+$0xFFFFFEB0] =	vst v5;
	v4 =	vld [tilespmem:s8+$0x80]  }
0x64a: {  	v5 =	vld [tilespmem:s8+$0xFFFFFEB8];
	[tilespmem:s21+$0x1A0] =	vst v0  }
0x64b: {  	[tilespmem:s21+$0xFFFFFFE0] =	vst v1;
	v6 =	vld [tilespmem:s23+$0x1B0]  }
.Ltmp5:
0x64c: {  	[tilespmem:s30+$0x110] =	vst v2;
	v0 =	vld [tilespmem:s23+$0xFFFFFFE8];
	s23 =	smov.u32 s25;
	s25 =	smov.u32 s8;
	(pc) =	sbr.rel @p0 .LBB2_13-.Ltmp5, $4  }
0x64d: {  	[tilespmem:s30+$0xFFFFFF50] =	vst v3;
	v1 =	vld [tilespmem:s23+$0x120]  }
0x64e: {  	[tilespmem:s0+$0x80] =	vst v4;
	v2 =	vld [tilespmem:s23+$0xFFFFFF58]  }
0x64f: {  	[tilespmem:s0+$0xFFFFFEC0] =	vst v5;
	v3 =	vld [tilespmem:s8+$0x90]  }
0x650: {  	s8 =	sadd.s32 $0x390, s8;
	v4 =	vld [tilespmem:s25+$0xFFFFFEC8];
	[tilespmem:s21+$0x1B0] =	vst v6  }
0x651: {  	_ =	sdelay $0x2  }
0x652: {  	[tilespmem:s0+$0x90] =	vst v3  }
0x653: {  	[tilespmem:s0+$0xFFFFFED0] =	vst v4;
	v3 =	vld [tilespmem:s25+$0xA0]  }
0x654: {  	v4 =	vld [tilespmem:s25+$0xFFFFFED8];
	_ =	sdelay $0x3  }
0x655: {  	[tilespmem:s0+$0xA0] =	vst v3  }
0x656: {  	[tilespmem:s0+$0xFFFFFEE0] =	vst v4;
	v3 =	vld [tilespmem:s25+$0xB0]  }
0x657: {  	v4 =	vld [tilespmem:s25+$0xFFFFFEE8];
	_ =	sdelay $0x3  }
0x658: {  	[tilespmem:s0+$0xB0] =	vst v3  }
0x659: {  	[tilespmem:s0+$0xFFFFFEF0] =	vst v4;
	v3 =	vld [tilespmem:s25+$0xC0]  }
0x65a: {  	v4 =	vld [tilespmem:s25+$0xFFFFFEF8];
	_ =	sdelay $0x3  }
0x65b: {  	[tilespmem:s0+$0xC0] =	vst v3  }
0x65c: {  	[tilespmem:s0+$0xFFFFFF00] =	vst v4;
	v3 =	vld [tilespmem:s25+$0xD0]  }
0x65d: {  	v4 =	vld [tilespmem:s25+$0xFFFFFF08];
	_ =	sdelay $0x3  }
0x65e: {  	[tilespmem:s0+$0xD0] =	vst v3  }
0x65f: {  	[tilespmem:s0+$0xFFFFFF10] =	vst v4;
	v3 =	vld [tilespmem:s25+$0xE0]  }
0x660: {  	v4 =	vld [tilespmem:s25+$0xFFFFFF18];
	_ =	sdelay $0x3  }
0x661: {  	[tilespmem:s0+$0xE0] =	vst v3  }
0x662: {  	[tilespmem:s0+$0xFFFFFF20] =	vst v4;
	v3 =	vld [tilespmem:s25+$0xF0]  }
0x663: {  	v4 =	vld [tilespmem:s25+$0xFFFFFF28];
	_ =	sdelay $0x3  }
0x664: {  	[tilespmem:s0+$0xF0] =	vst v3  }
0x665: {  	[tilespmem:s0+$0xFFFFFF30] =	vst v4;
	v3 =	vld [tilespmem:s25+$0x100]  }
0x666: {  	v4 =	vld [tilespmem:s25+$0xFFFFFF38];
	_ =	sdelay $0x3  }
0x667: {  	[tilespmem:s0+$0x100] =	vst v3  }
0x668: {  	[tilespmem:s0+$0xFFFFFF40] =	vst v4;
	v3 =	vld [tilespmem:s25+$0x110]  }
0x669: {  	v4 =	vld [tilespmem:s25+$0xFFFFFF48];
	_ =	sdelay $0x3  }
0x66a: {  	[tilespmem:s0+$0x110] =	vst v3  }
0x66b: {  	[tilespmem:s0+$0xFFFFFF50] =	vst v4;
	v3 =	vld [tilespmem:s25+$0x120]  }
0x66c: {  	v4 =	vld [tilespmem:s25+$0xFFFFFF58];
	_ =	sdelay $0x1  }
0x66d: {  	[tilespmem:s30+$0x120] =	vst v1  }
0x66e: {  	[tilespmem:s30+$0xFFFFFF60] =	vst v2;
	v1 =	vld [tilespmem:s23+$0x130]  }
0x66f: {  	v2 =	vld [tilespmem:s23+$0xFFFFFF68];
	[tilespmem:s0+$0x120] =	vst v3  }
0x670: {  	[tilespmem:s0+$0xFFFFFF60] =	vst v4;
	v3 =	vld [tilespmem:s25+$0x130]  }
0x671: {  	v4 =	vld [tilespmem:s25+$0xFFFFFF68];
	_ =	sdelay $0x1  }
0x672: {  	[tilespmem:s30+$0x130] =	vst v1  }
0x673: {  	[tilespmem:s30+$0xFFFFFF70] =	vst v2;
	v1 =	vld [tilespmem:s23+$0x140]  }
0x674: {  	v2 =	vld [tilespmem:s23+$0xFFFFFF78];
	[tilespmem:s0+$0x130] =	vst v3  }
0x675: {  	[tilespmem:s0+$0xFFFFFF70] =	vst v4;
	v3 =	vld [tilespmem:s25+$0x140]  }
0x676: {  	v4 =	vld [tilespmem:s25+$0xFFFFFF78];
	_ =	sdelay $0x1  }
0x677: {  	[tilespmem:s30+$0x140] =	vst v1  }
0x678: {  	[tilespmem:s30+$0xFFFFFF80] =	vst v2;
	v1 =	vld [tilespmem:s23+$0x150]  }
0x679: {  	v2 =	vld [tilespmem:s23+$0xFFFFFF88];
	[tilespmem:s0+$0x140] =	vst v3  }
0x67a: {  	[tilespmem:s0+$0xFFFFFF80] =	vst v4;
	v3 =	vld [tilespmem:s25+$0x150]  }
0x67b: {  	v4 =	vld [tilespmem:s25+$0xFFFFFF88];
	_ =	sdelay $0x1  }
0x67c: {  	[tilespmem:s30+$0x150] =	vst v1  }
0x67d: {  	[tilespmem:s30+$0xFFFFFF90] =	vst v2;
	v1 =	vld [tilespmem:s23+$0x160]  }
0x67e: {  	v2 =	vld [tilespmem:s23+$0xFFFFFF98];
	[tilespmem:s0+$0x150] =	vst v3  }
0x67f: {  	[tilespmem:s0+$0xFFFFFF90] =	vst v4;
	v3 =	vld [tilespmem:s25+$0x160]  }
0x680: {  	v4 =	vld [tilespmem:s25+$0xFFFFFF98];
	_ =	sdelay $0x1  }
0x681: {  	[tilespmem:s30+$0x160] =	vst v1  }
0x682: {  	[tilespmem:s30+$0xFFFFFFA0] =	vst v2;
	v1 =	vld [tilespmem:s23+$0x170]  }
0x683: {  	v2 =	vld [tilespmem:s23+$0xFFFFFFA8];
	[tilespmem:s0+$0x160] =	vst v3  }
0x684: {  	[tilespmem:s0+$0xFFFFFFA0] =	vst v4;
	v3 =	vld [tilespmem:s25+$0x170]  }
0x685: {  	v4 =	vld [tilespmem:s25+$0xFFFFFFA8];
	_ =	sdelay $0x1  }
0x686: {  	[tilespmem:s30+$0x170] =	vst v1  }
0x687: {  	[tilespmem:s30+$0xFFFFFFB0] =	vst v2;
	v1 =	vld [tilespmem:s23+$0x180]  }
0x688: {  	v2 =	vld [tilespmem:s23+$0xFFFFFFB8];
	[tilespmem:s0+$0x170] =	vst v3  }
0x689: {  	[tilespmem:s0+$0xFFFFFFB0] =	vst v4;
	v3 =	vld [tilespmem:s25+$0x180]  }
0x68a: {  	v4 =	vld [tilespmem:s25+$0xFFFFFFB8];
	_ =	sdelay $0x1  }
0x68b: {  	[tilespmem:s30+$0x180] =	vst v1  }
0x68c: {  	[tilespmem:s30+$0xFFFFFFC0] =	vst v2;
	v1 =	vld [tilespmem:s23+$0x190]  }
0x68d: {  	v2 =	vld [tilespmem:s23+$0xFFFFFFC8];
	[tilespmem:s0+$0x180] =	vst v3  }
0x68e: {  	[tilespmem:s0+$0xFFFFFFC0] =	vst v4;
	v3 =	vld [tilespmem:s25+$0x190]  }
0x68f: {  	v4 =	vld [tilespmem:s25+$0xFFFFFFC8];
	_ =	sdelay $0x1  }
0x690: {  	[tilespmem:s30+$0x190] =	vst v1  }
0x691: {  	[tilespmem:s30+$0xFFFFFFD0] =	vst v2;
	v1 =	vld [tilespmem:s23+$0x1A0]  }
0x692: {  	v2 =	vld [tilespmem:s23+$0xFFFFFFD8];
	[tilespmem:s0+$0x190] =	vst v3  }
0x693: {  	[tilespmem:s0+$0xFFFFFFD0] =	vst v4;
	v3 =	vld [tilespmem:s25+$0x1A0]  }
0x694: {  	v4 =	vld [tilespmem:s25+$0xFFFFFFD8];
	_ =	sdelay $0x1  }
0x695: {  	[tilespmem:s30+$0x1A0] =	vst v1  }
0x696: {  	[tilespmem:s30+$0xFFFFFFE0] =	vst v2;
	v1 =	vld [tilespmem:s23+$0x1B0]  }
0x697: {  	v2 =	vld [tilespmem:s23+$0xFFFFFFE8];
	[tilespmem:s0+$0x1A0] =	vst v3  }
0x698: {  	[tilespmem:s0+$0xFFFFFFE0] =	vst v4;
	v3 =	vld [tilespmem:s25+$0x1B0]  }
0x699: {  	v4 =	vld [tilespmem:s25+$0xFFFFFFE8]  }
0x69a: {  	[tilespmem:s21+$0xFFFFFFF0] =	vst v0  }
0x69b: {  	[tilespmem:s30+$0x1B0] =	vst v1  }
0x69c: {  	[tilespmem:s30+$0xFFFFFFF0] =	vst v2  }
0x69d: {  	[tilespmem:s0+$0x1B0] =	vst v3  }
0x69e: {  	s31 =	sadd.s32 $0x4600, s22;
	[tilespmem:s0+$0xFFFFFFF0] =	vst v4  }
0x69f: {  	[hbm4b:s31+s3] =	stream.linear.scatter [tilespmem:s16], [sflag:$0x4], $0x7000, $0x38;
	[tilespmem:$0x1C410] =	vst v63  }
0x6a0: {  	_ =	swait.ge [sflag:s13], $0x7200  }
0x6a1: {  	[sflag:s13] =	ssyncset.done $0x0  }
0x6a2: {  	[sflag:s13] =	ssyncadd.s32 $0xFFFF8E00  }
0x6a3: {  	_ =	swait.ge [sflag:s17], $0x7000  }
0x6a4: {  	[sflag:s17] =	ssyncset.done $0x0  }
0x6a5: {  	[sflag:s17] =	ssyncadd.s32 $0xFFFF9000  }
0x6a6: {  	v0 =	vld [tilespmem:s29+$0x0]  }
0x6a7: {  	v1 =	vld [tilespmem:s29+$0xFFFFFE38];
	_ =	sdelay $0x2  }
0x6a8: {  	s21 =	simm.s32 $0xE5D0  }
0x6a9: {  	[tilespmem:s21+$0x0] =	vst v0  }
0x6aa: {  	[tilespmem:s21+$0xFFFFFE40] =	vst v1;
	v0 =	vld [tilespmem:s29+$0x10]  }
0x6ab: {  	v1 =	vld [tilespmem:s29+$0xFFFFFE48];
	_ =	sdelay $0x3  }
0x6ac: {  	[tilespmem:s21+$0x10] =	vst v0  }
0x6ad: {  	[tilespmem:s21+$0xFFFFFE50] =	vst v1;
	v0 =	vld [tilespmem:s29+$0x20]  }
0x6ae: {  	v1 =	vld [tilespmem:s29+$0xFFFFFE58];
	_ =	sdelay $0x3  }
0x6af: {  	[tilespmem:s21+$0x20] =	vst v0  }
0x6b0: {  	[tilespmem:s21+$0xFFFFFE60] =	vst v1;
	v0 =	vld [tilespmem:s29+$0x30]  }
0x6b1: {  	v1 =	vld [tilespmem:s29+$0xFFFFFE68];
	_ =	sdelay $0x3  }
0x6b2: {  	[tilespmem:s21+$0x30] =	vst v0  }
0x6b3: {  	[tilespmem:s21+$0xFFFFFE70] =	vst v1;
	v0 =	vld [tilespmem:s29+$0x40]  }
0x6b4: {  	v1 =	vld [tilespmem:s29+$0xFFFFFE78];
	_ =	sdelay $0x3  }
0x6b5: {  	[tilespmem:s21+$0x40] =	vst v0  }
0x6b6: {  	[tilespmem:s21+$0xFFFFFE80] =	vst v1;
	v0 =	vld [tilespmem:s29+$0x50]  }
0x6b7: {  	v1 =	vld [tilespmem:s29+$0xFFFFFE88];
	_ =	sdelay $0x3  }
0x6b8: {  	[tilespmem:s21+$0x50] =	vst v0  }
0x6b9: {  	[tilespmem:s21+$0xFFFFFE90] =	vst v1;
	v0 =	vld [tilespmem:s29+$0x60]  }
0x6ba: {  	v1 =	vld [tilespmem:s29+$0xFFFFFE98];
	_ =	sdelay $0x3  }
0x6bb: {  	[tilespmem:s21+$0x60] =	vst v0  }
0x6bc: {  	[tilespmem:s21+$0xFFFFFEA0] =	vst v1;
	v0 =	vld [tilespmem:s29+$0x70]  }
0x6bd: {  	v1 =	vld [tilespmem:s29+$0xFFFFFEA8];
	_ =	sdelay $0x3  }
0x6be: {  	[tilespmem:s21+$0x70] =	vst v0  }
0x6bf: {  	[tilespmem:s21+$0xFFFFFEB0] =	vst v1;
	v0 =	vld [tilespmem:s29+$0x80]  }
0x6c0: {  	v1 =	vld [tilespmem:s29+$0xFFFFFEB8];
	_ =	sdelay $0x3  }
0x6c1: {  	[tilespmem:s21+$0x80] =	vst v0  }
0x6c2: {  	[tilespmem:s21+$0xFFFFFEC0] =	vst v1;
	v0 =	vld [tilespmem:s29+$0x90]  }
0x6c3: {  	v1 =	vld [tilespmem:s29+$0xFFFFFEC8]  }
0x6c4: {  	v2 =	vld [tilespmem:s1+$0x0]  }
0x6c5: {  	v3 =	vld [tilespmem:s1+$0xFFFFFE38];
	_ =	sdelay $0x1  }
0x6c6: {  	[tilespmem:s21+$0x90] =	vst v0  }
0x6c7: {  	s23 =	simm.s32 $0xE950;
	[tilespmem:s21+$0xFFFFFED0] =	vst v1;
	v0 =	vld [tilespmem:s29+$0xA0]  }
0x6c8: {  	[tilespmem:s23+$0x0] =	vst v2;
	v1 =	vld [tilespmem:s29+$0xFFFFFED8]  }
0x6c9: {  	[tilespmem:s23+$0xFFFFFE40] =	vst v3;
	v2 =	vld [tilespmem:s1+$0x10]  }
0x6ca: {  	v3 =	vld [tilespmem:s1+$0xFFFFFE48];
	_ =	sdelay $0x1  }
0x6cb: {  	[tilespmem:s21+$0xA0] =	vst v0  }
0x6cc: {  	[tilespmem:s21+$0xFFFFFEE0] =	vst v1;
	v0 =	vld [tilespmem:s29+$0xB0]  }
0x6cd: {  	[tilespmem:s23+$0x10] =	vst v2;
	v1 =	vld [tilespmem:s29+$0xFFFFFEE8]  }
0x6ce: {  	[tilespmem:s23+$0xFFFFFE50] =	vst v3;
	v2 =	vld [tilespmem:s1+$0x20]  }
0x6cf: {  	v3 =	vld [tilespmem:s1+$0xFFFFFE58];
	_ =	sdelay $0x1  }
0x6d0: {  	[tilespmem:s21+$0xB0] =	vst v0  }
0x6d1: {  	[tilespmem:s21+$0xFFFFFEF0] =	vst v1;
	v0 =	vld [tilespmem:s29+$0xC0]  }
0x6d2: {  	[tilespmem:s23+$0x20] =	vst v2;
	v1 =	vld [tilespmem:s29+$0xFFFFFEF8]  }
0x6d3: {  	[tilespmem:s23+$0xFFFFFE60] =	vst v3;
	v2 =	vld [tilespmem:s1+$0x30]  }
0x6d4: {  	v3 =	vld [tilespmem:s1+$0xFFFFFE68];
	_ =	sdelay $0x1  }
0x6d5: {  	[tilespmem:s21+$0xC0] =	vst v0  }
0x6d6: {  	[tilespmem:s21+$0xFFFFFF00] =	vst v1;
	v0 =	vld [tilespmem:s29+$0xD0]  }
0x6d7: {  	[tilespmem:s23+$0x30] =	vst v2;
	v1 =	vld [tilespmem:s29+$0xFFFFFF08]  }
0x6d8: {  	[tilespmem:s23+$0xFFFFFE70] =	vst v3;
	v2 =	vld [tilespmem:s1+$0x40]  }
0x6d9: {  	v3 =	vld [tilespmem:s1+$0xFFFFFE78];
	_ =	sdelay $0x1  }
0x6da: {  	[tilespmem:s21+$0xD0] =	vst v0  }
0x6db: {  	[tilespmem:s21+$0xFFFFFF10] =	vst v1;
	v0 =	vld [tilespmem:s29+$0xE0]  }
0x6dc: {  	[tilespmem:s23+$0x40] =	vst v2;
	v1 =	vld [tilespmem:s29+$0xFFFFFF18]  }
0x6dd: {  	[tilespmem:s23+$0xFFFFFE80] =	vst v3;
	v2 =	vld [tilespmem:s1+$0x50]  }
0x6de: {  	v3 =	vld [tilespmem:s1+$0xFFFFFE88];
	_ =	sdelay $0x1  }
0x6df: {  	[tilespmem:s21+$0xE0] =	vst v0  }
0x6e0: {  	[tilespmem:s21+$0xFFFFFF20] =	vst v1;
	v0 =	vld [tilespmem:s29+$0xF0]  }
0x6e1: {  	[tilespmem:s23+$0x50] =	vst v2;
	v1 =	vld [tilespmem:s29+$0xFFFFFF28]  }
0x6e2: {  	[tilespmem:s23+$0xFFFFFE90] =	vst v3;
	v2 =	vld [tilespmem:s1+$0x60]  }
0x6e3: {  	v3 =	vld [tilespmem:s1+$0xFFFFFE98];
	_ =	sdelay $0x1  }
0x6e4: {  	[tilespmem:s21+$0xF0] =	vst v0  }
0x6e5: {  	[tilespmem:s21+$0xFFFFFF30] =	vst v1;
	v0 =	vld [tilespmem:s29+$0x100]  }
0x6e6: {  	[tilespmem:s23+$0x60] =	vst v2;
	v1 =	vld [tilespmem:s29+$0xFFFFFF38]  }
0x6e7: {  	[tilespmem:s23+$0xFFFFFEA0] =	vst v3;
	v2 =	vld [tilespmem:s1+$0x70]  }
0x6e8: {  	v3 =	vld [tilespmem:s1+$0xFFFFFEA8];
	_ =	sdelay $0x1  }
0x6e9: {  	[tilespmem:s21+$0x100] =	vst v0  }
0x6ea: {  	[tilespmem:s21+$0xFFFFFF40] =	vst v1;
	v0 =	vld [tilespmem:s29+$0x110]  }
0x6eb: {  	[tilespmem:s23+$0x70] =	vst v2;
	v1 =	vld [tilespmem:s29+$0xFFFFFF48]  }
0x6ec: {  	[tilespmem:s23+$0xFFFFFEB0] =	vst v3;
	v2 =	vld [tilespmem:s1+$0x80]  }
0x6ed: {  	v3 =	vld [tilespmem:s1+$0xFFFFFEB8];
	_ =	sdelay $0x1  }
0x6ee: {  	[tilespmem:s21+$0x110] =	vst v0  }
0x6ef: {  	[tilespmem:s21+$0xFFFFFF50] =	vst v1;
	v0 =	vld [tilespmem:s29+$0x120]  }
0x6f0: {  	[tilespmem:s23+$0x80] =	vst v2;
	v1 =	vld [tilespmem:s29+$0xFFFFFF58]  }
0x6f1: {  	[tilespmem:s23+$0xFFFFFEC0] =	vst v3;
	v2 =	vld [tilespmem:s1+$0x90]  }
0x6f2: {  	v3 =	vld [tilespmem:s1+$0xFFFFFEC8]  }
0x6f3: {  	v4 =	vld [tilespmem:s2+$0x0]  }
0x6f4: {  	v5 =	vld [tilespmem:s2+$0xFFFFFE38];
	[tilespmem:s21+$0x120] =	vst v0  }
0x6f5: {  	[tilespmem:s21+$0xFFFFFF60] =	vst v1;
	v0 =	vld [tilespmem:s29+$0x130]  }
0x6f6: {  	[tilespmem:s23+$0x90] =	vst v2;
	v1 =	vld [tilespmem:s29+$0xFFFFFF68]  }
0x6f7: {  	s0 =	simm.s32 $0xECD0;
	[tilespmem:s23+$0xFFFFFED0] =	vst v3;
	v2 =	vld [tilespmem:s1+$0xA0]  }
0x6f8: {  	[tilespmem:s0+$0x0] =	vst v4;
	v3 =	vld [tilespmem:s1+$0xFFFFFED8]  }
0x6f9: {  	[tilespmem:s0+$0xFFFFFE40] =	vst v5;
	v4 =	vld [tilespmem:s2+$0x10]  }
0x6fa: {  	v5 =	vld [tilespmem:s2+$0xFFFFFE48];
	[tilespmem:s21+$0x130] =	vst v0  }
0x6fb: {  	[tilespmem:s21+$0xFFFFFF70] =	vst v1;
	v0 =	vld [tilespmem:s29+$0x140]  }
0x6fc: {  	[tilespmem:s23+$0xA0] =	vst v2;
	v1 =	vld [tilespmem:s29+$0xFFFFFF78]  }
0x6fd: {  	[tilespmem:s23+$0xFFFFFEE0] =	vst v3;
	v2 =	vld [tilespmem:s1+$0xB0]  }
0x6fe: {  	[tilespmem:s0+$0x10] =	vst v4;
	v3 =	vld [tilespmem:s1+$0xFFFFFEE8]  }
0x6ff: {  	[tilespmem:s0+$0xFFFFFE50] =	vst v5;
	v4 =	vld [tilespmem:s2+$0x20]  }
0x700: {  	v5 =	vld [tilespmem:s2+$0xFFFFFE58];
	[tilespmem:s21+$0x140] =	vst v0  }
0x701: {  	[tilespmem:s21+$0xFFFFFF80] =	vst v1;
	v0 =	vld [tilespmem:s29+$0x150]  }
0x702: {  	[tilespmem:s23+$0xB0] =	vst v2;
	v1 =	vld [tilespmem:s29+$0xFFFFFF88]  }
0x703: {  	[tilespmem:s23+$0xFFFFFEF0] =	vst v3;
	v2 =	vld [tilespmem:s1+$0xC0]  }
0x704: {  	[tilespmem:s0+$0x20] =	vst v4;
	v3 =	vld [tilespmem:s1+$0xFFFFFEF8]  }
0x705: {  	[tilespmem:s0+$0xFFFFFE60] =	vst v5;
	v4 =	vld [tilespmem:s2+$0x30]  }
0x706: {  	v5 =	vld [tilespmem:s2+$0xFFFFFE68];
	[tilespmem:s21+$0x150] =	vst v0  }
0x707: {  	[tilespmem:s21+$0xFFFFFF90] =	vst v1;
	v0 =	vld [tilespmem:s29+$0x160]  }
0x708: {  	[tilespmem:s23+$0xC0] =	vst v2;
	v1 =	vld [tilespmem:s29+$0xFFFFFF98]  }
0x709: {  	[tilespmem:s23+$0xFFFFFF00] =	vst v3;
	v2 =	vld [tilespmem:s1+$0xD0]  }
0x70a: {  	[tilespmem:s0+$0x30] =	vst v4;
	v3 =	vld [tilespmem:s1+$0xFFFFFF08]  }
0x70b: {  	[tilespmem:s0+$0xFFFFFE70] =	vst v5;
	v4 =	vld [tilespmem:s2+$0x40]  }
0x70c: {  	v5 =	vld [tilespmem:s2+$0xFFFFFE78];
	[tilespmem:s21+$0x160] =	vst v0  }
0x70d: {  	[tilespmem:s21+$0xFFFFFFA0] =	vst v1;
	v0 =	vld [tilespmem:s29+$0x170]  }
0x70e: {  	[tilespmem:s23+$0xD0] =	vst v2;
	v1 =	vld [tilespmem:s29+$0xFFFFFFA8]  }
0x70f: {  	[tilespmem:s23+$0xFFFFFF10] =	vst v3;
	v2 =	vld [tilespmem:s1+$0xE0]  }
0x710: {  	[tilespmem:s0+$0x40] =	vst v4;
	v3 =	vld [tilespmem:s1+$0xFFFFFF18]  }
0x711: {  	[tilespmem:s0+$0xFFFFFE80] =	vst v5;
	v4 =	vld [tilespmem:s2+$0x50]  }
0x712: {  	v5 =	vld [tilespmem:s2+$0xFFFFFE88];
	[tilespmem:s21+$0x170] =	vst v0  }
0x713: {  	[tilespmem:s21+$0xFFFFFFB0] =	vst v1;
	v0 =	vld [tilespmem:s29+$0x180]  }
0x714: {  	[tilespmem:s23+$0xE0] =	vst v2;
	v1 =	vld [tilespmem:s29+$0xFFFFFFB8]  }
0x715: {  	[tilespmem:s23+$0xFFFFFF20] =	vst v3;
	v2 =	vld [tilespmem:s1+$0xF0]  }
0x716: {  	[tilespmem:s0+$0x50] =	vst v4;
	v3 =	vld [tilespmem:s1+$0xFFFFFF28]  }
0x717: {  	[tilespmem:s0+$0xFFFFFE90] =	vst v5;
	v4 =	vld [tilespmem:s2+$0x60]  }
0x718: {  	v5 =	vld [tilespmem:s2+$0xFFFFFE98];
	[tilespmem:s21+$0x180] =	vst v0  }
0x719: {  	[tilespmem:s21+$0xFFFFFFC0] =	vst v1;
	v0 =	vld [tilespmem:s29+$0x190]  }
0x71a: {  	[tilespmem:s23+$0xF0] =	vst v2;
	v1 =	vld [tilespmem:s29+$0xFFFFFFC8]  }
0x71b: {  	[tilespmem:s23+$0xFFFFFF30] =	vst v3;
	v2 =	vld [tilespmem:s1+$0x100]  }
0x71c: {  	[tilespmem:s0+$0x60] =	vst v4;
	v3 =	vld [tilespmem:s1+$0xFFFFFF38]  }
0x71d: {  	[tilespmem:s0+$0xFFFFFEA0] =	vst v5;
	v4 =	vld [tilespmem:s2+$0x70]  }
0x71e: {  	v5 =	vld [tilespmem:s2+$0xFFFFFEA8];
	[tilespmem:s21+$0x190] =	vst v0  }
0x71f: {  	[tilespmem:s21+$0xFFFFFFD0] =	vst v1;
	v0 =	vld [tilespmem:s29+$0x1A0]  }
0x720: {  	[tilespmem:s23+$0x100] =	vst v2;
	v1 =	vld [tilespmem:s29+$0xFFFFFFD8]  }
0x721: {  	[tilespmem:s23+$0xFFFFFF40] =	vst v3;
	v2 =	vld [tilespmem:s1+$0x110]  }
0x722: {  	[tilespmem:s0+$0x70] =	vst v4;
	v3 =	vld [tilespmem:s1+$0xFFFFFF48]  }
0x723: {  	[tilespmem:s0+$0xFFFFFEB0] =	vst v5;
	v4 =	vld [tilespmem:s2+$0x80]  }
0x724: {  	v5 =	vld [tilespmem:s2+$0xFFFFFEB8];
	[tilespmem:s21+$0x1A0] =	vst v0  }
0x725: {  	[tilespmem:s21+$0xFFFFFFE0] =	vst v1;
	v6 =	vld [tilespmem:s29+$0x1B0]  }
0x726: {  	[tilespmem:s23+$0x110] =	vst v2;
	v0 =	vld [tilespmem:s29+$0xFFFFFFE8]  }
0x727: {  	[tilespmem:s23+$0xFFFFFF50] =	vst v3;
	v1 =	vld [tilespmem:s1+$0x120]  }
0x728: {  	[tilespmem:s0+$0x80] =	vst v4;
	v2 =	vld [tilespmem:s1+$0xFFFFFF58]  }
0x729: {  	[tilespmem:s0+$0xFFFFFEC0] =	vst v5;
	v3 =	vld [tilespmem:s2+$0x90]  }
0x72a: {  	s7 =	simm.s32 $0x4;
	s8 =	sadd.s32 $0x390, s2;
	v4 =	vld [tilespmem:s2+$0xFFFFFEC8];
	[tilespmem:s21+$0x1B0] =	vst v6  }
.LBB2_15:
0x72b: {  	v5 =	vld [tilespmem:s8+$0x0];
	s7 =	sadd.s32 $0x2, s7;
	[tilespmem:s21+$0xFFFFFFF0] =	vst v0;
	s21 =	smov.u32 s23;
	s23 =	smov.u32 s0  }
0x72c: {  	v0 =	vld [tilespmem:s8+$0xFFFFFE38];
	p0 =	slt.u32 s7, $0x3E;
	[tilespmem:s21+$0x120] =	vst v1  }
0x72d: {  	[tilespmem:s21+$0xFFFFFF60] =	vst v2;
	v1 =	vld [tilespmem:s1+$0x130]  }
0x72e: {  	[tilespmem:s0+$0x90] =	vst v3;
	v2 =	vld [tilespmem:s1+$0xFFFFFF68]  }
0x72f: {  	s0 =	sadd.s32 $0x380, s0;
	[tilespmem:s23+$0xFFFFFED0] =	vst v4;
	v3 =	vld [tilespmem:s2+$0xA0]  }
0x730: {  	[tilespmem:s0+$0x0] =	vst v5;
	v4 =	vld [tilespmem:s2+$0xFFFFFED8]  }
0x731: {  	[tilespmem:s0+$0xFFFFFE40] =	vst v0;
	v0 =	vld [tilespmem:s8+$0x10]  }
0x732: {  	v5 =	vld [tilespmem:s8+$0xFFFFFE48];
	[tilespmem:s21+$0x130] =	vst v1  }
0x733: {  	[tilespmem:s21+$0xFFFFFF70] =	vst v2;
	v1 =	vld [tilespmem:s1+$0x140]  }
0x734: {  	[tilespmem:s23+$0xA0] =	vst v3;
	v2 =	vld [tilespmem:s1+$0xFFFFFF78]  }
0x735: {  	[tilespmem:s23+$0xFFFFFEE0] =	vst v4;
	v3 =	vld [tilespmem:s2+$0xB0]  }
0x736: {  	[tilespmem:s0+$0x10] =	vst v0;
	v0 =	vld [tilespmem:s2+$0xFFFFFEE8]  }
0x737: {  	[tilespmem:s0+$0xFFFFFE50] =	vst v5;
	v4 =	vld [tilespmem:s8+$0x20]  }
0x738: {  	v5 =	vld [tilespmem:s8+$0xFFFFFE58];
	[tilespmem:s21+$0x140] =	vst v1  }
0x739: {  	[tilespmem:s21+$0xFFFFFF80] =	vst v2;
	v1 =	vld [tilespmem:s1+$0x150]  }
0x73a: {  	[tilespmem:s23+$0xB0] =	vst v3;
	v2 =	vld [tilespmem:s1+$0xFFFFFF88]  }
0x73b: {  	[tilespmem:s23+$0xFFFFFEF0] =	vst v0;
	v0 =	vld [tilespmem:s2+$0xC0]  }
0x73c: {  	[tilespmem:s0+$0x20] =	vst v4;
	v3 =	vld [tilespmem:s2+$0xFFFFFEF8]  }
0x73d: {  	[tilespmem:s0+$0xFFFFFE60] =	vst v5;
	v4 =	vld [tilespmem:s8+$0x30]  }
0x73e: {  	v5 =	vld [tilespmem:s8+$0xFFFFFE68];
	[tilespmem:s21+$0x150] =	vst v1  }
0x73f: {  	[tilespmem:s21+$0xFFFFFF90] =	vst v2;
	v1 =	vld [tilespmem:s1+$0x160]  }
0x740: {  	[tilespmem:s23+$0xC0] =	vst v0;
	v0 =	vld [tilespmem:s1+$0xFFFFFF98]  }
0x741: {  	[tilespmem:s23+$0xFFFFFF00] =	vst v3;
	v2 =	vld [tilespmem:s2+$0xD0]  }
0x742: {  	[tilespmem:s0+$0x30] =	vst v4;
	v3 =	vld [tilespmem:s2+$0xFFFFFF08]  }
0x743: {  	[tilespmem:s0+$0xFFFFFE70] =	vst v5;
	v4 =	vld [tilespmem:s8+$0x40]  }
0x744: {  	v5 =	vld [tilespmem:s8+$0xFFFFFE78];
	[tilespmem:s21+$0x160] =	vst v1  }
0x745: {  	[tilespmem:s21+$0xFFFFFFA0] =	vst v0;
	v0 =	vld [tilespmem:s1+$0x170]  }
0x746: {  	[tilespmem:s23+$0xD0] =	vst v2;
	v1 =	vld [tilespmem:s1+$0xFFFFFFA8]  }
0x747: {  	[tilespmem:s23+$0xFFFFFF10] =	vst v3;
	v2 =	vld [tilespmem:s2+$0xE0]  }
0x748: {  	[tilespmem:s0+$0x40] =	vst v4;
	v3 =	vld [tilespmem:s2+$0xFFFFFF18]  }
0x749: {  	[tilespmem:s0+$0xFFFFFE80] =	vst v5;
	v4 =	vld [tilespmem:s8+$0x50]  }
0x74a: {  	v5 =	vld [tilespmem:s8+$0xFFFFFE88];
	[tilespmem:s21+$0x170] =	vst v0  }
0x74b: {  	[tilespmem:s21+$0xFFFFFFB0] =	vst v1;
	v0 =	vld [tilespmem:s1+$0x180]  }
0x74c: {  	[tilespmem:s23+$0xE0] =	vst v2;
	v1 =	vld [tilespmem:s1+$0xFFFFFFB8]  }
0x74d: {  	[tilespmem:s23+$0xFFFFFF20] =	vst v3;
	v2 =	vld [tilespmem:s2+$0xF0]  }
0x74e: {  	[tilespmem:s0+$0x50] =	vst v4;
	v3 =	vld [tilespmem:s2+$0xFFFFFF28]  }
0x74f: {  	[tilespmem:s0+$0xFFFFFE90] =	vst v5;
	v4 =	vld [tilespmem:s8+$0x60]  }
0x750: {  	v5 =	vld [tilespmem:s8+$0xFFFFFE98];
	[tilespmem:s21+$0x180] =	vst v0  }
0x751: {  	[tilespmem:s21+$0xFFFFFFC0] =	vst v1;
	v0 =	vld [tilespmem:s1+$0x190]  }
0x752: {  	[tilespmem:s23+$0xF0] =	vst v2;
	v1 =	vld [tilespmem:s1+$0xFFFFFFC8]  }
0x753: {  	[tilespmem:s23+$0xFFFFFF30] =	vst v3;
	v2 =	vld [tilespmem:s2+$0x100]  }
0x754: {  	[tilespmem:s0+$0x60] =	vst v4;
	v3 =	vld [tilespmem:s2+$0xFFFFFF38]  }
0x755: {  	[tilespmem:s0+$0xFFFFFEA0] =	vst v5;
	v4 =	vld [tilespmem:s8+$0x70]  }
0x756: {  	v5 =	vld [tilespmem:s8+$0xFFFFFEA8];
	[tilespmem:s21+$0x190] =	vst v0  }
0x757: {  	[tilespmem:s21+$0xFFFFFFD0] =	vst v1;
	v0 =	vld [tilespmem:s1+$0x1A0]  }
0x758: {  	[tilespmem:s23+$0x100] =	vst v2;
	v1 =	vld [tilespmem:s1+$0xFFFFFFD8]  }
0x759: {  	[tilespmem:s23+$0xFFFFFF40] =	vst v3;
	v2 =	vld [tilespmem:s2+$0x110]  }
0x75a: {  	[tilespmem:s0+$0x70] =	vst v4;
	v3 =	vld [tilespmem:s2+$0xFFFFFF48]  }
0x75b: {  	[tilespmem:s0+$0xFFFFFEB0] =	vst v5;
	v4 =	vld [tilespmem:s8+$0x80]  }
0x75c: {  	v5 =	vld [tilespmem:s8+$0xFFFFFEB8];
	[tilespmem:s21+$0x1A0] =	vst v0  }
0x75d: {  	[tilespmem:s21+$0xFFFFFFE0] =	vst v1;
	v6 =	vld [tilespmem:s1+$0x1B0]  }
.Ltmp6:
0x75e: {  	[tilespmem:s23+$0x110] =	vst v2;
	v0 =	vld [tilespmem:s1+$0xFFFFFFE8];
	s1 =	smov.u32 s2;
	s2 =	smov.u32 s8;
	(pc) =	sbr.rel @p0 .LBB2_15-.Ltmp6, $4  }
0x75f: {  	[tilespmem:s23+$0xFFFFFF50] =	vst v3;
	v1 =	vld [tilespmem:s1+$0x120]  }
0x760: {  	[tilespmem:s0+$0x80] =	vst v4;
	v2 =	vld [tilespmem:s1+$0xFFFFFF58]  }
0x761: {  	[tilespmem:s0+$0xFFFFFEC0] =	vst v5;
	v3 =	vld [tilespmem:s8+$0x90]  }
0x762: {  	s8 =	sadd.s32 $0x390, s8;
	v4 =	vld [tilespmem:s2+$0xFFFFFEC8];
	[tilespmem:s21+$0x1B0] =	vst v6  }
0x763: {  	_ =	sdelay $0x2  }
0x764: {  	[tilespmem:s0+$0x90] =	vst v3  }
0x765: {  	[tilespmem:s0+$0xFFFFFED0] =	vst v4;
	v3 =	vld [tilespmem:s2+$0xA0]  }
0x766: {  	v4 =	vld [tilespmem:s2+$0xFFFFFED8];
	_ =	sdelay $0x3  }
0x767: {  	[tilespmem:s0+$0xA0] =	vst v3  }
0x768: {  	[tilespmem:s0+$0xFFFFFEE0] =	vst v4;
	v3 =	vld [tilespmem:s2+$0xB0]  }
0x769: {  	v4 =	vld [tilespmem:s2+$0xFFFFFEE8];
	_ =	sdelay $0x3  }
0x76a: {  	[tilespmem:s0+$0xB0] =	vst v3  }
0x76b: {  	[tilespmem:s0+$0xFFFFFEF0] =	vst v4;
	v3 =	vld [tilespmem:s2+$0xC0]  }
0x76c: {  	v4 =	vld [tilespmem:s2+$0xFFFFFEF8];
	_ =	sdelay $0x3  }
0x76d: {  	[tilespmem:s0+$0xC0] =	vst v3  }
0x76e: {  	[tilespmem:s0+$0xFFFFFF00] =	vst v4;
	v3 =	vld [tilespmem:s2+$0xD0]  }
0x76f: {  	v4 =	vld [tilespmem:s2+$0xFFFFFF08];
	_ =	sdelay $0x3  }
0x770: {  	[tilespmem:s0+$0xD0] =	vst v3  }
0x771: {  	[tilespmem:s0+$0xFFFFFF10] =	vst v4;
	v3 =	vld [tilespmem:s2+$0xE0]  }
0x772: {  	v4 =	vld [tilespmem:s2+$0xFFFFFF18];
	_ =	sdelay $0x3  }
0x773: {  	[tilespmem:s0+$0xE0] =	vst v3  }
0x774: {  	[tilespmem:s0+$0xFFFFFF20] =	vst v4;
	v3 =	vld [tilespmem:s2+$0xF0]  }
0x775: {  	v4 =	vld [tilespmem:s2+$0xFFFFFF28];
	_ =	sdelay $0x3  }
0x776: {  	[tilespmem:s0+$0xF0] =	vst v3  }
0x777: {  	[tilespmem:s0+$0xFFFFFF30] =	vst v4;
	v3 =	vld [tilespmem:s2+$0x100]  }
0x778: {  	v4 =	vld [tilespmem:s2+$0xFFFFFF38];
	_ =	sdelay $0x3  }
0x779: {  	[tilespmem:s0+$0x100] =	vst v3  }
0x77a: {  	[tilespmem:s0+$0xFFFFFF40] =	vst v4;
	v3 =	vld [tilespmem:s2+$0x110]  }
0x77b: {  	v4 =	vld [tilespmem:s2+$0xFFFFFF48];
	_ =	sdelay $0x3  }
0x77c: {  	[tilespmem:s0+$0x110] =	vst v3  }
0x77d: {  	[tilespmem:s0+$0xFFFFFF50] =	vst v4;
	v3 =	vld [tilespmem:s2+$0x120]  }
0x77e: {  	v4 =	vld [tilespmem:s2+$0xFFFFFF58];
	_ =	sdelay $0x1  }
0x77f: {  	[tilespmem:s23+$0x120] =	vst v1  }
0x780: {  	[tilespmem:s23+$0xFFFFFF60] =	vst v2;
	v1 =	vld [tilespmem:s1+$0x130]  }
0x781: {  	v2 =	vld [tilespmem:s1+$0xFFFFFF68];
	[tilespmem:s0+$0x120] =	vst v3  }
0x782: {  	[tilespmem:s0+$0xFFFFFF60] =	vst v4;
	v3 =	vld [tilespmem:s2+$0x130]  }
0x783: {  	v4 =	vld [tilespmem:s2+$0xFFFFFF68];
	_ =	sdelay $0x1  }
0x784: {  	[tilespmem:s23+$0x130] =	vst v1  }
0x785: {  	[tilespmem:s23+$0xFFFFFF70] =	vst v2;
	v1 =	vld [tilespmem:s1+$0x140]  }
0x786: {  	v2 =	vld [tilespmem:s1+$0xFFFFFF78];
	[tilespmem:s0+$0x130] =	vst v3  }
0x787: {  	[tilespmem:s0+$0xFFFFFF70] =	vst v4;
	v3 =	vld [tilespmem:s2+$0x140]  }
0x788: {  	v4 =	vld [tilespmem:s2+$0xFFFFFF78];
	_ =	sdelay $0x1  }
0x789: {  	[tilespmem:s23+$0x140] =	vst v1  }
0x78a: {  	[tilespmem:s23+$0xFFFFFF80] =	vst v2;
	v1 =	vld [tilespmem:s1+$0x150]  }
0x78b: {  	v2 =	vld [tilespmem:s1+$0xFFFFFF88];
	[tilespmem:s0+$0x140] =	vst v3  }
0x78c: {  	[tilespmem:s0+$0xFFFFFF80] =	vst v4;
	v3 =	vld [tilespmem:s2+$0x150]  }
0x78d: {  	v4 =	vld [tilespmem:s2+$0xFFFFFF88];
	_ =	sdelay $0x1  }
0x78e: {  	[tilespmem:s23+$0x150] =	vst v1  }
0x78f: {  	[tilespmem:s23+$0xFFFFFF90] =	vst v2;
	v1 =	vld [tilespmem:s1+$0x160]  }
0x790: {  	v2 =	vld [tilespmem:s1+$0xFFFFFF98];
	[tilespmem:s0+$0x150] =	vst v3  }
0x791: {  	[tilespmem:s0+$0xFFFFFF90] =	vst v4;
	v3 =	vld [tilespmem:s2+$0x160]  }
0x792: {  	v4 =	vld [tilespmem:s2+$0xFFFFFF98];
	_ =	sdelay $0x1  }
0x793: {  	[tilespmem:s23+$0x160] =	vst v1  }
0x794: {  	[tilespmem:s23+$0xFFFFFFA0] =	vst v2;
	v1 =	vld [tilespmem:s1+$0x170]  }
0x795: {  	v2 =	vld [tilespmem:s1+$0xFFFFFFA8];
	[tilespmem:s0+$0x160] =	vst v3  }
0x796: {  	[tilespmem:s0+$0xFFFFFFA0] =	vst v4;
	v3 =	vld [tilespmem:s2+$0x170]  }
0x797: {  	v4 =	vld [tilespmem:s2+$0xFFFFFFA8];
	_ =	sdelay $0x1  }
0x798: {  	[tilespmem:s23+$0x170] =	vst v1  }
0x799: {  	[tilespmem:s23+$0xFFFFFFB0] =	vst v2;
	v1 =	vld [tilespmem:s1+$0x180]  }
0x79a: {  	v2 =	vld [tilespmem:s1+$0xFFFFFFB8];
	[tilespmem:s0+$0x170] =	vst v3  }
0x79b: {  	[tilespmem:s0+$0xFFFFFFB0] =	vst v4;
	v3 =	vld [tilespmem:s2+$0x180]  }
0x79c: {  	v4 =	vld [tilespmem:s2+$0xFFFFFFB8];
	_ =	sdelay $0x1  }
0x79d: {  	[tilespmem:s23+$0x180] =	vst v1  }
0x79e: {  	[tilespmem:s23+$0xFFFFFFC0] =	vst v2;
	v1 =	vld [tilespmem:s1+$0x190]  }
0x79f: {  	v2 =	vld [tilespmem:s1+$0xFFFFFFC8];
	[tilespmem:s0+$0x180] =	vst v3  }
0x7a0: {  	[tilespmem:s0+$0xFFFFFFC0] =	vst v4;
	v3 =	vld [tilespmem:s2+$0x190]  }
0x7a1: {  	v4 =	vld [tilespmem:s2+$0xFFFFFFC8];
	_ =	sdelay $0x1  }
0x7a2: {  	[tilespmem:s23+$0x190] =	vst v1  }
0x7a3: {  	[tilespmem:s23+$0xFFFFFFD0] =	vst v2;
	v1 =	vld [tilespmem:s1+$0x1A0]  }
0x7a4: {  	v2 =	vld [tilespmem:s1+$0xFFFFFFD8];
	[tilespmem:s0+$0x190] =	vst v3  }
0x7a5: {  	[tilespmem:s0+$0xFFFFFFD0] =	vst v4;
	v3 =	vld [tilespmem:s2+$0x1A0]  }
0x7a6: {  	v4 =	vld [tilespmem:s2+$0xFFFFFFD8];
	_ =	sdelay $0x1  }
0x7a7: {  	[tilespmem:s23+$0x1A0] =	vst v1  }
0x7a8: {  	[tilespmem:s23+$0xFFFFFFE0] =	vst v2;
	v1 =	vld [tilespmem:s1+$0x1B0]  }
0x7a9: {  	v2 =	vld [tilespmem:s1+$0xFFFFFFE8];
	[tilespmem:s0+$0x1A0] =	vst v3  }
0x7aa: {  	[tilespmem:s0+$0xFFFFFFE0] =	vst v4;
	v3 =	vld [tilespmem:s2+$0x1B0]  }
0x7ab: {  	s20 =	sadd.s32 $0x1, s20;
	v4 =	vld [tilespmem:s2+$0xFFFFFFE8]  }
0x7ac: {  	[tilespmem:s21+$0xFFFFFFF0] =	vst v0;
	p0 =	sne.s32 s20, $0xC  }
.Ltmp7:
0x7ad: {  	[tilespmem:s23+$0x1B0] =	vst v1;
	(pc) =	sbr.rel @p0 .LBB2_2-.Ltmp7, $4  }
0x7ae: {  	[tilespmem:s23+$0xFFFFFFF0] =	vst v2  }
0x7af: {  	[tilespmem:s0+$0x1B0] =	vst v3  }
0x7b0: {  	s31 =	sadd.s32 $0x5400, s22;
	[tilespmem:s0+$0xFFFFFFF0] =	vst v4  }
0x7b1: {  	[hbm4b:s31+s3] =	stream.linear.scatter [tilespmem:s14], [sflag:$0x3], $0x7000, $0x38;
	[tilespmem:$0x1C410] =	vst v63  }
0x7b2: {  	_ =	swait.ge [sflag:s17], $0x7000  }
0x7b3: {  	[sflag:s17] =	ssyncset.done $0x0  }
0x7b4: {  	[sflag:s17] =	ssyncadd.s32 $0xFFFF9000  }
0x7b5: {  	_ =	swait.ge [sflag:s18], $0x7000  }
0x7b6: {  	s19 =	sadd.s32 $0x1, s19;
	s0 =	rddreg [dreg:$0x3]  }
0x7b7: {  	p0 =	sne.s32 s19, s0  }
.Ltmp8:
0x7b8: {  	_ = 	snop;
	(pc) =	sbr.rel @p0 .LBB2_1-.Ltmp8, $3  }
0x7b9: {  	_ =	sdelay $0x1  }
0x7ba: {  	[sflag:s18] =	ssyncset.done $0x0  }
0x7bb: {  	[sflag:s18] =	ssyncadd.s32 $0xFFFF9000  }
0x7bc: {  	_ =	sfence.sel $0x180000  }
0x7bd: {  	[bflag:$0x0] =	sbarrier.arrive $0xFFFF  }
0x7be: {  	_ =	strace $0x9000004A  }
0x7bf: {  	s0 =	stileid.u32;
	[bflag:$0x2] =	sbarrier.arrive $0xFFFF  }
0x7c0: {  	p0 =	sne.s32 s0, $0x0;
	s0 =	rddreg [dreg:$0x2]  }
0x7c1: {  	s0 =	sadd.s32 @!p0 $0x100000, s0  }
0x7c2: {  	[sflag:s0] =	ssyncadd.tile.s32 @!p0 $0x1;
	_ =	shalt  }
.Lfunc_end2:
_tile_overlayer_lowered:
.L_overlay_start_2:
0x7c3: {  	(tag) =	ssettag $0x2  }
0x7c4: {  	s0 =	rddreg [dreg:$0x0];
	s2 =	stileid.u32  }
0x7c5: {  	s1 =	rddreg [dreg:$0x1];
	p0 =	sne.s32 s2, $0x0  }
0x7c6: {  	s3 =	rddreg [dreg:$0x2];
	[bflag:$0x3] =	sbarrier.arrive $0xFFFF;
	s2 =	simm.s32 @!p0 $0x1C05  }
0x7c7: {  	[timem:s3], [sflag:s2] =	dma.local @!p0 [hbm:s0], s1  }
0x7c8: {  	s0 =	simm.s32 @!p0 $0x5  }
0x7c9: {  	_ =	swait.ge @!p0 [sflag:s0], s1  }
0x7ca: {  	s1 =	ssub.s32 @!p0 $0x0, s1;
	[sflag:s0] =	ssyncset.done @!p0 $0x0  }
0x7cb: {  	[sflag:s0] =	ssyncadd.s32 @!p0 s1  }
0x7cc: {  	[bflag:$0x3] =	sbarrier.arrive $0xFFFF  }
0x7cd: {  	_ =	shalt  }

// kernel: sparse-core-data-format-call.cloned.1.call-start
scs
called_computation_lowered:
.L_overlay_start_0:
0x0: {  	s2 =	sld [smem:$0x3FD9]  }
0x1: {  	s3 =	sld [smem:$0x3FFE];
	_ =	sdelay $0x1  }
0x2: {  	s1 =	srdreg.scid  }
0x3: {  	s0 =	sand.u32 $0x1, s1  }
0x4: {  	s18 =	sshll.u32 s0, $0xA;
	s2 =	sadd.s32 s3, s2  }
0x5: {  	s2 =	sadd.s32 s2, s18  }
0x6: {  	[smem:$0x3FC5] =	sst s2  }
0x7: {  	_ = 	snop  }
0x8: {  	s2 =	sld [smem:$0x3FC9];
	(tm) =	ssettm $0x1  }
0x9: {  	s19 =	sld [smem:$0x3FFB];
	_ =	sdelay $0x3  }
0xa: {  	_ =	strace s19  }
0xb: {  	s3 =	sld [smem:$0x3FFC];
	_ =	sdelay $0x3  }
0xc: {  	_ =	strace s3  }
0xd: {  	s3 =	sld [smem:$0x3FFD];
	_ =	sdelay $0x3  }
0xe: {  	_ =	strace s3  }
0xf: {  	_ =	strace $0x8FFFFFFF  }
0x10: {  	s20 =	sld [smem:$0x3FDB];
	_ =	sdelay $0x1  }
0x11: {  	s4 =	simm.s32 $_scs_section_size  }
0x12: {  	s5 =	simm.s32 $_size__tile_overlayer_lowered;
	s6 =	simm.s32 $_tile_overlayer_lowered  }
0x13: {  	s23 =	simm.s32 $0x1BFF;
	s22 =	sshll.u32 s6, $0x1;
	s3 =	sadd.s32 s4, s20  }
0x14: {  	s7 =	simm.s32 $0x0;
	s21 =	sshll.u32 s5, $0x1;
	s5 =	sadd.s32 s22, s3  }
0x15: {  	[timem:s7], [sflag:s23] =	dma.local [hbm:s5], s21  }
0x16: {  	_ =	swait.ge [sflag:s23], s21  }
0x17: {  	s4 =	ssub.s32 $0x0, s21;
	[sflag:s23] =	ssyncset.done $0x0  }
0x18: {  	[sflag:s23] =	ssyncadd.s32 s4;
	_ =	sdelay $0x1  }
0x19: {  	s24 =	simm.s32 $0x1B8B  }
0x1a: {  	_ =	swait.ge [sflag:s24], $0x1  }
0x1b: {  	[sflag:s24] =	ssyncset.done $0x0  }
0x1c: {  	s26 =	simm.s32 $0x1B8E;
	s25 =	sld [smem:$0x3FFE];
	[sflag:s24] =	ssyncadd.s32 $0xFFFFFFFF  }
0x1d: {  	s27 =	simm.s32 $execute0_lowered;
	[smem:$0x3FD2] =	sst s26  }
0x1e: {  	s5 =	sshll.u32 s27, $0x1;
	_ =	strace $0x80000046;
	[dreg:$0x1] =	wrdreg $0xFFFFFFFF  }
0x1f: {  	s28 =	simm.s32 $_size_execute0_lowered;
	s3 =	sadd.s32 s3, s5;
	[dreg:$0x0] =	wrdreg $0x0  }
0x20: {  	s5 =	sshll.u32 s28, $0x1;
	[dreg:$0x2] =	wrdreg s3  }
0x21: {  	[dreg:$0x3] =	wrdreg s5  }
0x22: {  	[dreg:$0x4] =	wrdreg $0xC0  }
0x23: {  	_ =	task [dreg:s7], $0x5FFFF  }
0x24: {  	[dreg:$0x1] =	wrdreg $0xFFFFFFFF  }
0x25: {  	[dreg:$0x0] =	wrdreg $0x60  }
0x26: {  	[dreg:$0x2] =	wrdreg s2  }
0x27: {  	[dreg:$0x3] =	wrdreg s25  }
0x28: {  	[dreg:$0x4] =	wrdreg $0x9  }
0x29: {  	_ =	task.clear_ibuf [dreg:s7], $0x5FFFF;
	_ =	strace $0x90000046  }
0x2a: {  	s29 =	simm.s32 $0x9;
	_ =	strace $0x80000048  }
0x2b: {  	_ =	swait.ge [sflag:s29], $0x1  }
0x2c: {  	[sflag:s29] =	ssyncadd.s32 $0xFFFFFFFF  }
0x2d: {  	_ =	strace $0x90000048  }
0x2e: {  	_ =	sfence  }
0x2f: {  	s30 =	sld [smem:$0x0];
	_ =	sdelay $0x2  }
0x30: {  	s31 =	sshll.u32 s1, $0xD;
	s1 =	sshrl.u32 s1, $0x2  }
0x31: {  	s3 =	sand.u32 $0x4000, s31;
	s1 =	sadd.s32 s1, s30  }
0x32: {  	s0 =	sor.u32 s3, s0;
	s1 =	sshll.u32 s1, $0x11  }
0x33: {  	s0 =	sor.u32 s1, s0  }
0x34: {  	s0 =	sadd.s32 $0x8F2B, s0  }
0x35: {  	[sflag:s0] =	ssyncadd.remote.s32 $0x1  }
0x36: {  	_ =	sfence.sel $0xFFFF  }
0x37: {  	[dreg:$0x0] =	wrdreg $0xFFFFFFFF;
	(pc) =	sbr.abs _section_cstart, $3  }
0x38: {  	[dreg:$0x1] =	wrdreg $0xFFFFFFFF  }
0x39: {  	_ =	task.clear_ibuf [dreg:s7], $0x2FFFF;
	_ =	strace $0x9FFFFFFF  }
0x3a: {  	(tm) =	ssettm $0x7FFFFFFF  }
0x3b: {  	_ =	shalt  }
tec
execute0_lowered:
.L_overlay_start_1:
0x0: {  	(tag) =	ssettag $0x1  }
0x1: {  	s0 =	srdreg.scid  }
0x2: {  	s1 =	sshll.u32 s0, $0x4  }
0x3: {  	s2 =	rddreg [dreg:$0x0];
	s0 =	stileid.u32;
	s1 =	sand.u32 $0x10, s1  }
0x4: {  	s4 =	rddreg [dreg:$0x1];
	s7 =	simm.s32 $0x1;
	s1 =	sor.u32 s0, s1  }
0x5: {  	s8 =	simm.s32 $0x2;
	s9 =	simm.s32 $0x0;
	s3 =	sshll.u32 s1, $0x2  }
0x6: {  	s12 =	simm.s32 $0x0;
	s11 =	simm.s32 $0x0;
	s6 =	ssub.s32 $0x6000, s3  }
.Ltmp0:
0x7: {  	s4 =	sadd.s32 $0xC00, s4;
	s5 =	sand.u32 $0x7C, s6;
	(pc) =	sbr.rel .LBB1_1-.Ltmp0, $4  }
0x8: {  	s1 =	rddreg [dreg:$0x2];
	_ =	strace $0x80000047;
	p0 =	sne.s32 s5, $0x0  }
0x9: {  	s6 =	sshrl.u32 s6, $0x7;
	s5 =	simm.s32 $0x1;
	s7 =	simm.s32 @!p0 $0x0  }
0xa: {  	s10 =	smov.u32 s3;
	[sflag:s5] =	ssyncpa.u1 $0x0;
	s6 =	sadd.s32 s7, s6  }
0xb: {  	[sflag:s8] =	ssyncpa.u1 $0x0;
	s8 =	simm.s32 $0x0;
	s7 =	sadd.s32 $0x1, s6  }
.LBB1_9:
0xc: {  	s14 =	sadd.s32 $0x80, s10  }
0xd: {  	p1 =	sgt.s32 s14, $0x5FFF  }
0xe: {  	s14 =	smov.u32 @p1 s3;
	p1 =	sne.s32 s11, s7  }
.Ltmp1:
0xf: {  	p0 =	slt.u32 s11, $0x2;
	(pc) =	sbr.rel @!p1 .LBB1_10-.Ltmp1, $4  }
0x10: {  	s13 =	simm.s32 @!p0 $0x2  }
0x11: {  	s15 =	sadd.s32 $0x1, s11;
	_ =	swait.ge @!p0 [sflag:s13], $0x4000  }
0x12: {  	s12 =	smov.u32 s10;
	s9 =	sadd.s32 $0x4000, s9;
	[sflag:s13] =	ssyncset.done @!p0 $0x0  }
0x13: {  	s11 =	smov.u32 s15;
	s10 =	smov.u32 s14;
	[sflag:s13] =	ssyncadd.s32 @!p0 $0xFFFFC000  }
.LBB1_1:
0x14: {  	p0 =	sge.u32 s11, s6  }
0x15: {  	s13 =	sxor.u32 @!p0 $0xFFFFFFFF, s11  }
0x16: {  	s31 =	sadd.s32 $0xFFFFFFFF, s11;
	s14 =	sshll.u32 @!p0 s10, $0x9;
	s13 =	sshll.u32 @!p0 s13, $0xE  }
0x17: {  	s15 =	simm.s32 @!p0 $0x0;
	s14 =	sadd.s32 @!p0 s2, s14;
	s13 =	sand.u32 @!p0 $0x4000, s13  }
0x18: {  	[tilespmem:s13], [sflag:$0x1] =	stream.linear.gather @!p0 [hbm4b:s14+s15], $0x4000, $0x38;
	[tilespmem:$0x10000] =	vst v63  }
0x19: {  	p0 =	sge.u32 s31, s6  }
.Ltmp2:
0x1a: {  	_ = 	snop;
	(pc) =	sbr.rel @p0 .LBB1_9-.Ltmp2, $1  }
0x1b: {  	_ =	sdelay $0x3  }
0x1c: {  	s14 =	sand.u32 $0x4000, s9  }
0x1d: {  	_ =	swait.ge [sflag:s5], $0x4000;
	s15 =	sshll.u32 s11, $0xE;
	s16 =	simm.s32 $0x0  }
0x1e: {  	s13 =	sor.u32 $0x40, s14;
	[sflag:s5] =	ssyncset.done $0x0;
	s15 =	sand.u32 $0x4000, s15  }
0x1f: {  	s14 =	sor.u32 $0x8040, s14;
	[sflag:s5] =	ssyncadd.s32 $0xFFFFC000;
	s15 =	sor.u32 $0x8000, s15  }
.LBB1_3:
0x20: {  	s17 =	smov.u32 s14;
	s18 =	smov.u32 s13;
	s19 =	simm.s32 $0x0  }
.LBB1_4:
0x21: {  	v0 =	vmov s17;
	v2 =	vld [tilespmem:s18+$0x30]  }
0x22: {  	v4 =	vld [tilespmem:s18+$0xFFFFFFD0]  }
0x23: {  	v6 =	vld [tilespmem:s18+$0xFFFFFFE0]  }
0x24: {  	v7 =	vld [tilespmem:s18+$0xFFFFFFF0]  }
0x25: {  	s20 =	simm.s32 $0x0;
	v1 =	vld [tilespmem:s18+$0x0]  }
0x26: {  	v3 =	vld [tilespmem:s18+$0x10];
	[tilespmem:v0+s20+$0x30 ss:$0x1] =	vst.idx.msk $0xffff, v2  }
0x27: {  	v5 =	vld [tilespmem:s18+$0x20];
	[tilespmem:v0+s20+$0xFFFFFFD0 ss:$0x1] =	vst.idx.msk $0xffff, v4  }
0x28: {  	s21 =	sadd.s32 $0x80, s18;
	v2 =	vld [tilespmem:s18+$0xFFFFFFC0];
	[tilespmem:v0+s20+$0xFFFFFFE0 ss:$0x1] =	vst.idx.msk $0xffff, v6  }
0x29: {  	s22 =	simm.s32 $0x800;
	s23 =	simm.s32 $0x1000;
	v4 =	vld [tilespmem:s21+$0x30];
	[tilespmem:v0+s20+$0xFFFFFFF0 ss:$0x1] =	vst.idx.msk $0xffff, v7  }
.LBB1_5:
0x2a: {  	p0 =	sne.s32 s23, $0x3800;
	v6 =	vld [tilespmem:s21+$0xFFFFFFD0];
	[tilespmem:v0+s20+$0x0 ss:$0x1] =	vst.idx.msk $0xffff, v1  }
0x2b: {  	v7 =	vld [tilespmem:s21+$0xFFFFFFE0];
	[tilespmem:v0+s20+$0x10 ss:$0x1] =	vst.idx.msk $0xffff, v3  }
0x2c: {  	v8 =	vld [tilespmem:s21+$0xFFFFFFF0];
	[tilespmem:v0+s20+$0x20 ss:$0x1] =	vst.idx.msk $0xffff, v5  }
.Ltmp3:
0x2d: {  	v1 =	vld [tilespmem:s21+$0x0];
	[tilespmem:v0+s20+$0xFFFFFFC0 ss:$0x1] =	vst.idx.msk $0xffff, v2;
	s20 =	sshra.s32 s22, $0x2;
	s22 =	smov.u32 s23;
	(pc) =	sbr.rel @p0 .LBB1_5-.Ltmp3, $4  }
0x2e: {  	v3 =	vld [tilespmem:s21+$0x10];
	[tilespmem:v0+s20+$0x30 ss:$0x1] =	vst.idx.msk $0xffff, v4  }
0x2f: {  	[tilespmem:v0+s20+$0xFFFFFFD0 ss:$0x1] =	vst.idx.msk $0xffff, v6;
	v5 =	vld [tilespmem:s21+$0x20]  }
0x30: {  	v2 =	vld [tilespmem:s21+$0xFFFFFFC0];
	[tilespmem:v0+s20+$0xFFFFFFE0 ss:$0x1] =	vst.idx.msk $0xffff, v7;
	s21 =	sadd.s32 $0x80, s21  }
0x31: {  	s23 =	sadd.s32 $0x800, s23;
	v4 =	vld [tilespmem:s21+$0x30];
	[tilespmem:v0+s20+$0xFFFFFFF0 ss:$0x1] =	vst.idx.msk $0xffff, v8  }
0x32: {  	_ =	sdelay $0x3  }
0x33: {  	v6 =	vld [tilespmem:s21+$0xFFFFFFD0];
	[tilespmem:v0+s20+$0x0 ss:$0x1] =	vst.idx.msk $0xffff, v1  }
0x34: {  	v58 =	vld [tilespmem:s21+$0xFFFFFFE0];
	[tilespmem:v0+s20+$0x10 ss:$0x1] =	vst.idx.msk $0xffff, v3  }
0x35: {  	v59 =	vld [tilespmem:s21+$0xFFFFFFF0];
	[tilespmem:v0+s20+$0x20 ss:$0x1] =	vst.idx.msk $0xffff, v5  }
0x36: {  	s22 =	sshra.s32 s22, $0x2;
	v60 =	vld [tilespmem:s21+$0x0];
	[tilespmem:v0+s20+$0xFFFFFFC0 ss:$0x1] =	vst.idx.msk $0xffff, v2  }
0x37: {  	v61 =	vld [tilespmem:s21+$0x10];
	[tilespmem:v0+s22+$0x30 ss:$0x1] =	vst.idx.msk $0xffff, v4  }
0x38: {  	v62 =	vld [tilespmem:s21+$0x20];
	s19 =	sadd.s32 $0x1, s19;
	[tilespmem:v0+s22+$0xFFFFFFD0 ss:$0x1] =	vst.idx.msk $0xffff, v6  }
0x39: {  	v63 =	vld [tilespmem:s21+$0xFFFFFFC0];
	p0 =	sne.s32 s19, $0x4;
	[tilespmem:v0+s22+$0xFFFFFFE0 ss:$0x1] =	vst.idx.msk $0xffff, v58  }
.Ltmp4:
0x3a: {  	[tilespmem:v0+s22+$0xFFFFFFF0 ss:$0x1] =	vst.idx.msk $0xffff, v59;
	(pc) =	sbr.rel @p0 .LBB1_4-.Ltmp4, $4  }
0x3b: {  	[tilespmem:v0+s22+$0x0 ss:$0x1] =	vst.idx.msk $0xffff, v60  }
0x3c: {  	[tilespmem:v0+s22+$0x10 ss:$0x1] =	vst.idx.msk $0xffff, v61  }
0x3d: {  	[tilespmem:v0+s22+$0x20 ss:$0x1] =	vst.idx.msk $0xffff, v62  }
0x3e: {  	s18 =	sadd.s32 $0x400, s18;
	s17 =	sadd.s32 $0x80, s17;
	[tilespmem:v0+s22+$0xFFFFFFC0 ss:$0x1] =	vst.idx.msk $0xffff, v63  }
0x3f: {  	s16 =	sadd.s32 $0x1, s16  }
0x40: {  	p0 =	sne.s32 s16, $0x4  }
.Ltmp5:
0x41: {  	_ = 	snop;
	(pc) =	sbr.rel @p0 .LBB1_3-.Ltmp5, $2  }
0x42: {  	_ =	sdelay $0x2  }
0x43: {  	s13 =	sadd.s32 $0x1000, s13;
	s14 =	sadd.s32 $0x1000, s14  }
.Ltmp6:
0x44: {  	(pc) =	sbr.rel .LBB1_9-.Ltmp6, $4  }
0x45: {  	_ = 	snop  }
0x46: {  	s12 =	sshll.u32 s12, $0x9  }
0x47: {  	s12 =	sadd.s32 s4, s12  }
0x48: {  	[hbm4b:s12+s8] =	stream.linear.scatter [tilespmem:s15], [sflag:$0x2], $0x4000, $0x38;
	[tilespmem:$0x10000] =	vst v63  }
.LBB1_10:
0x49: {  	_ =	sfence.sel $0x180000  }
0x4a: {  	s2 =	simm.s32 $0x1;
	[bflag:$0x0] =	sbarrier.arrive $0xFFFF  }
0x4b: {  	s31 =	simm.s32 $0x2;
	[sflag:s2] =	ssyncpa.u1 $0x1  }
0x4c: {  	[sflag:s31] =	ssyncpa.u1 $0x1  }
0x4d: {  	p0 =	sne.s32 s0, $0x0;
	_ =	strace $0x90000047  }
0x4e: {  	s0 =	sadd.s32 @!p0 $0x100000, s1;
	[bflag:$0x2] =	sbarrier.arrive $0xFFFF  }
0x4f: {  	[sflag:s0] =	ssyncadd.tile.s32 @!p0 $0x1;
	_ =	shalt  }
.Lfunc_end1:
_tile_overlayer_lowered:
.L_overlay_start_2:
0x50: {  	(tag) =	ssettag $0x2  }
0x51: {  	s0 =	rddreg [dreg:$0x0];
	s2 =	stileid.u32  }
0x52: {  	s1 =	rddreg [dreg:$0x1];
	p0 =	sne.s32 s2, $0x0  }
0x53: {  	s3 =	rddreg [dreg:$0x2];
	[bflag:$0x3] =	sbarrier.arrive $0xFFFF;
	s2 =	simm.s32 @!p0 $0x1C01  }
0x54: {  	[timem:s3], [sflag:s2] =	dma.local @!p0 [hbm:s0], s1  }
0x55: {  	s0 =	simm.s32 @!p0 $0x1  }
0x56: {  	_ =	swait.ge @!p0 [sflag:s0], s1  }
0x57: {  	s1 =	ssub.s32 @!p0 $0x0, s1;
	[sflag:s0] =	ssyncset.done @!p0 $0x0  }
0x58: {  	[sflag:s0] =	ssyncadd.s32 @!p0 s1  }
0x59: {  	[bflag:$0x3] =	sbarrier.arrive $0xFFFF  }
0x5a: {  	_ =	shalt  }

</sc_bundles>
